<compile_context>
chip_gen: v7x
topology: tpu7x:2x2x1
jax: 0.10.2.dev20260603
libtpu: 0.0.44.dev20260713+nightly
codegen_flags: <defaults>
</compile_context>

<pallas_src>
import jax
import jax.numpy as jnp
from jax import lax
from jax.experimental import pallas as pl
from jax.experimental.pallas import tpu as pltpu
from jax.experimental.pallas import tpu_sc as plsc

NC, NS = 2, 16
NW = NC * NS
EDIM = 32
CTX = 20
NNEGS = 5
NEG = CTX * NNEGS
COLS = CTX + NEG
BPW = 128
RING = 4
OUT8 = 8


def _sc_body(iwgi2, awgi3, in2, out2, scores,
             igbuf, agbuf, eib, rows, accv,
             sem0, sem1, sem2, sem3):
    wid = lax.axis_index("s") * NC + lax.axis_index("c")
    base = wid * BPW
    sems = [sem0, sem1, sem2, sem3]

    pltpu.sync_copy(iwgi2.at[wid], igbuf)
    pltpu.sync_copy(awgi3.at[wid], agbuf)

    pltpu.async_copy(in2.at[igbuf], eib, sem0)
    pltpu.make_async_copy(in2.at[pl.ds(0, BPW)], eib, sem0).wait()

    def fire(b, slot):
        pltpu.async_copy(out2.at[agbuf.at[b]], rows.at[slot], sems[slot])

    def drain(slot):
        pltpu.make_async_copy(out2.at[pl.ds(0, COLS)], rows.at[slot],
                              sems[slot]).wait()

    lane = lax.iota(jnp.int32, 16)
    masks = [lane == j for j in range(16)]
    zv = jnp.zeros((16,), jnp.float32)

    def compute(b, slot, bi):
        e0 = eib[b, pl.ds(0, 16)]
        e1 = eib[b, pl.ds(16, 16)]

        def col_score(c):
            p = rows[slot, c, pl.ds(0, 16)] * e0 \
                + rows[slot, c, pl.ds(16, 16)] * e1
            return jnp.sum(p)

        def per_chunk(ch, c2):
            vec = zv
            for j in range(16):
                s = col_score(ch * 16 + j)
                vec = jnp.where(masks[j], jnp.full((16,), s), vec)
            accv[bi, pl.ds(ch * 16, 16)] = vec
            return c2
        lax.fori_loop(0, COLS // 16, per_chunk, 0)

        vec = zv
        for j in range(8):
            s = col_score(112 + j)
            vec = jnp.where(masks[j], jnp.full((16,), s), vec)
        accv[bi, pl.ds(112, 16)] = vec

    for b in range(RING - 1):
        fire(b, b)

    def octet(ob, carry):
        b0 = ob * OUT8
        for bi in range(8):
            b = b0 + bi
            slot = bi % RING
            drain(slot)
            compute(b, slot, bi)

            @pl.when(b + RING - 1 < BPW)
            def _():
                fire(b + RING - 1, (bi + RING - 1) % RING)
        pltpu.sync_copy(accv, scores.at[pl.ds(base + b0, OUT8)])
        return carry

    lax.fori_loop(0, BPW // OUT8, octet, 0)


def _sc_scores(iword, allwords, in_embed, out_embed):
    B = iword.shape[0]
    mesh = plsc.VectorSubcoreMesh(core_axis_name="c", subcore_axis_name="s",
                                  num_cores=NC, num_subcores=NS)
    f = pl.kernel(
        _sc_body,
        out_type=jax.ShapeDtypeStruct((B, 128), jnp.float32),
        mesh=mesh,
        compiler_params=pltpu.CompilerParams(
            needs_layout_passes=False, use_tc_tiling_on_sc=False),
        scratch_types=[
            pltpu.VMEM((BPW,), jnp.int32),
            pltpu.VMEM((BPW, COLS), jnp.int32),
            pltpu.VMEM((BPW, EDIM), jnp.float32),
            pltpu.VMEM((RING, COLS, EDIM), jnp.float32),
            pltpu.VMEM((OUT8, 128), jnp.float32),
            pltpu.SemaphoreType.DMA,
            pltpu.SemaphoreType.DMA,
            pltpu.SemaphoreType.DMA,
            pltpu.SemaphoreType.DMA,
        ],
    )
    return f(iword.reshape(NW, BPW),
             allwords.reshape(NW, BPW, COLS),
             in_embed,
             out_embed)


def _loss_body(sc_ref, out_ref):
    x = sc_ref[...]
    col = lax.broadcasted_iota(jnp.int32, x.shape, 1)
    xs = jnp.where(col < CTX, x, -x)
    contrib = jnp.where(col < COLS, jnp.log(jax.nn.sigmoid(xs)), 0.0)
    out_ref[...] = jnp.reshape(-jnp.sum(contrib), (1, 1))


def kernel(iword, owords, nwords, in_embed, out_embed):
    B = iword.shape[0]
    iw = iword.astype(jnp.int32)
    aw = jnp.concatenate([owords.astype(jnp.int32),
                          nwords.astype(jnp.int32)], axis=1)
    scores = _sc_scores(iw, aw, in_embed, out_embed)
    tot = pl.pallas_call(
        _loss_body,
        out_shape=jax.ShapeDtypeStruct((1, 1), jnp.float32),
    )(scores)
    return jnp.reshape(tot, ()) / (CTX * B)

# --- scband reference (transcript-rebuilt; emitter-appended) ---
"""Pipeline reference for scband-sgns-86414741995715 (READ-ONLY COPY).

The authoritative reference and input builder live on the scoring server;
editing this copy changes nothing except your own understanding.
"""

import jax, jax.numpy as jnp
import numpy as np

VOCAB = 1000000
EDIM = 32
BATCH = 4096
CTX = 20
NNEGS = 5


def setup_inputs(seed: int = 0) -> dict:
    key = jax.random.key(seed)
    k1, k2, k3, k4, k5 = jax.random.split(key, 5)
    iword = jax.random.randint(k1, (BATCH,), 0, VOCAB, dtype=jnp.int64 if jax.config.read('jax_enable_x64') else jnp.int32)
    owords = jax.random.randint(k2, (BATCH, CTX), 0, VOCAB, dtype=iword.dtype)
    # torch forward draws nwords internally with uniform_(0, vocab-1).long();
    # we materialize it deterministically here as an explicit input.
    nwords = jax.random.randint(k3, (BATCH, CTX * NNEGS), 0, VOCAB, dtype=iword.dtype)
    in_embed = jax.random.normal(k4, (VOCAB, EDIM), dtype=jnp.float32)
    out_embed = jax.random.normal(k5, (VOCAB, EDIM), dtype=jnp.float32)
    return {"iword": iword, "owords": owords, "nwords": nwords,
            "in_embed": in_embed, "out_embed": out_embed}


def reference(iword, owords, nwords, in_embed, out_embed):
    # embedding gathers (SparseCore-mappable)
    embed_i = jnp.take(in_embed, iword, axis=0)            # [B, d]
    embed_o = jnp.take(out_embed, owords, axis=0)          # [B, C, d]
    embed_n = -jnp.take(out_embed, nwords, axis=0)         # [B, C*n_negs, d]
    # bmm(embed_o, embed_i.unsqueeze(2)).squeeze() -> [B, C]
    score_o = jnp.einsum('bcd,bd->bc', embed_o, embed_i)
    score_o = jnp.log(jax.nn.sigmoid(score_o)).mean(axis=1)          # [B]
    score_n = jnp.einsum('bkd,bd->bk', embed_n, embed_i)             # [B, C*n]
    score_n = jnp.log(jax.nn.sigmoid(score_n))
    score_n = score_n.reshape(-1, CTX, NNEGS).sum(axis=2).mean(axis=1)  # [B]
    return -(score_o + score_n).mean()

if __name__ == "__main__":
    import jax
    _d = setup_inputs()
    print(jax.jit(kernel)(*tuple(_d.values())))

</pallas_src>

<mosaic_0001>
#map = affine_map<(d0, d1) -> (0, 0)>
#map1 = affine_map<(d0, d1) -> (0, 0, 0)>
module attributes {stable_mosaic.version = 14 : i64} {
  func.func @_sc_body(%arg0: i32, %arg1: i32, %arg2: memref<32x128xi32, #tpu.memory_space<hbm>>, %arg3: memref<32x128x120xi32, #tpu.memory_space<hbm>>, %arg4: memref<1000000x32xf32, #tpu.memory_space<hbm>>, %arg5: memref<1000000x32xf32, #tpu.memory_space<hbm>>, %arg6: memref<4096x128xf32, #tpu.memory_space<hbm>>, %arg7: memref<128xi32, #tpu.memory_space<vmem>>, %arg8: memref<128x120xi32, #tpu.memory_space<vmem>>, %arg9: memref<128x32xf32, #tpu.memory_space<vmem>>, %arg10: memref<4x120x32xf32, #tpu.memory_space<vmem>>, %arg11: memref<8x128xf32, #tpu.memory_space<vmem>>, %arg12: memref<!tpu.dma_semaphore, #tpu.memory_space<semaphore_mem>>, %arg13: memref<!tpu.dma_semaphore, #tpu.memory_space<semaphore_mem>>, %arg14: memref<!tpu.dma_semaphore, #tpu.memory_space<semaphore_mem>>, %arg15: memref<!tpu.dma_semaphore, #tpu.memory_space<semaphore_mem>>) attributes {dimension_semantics = [#tpu.dimension_semantics<core_parallel>, #tpu.dimension_semantics<subcore_parallel>], iteration_bounds = array<i64: 2, 16>, scalar_prefetch = 0 : i64, scratch_operands = 9 : i64, tpu.core_type = #tpu.core_type<sc_vector_subcore>, window_params = [{transform_indices = #map}, {transform_indices = #map1}, {transform_indices = #map}, {transform_indices = #map}, {transform_indices = #map}]} {
    %mul3A = arith.constant 2 : i32
    %mul3A_0 = arith.muli %arg1, %mul3A : i32
    %add3A = arith.addi %mul3A_0, %arg0 : i32
    %mul3A_1 = arith.constant 128 : i32
    %mul3A_2 = arith.muli %add3A, %mul3A_1 : i32
    "tpu.region"() ({
      %run_scoped3A = tpu.sem_alloc : memref<!tpu.dma_semaphore, #tpu.memory_space<semaphore_mem>>
      %dma_start3A_99 = arith.constant 0 : i32
      %dma_start3A_100 = tpu.memref_slice %arg2[%add3A, %dma_start3A_99] : memref<32x128xi32, #tpu.memory_space<hbm>> -> memref<1x128xi32, #tpu.memory_space<hbm>>
      %dma_start3A_101 = tpu.memref_squeeze %dma_start3A_100 : memref<1x128xi32, #tpu.memory_space<hbm>> -> memref<128xi32, #tpu.memory_space<hbm>>
      %dma_start3A_102 = arith.constant 0 : i32
      %dma_start3A_103 = tpu.memref_slice %arg2[%add3A, %dma_start3A_102] : memref<32x128xi32, #tpu.memory_space<hbm>> -> memref<1x128xi32, #tpu.memory_space<hbm>>
      %dma_start3A_104 = tpu.memref_squeeze %dma_start3A_103 : memref<1x128xi32, #tpu.memory_space<hbm>> -> memref<128xi32, #tpu.memory_space<hbm>>
      tpu.enqueue_dma source(%dma_start3A_104 : memref<128xi32, #tpu.memory_space<hbm>>) target(%arg7 : memref<128xi32, #tpu.memory_space<vmem>>) target_semaphore(%run_scoped3A : memref<!tpu.dma_semaphore, #tpu.memory_space<semaphore_mem>>)
      %dma_wait3A_105 = arith.constant 0 : i32
      %dma_wait3A_106 = tpu.memref_slice %arg2[%add3A, %dma_wait3A_105] : memref<32x128xi32, #tpu.memory_space<hbm>> -> memref<1x128xi32, #tpu.memory_space<hbm>>
      %dma_wait3A_107 = tpu.memref_squeeze %dma_wait3A_106 : memref<1x128xi32, #tpu.memory_space<hbm>> -> memref<128xi32, #tpu.memory_space<hbm>>
      %dma_wait3A_108 = arith.constant 0 : i32
      %dma_wait3A_109 = tpu.memref_slice %arg2[%add3A, %dma_wait3A_108] : memref<32x128xi32, #tpu.memory_space<hbm>> -> memref<1x128xi32, #tpu.memory_space<hbm>>
      %dma_wait3A_110 = tpu.memref_squeeze %dma_wait3A_109 : memref<1x128xi32, #tpu.memory_space<hbm>> -> memref<128xi32, #tpu.memory_space<hbm>>
      tpu.wait_dma2 semaphore(%run_scoped3A : memref<!tpu.dma_semaphore, #tpu.memory_space<semaphore_mem>>) src(%dma_wait3A_110 : memref<128xi32, #tpu.memory_space<hbm>>) dst(%arg7 : memref<128xi32, #tpu.memory_space<vmem>>)
      tpu.yield
    }) : () -> ()
    "tpu.region"() ({
      %run_scoped3A = tpu.sem_alloc : memref<!tpu.dma_semaphore, #tpu.memory_space<semaphore_mem>>
      %dma_start3A_99 = arith.constant 0 : i32
      %dma_start3A_100 = arith.constant 0 : i32
      %dma_start3A_101 = tpu.memref_slice %arg3[%add3A, %dma_start3A_99, %dma_start3A_100] : memref<32x128x120xi32, #tpu.memory_space<hbm>> -> memref<1x128x120xi32, #tpu.memory_space<hbm>>
      %dma_start3A_102 = tpu.memref_squeeze %dma_start3A_101 : memref<1x128x120xi32, #tpu.memory_space<hbm>> -> memref<128x120xi32, #tpu.memory_space<hbm>>
      %dma_start3A_103 = arith.constant 0 : i32
      %dma_start3A_104 = arith.constant 0 : i32
      %dma_start3A_105 = tpu.memref_slice %arg3[%add3A, %dma_start3A_103, %dma_start3A_104] : memref<32x128x120xi32, #tpu.memory_space<hbm>> -> memref<1x128x120xi32, #tpu.memory_space<hbm>>
      %dma_start3A_106 = tpu.memref_squeeze %dma_start3A_105 : memref<1x128x120xi32, #tpu.memory_space<hbm>> -> memref<128x120xi32, #tpu.memory_space<hbm>>
      tpu.enqueue_dma source(%dma_start3A_106 : memref<128x120xi32, #tpu.memory_space<hbm>>) target(%arg8 : memref<128x120xi32, #tpu.memory_space<vmem>>) target_semaphore(%run_scoped3A : memref<!tpu.dma_semaphore, #tpu.memory_space<semaphore_mem>>)
      %dma_wait3A_107 = arith.constant 0 : i32
      %dma_wait3A_108 = arith.constant 0 : i32
      %dma_wait3A_109 = tpu.memref_slice %arg3[%add3A, %dma_wait3A_107, %dma_wait3A_108] : memref<32x128x120xi32, #tpu.memory_space<hbm>> -> memref<1x128x120xi32, #tpu.memory_space<hbm>>
      %dma_wait3A_110 = tpu.memref_squeeze %dma_wait3A_109 : memref<1x128x120xi32, #tpu.memory_space<hbm>> -> memref<128x120xi32, #tpu.memory_space<hbm>>
      %dma_wait3A_111 = arith.constant 0 : i32
      %dma_wait3A_112 = arith.constant 0 : i32
      %dma_wait3A_113 = tpu.memref_slice %arg3[%add3A, %dma_wait3A_111, %dma_wait3A_112] : memref<32x128x120xi32, #tpu.memory_space<hbm>> -> memref<1x128x120xi32, #tpu.memory_space<hbm>>
      %dma_wait3A_114 = tpu.memref_squeeze %dma_wait3A_113 : memref<1x128x120xi32, #tpu.memory_space<hbm>> -> memref<128x120xi32, #tpu.memory_space<hbm>>
      tpu.wait_dma2 semaphore(%run_scoped3A : memref<!tpu.dma_semaphore, #tpu.memory_space<semaphore_mem>>) src(%dma_wait3A_114 : memref<128x120xi32, #tpu.memory_space<hbm>>) dst(%arg8 : memref<128x120xi32, #tpu.memory_space<vmem>>)
      tpu.yield
    }) : () -> ()
    %dma_start3A = arith.constant 0 : i32
    %dma_start3A_3 = arith.constant 0 : i32
    %dma_start3A_4 = tpu.memref_slice %arg4[%dma_start3A, %dma_start3A_3] : memref<1000000x32xf32, #tpu.memory_space<hbm>> -> memref<1000000x32xf32, #tpu.memory_space<hbm>>
    tpu.enqueue_indirect_dma source(%dma_start3A_4 : memref<1000000x32xf32, #tpu.memory_space<hbm>>) target(%arg9 : memref<128x32xf32, #tpu.memory_space<vmem>>) offsets(%arg7 : memref<128xi32, #tpu.memory_space<vmem>>) semaphore(%arg12 : memref<!tpu.dma_semaphore, #tpu.memory_space<semaphore_mem>>)
    %dma_wait3A = arith.constant 0 : i32
    %dma_wait3A_5 = arith.constant 0 : i32
    %dma_wait3A_6 = tpu.memref_slice %arg4[%dma_wait3A, %dma_wait3A_5] : memref<1000000x32xf32, #tpu.memory_space<hbm>> -> memref<128x32xf32, #tpu.memory_space<hbm>>
    %dma_wait3A_7 = arith.constant 0 : i32
    %dma_wait3A_8 = arith.constant 0 : i32
    %dma_wait3A_9 = tpu.memref_slice %arg4[%dma_wait3A_7, %dma_wait3A_8] : memref<1000000x32xf32, #tpu.memory_space<hbm>> -> memref<128x32xf32, #tpu.memory_space<hbm>>
    tpu.wait_dma2 semaphore(%arg12 : memref<!tpu.dma_semaphore, #tpu.memory_space<semaphore_mem>>) src(%dma_wait3A_9 : memref<128x32xf32, #tpu.memory_space<hbm>>) dst(%arg9 : memref<128x32xf32, #tpu.memory_space<vmem>>)
    %iota3A = tpu.iota {dimensions = array<i32: 0>} : vector<16xi32>
    %eq3A = arith.constant 0 : i32
    %eq3A_10 = vector.broadcast %eq3A : i32 to vector<16xi32>
    %eq3A_11 = arith.cmpi eq, %iota3A, %eq3A_10 : vector<16xi32>
    %eq3A_12 = arith.constant 1 : i32
    %eq3A_13 = vector.broadcast %eq3A_12 : i32 to vector<16xi32>
    %eq3A_14 = arith.cmpi eq, %iota3A, %eq3A_13 : vector<16xi32>
    %eq3A_15 = arith.constant 2 : i32
    %eq3A_16 = vector.broadcast %eq3A_15 : i32 to vector<16xi32>
    %eq3A_17 = arith.cmpi eq, %iota3A, %eq3A_16 : vector<16xi32>
    %eq3A_18 = arith.constant 3 : i32
    %eq3A_19 = vector.broadcast %eq3A_18 : i32 to vector<16xi32>
    %eq3A_20 = arith.cmpi eq, %iota3A, %eq3A_19 : vector<16xi32>
    %eq3A_21 = arith.constant 4 : i32
    %eq3A_22 = vector.broadcast %eq3A_21 : i32 to vector<16xi32>
    %eq3A_23 = arith.cmpi eq, %iota3A, %eq3A_22 : vector<16xi32>
    %eq3A_24 = arith.constant 5 : i32
    %eq3A_25 = vector.broadcast %eq3A_24 : i32 to vector<16xi32>
    %eq3A_26 = arith.cmpi eq, %iota3A, %eq3A_25 : vector<16xi32>
    %eq3A_27 = arith.constant 6 : i32
    %eq3A_28 = vector.broadcast %eq3A_27 : i32 to vector<16xi32>
    %eq3A_29 = arith.cmpi eq, %iota3A, %eq3A_28 : vector<16xi32>
    %eq3A_30 = arith.constant 7 : i32
    %eq3A_31 = vector.broadcast %eq3A_30 : i32 to vector<16xi32>
    %eq3A_32 = arith.cmpi eq, %iota3A, %eq3A_31 : vector<16xi32>
    %eq3A_33 = arith.constant 8 : i32
    %eq3A_34 = vector.broadcast %eq3A_33 : i32 to vector<16xi32>
    %eq3A_35 = arith.cmpi eq, %iota3A, %eq3A_34 : vector<16xi32>
    %eq3A_36 = arith.constant 9 : i32
    %eq3A_37 = vector.broadcast %eq3A_36 : i32 to vector<16xi32>
    %eq3A_38 = arith.cmpi eq, %iota3A, %eq3A_37 : vector<16xi32>
    %eq3A_39 = arith.constant 10 : i32
    %eq3A_40 = vector.broadcast %eq3A_39 : i32 to vector<16xi32>
    %eq3A_41 = arith.cmpi eq, %iota3A, %eq3A_40 : vector<16xi32>
    %eq3A_42 = arith.constant 11 : i32
    %eq3A_43 = vector.broadcast %eq3A_42 : i32 to vector<16xi32>
    %eq3A_44 = arith.cmpi eq, %iota3A, %eq3A_43 : vector<16xi32>
    %eq3A_45 = arith.constant 12 : i32
    %eq3A_46 = vector.broadcast %eq3A_45 : i32 to vector<16xi32>
    %eq3A_47 = arith.cmpi eq, %iota3A, %eq3A_46 : vector<16xi32>
    %eq3A_48 = arith.constant 13 : i32
    %eq3A_49 = vector.broadcast %eq3A_48 : i32 to vector<16xi32>
    %eq3A_50 = arith.cmpi eq, %iota3A, %eq3A_49 : vector<16xi32>
    %eq3A_51 = arith.constant 14 : i32
    %eq3A_52 = vector.broadcast %eq3A_51 : i32 to vector<16xi32>
    %eq3A_53 = arith.cmpi eq, %iota3A, %eq3A_52 : vector<16xi32>
    %eq3A_54 = arith.constant 15 : i32
    %eq3A_55 = vector.broadcast %eq3A_54 : i32 to vector<16xi32>
    %eq3A_56 = arith.cmpi eq, %iota3A, %eq3A_55 : vector<16xi32>
    %broadcast_in_dim3A = arith.constant 0.000000e+00 : f32
    %broadcast_in_dim3A_57 = vector.broadcast %broadcast_in_dim3A : f32 to vector<16xf32>
    %dma_start3A_58 = arith.constant 0 : i32
    %dma_start3A_59 = arith.constant 0 : i32
    %dma_start3A_60 = arith.constant 0 : i32
    %dma_start3A_61 = arith.constant 0 : i32
    %dma_start3A_62 = tpu.memref_slice %arg10[%dma_start3A_59, %dma_start3A_60, %dma_start3A_61] : memref<4x120x32xf32, #tpu.memory_space<vmem>> -> memref<1x120x32xf32, #tpu.memory_space<vmem>>
    %dma_start3A_63 = tpu.memref_squeeze %dma_start3A_62 : memref<1x120x32xf32, #tpu.memory_space<vmem>> -> memref<120x32xf32, #tpu.memory_space<vmem>>
    %dma_start3A_64 = arith.constant 0 : i32
    %dma_start3A_65 = tpu.memref_slice %arg8[%dma_start3A_58, %dma_start3A_64] : memref<128x120xi32, #tpu.memory_space<vmem>> -> memref<1x120xi32, #tpu.memory_space<vmem>>
    %dma_start3A_66 = tpu.memref_squeeze %dma_start3A_65 : memref<1x120xi32, #tpu.memory_space<vmem>> -> memref<120xi32, #tpu.memory_space<vmem>>
    %dma_start3A_67 = arith.constant 0 : i32
    %dma_start3A_68 = arith.constant 0 : i32
    %dma_start3A_69 = tpu.memref_slice %arg5[%dma_start3A_67, %dma_start3A_68] : memref<1000000x32xf32, #tpu.memory_space<hbm>> -> memref<1000000x32xf32, #tpu.memory_space<hbm>>
    tpu.enqueue_indirect_dma source(%dma_start3A_69 : memref<1000000x32xf32, #tpu.memory_space<hbm>>) target(%dma_start3A_63 : memref<120x32xf32, #tpu.memory_space<vmem>>) offsets(%dma_start3A_66 : memref<120xi32, #tpu.memory_space<vmem>>) semaphore(%arg12 : memref<!tpu.dma_semaphore, #tpu.memory_space<semaphore_mem>>)
    %dma_start3A_70 = arith.constant 1 : i32
    %dma_start3A_71 = arith.constant 1 : i32
    %dma_start3A_72 = arith.constant 0 : i32
    %dma_start3A_73 = arith.constant 0 : i32
    %dma_start3A_74 = tpu.memref_slice %arg10[%dma_start3A_71, %dma_start3A_72, %dma_start3A_73] : memref<4x120x32xf32, #tpu.memory_space<vmem>> -> memref<1x120x32xf32, #tpu.memory_space<vmem>>
    %dma_start3A_75 = tpu.memref_squeeze %dma_start3A_74 : memref<1x120x32xf32, #tpu.memory_space<vmem>> -> memref<120x32xf32, #tpu.memory_space<vmem>>
    %dma_start3A_76 = arith.constant 0 : i32
    %dma_start3A_77 = tpu.memref_slice %arg8[%dma_start3A_70, %dma_start3A_76] : memref<128x120xi32, #tpu.memory_space<vmem>> -> memref<1x120xi32, #tpu.memory_space<vmem>>
    %dma_start3A_78 = tpu.memref_squeeze %dma_start3A_77 : memref<1x120xi32, #tpu.memory_space<vmem>> -> memref<120xi32, #tpu.memory_space<vmem>>
    %dma_start3A_79 = arith.constant 0 : i32
    %dma_start3A_80 = arith.constant 0 : i32
    %dma_start3A_81 = tpu.memref_slice %arg5[%dma_start3A_79, %dma_start3A_80] : memref<1000000x32xf32, #tpu.memory_space<hbm>> -> memref<1000000x32xf32, #tpu.memory_space<hbm>>
    tpu.enqueue_indirect_dma source(%dma_start3A_81 : memref<1000000x32xf32, #tpu.memory_space<hbm>>) target(%dma_start3A_75 : memref<120x32xf32, #tpu.memory_space<vmem>>) offsets(%dma_start3A_78 : memref<120xi32, #tpu.memory_space<vmem>>) semaphore(%arg13 : memref<!tpu.dma_semaphore, #tpu.memory_space<semaphore_mem>>)
    %dma_start3A_82 = arith.constant 2 : i32
    %dma_start3A_83 = arith.constant 2 : i32
    %dma_start3A_84 = arith.constant 0 : i32
    %dma_start3A_85 = arith.constant 0 : i32
    %dma_start3A_86 = tpu.memref_slice %arg10[%dma_start3A_83, %dma_start3A_84, %dma_start3A_85] : memref<4x120x32xf32, #tpu.memory_space<vmem>> -> memref<1x120x32xf32, #tpu.memory_space<vmem>>
    %dma_start3A_87 = tpu.memref_squeeze %dma_start3A_86 : memref<1x120x32xf32, #tpu.memory_space<vmem>> -> memref<120x32xf32, #tpu.memory_space<vmem>>
    %dma_start3A_88 = arith.constant 0 : i32
    %dma_start3A_89 = tpu.memref_slice %arg8[%dma_start3A_82, %dma_start3A_88] : memref<128x120xi32, #tpu.memory_space<vmem>> -> memref<1x120xi32, #tpu.memory_space<vmem>>
    %dma_start3A_90 = tpu.memref_squeeze %dma_start3A_89 : memref<1x120xi32, #tpu.memory_space<vmem>> -> memref<120xi32, #tpu.memory_space<vmem>>
    %dma_start3A_91 = arith.constant 0 : i32
    %dma_start3A_92 = arith.constant 0 : i32
    %dma_start3A_93 = tpu.memref_slice %arg5[%dma_start3A_91, %dma_start3A_92] : memref<1000000x32xf32, #tpu.memory_space<hbm>> -> memref<1000000x32xf32, #tpu.memory_space<hbm>>
    tpu.enqueue_indirect_dma source(%dma_start3A_93 : memref<1000000x32xf32, #tpu.memory_space<hbm>>) target(%dma_start3A_87 : memref<120x32xf32, #tpu.memory_space<vmem>>) offsets(%dma_start3A_90 : memref<120xi32, #tpu.memory_space<vmem>>) semaphore(%arg14 : memref<!tpu.dma_semaphore, #tpu.memory_space<semaphore_mem>>)
    %scan3A = arith.constant 0 : i32
    %scan3A_94 = arith.constant 0 : i32
    %scan3A_95 = arith.constant 16 : i32
    %scan3A_96 = arith.addi %scan3A_94, %scan3A_95 : i32
    %scan3A_97 = arith.constant 1 : i32
    scf.for %scan3A_99 = %scan3A_94 to %scan3A_96 step %scan3A_97  : i32 {
      %mul3A_100 = arith.constant 8 : i32
      %mul3A_101 = arith.muli %scan3A_99, %mul3A_100 : i32
      %add3A_102 = arith.constant 0 : i32
      %add3A_103 = arith.addi %mul3A_101, %add3A_102 : i32
      %dma_wait3A_104 = arith.constant 0 : i32
      %dma_wait3A_105 = arith.constant 0 : i32
      %dma_wait3A_106 = arith.constant 0 : i32
      %dma_wait3A_107 = tpu.memref_slice %arg10[%dma_wait3A_104, %dma_wait3A_105, %dma_wait3A_106] : memref<4x120x32xf32, #tpu.memory_space<vmem>> -> memref<1x120x32xf32, #tpu.memory_space<vmem>>
      %dma_wait3A_108 = tpu.memref_squeeze %dma_wait3A_107 : memref<1x120x32xf32, #tpu.memory_space<vmem>> -> memref<120x32xf32, #tpu.memory_space<vmem>>
      %dma_wait3A_109 = arith.constant 0 : i32
      %dma_wait3A_110 = arith.constant 0 : i32
      %dma_wait3A_111 = tpu.memref_slice %arg5[%dma_wait3A_109, %dma_wait3A_110] : memref<1000000x32xf32, #tpu.memory_space<hbm>> -> memref<120x32xf32, #tpu.memory_space<hbm>>
      %dma_wait3A_112 = arith.constant 0 : i32
      %dma_wait3A_113 = arith.constant 0 : i32
      %dma_wait3A_114 = tpu.memref_slice %arg10[%dma_wait3A_104, %dma_wait3A_112, %dma_wait3A_113] : memref<4x120x32xf32, #tpu.memory_space<vmem>> -> memref<1x120x32xf32, #tpu.memory_space<vmem>>
      %dma_wait3A_115 = tpu.memref_squeeze %dma_wait3A_114 : memref<1x120x32xf32, #tpu.memory_space<vmem>> -> memref<120x32xf32, #tpu.memory_space<vmem>>
      %dma_wait3A_116 = arith.constant 0 : i32
      %dma_wait3A_117 = arith.constant 0 : i32
      %dma_wait3A_118 = tpu.memref_slice %arg5[%dma_wait3A_116, %dma_wait3A_117] : memref<1000000x32xf32, #tpu.memory_space<hbm>> -> memref<120x32xf32, #tpu.memory_space<hbm>>
      tpu.wait_dma2 semaphore(%arg12 : memref<!tpu.dma_semaphore, #tpu.memory_space<semaphore_mem>>) src(%dma_wait3A_118 : memref<120x32xf32, #tpu.memory_space<hbm>>) dst(%dma_wait3A_115 : memref<120x32xf32, #tpu.memory_space<vmem>>)
      %get3A = arith.index_cast %add3A_103 : i32 to index
      %get3A_119 = arith.constant 0 : index
      %get3A_120 = tpu.vector_load %arg9[%get3A, %get3A_119] {strides = array<i32>} : memref<128x32xf32, #tpu.memory_space<vmem>>, vector<16xf32>,
      %get3A_121 = arith.index_cast %add3A_103 : i32 to index
      %get3A_122 = arith.constant 16 : index
      %get3A_123 = tpu.vector_load %arg9[%get3A_121, %get3A_122] {strides = array<i32>} : memref<128x32xf32, #tpu.memory_space<vmem>>, vector<16xf32>,
      %scan3A_124 = arith.constant 0 : i32
      %scan3A_125 = arith.constant 0 : i32
      %scan3A_126 = arith.constant 7 : i32
      %scan3A_127 = arith.addi %scan3A_125, %scan3A_126 : i32
      %scan3A_128 = arith.constant 1 : i32
      scf.for %scan3A_1775 = %scan3A_125 to %scan3A_127 step %scan3A_128  : i32 {
        %mul3A_1776 = arith.constant 16 : i32
        %mul3A_1777 = arith.muli %scan3A_1775, %mul3A_1776 : i32
        %add3A_1778 = arith.constant 0 : i32
        %add3A_1779 = arith.addi %mul3A_1777, %add3A_1778 : i32
        %get3A_1780 = arith.constant 0 : i32
        %get3A_1781 = arith.index_cast %get3A_1780 : i32 to index
        %get3A_1782 = arith.index_cast %add3A_1779 : i32 to index
        %get3A_1783 = arith.constant 0 : index
        %get3A_1784 = tpu.vector_load %arg10[%get3A_1781, %get3A_1782, %get3A_1783] {strides = array<i32>} : memref<4x120x32xf32, #tpu.memory_space<vmem>>, vector<16xf32>,
        %mul3A_1785 = arith.mulf %get3A_1784, %get3A_120 : vector<16xf32>
        %get3A_1786 = arith.constant 0 : i32
        %get3A_1787 = arith.index_cast %get3A_1786 : i32 to index
        %get3A_1788 = arith.index_cast %add3A_1779 : i32 to index
        %get3A_1789 = arith.constant 16 : index
        %get3A_1790 = tpu.vector_load %arg10[%get3A_1787, %get3A_1788, %get3A_1789] {strides = array<i32>} : memref<4x120x32xf32, #tpu.memory_space<vmem>>, vector<16xf32>,
        %mul3A_1791 = arith.mulf %get3A_1790, %get3A_123 : vector<16xf32>
        %add3A_1792 = arith.addf %mul3A_1785, %mul3A_1791 : vector<16xf32>
        %reduce_sum3A_1793 = arith.constant true
        %reduce_sum3A_1794 = vector.broadcast %reduce_sum3A_1793 : i1 to vector<16xi1>
        %reduce_sum3A_1795 = tpu.scan <sum>, %add3A_1792 masked %reduce_sum3A_1794 : vector<16xf32>, vector<16xi1> -> vector<16xf32>
        %reduce_sum3A_1796 = vector.extract %reduce_sum3A_1795[15] : f32 from vector<16xf32>
        %broadcast_in_dim3A_1797 = vector.broadcast %reduce_sum3A_1796 : f32 to vector<16xf32>
        %select_n3A_1798 = arith.select %eq3A_11, %broadcast_in_dim3A_1797, %broadcast_in_dim3A_57 : vector<16xi1>, vector<16xf32>
        %mul3A_1799 = arith.constant 16 : i32
        %mul3A_1800 = arith.muli %scan3A_1775, %mul3A_1799 : i32
        %add3A_1801 = arith.constant 1 : i32
        %add3A_1802 = arith.addi %mul3A_1800, %add3A_1801 : i32
        %get3A_1803 = arith.constant 0 : i32
        %get3A_1804 = arith.index_cast %get3A_1803 : i32 to index
        %get3A_1805 = arith.index_cast %add3A_1802 : i32 to index
        %get3A_1806 = arith.constant 0 : index
        %get3A_1807 = tpu.vector_load %arg10[%get3A_1804, %get3A_1805, %get3A_1806] {strides = array<i32>} : memref<4x120x32xf32, #tpu.memory_space<vmem>>, vector<16xf32>,
        %mul3A_1808 = arith.mulf %get3A_1807, %get3A_120 : vector<16xf32>
        %get3A_1809 = arith.constant 0 : i32
        %get3A_1810 = arith.index_cast %get3A_1809 : i32 to index
        %get3A_1811 = arith.index_cast %add3A_1802 : i32 to index
        %get3A_1812 = arith.constant 16 : index
        %get3A_1813 = tpu.vector_load %arg10[%get3A_1810, %get3A_1811, %get3A_1812] {strides = array<i32>} : memref<4x120x32xf32, #tpu.memory_space<vmem>>, vector<16xf32>,
        %mul3A_1814 = arith.mulf %get3A_1813, %get3A_123 : vector<16xf32>
        %add3A_1815 = arith.addf %mul3A_1808, %mul3A_1814 : vector<16xf32>
        %reduce_sum3A_1816 = arith.constant true
        %reduce_sum3A_1817 = vector.broadcast %reduce_sum3A_1816 : i1 to vector<16xi1>
        %reduce_sum3A_1818 = tpu.scan <sum>, %add3A_1815 masked %reduce_sum3A_1817 : vector<16xf32>, vector<16xi1> -> vector<16xf32>
        %reduce_sum3A_1819 = vector.extract %reduce_sum3A_1818[15] : f32 from vector<16xf32>
        %broadcast_in_dim3A_1820 = vector.broadcast %reduce_sum3A_1819 : f32 to vector<16xf32>
        %select_n3A_1821 = arith.select %eq3A_14, %broadcast_in_dim3A_1820, %select_n3A_1798 : vector<16xi1>, vector<16xf32>
        %mul3A_1822 = arith.constant 16 : i32
        %mul3A_1823 = arith.muli %scan3A_1775, %mul3A_1822 : i32
        %add3A_1824 = arith.constant 2 : i32
        %add3A_1825 = arith.addi %mul3A_1823, %add3A_1824 : i32
        %get3A_1826 = arith.constant 0 : i32
        %get3A_1827 = arith.index_cast %get3A_1826 : i32 to index
        %get3A_1828 = arith.index_cast %add3A_1825 : i32 to index
        %get3A_1829 = arith.constant 0 : index
        %get3A_1830 = tpu.vector_load %arg10[%get3A_1827, %get3A_1828, %get3A_1829] {strides = array<i32>} : memref<4x120x32xf32, #tpu.memory_space<vmem>>, vector<16xf32>,
        %mul3A_1831 = arith.mulf %get3A_1830, %get3A_120 : vector<16xf32>
        %get3A_1832 = arith.constant 0 : i32
        %get3A_1833 = arith.index_cast %get3A_1832 : i32 to index
        %get3A_1834 = arith.index_cast %add3A_1825 : i32 to index
        %get3A_1835 = arith.constant 16 : index
        %get3A_1836 = tpu.vector_load %arg10[%get3A_1833, %get3A_1834, %get3A_1835] {strides = array<i32>} : memref<4x120x32xf32, #tpu.memory_space<vmem>>, vector<16xf32>,
        %mul3A_1837 = arith.mulf %get3A_1836, %get3A_123 : vector<16xf32>
        %add3A_1838 = arith.addf %mul3A_1831, %mul3A_1837 : vector<16xf32>
        %reduce_sum3A_1839 = arith.constant true
        %reduce_sum3A_1840 = vector.broadcast %reduce_sum3A_1839 : i1 to vector<16xi1>
        %reduce_sum3A_1841 = tpu.scan <sum>, %add3A_1838 masked %reduce_sum3A_1840 : vector<16xf32>, vector<16xi1> -> vector<16xf32>
        %reduce_sum3A_1842 = vector.extract %reduce_sum3A_1841[15] : f32 from vector<16xf32>
        %broadcast_in_dim3A_1843 = vector.broadcast %reduce_sum3A_1842 : f32 to vector<16xf32>
        %select_n3A_1844 = arith.select %eq3A_17, %broadcast_in_dim3A_1843, %select_n3A_1821 : vector<16xi1>, vector<16xf32>
        %mul3A_1845 = arith.constant 16 : i32
        %mul3A_1846 = arith.muli %scan3A_1775, %mul3A_1845 : i32
        %add3A_1847 = arith.constant 3 : i32
        %add3A_1848 = arith.addi %mul3A_1846, %add3A_1847 : i32
        %get3A_1849 = arith.constant 0 : i32
        %get3A_1850 = arith.index_cast %get3A_1849 : i32 to index
        %get3A_1851 = arith.index_cast %add3A_1848 : i32 to index
        %get3A_1852 = arith.constant 0 : index
        %get3A_1853 = tpu.vector_load %arg10[%get3A_1850, %get3A_1851, %get3A_1852] {strides = array<i32>} : memref<4x120x32xf32, #tpu.memory_space<vmem>>, vector<16xf32>,
        %mul3A_1854 = arith.mulf %get3A_1853, %get3A_120 : vector<16xf32>
        %get3A_1855 = arith.constant 0 : i32
        %get3A_1856 = arith.index_cast %get3A_1855 : i32 to index
        %get3A_1857 = arith.index_cast %add3A_1848 : i32 to index
        %get3A_1858 = arith.constant 16 : index
        %get3A_1859 = tpu.vector_load %arg10[%get3A_1856, %get3A_1857, %get3A_1858] {strides = array<i32>} : memref<4x120x32xf32, #tpu.memory_space<vmem>>, vector<16xf32>,
        %mul3A_1860 = arith.mulf %get3A_1859, %get3A_123 : vector<16xf32>
        %add3A_1861 = arith.addf %mul3A_1854, %mul3A_1860 : vector<16xf32>
        %reduce_sum3A_1862 = arith.constant true
        %reduce_sum3A_1863 = vector.broadcast %reduce_sum3A_1862 : i1 to vector<16xi1>
        %reduce_sum3A_1864 = tpu.scan <sum>, %add3A_1861 masked %reduce_sum3A_1863 : vector<16xf32>, vector<16xi1> -> vector<16xf32>
        %reduce_sum3A_1865 = vector.extract %reduce_sum3A_1864[15] : f32 from vector<16xf32>
        %broadcast_in_dim3A_1866 = vector.broadcast %reduce_sum3A_1865 : f32 to vector<16xf32>
        %select_n3A_1867 = arith.select %eq3A_20, %broadcast_in_dim3A_1866, %select_n3A_1844 : vector<16xi1>, vector<16xf32>
        %mul3A_1868 = arith.constant 16 : i32
        %mul3A_1869 = arith.muli %scan3A_1775, %mul3A_1868 : i32
        %add3A_1870 = arith.constant 4 : i32
        %add3A_1871 = arith.addi %mul3A_1869, %add3A_1870 : i32
        %get3A_1872 = arith.constant 0 : i32
        %get3A_1873 = arith.index_cast %get3A_1872 : i32 to index
        %get3A_1874 = arith.index_cast %add3A_1871 : i32 to index
        %get3A_1875 = arith.constant 0 : index
        %get3A_1876 = tpu.vector_load %arg10[%get3A_1873, %get3A_1874, %get3A_1875] {strides = array<i32>} : memref<4x120x32xf32, #tpu.memory_space<vmem>>, vector<16xf32>,
        %mul3A_1877 = arith.mulf %get3A_1876, %get3A_120 : vector<16xf32>
        %get3A_1878 = arith.constant 0 : i32
        %get3A_1879 = arith.index_cast %get3A_1878 : i32 to index
        %get3A_1880 = arith.index_cast %add3A_1871 : i32 to index
        %get3A_1881 = arith.constant 16 : index
        %get3A_1882 = tpu.vector_load %arg10[%get3A_1879, %get3A_1880, %get3A_1881] {strides = array<i32>} : memref<4x120x32xf32, #tpu.memory_space<vmem>>, vector<16xf32>,
        %mul3A_1883 = arith.mulf %get3A_1882, %get3A_123 : vector<16xf32>
        %add3A_1884 = arith.addf %mul3A_1877, %mul3A_1883 : vector<16xf32>
        %reduce_sum3A_1885 = arith.constant true
        %reduce_sum3A_1886 = vector.broadcast %reduce_sum3A_1885 : i1 to vector<16xi1>
        %reduce_sum3A_1887 = tpu.scan <sum>, %add3A_1884 masked %reduce_sum3A_1886 : vector<16xf32>, vector<16xi1> -> vector<16xf32>
        %reduce_sum3A_1888 = vector.extract %reduce_sum3A_1887[15] : f32 from vector<16xf32>
        %broadcast_in_dim3A_1889 = vector.broadcast %reduce_sum3A_1888 : f32 to vector<16xf32>
        %select_n3A_1890 = arith.select %eq3A_23, %broadcast_in_dim3A_1889, %select_n3A_1867 : vector<16xi1>, vector<16xf32>
        %mul3A_1891 = arith.constant 16 : i32
        %mul3A_1892 = arith.muli %scan3A_1775, %mul3A_1891 : i32
        %add3A_1893 = arith.constant 5 : i32
        %add3A_1894 = arith.addi %mul3A_1892, %add3A_1893 : i32
        %get3A_1895 = arith.constant 0 : i32
        %get3A_1896 = arith.index_cast %get3A_1895 : i32 to index
        %get3A_1897 = arith.index_cast %add3A_1894 : i32 to index
        %get3A_1898 = arith.constant 0 : index
        %get3A_1899 = tpu.vector_load %arg10[%get3A_1896, %get3A_1897, %get3A_1898] {strides = array<i32>} : memref<4x120x32xf32, #tpu.memory_space<vmem>>, vector<16xf32>,
        %mul3A_1900 = arith.mulf %get3A_1899, %get3A_120 : vector<16xf32>
        %get3A_1901 = arith.constant 0 : i32
        %get3A_1902 = arith.index_cast %get3A_1901 : i32 to index
        %get3A_1903 = arith.index_cast %add3A_1894 : i32 to index
        %get3A_1904 = arith.constant 16 : index
        %get3A_1905 = tpu.vector_load %arg10[%get3A_1902, %get3A_1903, %get3A_1904] {strides = array<i32>} : memref<4x120x32xf32, #tpu.memory_space<vmem>>, vector<16xf32>,
        %mul3A_1906 = arith.mulf %get3A_1905, %get3A_123 : vector<16xf32>
        %add3A_1907 = arith.addf %mul3A_1900, %mul3A_1906 : vector<16xf32>
        %reduce_sum3A_1908 = arith.constant true
        %reduce_sum3A_1909 = vector.broadcast %reduce_sum3A_1908 : i1 to vector<16xi1>
        %reduce_sum3A_1910 = tpu.scan <sum>, %add3A_1907 masked %reduce_sum3A_1909 : vector<16xf32>, vector<16xi1> -> vector<16xf32>
        %reduce_sum3A_1911 = vector.extract %reduce_sum3A_1910[15] : f32 from vector<16xf32>
        %broadcast_in_dim3A_1912 = vector.broadcast %reduce_sum3A_1911 : f32 to vector<16xf32>
        %select_n3A_1913 = arith.select %eq3A_26, %broadcast_in_dim3A_1912, %select_n3A_1890 : vector<16xi1>, vector<16xf32>
        %mul3A_1914 = arith.constant 16 : i32
        %mul3A_1915 = arith.muli %scan3A_1775, %mul3A_1914 : i32
        %add3A_1916 = arith.constant 6 : i32
        %add3A_1917 = arith.addi %mul3A_1915, %add3A_1916 : i32
        %get3A_1918 = arith.constant 0 : i32
        %get3A_1919 = arith.index_cast %get3A_1918 : i32 to index
        %get3A_1920 = arith.index_cast %add3A_1917 : i32 to index
        %get3A_1921 = arith.constant 0 : index
        %get3A_1922 = tpu.vector_load %arg10[%get3A_1919, %get3A_1920, %get3A_1921] {strides = array<i32>} : memref<4x120x32xf32, #tpu.memory_space<vmem>>, vector<16xf32>,
        %mul3A_1923 = arith.mulf %get3A_1922, %get3A_120 : vector<16xf32>
        %get3A_1924 = arith.constant 0 : i32
        %get3A_1925 = arith.index_cast %get3A_1924 : i32 to index
        %get3A_1926 = arith.index_cast %add3A_1917 : i32 to index
        %get3A_1927 = arith.constant 16 : index
        %get3A_1928 = tpu.vector_load %arg10[%get3A_1925, %get3A_1926, %get3A_1927] {strides = array<i32>} : memref<4x120x32xf32, #tpu.memory_space<vmem>>, vector<16xf32>,
        %mul3A_1929 = arith.mulf %get3A_1928, %get3A_123 : vector<16xf32>
        %add3A_1930 = arith.addf %mul3A_1923, %mul3A_1929 : vector<16xf32>
        %reduce_sum3A_1931 = arith.constant true
        %reduce_sum3A_1932 = vector.broadcast %reduce_sum3A_1931 : i1 to vector<16xi1>
        %reduce_sum3A_1933 = tpu.scan <sum>, %add3A_1930 masked %reduce_sum3A_1932 : vector<16xf32>, vector<16xi1> -> vector<16xf32>
        %reduce_sum3A_1934 = vector.extract %reduce_sum3A_1933[15] : f32 from vector<16xf32>
        %broadcast_in_dim3A_1935 = vector.broadcast %reduce_sum3A_1934 : f32 to vector<16xf32>
        %select_n3A_1936 = arith.select %eq3A_29, %broadcast_in_dim3A_1935, %select_n3A_1913 : vector<16xi1>, vector<16xf32>
        %mul3A_1937 = arith.constant 16 : i32
        %mul3A_1938 = arith.muli %scan3A_1775, %mul3A_1937 : i32
        %add3A_1939 = arith.constant 7 : i32
        %add3A_1940 = arith.addi %mul3A_1938, %add3A_1939 : i32
        %get3A_1941 = arith.constant 0 : i32
        %get3A_1942 = arith.index_cast %get3A_1941 : i32 to index
        %get3A_1943 = arith.index_cast %add3A_1940 : i32 to index
        %get3A_1944 = arith.constant 0 : index
        %get3A_1945 = tpu.vector_load %arg10[%get3A_1942, %get3A_1943, %get3A_1944] {strides = array<i32>} : memref<4x120x32xf32, #tpu.memory_space<vmem>>, vector<16xf32>,
        %mul3A_1946 = arith.mulf %get3A_1945, %get3A_120 : vector<16xf32>
        %get3A_1947 = arith.constant 0 : i32
        %get3A_1948 = arith.index_cast %get3A_1947 : i32 to index
        %get3A_1949 = arith.index_cast %add3A_1940 : i32 to index
        %get3A_1950 = arith.constant 16 : index
        %get3A_1951 = tpu.vector_load %arg10[%get3A_1948, %get3A_1949, %get3A_1950] {strides = array<i32>} : memref<4x120x32xf32, #tpu.memory_space<vmem>>, vector<16xf32>,
        %mul3A_1952 = arith.mulf %get3A_1951, %get3A_123 : vector<16xf32>
        %add3A_1953 = arith.addf %mul3A_1946, %mul3A_1952 : vector<16xf32>
        %reduce_sum3A_1954 = arith.constant true
        %reduce_sum3A_1955 = vector.broadcast %reduce_sum3A_1954 : i1 to vector<16xi1>
        %reduce_sum3A_1956 = tpu.scan <sum>, %add3A_1953 masked %reduce_sum3A_1955 : vector<16xf32>, vector<16xi1> -> vector<16xf32>
        %reduce_sum3A_1957 = vector.extract %reduce_sum3A_1956[15] : f32 from vector<16xf32>
        %broadcast_in_dim3A_1958 = vector.broadcast %reduce_sum3A_1957 : f32 to vector<16xf32>
        %select_n3A_1959 = arith.select %eq3A_32, %broadcast_in_dim3A_1958, %select_n3A_1936 : vector<16xi1>, vector<16xf32>
        %mul3A_1960 = arith.constant 16 : i32
        %mul3A_1961 = arith.muli %scan3A_1775, %mul3A_1960 : i32
        %add3A_1962 = arith.constant 8 : i32
        %add3A_1963 = arith.addi %mul3A_1961, %add3A_1962 : i32
        %get3A_1964 = arith.constant 0 : i32
        %get3A_1965 = arith.index_cast %get3A_1964 : i32 to index
        %get3A_1966 = arith.index_cast %add3A_1963 : i32 to index
        %get3A_1967 = arith.constant 0 : index
        %get3A_1968 = tpu.vector_load %arg10[%get3A_1965, %get3A_1966, %get3A_1967] {strides = array<i32>} : memref<4x120x32xf32, #tpu.memory_space<vmem>>, vector<16xf32>,
        %mul3A_1969 = arith.mulf %get3A_1968, %get3A_120 : vector<16xf32>
        %get3A_1970 = arith.constant 0 : i32
        %get3A_1971 = arith.index_cast %get3A_1970 : i32 to index
        %get3A_1972 = arith.index_cast %add3A_1963 : i32 to index
        %get3A_1973 = arith.constant 16 : index
        %get3A_1974 = tpu.vector_load %arg10[%get3A_1971, %get3A_1972, %get3A_1973] {strides = array<i32>} : memref<4x120x32xf32, #tpu.memory_space<vmem>>, vector<16xf32>,
        %mul3A_1975 = arith.mulf %get3A_1974, %get3A_123 : vector<16xf32>
        %add3A_1976 = arith.addf %mul3A_1969, %mul3A_1975 : vector<16xf32>
        %reduce_sum3A_1977 = arith.constant true
        %reduce_sum3A_1978 = vector.broadcast %reduce_sum3A_1977 : i1 to vector<16xi1>
        %reduce_sum3A_1979 = tpu.scan <sum>, %add3A_1976 masked %reduce_sum3A_1978 : vector<16xf32>, vector<16xi1> -> vector<16xf32>
        %reduce_sum3A_1980 = vector.extract %reduce_sum3A_1979[15] : f32 from vector<16xf32>
        %broadcast_in_dim3A_1981 = vector.broadcast %reduce_sum3A_1980 : f32 to vector<16xf32>
        %select_n3A_1982 = arith.select %eq3A_35, %broadcast_in_dim3A_1981, %select_n3A_1959 : vector<16xi1>, vector<16xf32>
        %mul3A_1983 = arith.constant 16 : i32
        %mul3A_1984 = arith.muli %scan3A_1775, %mul3A_1983 : i32
        %add3A_1985 = arith.constant 9 : i32
        %add3A_1986 = arith.addi %mul3A_1984, %add3A_1985 : i32
        %get3A_1987 = arith.constant 0 : i32
        %get3A_1988 = arith.index_cast %get3A_1987 : i32 to index
        %get3A_1989 = arith.index_cast %add3A_1986 : i32 to index
        %get3A_1990 = arith.constant 0 : index
        %get3A_1991 = tpu.vector_load %arg10[%get3A_1988, %get3A_1989, %get3A_1990] {strides = array<i32>} : memref<4x120x32xf32, #tpu.memory_space<vmem>>, vector<16xf32>,
        %mul3A_1992 = arith.mulf %get3A_1991, %get3A_120 : vector<16xf32>
        %get3A_1993 = arith.constant 0 : i32
        %get3A_1994 = arith.index_cast %get3A_1993 : i32 to index
        %get3A_1995 = arith.index_cast %add3A_1986 : i32 to index
        %get3A_1996 = arith.constant 16 : index
        %get3A_1997 = tpu.vector_load %arg10[%get3A_1994, %get3A_1995, %get3A_1996] {strides = array<i32>} : memref<4x120x32xf32, #tpu.memory_space<vmem>>, vector<16xf32>,
        %mul3A_1998 = arith.mulf %get3A_1997, %get3A_123 : vector<16xf32>
        %add3A_1999 = arith.addf %mul3A_1992, %mul3A_1998 : vector<16xf32>
        %reduce_sum3A_2000 = arith.constant true
        %reduce_sum3A_2001 = vector.broadcast %reduce_sum3A_2000 : i1 to vector<16xi1>
        %reduce_sum3A_2002 = tpu.scan <sum>, %add3A_1999 masked %reduce_sum3A_2001 : vector<16xf32>, vector<16xi1> -> vector<16xf32>
        %reduce_sum3A_2003 = vector.extract %reduce_sum3A_2002[15] : f32 from vector<16xf32>
        %broadcast_in_dim3A_2004 = vector.broadcast %reduce_sum3A_2003 : f32 to vector<16xf32>
        %select_n3A_2005 = arith.select %eq3A_38, %broadcast_in_dim3A_2004, %select_n3A_1982 : vector<16xi1>, vector<16xf32>
        %mul3A_2006 = arith.constant 16 : i32
        %mul3A_2007 = arith.muli %scan3A_1775, %mul3A_2006 : i32
        %add3A_2008 = arith.constant 10 : i32
        %add3A_2009 = arith.addi %mul3A_2007, %add3A_2008 : i32
        %get3A_2010 = arith.constant 0 : i32
        %get3A_2011 = arith.index_cast %get3A_2010 : i32 to index
        %get3A_2012 = arith.index_cast %add3A_2009 : i32 to index
        %get3A_2013 = arith.constant 0 : index
        %get3A_2014 = tpu.vector_load %arg10[%get3A_2011, %get3A_2012, %get3A_2013] {strides = array<i32>} : memref<4x120x32xf32, #tpu.memory_space<vmem>>, vector<16xf32>,
        %mul3A_2015 = arith.mulf %get3A_2014, %get3A_120 : vector<16xf32>
        %get3A_2016 = arith.constant 0 : i32
        %get3A_2017 = arith.index_cast %get3A_2016 : i32 to index
        %get3A_2018 = arith.index_cast %add3A_2009 : i32 to index
        %get3A_2019 = arith.constant 16 : index
        %get3A_2020 = tpu.vector_load %arg10[%get3A_2017, %get3A_2018, %get3A_2019] {strides = array<i32>} : memref<4x120x32xf32, #tpu.memory_space<vmem>>, vector<16xf32>,
        %mul3A_2021 = arith.mulf %get3A_2020, %get3A_123 : vector<16xf32>
        %add3A_2022 = arith.addf %mul3A_2015, %mul3A_2021 : vector<16xf32>
        %reduce_sum3A_2023 = arith.constant true
        %reduce_sum3A_2024 = vector.broadcast %reduce_sum3A_2023 : i1 to vector<16xi1>
        %reduce_sum3A_2025 = tpu.scan <sum>, %add3A_2022 masked %reduce_sum3A_2024 : vector<16xf32>, vector<16xi1> -> vector<16xf32>
        %reduce_sum3A_2026 = vector.extract %reduce_sum3A_2025[15] : f32 from vector<16xf32>
        %broadcast_in_dim3A_2027 = vector.broadcast %reduce_sum3A_2026 : f32 to vector<16xf32>
        %select_n3A_2028 = arith.select %eq3A_41, %broadcast_in_dim3A_2027, %select_n3A_2005 : vector<16xi1>, vector<16xf32>
        %mul3A_2029 = arith.constant 16 : i32
        %mul3A_2030 = arith.muli %scan3A_1775, %mul3A_2029 : i32
        %add3A_2031 = arith.constant 11 : i32
        %add3A_2032 = arith.addi %mul3A_2030, %add3A_2031 : i32
        %get3A_2033 = arith.constant 0 : i32
        %get3A_2034 = arith.index_cast %get3A_2033 : i32 to index
        %get3A_2035 = arith.index_cast %add3A_2032 : i32 to index
        %get3A_2036 = arith.constant 0 : index
        %get3A_2037 = tpu.vector_load %arg10[%get3A_2034, %get3A_2035, %get3A_2036] {strides = array<i32>} : memref<4x120x32xf32, #tpu.memory_space<vmem>>, vector<16xf32>,
        %mul3A_2038 = arith.mulf %get3A_2037, %get3A_120 : vector<16xf32>
        %get3A_2039 = arith.constant 0 : i32
        %get3A_2040 = arith.index_cast %get3A_2039 : i32 to index
        %get3A_2041 = arith.index_cast %add3A_2032 : i32 to index
        %get3A_2042 = arith.constant 16 : index
        %get3A_2043 = tpu.vector_load %arg10[%get3A_2040, %get3A_2041, %get3A_2042] {strides = array<i32>} : memref<4x120x32xf32, #tpu.memory_space<vmem>>, vector<16xf32>,
        %mul3A_2044 = arith.mulf %get3A_2043, %get3A_123 : vector<16xf32>
        %add3A_2045 = arith.addf %mul3A_2038, %mul3A_2044 : vector<16xf32>
        %reduce_sum3A_2046 = arith.constant true
        %reduce_sum3A_2047 = vector.broadcast %reduce_sum3A_2046 : i1 to vector<16xi1>
        %reduce_sum3A_2048 = tpu.scan <sum>, %add3A_2045 masked %reduce_sum3A_2047 : vector<16xf32>, vector<16xi1> -> vector<16xf32>
        %reduce_sum3A_2049 = vector.extract %reduce_sum3A_2048[15] : f32 from vector<16xf32>
        %broadcast_in_dim3A_2050 = vector.broadcast %reduce_sum3A_2049 : f32 to vector<16xf32>
        %select_n3A_2051 = arith.select %eq3A_44, %broadcast_in_dim3A_2050, %select_n3A_2028 : vector<16xi1>, vector<16xf32>
        %mul3A_2052 = arith.constant 16 : i32
        %mul3A_2053 = arith.muli %scan3A_1775, %mul3A_2052 : i32
        %add3A_2054 = arith.constant 12 : i32
        %add3A_2055 = arith.addi %mul3A_2053, %add3A_2054 : i32
        %get3A_2056 = arith.constant 0 : i32
        %get3A_2057 = arith.index_cast %get3A_2056 : i32 to index
        %get3A_2058 = arith.index_cast %add3A_2055 : i32 to index
        %get3A_2059 = arith.constant 0 : index
        %get3A_2060 = tpu.vector_load %arg10[%get3A_2057, %get3A_2058, %get3A_2059] {strides = array<i32>} : memref<4x120x32xf32, #tpu.memory_space<vmem>>, vector<16xf32>,
        %mul3A_2061 = arith.mulf %get3A_2060, %get3A_120 : vector<16xf32>
        %get3A_2062 = arith.constant 0 : i32
        %get3A_2063 = arith.index_cast %get3A_2062 : i32 to index
        %get3A_2064 = arith.index_cast %add3A_2055 : i32 to index
        %get3A_2065 = arith.constant 16 : index
        %get3A_2066 = tpu.vector_load %arg10[%get3A_2063, %get3A_2064, %get3A_2065] {strides = array<i32>} : memref<4x120x32xf32, #tpu.memory_space<vmem>>, vector<16xf32>,
        %mul3A_2067 = arith.mulf %get3A_2066, %get3A_123 : vector<16xf32>
        %add3A_2068 = arith.addf %mul3A_2061, %mul3A_2067 : vector<16xf32>
        %reduce_sum3A_2069 = arith.constant true
        %reduce_sum3A_2070 = vector.broadcast %reduce_sum3A_2069 : i1 to vector<16xi1>
        %reduce_sum3A_2071 = tpu.scan <sum>, %add3A_2068 masked %reduce_sum3A_2070 : vector<16xf32>, vector<16xi1> -> vector<16xf32>
        %reduce_sum3A_2072 = vector.extract %reduce_sum3A_2071[15] : f32 from vector<16xf32>
        %broadcast_in_dim3A_2073 = vector.broadcast %reduce_sum3A_2072 : f32 to vector<16xf32>
        %select_n3A_2074 = arith.select %eq3A_47, %broadcast_in_dim3A_2073, %select_n3A_2051 : vector<16xi1>, vector<16xf32>
        %mul3A_2075 = arith.constant 16 : i32
        %mul3A_2076 = arith.muli %scan3A_1775, %mul3A_2075 : i32
        %add3A_2077 = arith.constant 13 : i32
        %add3A_2078 = arith.addi %mul3A_2076, %add3A_2077 : i32
        %get3A_2079 = arith.constant 0 : i32
        %get3A_2080 = arith.index_cast %get3A_2079 : i32 to index
        %get3A_2081 = arith.index_cast %add3A_2078 : i32 to index
        %get3A_2082 = arith.constant 0 : index
        %get3A_2083 = tpu.vector_load %arg10[%get3A_2080, %get3A_2081, %get3A_2082] {strides = array<i32>} : memref<4x120x32xf32, #tpu.memory_space<vmem>>, vector<16xf32>,
        %mul3A_2084 = arith.mulf %get3A_2083, %get3A_120 : vector<16xf32>
        %get3A_2085 = arith.constant 0 : i32
        %get3A_2086 = arith.index_cast %get3A_2085 : i32 to index
        %get3A_2087 = arith.index_cast %add3A_2078 : i32 to index
        %get3A_2088 = arith.constant 16 : index
        %get3A_2089 = tpu.vector_load %arg10[%get3A_2086, %get3A_2087, %get3A_2088] {strides = array<i32>} : memref<4x120x32xf32, #tpu.memory_space<vmem>>, vector<16xf32>,
        %mul3A_2090 = arith.mulf %get3A_2089, %get3A_123 : vector<16xf32>
        %add3A_2091 = arith.addf %mul3A_2084, %mul3A_2090 : vector<16xf32>
        %reduce_sum3A_2092 = arith.constant true
        %reduce_sum3A_2093 = vector.broadcast %reduce_sum3A_2092 : i1 to vector<16xi1>
        %reduce_sum3A_2094 = tpu.scan <sum>, %add3A_2091 masked %reduce_sum3A_2093 : vector<16xf32>, vector<16xi1> -> vector<16xf32>
        %reduce_sum3A_2095 = vector.extract %reduce_sum3A_2094[15] : f32 from vector<16xf32>
        %broadcast_in_dim3A_2096 = vector.broadcast %reduce_sum3A_2095 : f32 to vector<16xf32>
        %select_n3A_2097 = arith.select %eq3A_50, %broadcast_in_dim3A_2096, %select_n3A_2074 : vector<16xi1>, vector<16xf32>
        %mul3A_2098 = arith.constant 16 : i32
        %mul3A_2099 = arith.muli %scan3A_1775, %mul3A_2098 : i32
        %add3A_2100 = arith.constant 14 : i32
        %add3A_2101 = arith.addi %mul3A_2099, %add3A_2100 : i32
        %get3A_2102 = arith.constant 0 : i32
        %get3A_2103 = arith.index_cast %get3A_2102 : i32 to index
        %get3A_2104 = arith.index_cast %add3A_2101 : i32 to index
        %get3A_2105 = arith.constant 0 : index
        %get3A_2106 = tpu.vector_load %arg10[%get3A_2103, %get3A_2104, %get3A_2105] {strides = array<i32>} : memref<4x120x32xf32, #tpu.memory_space<vmem>>, vector<16xf32>,
        %mul3A_2107 = arith.mulf %get3A_2106, %get3A_120 : vector<16xf32>
        %get3A_2108 = arith.constant 0 : i32
        %get3A_2109 = arith.index_cast %get3A_2108 : i32 to index
        %get3A_2110 = arith.index_cast %add3A_2101 : i32 to index
        %get3A_2111 = arith.constant 16 : index
        %get3A_2112 = tpu.vector_load %arg10[%get3A_2109, %get3A_2110, %get3A_2111] {strides = array<i32>} : memref<4x120x32xf32, #tpu.memory_space<vmem>>, vector<16xf32>,
        %mul3A_2113 = arith.mulf %get3A_2112, %get3A_123 : vector<16xf32>
        %add3A_2114 = arith.addf %mul3A_2107, %mul3A_2113 : vector<16xf32>
        %reduce_sum3A_2115 = arith.constant true
        %reduce_sum3A_2116 = vector.broadcast %reduce_sum3A_2115 : i1 to vector<16xi1>
        %reduce_sum3A_2117 = tpu.scan <sum>, %add3A_2114 masked %reduce_sum3A_2116 : vector<16xf32>, vector<16xi1> -> vector<16xf32>
        %reduce_sum3A_2118 = vector.extract %reduce_sum3A_2117[15] : f32 from vector<16xf32>
        %broadcast_in_dim3A_2119 = vector.broadcast %reduce_sum3A_2118 : f32 to vector<16xf32>
        %select_n3A_2120 = arith.select %eq3A_53, %broadcast_in_dim3A_2119, %select_n3A_2097 : vector<16xi1>, vector<16xf32>
        %mul3A_2121 = arith.constant 16 : i32
        %mul3A_2122 = arith.muli %scan3A_1775, %mul3A_2121 : i32
        %add3A_2123 = arith.constant 15 : i32
        %add3A_2124 = arith.addi %mul3A_2122, %add3A_2123 : i32
        %get3A_2125 = arith.constant 0 : i32
        %get3A_2126 = arith.index_cast %get3A_2125 : i32 to index
        %get3A_2127 = arith.index_cast %add3A_2124 : i32 to index
        %get3A_2128 = arith.constant 0 : index
        %get3A_2129 = tpu.vector_load %arg10[%get3A_2126, %get3A_2127, %get3A_2128] {strides = array<i32>} : memref<4x120x32xf32, #tpu.memory_space<vmem>>, vector<16xf32>,
        %mul3A_2130 = arith.mulf %get3A_2129, %get3A_120 : vector<16xf32>
        %get3A_2131 = arith.constant 0 : i32
        %get3A_2132 = arith.index_cast %get3A_2131 : i32 to index
        %get3A_2133 = arith.index_cast %add3A_2124 : i32 to index
        %get3A_2134 = arith.constant 16 : index
        %get3A_2135 = tpu.vector_load %arg10[%get3A_2132, %get3A_2133, %get3A_2134] {strides = array<i32>} : memref<4x120x32xf32, #tpu.memory_space<vmem>>, vector<16xf32>,
        %mul3A_2136 = arith.mulf %get3A_2135, %get3A_123 : vector<16xf32>
        %add3A_2137 = arith.addf %mul3A_2130, %mul3A_2136 : vector<16xf32>
        %reduce_sum3A_2138 = arith.constant true
        %reduce_sum3A_2139 = vector.broadcast %reduce_sum3A_2138 : i1 to vector<16xi1>
        %reduce_sum3A_2140 = tpu.scan <sum>, %add3A_2137 masked %reduce_sum3A_2139 : vector<16xf32>, vector<16xi1> -> vector<16xf32>
        %reduce_sum3A_2141 = vector.extract %reduce_sum3A_2140[15] : f32 from vector<16xf32>
        %broadcast_in_dim3A_2142 = vector.broadcast %reduce_sum3A_2141 : f32 to vector<16xf32>
        %select_n3A_2143 = arith.select %eq3A_56, %broadcast_in_dim3A_2142, %select_n3A_2120 : vector<16xi1>, vector<16xf32>
        %mul3A_2144 = arith.constant 16 : i32
        %mul3A_2145 = arith.muli %scan3A_1775, %mul3A_2144 : i32
        %swap3A_2146 = arith.constant 0 : i32
        %swap3A_2147 = arith.index_cast %swap3A_2146 : i32 to index
        %swap3A_2148 = arith.index_cast %mul3A_2145 : i32 to index
        %swap3A_2149 = tpu.vector_load %arg11[%swap3A_2147, %swap3A_2148] {strides = array<i32>} : memref<8x128xf32, #tpu.memory_space<vmem>>, vector<16xf32>,
        tpu.vector_store %arg11[%swap3A_2147, %swap3A_2148], %select_n3A_2143 {strides = array<i32>} : memref<8x128xf32, #tpu.memory_space<vmem>>, vector<16xf32>,
      }
      %scan3A_129 = arith.constant 7 : i32
      %get3A_130 = arith.constant 0 : i32
      %get3A_131 = arith.constant 112 : i32
      %get3A_132 = arith.index_cast %get3A_130 : i32 to index
      %get3A_133 = arith.index_cast %get3A_131 : i32 to index
      %get3A_134 = arith.constant 0 : index
      %get3A_135 = tpu.vector_load %arg10[%get3A_132, %get3A_133, %get3A_134] {strides = array<i32>} : memref<4x120x32xf32, #tpu.memory_space<vmem>>, vector<16xf32>,
      %mul3A_136 = arith.mulf %get3A_135, %get3A_120 : vector<16xf32>
      %get3A_137 = arith.constant 0 : i32
      %get3A_138 = arith.constant 112 : i32
      %get3A_139 = arith.index_cast %get3A_137 : i32 to index
      %get3A_140 = arith.index_cast %get3A_138 : i32 to index
      %get3A_141 = arith.constant 16 : index
      %get3A_142 = tpu.vector_load %arg10[%get3A_139, %get3A_140, %get3A_141] {strides = array<i32>} : memref<4x120x32xf32, #tpu.memory_space<vmem>>, vector<16xf32>,
      %mul3A_143 = arith.mulf %get3A_142, %get3A_123 : vector<16xf32>
      %add3A_144 = arith.addf %mul3A_136, %mul3A_143 : vector<16xf32>
      %reduce_sum3A = arith.constant true
      %reduce_sum3A_145 = vector.broadcast %reduce_sum3A : i1 to vector<16xi1>
      %reduce_sum3A_146 = tpu.scan <sum>, %add3A_144 masked %reduce_sum3A_145 : vector<16xf32>, vector<16xi1> -> vector<16xf32>
      %reduce_sum3A_147 = vector.extract %reduce_sum3A_146[15] : f32 from vector<16xf32>
      %broadcast_in_dim3A_148 = vector.broadcast %reduce_sum3A_147 : f32 to vector<16xf32>
      %select_n3A = arith.select %eq3A_11, %broadcast_in_dim3A_148, %broadcast_in_dim3A_57 : vector<16xi1>, vector<16xf32>
      %get3A_149 = arith.constant 0 : i32
      %get3A_150 = arith.constant 113 : i32
      %get3A_151 = arith.index_cast %get3A_149 : i32 to index
      %get3A_152 = arith.index_cast %get3A_150 : i32 to index
      %get3A_153 = arith.constant 0 : index
      %get3A_154 = tpu.vector_load %arg10[%get3A_151, %get3A_152, %get3A_153] {strides = array<i32>} : memref<4x120x32xf32, #tpu.memory_space<vmem>>, vector<16xf32>,
      %mul3A_155 = arith.mulf %get3A_154, %get3A_120 : vector<16xf32>
      %get3A_156 = arith.constant 0 : i32
      %get3A_157 = arith.constant 113 : i32
      %get3A_158 = arith.index_cast %get3A_156 : i32 to index
      %get3A_159 = arith.index_cast %get3A_157 : i32 to index
      %get3A_160 = arith.constant 16 : index
      %get3A_161 = tpu.vector_load %arg10[%get3A_158, %get3A_159, %get3A_160] {strides = array<i32>} : memref<4x120x32xf32, #tpu.memory_space<vmem>>, vector<16xf32>,
      %mul3A_162 = arith.mulf %get3A_161, %get3A_123 : vector<16xf32>
      %add3A_163 = arith.addf %mul3A_155, %mul3A_162 : vector<16xf32>
      %reduce_sum3A_164 = arith.constant true
      %reduce_sum3A_165 = vector.broadcast %reduce_sum3A_164 : i1 to vector<16xi1>
      %reduce_sum3A_166 = tpu.scan <sum>, %add3A_163 masked %reduce_sum3A_165 : vector<16xf32>, vector<16xi1> -> vector<16xf32>
      %reduce_sum3A_167 = vector.extract %reduce_sum3A_166[15] : f32 from vector<16xf32>
      %broadcast_in_dim3A_168 = vector.broadcast %reduce_sum3A_167 : f32 to vector<16xf32>
      %select_n3A_169 = arith.select %eq3A_14, %broadcast_in_dim3A_168, %select_n3A : vector<16xi1>, vector<16xf32>
      %get3A_170 = arith.constant 0 : i32
      %get3A_171 = arith.constant 114 : i32
      %get3A_172 = arith.index_cast %get3A_170 : i32 to index
      %get3A_173 = arith.index_cast %get3A_171 : i32 to index
      %get3A_174 = arith.constant 0 : index
      %get3A_175 = tpu.vector_load %arg10[%get3A_172, %get3A_173, %get3A_174] {strides = array<i32>} : memref<4x120x32xf32, #tpu.memory_space<vmem>>, vector<16xf32>,
      %mul3A_176 = arith.mulf %get3A_175, %get3A_120 : vector<16xf32>
      %get3A_177 = arith.constant 0 : i32
      %get3A_178 = arith.constant 114 : i32
      %get3A_179 = arith.index_cast %get3A_177 : i32 to index
      %get3A_180 = arith.index_cast %get3A_178 : i32 to index
      %get3A_181 = arith.constant 16 : index
      %get3A_182 = tpu.vector_load %arg10[%get3A_179, %get3A_180, %get3A_181] {strides = array<i32>} : memref<4x120x32xf32, #tpu.memory_space<vmem>>, vector<16xf32>,
      %mul3A_183 = arith.mulf %get3A_182, %get3A_123 : vector<16xf32>
      %add3A_184 = arith.addf %mul3A_176, %mul3A_183 : vector<16xf32>
      %reduce_sum3A_185 = arith.constant true
      %reduce_sum3A_186 = vector.broadcast %reduce_sum3A_185 : i1 to vector<16xi1>
      %reduce_sum3A_187 = tpu.scan <sum>, %add3A_184 masked %reduce_sum3A_186 : vector<16xf32>, vector<16xi1> -> vector<16xf32>
      %reduce_sum3A_188 = vector.extract %reduce_sum3A_187[15] : f32 from vector<16xf32>
      %broadcast_in_dim3A_189 = vector.broadcast %reduce_sum3A_188 : f32 to vector<16xf32>
      %select_n3A_190 = arith.select %eq3A_17, %broadcast_in_dim3A_189, %select_n3A_169 : vector<16xi1>, vector<16xf32>
      %get3A_191 = arith.constant 0 : i32
      %get3A_192 = arith.constant 115 : i32
      %get3A_193 = arith.index_cast %get3A_191 : i32 to index
      %get3A_194 = arith.index_cast %get3A_192 : i32 to index
      %get3A_195 = arith.constant 0 : index
      %get3A_196 = tpu.vector_load %arg10[%get3A_193, %get3A_194, %get3A_195] {strides = array<i32>} : memref<4x120x32xf32, #tpu.memory_space<vmem>>, vector<16xf32>,
      %mul3A_197 = arith.mulf %get3A_196, %get3A_120 : vector<16xf32>
      %get3A_198 = arith.constant 0 : i32
      %get3A_199 = arith.constant 115 : i32
      %get3A_200 = arith.index_cast %get3A_198 : i32 to index
      %get3A_201 = arith.index_cast %get3A_199 : i32 to index
      %get3A_202 = arith.constant 16 : index
      %get3A_203 = tpu.vector_load %arg10[%get3A_200, %get3A_201, %get3A_202] {strides = array<i32>} : memref<4x120x32xf32, #tpu.memory_space<vmem>>, vector<16xf32>,
      %mul3A_204 = arith.mulf %get3A_203, %get3A_123 : vector<16xf32>
      %add3A_205 = arith.addf %mul3A_197, %mul3A_204 : vector<16xf32>
      %reduce_sum3A_206 = arith.constant true
      %reduce_sum3A_207 = vector.broadcast %reduce_sum3A_206 : i1 to vector<16xi1>
      %reduce_sum3A_208 = tpu.scan <sum>, %add3A_205 masked %reduce_sum3A_207 : vector<16xf32>, vector<16xi1> -> vector<16xf32>
      %reduce_sum3A_209 = vector.extract %reduce_sum3A_208[15] : f32 from vector<16xf32>
      %broadcast_in_dim3A_210 = vector.broadcast %reduce_sum3A_209 : f32 to vector<16xf32>
      %select_n3A_211 = arith.select %eq3A_20, %broadcast_in_dim3A_210, %select_n3A_190 : vector<16xi1>, vector<16xf32>
      %get3A_212 = arith.constant 0 : i32
      %get3A_213 = arith.constant 116 : i32
      %get3A_214 = arith.index_cast %get3A_212 : i32 to index
      %get3A_215 = arith.index_cast %get3A_213 : i32 to index
      %get3A_216 = arith.constant 0 : index
      %get3A_217 = tpu.vector_load %arg10[%get3A_214, %get3A_215, %get3A_216] {strides = array<i32>} : memref<4x120x32xf32, #tpu.memory_space<vmem>>, vector<16xf32>,
      %mul3A_218 = arith.mulf %get3A_217, %get3A_120 : vector<16xf32>
      %get3A_219 = arith.constant 0 : i32
      %get3A_220 = arith.constant 116 : i32
      %get3A_221 = arith.index_cast %get3A_219 : i32 to index
      %get3A_222 = arith.index_cast %get3A_220 : i32 to index
      %get3A_223 = arith.constant 16 : index
      %get3A_224 = tpu.vector_load %arg10[%get3A_221, %get3A_222, %get3A_223] {strides = array<i32>} : memref<4x120x32xf32, #tpu.memory_space<vmem>>, vector<16xf32>,
      %mul3A_225 = arith.mulf %get3A_224, %get3A_123 : vector<16xf32>
      %add3A_226 = arith.addf %mul3A_218, %mul3A_225 : vector<16xf32>
      %reduce_sum3A_227 = arith.constant true
      %reduce_sum3A_228 = vector.broadcast %reduce_sum3A_227 : i1 to vector<16xi1>
      %reduce_sum3A_229 = tpu.scan <sum>, %add3A_226 masked %reduce_sum3A_228 : vector<16xf32>, vector<16xi1> -> vector<16xf32>
      %reduce_sum3A_230 = vector.extract %reduce_sum3A_229[15] : f32 from vector<16xf32>
      %broadcast_in_dim3A_231 = vector.broadcast %reduce_sum3A_230 : f32 to vector<16xf32>
      %select_n3A_232 = arith.select %eq3A_23, %broadcast_in_dim3A_231, %select_n3A_211 : vector<16xi1>, vector<16xf32>
      %get3A_233 = arith.constant 0 : i32
      %get3A_234 = arith.constant 117 : i32
      %get3A_235 = arith.index_cast %get3A_233 : i32 to index
      %get3A_236 = arith.index_cast %get3A_234 : i32 to index
      %get3A_237 = arith.constant 0 : index
      %get3A_238 = tpu.vector_load %arg10[%get3A_235, %get3A_236, %get3A_237] {strides = array<i32>} : memref<4x120x32xf32, #tpu.memory_space<vmem>>, vector<16xf32>,
      %mul3A_239 = arith.mulf %get3A_238, %get3A_120 : vector<16xf32>
      %get3A_240 = arith.constant 0 : i32
      %get3A_241 = arith.constant 117 : i32
      %get3A_242 = arith.index_cast %get3A_240 : i32 to index
      %get3A_243 = arith.index_cast %get3A_241 : i32 to index
      %get3A_244 = arith.constant 16 : index
      %get3A_245 = tpu.vector_load %arg10[%get3A_242, %get3A_243, %get3A_244] {strides = array<i32>} : memref<4x120x32xf32, #tpu.memory_space<vmem>>, vector<16xf32>,
      %mul3A_246 = arith.mulf %get3A_245, %get3A_123 : vector<16xf32>
      %add3A_247 = arith.addf %mul3A_239, %mul3A_246 : vector<16xf32>
      %reduce_sum3A_248 = arith.constant true
      %reduce_sum3A_249 = vector.broadcast %reduce_sum3A_248 : i1 to vector<16xi1>
      %reduce_sum3A_250 = tpu.scan <sum>, %add3A_247 masked %reduce_sum3A_249 : vector<16xf32>, vector<16xi1> -> vector<16xf32>
      %reduce_sum3A_251 = vector.extract %reduce_sum3A_250[15] : f32 from vector<16xf32>
      %broadcast_in_dim3A_252 = vector.broadcast %reduce_sum3A_251 : f32 to vector<16xf32>
      %select_n3A_253 = arith.select %eq3A_26, %broadcast_in_dim3A_252, %select_n3A_232 : vector<16xi1>, vector<16xf32>
      %get3A_254 = arith.constant 0 : i32
      %get3A_255 = arith.constant 118 : i32
      %get3A_256 = arith.index_cast %get3A_254 : i32 to index
      %get3A_257 = arith.index_cast %get3A_255 : i32 to index
      %get3A_258 = arith.constant 0 : index
      %get3A_259 = tpu.vector_load %arg10[%get3A_256, %get3A_257, %get3A_258] {strides = array<i32>} : memref<4x120x32xf32, #tpu.memory_space<vmem>>, vector<16xf32>,
      %mul3A_260 = arith.mulf %get3A_259, %get3A_120 : vector<16xf32>
      %get3A_261 = arith.constant 0 : i32
      %get3A_262 = arith.constant 118 : i32
      %get3A_263 = arith.index_cast %get3A_261 : i32 to index
      %get3A_264 = arith.index_cast %get3A_262 : i32 to index
      %get3A_265 = arith.constant 16 : index
      %get3A_266 = tpu.vector_load %arg10[%get3A_263, %get3A_264, %get3A_265] {strides = array<i32>} : memref<4x120x32xf32, #tpu.memory_space<vmem>>, vector<16xf32>,
      %mul3A_267 = arith.mulf %get3A_266, %get3A_123 : vector<16xf32>
      %add3A_268 = arith.addf %mul3A_260, %mul3A_267 : vector<16xf32>
      %reduce_sum3A_269 = arith.constant true
      %reduce_sum3A_270 = vector.broadcast %reduce_sum3A_269 : i1 to vector<16xi1>
      %reduce_sum3A_271 = tpu.scan <sum>, %add3A_268 masked %reduce_sum3A_270 : vector<16xf32>, vector<16xi1> -> vector<16xf32>
      %reduce_sum3A_272 = vector.extract %reduce_sum3A_271[15] : f32 from vector<16xf32>
      %broadcast_in_dim3A_273 = vector.broadcast %reduce_sum3A_272 : f32 to vector<16xf32>
      %select_n3A_274 = arith.select %eq3A_29, %broadcast_in_dim3A_273, %select_n3A_253 : vector<16xi1>, vector<16xf32>
      %get3A_275 = arith.constant 0 : i32
      %get3A_276 = arith.constant 119 : i32
      %get3A_277 = arith.index_cast %get3A_275 : i32 to index
      %get3A_278 = arith.index_cast %get3A_276 : i32 to index
      %get3A_279 = arith.constant 0 : index
      %get3A_280 = tpu.vector_load %arg10[%get3A_277, %get3A_278, %get3A_279] {strides = array<i32>} : memref<4x120x32xf32, #tpu.memory_space<vmem>>, vector<16xf32>,
      %mul3A_281 = arith.mulf %get3A_280, %get3A_120 : vector<16xf32>
      %get3A_282 = arith.constant 0 : i32
      %get3A_283 = arith.constant 119 : i32
      %get3A_284 = arith.index_cast %get3A_282 : i32 to index
      %get3A_285 = arith.index_cast %get3A_283 : i32 to index
      %get3A_286 = arith.constant 16 : index
      %get3A_287 = tpu.vector_load %arg10[%get3A_284, %get3A_285, %get3A_286] {strides = array<i32>} : memref<4x120x32xf32, #tpu.memory_space<vmem>>, vector<16xf32>,
      %mul3A_288 = arith.mulf %get3A_287, %get3A_123 : vector<16xf32>
      %add3A_289 = arith.addf %mul3A_281, %mul3A_288 : vector<16xf32>
      %reduce_sum3A_290 = arith.constant true
      %reduce_sum3A_291 = vector.broadcast %reduce_sum3A_290 : i1 to vector<16xi1>
      %reduce_sum3A_292 = tpu.scan <sum>, %add3A_289 masked %reduce_sum3A_291 : vector<16xf32>, vector<16xi1> -> vector<16xf32>
      %reduce_sum3A_293 = vector.extract %reduce_sum3A_292[15] : f32 from vector<16xf32>
      %broadcast_in_dim3A_294 = vector.broadcast %reduce_sum3A_293 : f32 to vector<16xf32>
      %select_n3A_295 = arith.select %eq3A_32, %broadcast_in_dim3A_294, %select_n3A_274 : vector<16xi1>, vector<16xf32>
      %swap3A = arith.constant 0 : i32
      %swap3A_296 = arith.index_cast %swap3A : i32 to index
      %swap3A_297 = arith.constant 112 : index
      %swap3A_298 = tpu.vector_load %arg11[%swap3A_296, %swap3A_297] {strides = array<i32>} : memref<8x128xf32, #tpu.memory_space<vmem>>, vector<16xf32>,
      tpu.vector_store %arg11[%swap3A_296, %swap3A_297], %select_n3A_295 {strides = array<i32>} : memref<8x128xf32, #tpu.memory_space<vmem>>, vector<16xf32>,
      %add3A_299 = arith.constant 4 : i32
      %add3A_300 = arith.addi %add3A_103, %add3A_299 : i32
      %sub3A = arith.constant 1 : i32
      %sub3A_301 = arith.subi %add3A_300, %sub3A : i32
      %lt3A = arith.constant 128 : i32
      %lt3A_302 = arith.cmpi slt, %sub3A_301, %lt3A : i32
      %convert_element_type3A = arith.extui %lt3A_302 : i1 to i32
      %cond3A = arith.constant 0 : i32
      %cond3A_303 = arith.cmpi ne, %convert_element_type3A, %cond3A : i32
      scf.if %cond3A_303 {
        %add3A_1775 = arith.constant 4 : i32
        %add3A_1776 = arith.addi %add3A_103, %add3A_1775 : i32
        %sub3A_1777 = arith.constant 1 : i32
        %sub3A_1778 = arith.subi %add3A_1776, %sub3A_1777 : i32
        %dma_start3A_1779 = arith.constant 3 : i32
        %dma_start3A_1780 = arith.constant 0 : i32
        %dma_start3A_1781 = arith.constant 0 : i32
        %dma_start3A_1782 = tpu.memref_slice %arg10[%dma_start3A_1779, %dma_start3A_1780, %dma_start3A_1781] : memref<4x120x32xf32, #tpu.memory_space<vmem>> -> memref<1x120x32xf32, #tpu.memory_space<vmem>>
        %dma_start3A_1783 = tpu.memref_squeeze %dma_start3A_1782 : memref<1x120x32xf32, #tpu.memory_space<vmem>> -> memref<120x32xf32, #tpu.memory_space<vmem>>
        %dma_start3A_1784 = arith.constant 0 : i32
        %dma_start3A_1785 = tpu.memref_slice %arg8[%sub3A_1778, %dma_start3A_1784] : memref<128x120xi32, #tpu.memory_space<vmem>> -> memref<1x120xi32, #tpu.memory_space<vmem>>
        %dma_start3A_1786 = tpu.memref_squeeze %dma_start3A_1785 : memref<1x120xi32, #tpu.memory_space<vmem>> -> memref<120xi32, #tpu.memory_space<vmem>>
        %dma_start3A_1787 = arith.constant 0 : i32
        %dma_start3A_1788 = arith.constant 0 : i32
        %dma_start3A_1789 = tpu.memref_slice %arg5[%dma_start3A_1787, %dma_start3A_1788] : memref<1000000x32xf32, #tpu.memory_space<hbm>> -> memref<1000000x32xf32, #tpu.memory_space<hbm>>
        tpu.enqueue_indirect_dma source(%dma_start3A_1789 : memref<1000000x32xf32, #tpu.memory_space<hbm>>) target(%dma_start3A_1783 : memref<120x32xf32, #tpu.memory_space<vmem>>) offsets(%dma_start3A_1786 : memref<120xi32, #tpu.memory_space<vmem>>) semaphore(%arg15 : memref<!tpu.dma_semaphore, #tpu.memory_space<semaphore_mem>>)
      } else {
      }
      %add3A_304 = arith.constant 1 : i32
      %add3A_305 = arith.addi %mul3A_101, %add3A_304 : i32
      %dma_wait3A_306 = arith.constant 1 : i32
      %dma_wait3A_307 = arith.constant 0 : i32
      %dma_wait3A_308 = arith.constant 0 : i32
      %dma_wait3A_309 = tpu.memref_slice %arg10[%dma_wait3A_306, %dma_wait3A_307, %dma_wait3A_308] : memref<4x120x32xf32, #tpu.memory_space<vmem>> -> memref<1x120x32xf32, #tpu.memory_space<vmem>>
      %dma_wait3A_310 = tpu.memref_squeeze %dma_wait3A_309 : memref<1x120x32xf32, #tpu.memory_space<vmem>> -> memref<120x32xf32, #tpu.memory_space<vmem>>
      %dma_wait3A_311 = arith.constant 0 : i32
      %dma_wait3A_312 = arith.constant 0 : i32
      %dma_wait3A_313 = tpu.memref_slice %arg5[%dma_wait3A_311, %dma_wait3A_312] : memref<1000000x32xf32, #tpu.memory_space<hbm>> -> memref<120x32xf32, #tpu.memory_space<hbm>>
      %dma_wait3A_314 = arith.constant 0 : i32
      %dma_wait3A_315 = arith.constant 0 : i32
      %dma_wait3A_316 = tpu.memref_slice %arg10[%dma_wait3A_306, %dma_wait3A_314, %dma_wait3A_315] : memref<4x120x32xf32, #tpu.memory_space<vmem>> -> memref<1x120x32xf32, #tpu.memory_space<vmem>>
      %dma_wait3A_317 = tpu.memref_squeeze %dma_wait3A_316 : memref<1x120x32xf32, #tpu.memory_space<vmem>> -> memref<120x32xf32, #tpu.memory_space<vmem>>
      %dma_wait3A_318 = arith.constant 0 : i32
      %dma_wait3A_319 = arith.constant 0 : i32
      %dma_wait3A_320 = tpu.memref_slice %arg5[%dma_wait3A_318, %dma_wait3A_319] : memref<1000000x32xf32, #tpu.memory_space<hbm>> -> memref<120x32xf32, #tpu.memory_space<hbm>>
      tpu.wait_dma2 semaphore(%arg13 : memref<!tpu.dma_semaphore, #tpu.memory_space<semaphore_mem>>) src(%dma_wait3A_320 : memref<120x32xf32, #tpu.memory_space<hbm>>) dst(%dma_wait3A_317 : memref<120x32xf32, #tpu.memory_space<vmem>>)
      %get3A_321 = arith.index_cast %add3A_305 : i32 to index
      %get3A_322 = arith.constant 0 : index
      %get3A_323 = tpu.vector_load %arg9[%get3A_321, %get3A_322] {strides = array<i32>} : memref<128x32xf32, #tpu.memory_space<vmem>>, vector<16xf32>,
      %get3A_324 = arith.index_cast %add3A_305 : i32 to index
      %get3A_325 = arith.constant 16 : index
      %get3A_326 = tpu.vector_load %arg9[%get3A_324, %get3A_325] {strides = array<i32>} : memref<128x32xf32, #tpu.memory_space<vmem>>, vector<16xf32>,
      %scan3A_327 = arith.constant 0 : i32
      %scan3A_328 = arith.constant 0 : i32
      %scan3A_329 = arith.constant 7 : i32
      %scan3A_330 = arith.addi %scan3A_328, %scan3A_329 : i32
      %scan3A_331 = arith.constant 1 : i32
      scf.for %scan3A_1775 = %scan3A_328 to %scan3A_330 step %scan3A_331  : i32 {
        %mul3A_1776 = arith.constant 16 : i32
        %mul3A_1777 = arith.muli %scan3A_1775, %mul3A_1776 : i32
        %add3A_1778 = arith.constant 0 : i32
        %add3A_1779 = arith.addi %mul3A_1777, %add3A_1778 : i32
        %get3A_1780 = arith.constant 1 : i32
        %get3A_1781 = arith.index_cast %get3A_1780 : i32 to index
        %get3A_1782 = arith.index_cast %add3A_1779 : i32 to index
        %get3A_1783 = arith.constant 0 : index
        %get3A_1784 = tpu.vector_load %arg10[%get3A_1781, %get3A_1782, %get3A_1783] {strides = array<i32>} : memref<4x120x32xf32, #tpu.memory_space<vmem>>, vector<16xf32>,
        %mul3A_1785 = arith.mulf %get3A_1784, %get3A_323 : vector<16xf32>
        %get3A_1786 = arith.constant 1 : i32
        %get3A_1787 = arith.index_cast %get3A_1786 : i32 to index
        %get3A_1788 = arith.index_cast %add3A_1779 : i32 to index
        %get3A_1789 = arith.constant 16 : index
        %get3A_1790 = tpu.vector_load %arg10[%get3A_1787, %get3A_1788, %get3A_1789] {strides = array<i32>} : memref<4x120x32xf32, #tpu.memory_space<vmem>>, vector<16xf32>,
        %mul3A_1791 = arith.mulf %get3A_1790, %get3A_326 : vector<16xf32>
        %add3A_1792 = arith.addf %mul3A_1785, %mul3A_1791 : vector<16xf32>
        %reduce_sum3A_1793 = arith.constant true
        %reduce_sum3A_1794 = vector.broadcast %reduce_sum3A_1793 : i1 to vector<16xi1>
        %reduce_sum3A_1795 = tpu.scan <sum>, %add3A_1792 masked %reduce_sum3A_1794 : vector<16xf32>, vector<16xi1> -> vector<16xf32>
        %reduce_sum3A_1796 = vector.extract %reduce_sum3A_1795[15] : f32 from vector<16xf32>
        %broadcast_in_dim3A_1797 = vector.broadcast %reduce_sum3A_1796 : f32 to vector<16xf32>
        %select_n3A_1798 = arith.select %eq3A_11, %broadcast_in_dim3A_1797, %broadcast_in_dim3A_57 : vector<16xi1>, vector<16xf32>
        %mul3A_1799 = arith.constant 16 : i32
        %mul3A_1800 = arith.muli %scan3A_1775, %mul3A_1799 : i32
        %add3A_1801 = arith.constant 1 : i32
        %add3A_1802 = arith.addi %mul3A_1800, %add3A_1801 : i32
        %get3A_1803 = arith.constant 1 : i32
        %get3A_1804 = arith.index_cast %get3A_1803 : i32 to index
        %get3A_1805 = arith.index_cast %add3A_1802 : i32 to index
        %get3A_1806 = arith.constant 0 : index
        %get3A_1807 = tpu.vector_load %arg10[%get3A_1804, %get3A_1805, %get3A_1806] {strides = array<i32>} : memref<4x120x32xf32, #tpu.memory_space<vmem>>, vector<16xf32>,
        %mul3A_1808 = arith.mulf %get3A_1807, %get3A_323 : vector<16xf32>
        %get3A_1809 = arith.constant 1 : i32
        %get3A_1810 = arith.index_cast %get3A_1809 : i32 to index
        %get3A_1811 = arith.index_cast %add3A_1802 : i32 to index
        %get3A_1812 = arith.constant 16 : index
        %get3A_1813 = tpu.vector_load %arg10[%get3A_1810, %get3A_1811, %get3A_1812] {strides = array<i32>} : memref<4x120x32xf32, #tpu.memory_space<vmem>>, vector<16xf32>,
        %mul3A_1814 = arith.mulf %get3A_1813, %get3A_326 : vector<16xf32>
        %add3A_1815 = arith.addf %mul3A_1808, %mul3A_1814 : vector<16xf32>
        %reduce_sum3A_1816 = arith.constant true
        %reduce_sum3A_1817 = vector.broadcast %reduce_sum3A_1816 : i1 to vector<16xi1>
        %reduce_sum3A_1818 = tpu.scan <sum>, %add3A_1815 masked %reduce_sum3A_1817 : vector<16xf32>, vector<16xi1> -> vector<16xf32>
        %reduce_sum3A_1819 = vector.extract %reduce_sum3A_1818[15] : f32 from vector<16xf32>
        %broadcast_in_dim3A_1820 = vector.broadcast %reduce_sum3A_1819 : f32 to vector<16xf32>
        %select_n3A_1821 = arith.select %eq3A_14, %broadcast_in_dim3A_1820, %select_n3A_1798 : vector<16xi1>, vector<16xf32>
        %mul3A_1822 = arith.constant 16 : i32
        %mul3A_1823 = arith.muli %scan3A_1775, %mul3A_1822 : i32
        %add3A_1824 = arith.constant 2 : i32
        %add3A_1825 = arith.addi %mul3A_1823, %add3A_1824 : i32
        %get3A_1826 = arith.constant 1 : i32
        %get3A_1827 = arith.index_cast %get3A_1826 : i32 to index
        %get3A_1828 = arith.index_cast %add3A_1825 : i32 to index
        %get3A_1829 = arith.constant 0 : index
        %get3A_1830 = tpu.vector_load %arg10[%get3A_1827, %get3A_1828, %get3A_1829] {strides = array<i32>} : memref<4x120x32xf32, #tpu.memory_space<vmem>>, vector<16xf32>,
        %mul3A_1831 = arith.mulf %get3A_1830, %get3A_323 : vector<16xf32>
        %get3A_1832 = arith.constant 1 : i32
        %get3A_1833 = arith.index_cast %get3A_1832 : i32 to index
        %get3A_1834 = arith.index_cast %add3A_1825 : i32 to index
        %get3A_1835 = arith.constant 16 : index
        %get3A_1836 = tpu.vector_load %arg10[%get3A_1833, %get3A_1834, %get3A_1835] {strides = array<i32>} : memref<4x120x32xf32, #tpu.memory_space<vmem>>, vector<16xf32>,
        %mul3A_1837 = arith.mulf %get3A_1836, %get3A_326 : vector<16xf32>
        %add3A_1838 = arith.addf %mul3A_1831, %mul3A_1837 : vector<16xf32>
        %reduce_sum3A_1839 = arith.constant true
        %reduce_sum3A_1840 = vector.broadcast %reduce_sum3A_1839 : i1 to vector<16xi1>
        %reduce_sum3A_1841 = tpu.scan <sum>, %add3A_1838 masked %reduce_sum3A_1840 : vector<16xf32>, vector<16xi1> -> vector<16xf32>
        %reduce_sum3A_1842 = vector.extract %reduce_sum3A_1841[15] : f32 from vector<16xf32>
        %broadcast_in_dim3A_1843 = vector.broadcast %reduce_sum3A_1842 : f32 to vector<16xf32>
        %select_n3A_1844 = arith.select %eq3A_17, %broadcast_in_dim3A_1843, %select_n3A_1821 : vector<16xi1>, vector<16xf32>
        %mul3A_1845 = arith.constant 16 : i32
        %mul3A_1846 = arith.muli %scan3A_1775, %mul3A_1845 : i32
        %add3A_1847 = arith.constant 3 : i32
        %add3A_1848 = arith.addi %mul3A_1846, %add3A_1847 : i32
        %get3A_1849 = arith.constant 1 : i32
        %get3A_1850 = arith.index_cast %get3A_1849 : i32 to index
        %get3A_1851 = arith.index_cast %add3A_1848 : i32 to index
        %get3A_1852 = arith.constant 0 : index
        %get3A_1853 = tpu.vector_load %arg10[%get3A_1850, %get3A_1851, %get3A_1852] {strides = array<i32>} : memref<4x120x32xf32, #tpu.memory_space<vmem>>, vector<16xf32>,
        %mul3A_1854 = arith.mulf %get3A_1853, %get3A_323 : vector<16xf32>
        %get3A_1855 = arith.constant 1 : i32
        %get3A_1856 = arith.index_cast %get3A_1855 : i32 to index
        %get3A_1857 = arith.index_cast %add3A_1848 : i32 to index
        %get3A_1858 = arith.constant 16 : index
        %get3A_1859 = tpu.vector_load %arg10[%get3A_1856, %get3A_1857, %get3A_1858] {strides = array<i32>} : memref<4x120x32xf32, #tpu.memory_space<vmem>>, vector<16xf32>,
        %mul3A_1860 = arith.mulf %get3A_1859, %get3A_326 : vector<16xf32>
        %add3A_1861 = arith.addf %mul3A_1854, %mul3A_1860 : vector<16xf32>
        %reduce_sum3A_1862 = arith.constant true
        %reduce_sum3A_1863 = vector.broadcast %reduce_sum3A_1862 : i1 to vector<16xi1>
        %reduce_sum3A_1864 = tpu.scan <sum>, %add3A_1861 masked %reduce_sum3A_1863 : vector<16xf32>, vector<16xi1> -> vector<16xf32>
        %reduce_sum3A_1865 = vector.extract %reduce_sum3A_1864[15] : f32 from vector<16xf32>
        %broadcast_in_dim3A_1866 = vector.broadcast %reduce_sum3A_1865 : f32 to vector<16xf32>
        %select_n3A_1867 = arith.select %eq3A_20, %broadcast_in_dim3A_1866, %select_n3A_1844 : vector<16xi1>, vector<16xf32>
        %mul3A_1868 = arith.constant 16 : i32
        %mul3A_1869 = arith.muli %scan3A_1775, %mul3A_1868 : i32
        %add3A_1870 = arith.constant 4 : i32
        %add3A_1871 = arith.addi %mul3A_1869, %add3A_1870 : i32
        %get3A_1872 = arith.constant 1 : i32
        %get3A_1873 = arith.index_cast %get3A_1872 : i32 to index
        %get3A_1874 = arith.index_cast %add3A_1871 : i32 to index
        %get3A_1875 = arith.constant 0 : index
        %get3A_1876 = tpu.vector_load %arg10[%get3A_1873, %get3A_1874, %get3A_1875] {strides = array<i32>} : memref<4x120x32xf32, #tpu.memory_space<vmem>>, vector<16xf32>,
        %mul3A_1877 = arith.mulf %get3A_1876, %get3A_323 : vector<16xf32>
        %get3A_1878 = arith.constant 1 : i32
        %get3A_1879 = arith.index_cast %get3A_1878 : i32 to index
        %get3A_1880 = arith.index_cast %add3A_1871 : i32 to index
        %get3A_1881 = arith.constant 16 : index
        %get3A_1882 = tpu.vector_load %arg10[%get3A_1879, %get3A_1880, %get3A_1881] {strides = array<i32>} : memref<4x120x32xf32, #tpu.memory_space<vmem>>, vector<16xf32>,
        %mul3A_1883 = arith.mulf %get3A_1882, %get3A_326 : vector<16xf32>
        %add3A_1884 = arith.addf %mul3A_1877, %mul3A_1883 : vector<16xf32>
        %reduce_sum3A_1885 = arith.constant true
        %reduce_sum3A_1886 = vector.broadcast %reduce_sum3A_1885 : i1 to vector<16xi1>
        %reduce_sum3A_1887 = tpu.scan <sum>, %add3A_1884 masked %reduce_sum3A_1886 : vector<16xf32>, vector<16xi1> -> vector<16xf32>
        %reduce_sum3A_1888 = vector.extract %reduce_sum3A_1887[15] : f32 from vector<16xf32>
        %broadcast_in_dim3A_1889 = vector.broadcast %reduce_sum3A_1888 : f32 to vector<16xf32>
        %select_n3A_1890 = arith.select %eq3A_23, %broadcast_in_dim3A_1889, %select_n3A_1867 : vector<16xi1>, vector<16xf32>
        %mul3A_1891 = arith.constant 16 : i32
        %mul3A_1892 = arith.muli %scan3A_1775, %mul3A_1891 : i32
        %add3A_1893 = arith.constant 5 : i32
        %add3A_1894 = arith.addi %mul3A_1892, %add3A_1893 : i32
        %get3A_1895 = arith.constant 1 : i32
        %get3A_1896 = arith.index_cast %get3A_1895 : i32 to index
        %get3A_1897 = arith.index_cast %add3A_1894 : i32 to index
        %get3A_1898 = arith.constant 0 : index
        %get3A_1899 = tpu.vector_load %arg10[%get3A_1896, %get3A_1897, %get3A_1898] {strides = array<i32>} : memref<4x120x32xf32, #tpu.memory_space<vmem>>, vector<16xf32>,
        %mul3A_1900 = arith.mulf %get3A_1899, %get3A_323 : vector<16xf32>
        %get3A_1901 = arith.constant 1 : i32
        %get3A_1902 = arith.index_cast %get3A_1901 : i32 to index
        %get3A_1903 = arith.index_cast %add3A_1894 : i32 to index
        %get3A_1904 = arith.constant 16 : index
        %get3A_1905 = tpu.vector_load %arg10[%get3A_1902, %get3A_1903, %get3A_1904] {strides = array<i32>} : memref<4x120x32xf32, #tpu.memory_space<vmem>>, vector<16xf32>,
        %mul3A_1906 = arith.mulf %get3A_1905, %get3A_326 : vector<16xf32>
        %add3A_1907 = arith.addf %mul3A_1900, %mul3A_1906 : vector<16xf32>
        %reduce_sum3A_1908 = arith.constant true
        %reduce_sum3A_1909 = vector.broadcast %reduce_sum3A_1908 : i1 to vector<16xi1>
        %reduce_sum3A_1910 = tpu.scan <sum>, %add3A_1907 masked %reduce_sum3A_1909 : vector<16xf32>, vector<16xi1> -> vector<16xf32>
        %reduce_sum3A_1911 = vector.extract %reduce_sum3A_1910[15] : f32 from vector<16xf32>
        %broadcast_in_dim3A_1912 = vector.broadcast %reduce_sum3A_1911 : f32 to vector<16xf32>
        %select_n3A_1913 = arith.select %eq3A_26, %broadcast_in_dim3A_1912, %select_n3A_1890 : vector<16xi1>, vector<16xf32>
        %mul3A_1914 = arith.constant 16 : i32
        %mul3A_1915 = arith.muli %scan3A_1775, %mul3A_1914 : i32
        %add3A_1916 = arith.constant 6 : i32
        %add3A_1917 = arith.addi %mul3A_1915, %add3A_1916 : i32
        %get3A_1918 = arith.constant 1 : i32
        %get3A_1919 = arith.index_cast %get3A_1918 : i32 to index
        %get3A_1920 = arith.index_cast %add3A_1917 : i32 to index
        %get3A_1921 = arith.constant 0 : index
        %get3A_1922 = tpu.vector_load %arg10[%get3A_1919, %get3A_1920, %get3A_1921] {strides = array<i32>} : memref<4x120x32xf32, #tpu.memory_space<vmem>>, vector<16xf32>,
        %mul3A_1923 = arith.mulf %get3A_1922, %get3A_323 : vector<16xf32>
        %get3A_1924 = arith.constant 1 : i32
        %get3A_1925 = arith.index_cast %get3A_1924 : i32 to index
        %get3A_1926 = arith.index_cast %add3A_1917 : i32 to index
        %get3A_1927 = arith.constant 16 : index
        %get3A_1928 = tpu.vector_load %arg10[%get3A_1925, %get3A_1926, %get3A_1927] {strides = array<i32>} : memref<4x120x32xf32, #tpu.memory_space<vmem>>, vector<16xf32>,
        %mul3A_1929 = arith.mulf %get3A_1928, %get3A_326 : vector<16xf32>
        %add3A_1930 = arith.addf %mul3A_1923, %mul3A_1929 : vector<16xf32>
        %reduce_sum3A_1931 = arith.constant true
        %reduce_sum3A_1932 = vector.broadcast %reduce_sum3A_1931 : i1 to vector<16xi1>
        %reduce_sum3A_1933 = tpu.scan <sum>, %add3A_1930 masked %reduce_sum3A_1932 : vector<16xf32>, vector<16xi1> -> vector<16xf32>
        %reduce_sum3A_1934 = vector.extract %reduce_sum3A_1933[15] : f32 from vector<16xf32>
        %broadcast_in_dim3A_1935 = vector.broadcast %reduce_sum3A_1934 : f32 to vector<16xf32>
        %select_n3A_1936 = arith.select %eq3A_29, %broadcast_in_dim3A_1935, %select_n3A_1913 : vector<16xi1>, vector<16xf32>
        %mul3A_1937 = arith.constant 16 : i32
        %mul3A_1938 = arith.muli %scan3A_1775, %mul3A_1937 : i32
        %add3A_1939 = arith.constant 7 : i32
        %add3A_1940 = arith.addi %mul3A_1938, %add3A_1939 : i32
        %get3A_1941 = arith.constant 1 : i32
        %get3A_1942 = arith.index_cast %get3A_1941 : i32 to index
        %get3A_1943 = arith.index_cast %add3A_1940 : i32 to index
        %get3A_1944 = arith.constant 0 : index
        %get3A_1945 = tpu.vector_load %arg10[%get3A_1942, %get3A_1943, %get3A_1944] {strides = array<i32>} : memref<4x120x32xf32, #tpu.memory_space<vmem>>, vector<16xf32>,
        %mul3A_1946 = arith.mulf %get3A_1945, %get3A_323 : vector<16xf32>
        %get3A_1947 = arith.constant 1 : i32
        %get3A_1948 = arith.index_cast %get3A_1947 : i32 to index
        %get3A_1949 = arith.index_cast %add3A_1940 : i32 to index
        %get3A_1950 = arith.constant 16 : index
        %get3A_1951 = tpu.vector_load %arg10[%get3A_1948, %get3A_1949, %get3A_1950] {strides = array<i32>} : memref<4x120x32xf32, #tpu.memory_space<vmem>>, vector<16xf32>,
        %mul3A_1952 = arith.mulf %get3A_1951, %get3A_326 : vector<16xf32>
        %add3A_1953 = arith.addf %mul3A_1946, %mul3A_1952 : vector<16xf32>
        %reduce_sum3A_1954 = arith.constant true
        %reduce_sum3A_1955 = vector.broadcast %reduce_sum3A_1954 : i1 to vector<16xi1>
        %reduce_sum3A_1956 = tpu.scan <sum>, %add3A_1953 masked %reduce_sum3A_1955 : vector<16xf32>, vector<16xi1> -> vector<16xf32>
        %reduce_sum3A_1957 = vector.extract %reduce_sum3A_1956[15] : f32 from vector<16xf32>
        %broadcast_in_dim3A_1958 = vector.broadcast %reduce_sum3A_1957 : f32 to vector<16xf32>
        %select_n3A_1959 = arith.select %eq3A_32, %broadcast_in_dim3A_1958, %select_n3A_1936 : vector<16xi1>, vector<16xf32>
        %mul3A_1960 = arith.constant 16 : i32
        %mul3A_1961 = arith.muli %scan3A_1775, %mul3A_1960 : i32
        %add3A_1962 = arith.constant 8 : i32
        %add3A_1963 = arith.addi %mul3A_1961, %add3A_1962 : i32
        %get3A_1964 = arith.constant 1 : i32
        %get3A_1965 = arith.index_cast %get3A_1964 : i32 to index
        %get3A_1966 = arith.index_cast %add3A_1963 : i32 to index
        %get3A_1967 = arith.constant 0 : index
        %get3A_1968 = tpu.vector_load %arg10[%get3A_1965, %get3A_1966, %get3A_1967] {strides = array<i32>} : memref<4x120x32xf32, #tpu.memory_space<vmem>>, vector<16xf32>,
        %mul3A_1969 = arith.mulf %get3A_1968, %get3A_323 : vector<16xf32>
        %get3A_1970 = arith.constant 1 : i32
        %get3A_1971 = arith.index_cast %get3A_1970 : i32 to index
        %get3A_1972 = arith.index_cast %add3A_1963 : i32 to index
        %get3A_1973 = arith.constant 16 : index
        %get3A_1974 = tpu.vector_load %arg10[%get3A_1971, %get3A_1972, %get3A_1973] {strides = array<i32>} : memref<4x120x32xf32, #tpu.memory_space<vmem>>, vector<16xf32>,
        %mul3A_1975 = arith.mulf %get3A_1974, %get3A_326 : vector<16xf32>
        %add3A_1976 = arith.addf %mul3A_1969, %mul3A_1975 : vector<16xf32>
        %reduce_sum3A_1977 = arith.constant true
        %reduce_sum3A_1978 = vector.broadcast %reduce_sum3A_1977 : i1 to vector<16xi1>
        %reduce_sum3A_1979 = tpu.scan <sum>, %add3A_1976 masked %reduce_sum3A_1978 : vector<16xf32>, vector<16xi1> -> vector<16xf32>
        %reduce_sum3A_1980 = vector.extract %reduce_sum3A_1979[15] : f32 from vector<16xf32>
        %broadcast_in_dim3A_1981 = vector.broadcast %reduce_sum3A_1980 : f32 to vector<16xf32>
        %select_n3A_1982 = arith.select %eq3A_35, %broadcast_in_dim3A_1981, %select_n3A_1959 : vector<16xi1>, vector<16xf32>
        %mul3A_1983 = arith.constant 16 : i32
        %mul3A_1984 = arith.muli %scan3A_1775, %mul3A_1983 : i32
        %add3A_1985 = arith.constant 9 : i32
        %add3A_1986 = arith.addi %mul3A_1984, %add3A_1985 : i32
        %get3A_1987 = arith.constant 1 : i32
        %get3A_1988 = arith.index_cast %get3A_1987 : i32 to index
        %get3A_1989 = arith.index_cast %add3A_1986 : i32 to index
        %get3A_1990 = arith.constant 0 : index
        %get3A_1991 = tpu.vector_load %arg10[%get3A_1988, %get3A_1989, %get3A_1990] {strides = array<i32>} : memref<4x120x32xf32, #tpu.memory_space<vmem>>, vector<16xf32>,
        %mul3A_1992 = arith.mulf %get3A_1991, %get3A_323 : vector<16xf32>
        %get3A_1993 = arith.constant 1 : i32
        %get3A_1994 = arith.index_cast %get3A_1993 : i32 to index
        %get3A_1995 = arith.index_cast %add3A_1986 : i32 to index
        %get3A_1996 = arith.constant 16 : index
        %get3A_1997 = tpu.vector_load %arg10[%get3A_1994, %get3A_1995, %get3A_1996] {strides = array<i32>} : memref<4x120x32xf32, #tpu.memory_space<vmem>>, vector<16xf32>,
        %mul3A_1998 = arith.mulf %get3A_1997, %get3A_326 : vector<16xf32>
        %add3A_1999 = arith.addf %mul3A_1992, %mul3A_1998 : vector<16xf32>
        %reduce_sum3A_2000 = arith.constant true
        %reduce_sum3A_2001 = vector.broadcast %reduce_sum3A_2000 : i1 to vector<16xi1>
        %reduce_sum3A_2002 = tpu.scan <sum>, %add3A_1999 masked %reduce_sum3A_2001 : vector<16xf32>, vector<16xi1> -> vector<16xf32>
        %reduce_sum3A_2003 = vector.extract %reduce_sum3A_2002[15] : f32 from vector<16xf32>
        %broadcast_in_dim3A_2004 = vector.broadcast %reduce_sum3A_2003 : f32 to vector<16xf32>
        %select_n3A_2005 = arith.select %eq3A_38, %broadcast_in_dim3A_2004, %select_n3A_1982 : vector<16xi1>, vector<16xf32>
        %mul3A_2006 = arith.constant 16 : i32
        %mul3A_2007 = arith.muli %scan3A_1775, %mul3A_2006 : i32
        %add3A_2008 = arith.constant 10 : i32
        %add3A_2009 = arith.addi %mul3A_2007, %add3A_2008 : i32
        %get3A_2010 = arith.constant 1 : i32
        %get3A_2011 = arith.index_cast %get3A_2010 : i32 to index
        %get3A_2012 = arith.index_cast %add3A_2009 : i32 to index
        %get3A_2013 = arith.constant 0 : index
        %get3A_2014 = tpu.vector_load %arg10[%get3A_2011, %get3A_2012, %get3A_2013] {strides = array<i32>} : memref<4x120x32xf32, #tpu.memory_space<vmem>>, vector<16xf32>,
        %mul3A_2015 = arith.mulf %get3A_2014, %get3A_323 : vector<16xf32>
        %get3A_2016 = arith.constant 1 : i32
        %get3A_2017 = arith.index_cast %get3A_2016 : i32 to index
        %get3A_2018 = arith.index_cast %add3A_2009 : i32 to index
        %get3A_2019 = arith.constant 16 : index
        %get3A_2020 = tpu.vector_load %arg10[%get3A_2017, %get3A_2018, %get3A_2019] {strides = array<i32>} : memref<4x120x32xf32, #tpu.memory_space<vmem>>, vector<16xf32>,
        %mul3A_2021 = arith.mulf %get3A_2020, %get3A_326 : vector<16xf32>
        %add3A_2022 = arith.addf %mul3A_2015, %mul3A_2021 : vector<16xf32>
        %reduce_sum3A_2023 = arith.constant true
        %reduce_sum3A_2024 = vector.broadcast %reduce_sum3A_2023 : i1 to vector<16xi1>
        %reduce_sum3A_2025 = tpu.scan <sum>, %add3A_2022 masked %reduce_sum3A_2024 : vector<16xf32>, vector<16xi1> -> vector<16xf32>
        %reduce_sum3A_2026 = vector.extract %reduce_sum3A_2025[15] : f32 from vector<16xf32>
        %broadcast_in_dim3A_2027 = vector.broadcast %reduce_sum3A_2026 : f32 to vector<16xf32>
        %select_n3A_2028 = arith.select %eq3A_41, %broadcast_in_dim3A_2027, %select_n3A_2005 : vector<16xi1>, vector<16xf32>
        %mul3A_2029 = arith.constant 16 : i32
        %mul3A_2030 = arith.muli %scan3A_1775, %mul3A_2029 : i32
        %add3A_2031 = arith.constant 11 : i32
        %add3A_2032 = arith.addi %mul3A_2030, %add3A_2031 : i32
        %get3A_2033 = arith.constant 1 : i32
        %get3A_2034 = arith.index_cast %get3A_2033 : i32 to index
        %get3A_2035 = arith.index_cast %add3A_2032 : i32 to index
        %get3A_2036 = arith.constant 0 : index
        %get3A_2037 = tpu.vector_load %arg10[%get3A_2034, %get3A_2035, %get3A_2036] {strides = array<i32>} : memref<4x120x32xf32, #tpu.memory_space<vmem>>, vector<16xf32>,
        %mul3A_2038 = arith.mulf %get3A_2037, %get3A_323 : vector<16xf32>
        %get3A_2039 = arith.constant 1 : i32
        %get3A_2040 = arith.index_cast %get3A_2039 : i32 to index
        %get3A_2041 = arith.index_cast %add3A_2032 : i32 to index
        %get3A_2042 = arith.constant 16 : index
        %get3A_2043 = tpu.vector_load %arg10[%get3A_2040, %get3A_2041, %get3A_2042] {strides = array<i32>} : memref<4x120x32xf32, #tpu.memory_space<vmem>>, vector<16xf32>,
        %mul3A_2044 = arith.mulf %get3A_2043, %get3A_326 : vector<16xf32>
        %add3A_2045 = arith.addf %mul3A_2038, %mul3A_2044 : vector<16xf32>
        %reduce_sum3A_2046 = arith.constant true
        %reduce_sum3A_2047 = vector.broadcast %reduce_sum3A_2046 : i1 to vector<16xi1>
        %reduce_sum3A_2048 = tpu.scan <sum>, %add3A_2045 masked %reduce_sum3A_2047 : vector<16xf32>, vector<16xi1> -> vector<16xf32>
        %reduce_sum3A_2049 = vector.extract %reduce_sum3A_2048[15] : f32 from vector<16xf32>
        %broadcast_in_dim3A_2050 = vector.broadcast %reduce_sum3A_2049 : f32 to vector<16xf32>
        %select_n3A_2051 = arith.select %eq3A_44, %broadcast_in_dim3A_2050, %select_n3A_2028 : vector<16xi1>, vector<16xf32>
        %mul3A_2052 = arith.constant 16 : i32
        %mul3A_2053 = arith.muli %scan3A_1775, %mul3A_2052 : i32
        %add3A_2054 = arith.constant 12 : i32
        %add3A_2055 = arith.addi %mul3A_2053, %add3A_2054 : i32
        %get3A_2056 = arith.constant 1 : i32
        %get3A_2057 = arith.index_cast %get3A_2056 : i32 to index
        %get3A_2058 = arith.index_cast %add3A_2055 : i32 to index
        %get3A_2059 = arith.constant 0 : index
        %get3A_2060 = tpu.vector_load %arg10[%get3A_2057, %get3A_2058, %get3A_2059] {strides = array<i32>} : memref<4x120x32xf32, #tpu.memory_space<vmem>>, vector<16xf32>,
        %mul3A_2061 = arith.mulf %get3A_2060, %get3A_323 : vector<16xf32>
        %get3A_2062 = arith.constant 1 : i32
        %get3A_2063 = arith.index_cast %get3A_2062 : i32 to index
        %get3A_2064 = arith.index_cast %add3A_2055 : i32 to index
        %get3A_2065 = arith.constant 16 : index
        %get3A_2066 = tpu.vector_load %arg10[%get3A_2063, %get3A_2064, %get3A_2065] {strides = array<i32>} : memref<4x120x32xf32, #tpu.memory_space<vmem>>, vector<16xf32>,
        %mul3A_2067 = arith.mulf %get3A_2066, %get3A_326 : vector<16xf32>
        %add3A_2068 = arith.addf %mul3A_2061, %mul3A_2067 : vector<16xf32>
        %reduce_sum3A_2069 = arith.constant true
        %reduce_sum3A_2070 = vector.broadcast %reduce_sum3A_2069 : i1 to vector<16xi1>
        %reduce_sum3A_2071 = tpu.scan <sum>, %add3A_2068 masked %reduce_sum3A_2070 : vector<16xf32>, vector<16xi1> -> vector<16xf32>
        %reduce_sum3A_2072 = vector.extract %reduce_sum3A_2071[15] : f32 from vector<16xf32>
        %broadcast_in_dim3A_2073 = vector.broadcast %reduce_sum3A_2072 : f32 to vector<16xf32>
        %select_n3A_2074 = arith.select %eq3A_47, %broadcast_in_dim3A_2073, %select_n3A_2051 : vector<16xi1>, vector<16xf32>
        %mul3A_2075 = arith.constant 16 : i32
        %mul3A_2076 = arith.muli %scan3A_1775, %mul3A_2075 : i32
        %add3A_2077 = arith.constant 13 : i32
        %add3A_2078 = arith.addi %mul3A_2076, %add3A_2077 : i32
        %get3A_2079 = arith.constant 1 : i32
        %get3A_2080 = arith.index_cast %get3A_2079 : i32 to index
        %get3A_2081 = arith.index_cast %add3A_2078 : i32 to index
        %get3A_2082 = arith.constant 0 : index
        %get3A_2083 = tpu.vector_load %arg10[%get3A_2080, %get3A_2081, %get3A_2082] {strides = array<i32>} : memref<4x120x32xf32, #tpu.memory_space<vmem>>, vector<16xf32>,
        %mul3A_2084 = arith.mulf %get3A_2083, %get3A_323 : vector<16xf32>
        %get3A_2085 = arith.constant 1 : i32
        %get3A_2086 = arith.index_cast %get3A_2085 : i32 to index
        %get3A_2087 = arith.index_cast %add3A_2078 : i32 to index
        %get3A_2088 = arith.constant 16 : index
        %get3A_2089 = tpu.vector_load %arg10[%get3A_2086, %get3A_2087, %get3A_2088] {strides = array<i32>} : memref<4x120x32xf32, #tpu.memory_space<vmem>>, vector<16xf32>,
        %mul3A_2090 = arith.mulf %get3A_2089, %get3A_326 : vector<16xf32>
        %add3A_2091 = arith.addf %mul3A_2084, %mul3A_2090 : vector<16xf32>
        %reduce_sum3A_2092 = arith.constant true
        %reduce_sum3A_2093 = vector.broadcast %reduce_sum3A_2092 : i1 to vector<16xi1>
        %reduce_sum3A_2094 = tpu.scan <sum>, %add3A_2091 masked %reduce_sum3A_2093 : vector<16xf32>, vector<16xi1> -> vector<16xf32>
        %reduce_sum3A_2095 = vector.extract %reduce_sum3A_2094[15] : f32 from vector<16xf32>
        %broadcast_in_dim3A_2096 = vector.broadcast %reduce_sum3A_2095 : f32 to vector<16xf32>
        %select_n3A_2097 = arith.select %eq3A_50, %broadcast_in_dim3A_2096, %select_n3A_2074 : vector<16xi1>, vector<16xf32>
        %mul3A_2098 = arith.constant 16 : i32
        %mul3A_2099 = arith.muli %scan3A_1775, %mul3A_2098 : i32
        %add3A_2100 = arith.constant 14 : i32
        %add3A_2101 = arith.addi %mul3A_2099, %add3A_2100 : i32
        %get3A_2102 = arith.constant 1 : i32
        %get3A_2103 = arith.index_cast %get3A_2102 : i32 to index
        %get3A_2104 = arith.index_cast %add3A_2101 : i32 to index
        %get3A_2105 = arith.constant 0 : index
        %get3A_2106 = tpu.vector_load %arg10[%get3A_2103, %get3A_2104, %get3A_2105] {strides = array<i32>} : memref<4x120x32xf32, #tpu.memory_space<vmem>>, vector<16xf32>,
        %mul3A_2107 = arith.mulf %get3A_2106, %get3A_323 : vector<16xf32>
        %get3A_2108 = arith.constant 1 : i32
        %get3A_2109 = arith.index_cast %get3A_2108 : i32 to index
        %get3A_2110 = arith.index_cast %add3A_2101 : i32 to index
        %get3A_2111 = arith.constant 16 : index
        %get3A_2112 = tpu.vector_load %arg10[%get3A_2109, %get3A_2110, %get3A_2111] {strides = array<i32>} : memref<4x120x32xf32, #tpu.memory_space<vmem>>, vector<16xf32>,
        %mul3A_2113 = arith.mulf %get3A_2112, %get3A_326 : vector<16xf32>
        %add3A_2114 = arith.addf %mul3A_2107, %mul3A_2113 : vector<16xf32>
        %reduce_sum3A_2115 = arith.constant true
        %reduce_sum3A_2116 = vector.broadcast %reduce_sum3A_2115 : i1 to vector<16xi1>
        %reduce_sum3A_2117 = tpu.scan <sum>, %add3A_2114 masked %reduce_sum3A_2116 : vector<16xf32>, vector<16xi1> -> vector<16xf32>
        %reduce_sum3A_2118 = vector.extract %reduce_sum3A_2117[15] : f32 from vector<16xf32>
        %broadcast_in_dim3A_2119 = vector.broadcast %reduce_sum3A_2118 : f32 to vector<16xf32>
        %select_n3A_2120 = arith.select %eq3A_53, %broadcast_in_dim3A_2119, %select_n3A_2097 : vector<16xi1>, vector<16xf32>
        %mul3A_2121 = arith.constant 16 : i32
        %mul3A_2122 = arith.muli %scan3A_1775, %mul3A_2121 : i32
        %add3A_2123 = arith.constant 15 : i32
        %add3A_2124 = arith.addi %mul3A_2122, %add3A_2123 : i32
        %get3A_2125 = arith.constant 1 : i32
        %get3A_2126 = arith.index_cast %get3A_2125 : i32 to index
        %get3A_2127 = arith.index_cast %add3A_2124 : i32 to index
        %get3A_2128 = arith.constant 0 : index
        %get3A_2129 = tpu.vector_load %arg10[%get3A_2126, %get3A_2127, %get3A_2128] {strides = array<i32>} : memref<4x120x32xf32, #tpu.memory_space<vmem>>, vector<16xf32>,
        %mul3A_2130 = arith.mulf %get3A_2129, %get3A_323 : vector<16xf32>
        %get3A_2131 = arith.constant 1 : i32
        %get3A_2132 = arith.index_cast %get3A_2131 : i32 to index
        %get3A_2133 = arith.index_cast %add3A_2124 : i32 to index
        %get3A_2134 = arith.constant 16 : index
        %get3A_2135 = tpu.vector_load %arg10[%get3A_2132, %get3A_2133, %get3A_2134] {strides = array<i32>} : memref<4x120x32xf32, #tpu.memory_space<vmem>>, vector<16xf32>,
        %mul3A_2136 = arith.mulf %get3A_2135, %get3A_326 : vector<16xf32>
        %add3A_2137 = arith.addf %mul3A_2130, %mul3A_2136 : vector<16xf32>
        %reduce_sum3A_2138 = arith.constant true
        %reduce_sum3A_2139 = vector.broadcast %reduce_sum3A_2138 : i1 to vector<16xi1>
        %reduce_sum3A_2140 = tpu.scan <sum>, %add3A_2137 masked %reduce_sum3A_2139 : vector<16xf32>, vector<16xi1> -> vector<16xf32>
        %reduce_sum3A_2141 = vector.extract %reduce_sum3A_2140[15] : f32 from vector<16xf32>
        %broadcast_in_dim3A_2142 = vector.broadcast %reduce_sum3A_2141 : f32 to vector<16xf32>
        %select_n3A_2143 = arith.select %eq3A_56, %broadcast_in_dim3A_2142, %select_n3A_2120 : vector<16xi1>, vector<16xf32>
        %mul3A_2144 = arith.constant 16 : i32
        %mul3A_2145 = arith.muli %scan3A_1775, %mul3A_2144 : i32
        %swap3A_2146 = arith.constant 1 : i32
        %swap3A_2147 = arith.index_cast %swap3A_2146 : i32 to index
        %swap3A_2148 = arith.index_cast %mul3A_2145 : i32 to index
        %swap3A_2149 = tpu.vector_load %arg11[%swap3A_2147, %swap3A_2148] {strides = array<i32>} : memref<8x128xf32, #tpu.memory_space<vmem>>, vector<16xf32>,
        tpu.vector_store %arg11[%swap3A_2147, %swap3A_2148], %select_n3A_2143 {strides = array<i32>} : memref<8x128xf32, #tpu.memory_space<vmem>>, vector<16xf32>,
      }
      %scan3A_332 = arith.constant 7 : i32
      %get3A_333 = arith.constant 1 : i32
      %get3A_334 = arith.constant 112 : i32
      %get3A_335 = arith.index_cast %get3A_333 : i32 to index
      %get3A_336 = arith.index_cast %get3A_334 : i32 to index
      %get3A_337 = arith.constant 0 : index
      %get3A_338 = tpu.vector_load %arg10[%get3A_335, %get3A_336, %get3A_337] {strides = array<i32>} : memref<4x120x32xf32, #tpu.memory_space<vmem>>, vector<16xf32>,
      %mul3A_339 = arith.mulf %get3A_338, %get3A_323 : vector<16xf32>
      %get3A_340 = arith.constant 1 : i32
      %get3A_341 = arith.constant 112 : i32
      %get3A_342 = arith.index_cast %get3A_340 : i32 to index
      %get3A_343 = arith.index_cast %get3A_341 : i32 to index
      %get3A_344 = arith.constant 16 : index
      %get3A_345 = tpu.vector_load %arg10[%get3A_342, %get3A_343, %get3A_344] {strides = array<i32>} : memref<4x120x32xf32, #tpu.memory_space<vmem>>, vector<16xf32>,
      %mul3A_346 = arith.mulf %get3A_345, %get3A_326 : vector<16xf32>
      %add3A_347 = arith.addf %mul3A_339, %mul3A_346 : vector<16xf32>
      %reduce_sum3A_348 = arith.constant true
      %reduce_sum3A_349 = vector.broadcast %reduce_sum3A_348 : i1 to vector<16xi1>
      %reduce_sum3A_350 = tpu.scan <sum>, %add3A_347 masked %reduce_sum3A_349 : vector<16xf32>, vector<16xi1> -> vector<16xf32>
      %reduce_sum3A_351 = vector.extract %reduce_sum3A_350[15] : f32 from vector<16xf32>
      %broadcast_in_dim3A_352 = vector.broadcast %reduce_sum3A_351 : f32 to vector<16xf32>
      %select_n3A_353 = arith.select %eq3A_11, %broadcast_in_dim3A_352, %broadcast_in_dim3A_57 : vector<16xi1>, vector<16xf32>
      %get3A_354 = arith.constant 1 : i32
      %get3A_355 = arith.constant 113 : i32
      %get3A_356 = arith.index_cast %get3A_354 : i32 to index
      %get3A_357 = arith.index_cast %get3A_355 : i32 to index
      %get3A_358 = arith.constant 0 : index
      %get3A_359 = tpu.vector_load %arg10[%get3A_356, %get3A_357, %get3A_358] {strides = array<i32>} : memref<4x120x32xf32, #tpu.memory_space<vmem>>, vector<16xf32>,
      %mul3A_360 = arith.mulf %get3A_359, %get3A_323 : vector<16xf32>
      %get3A_361 = arith.constant 1 : i32
      %get3A_362 = arith.constant 113 : i32
      %get3A_363 = arith.index_cast %get3A_361 : i32 to index
      %get3A_364 = arith.index_cast %get3A_362 : i32 to index
      %get3A_365 = arith.constant 16 : index
      %get3A_366 = tpu.vector_load %arg10[%get3A_363, %get3A_364, %get3A_365] {strides = array<i32>} : memref<4x120x32xf32, #tpu.memory_space<vmem>>, vector<16xf32>,
      %mul3A_367 = arith.mulf %get3A_366, %get3A_326 : vector<16xf32>
      %add3A_368 = arith.addf %mul3A_360, %mul3A_367 : vector<16xf32>
      %reduce_sum3A_369 = arith.constant true
      %reduce_sum3A_370 = vector.broadcast %reduce_sum3A_369 : i1 to vector<16xi1>
      %reduce_sum3A_371 = tpu.scan <sum>, %add3A_368 masked %reduce_sum3A_370 : vector<16xf32>, vector<16xi1> -> vector<16xf32>
      %reduce_sum3A_372 = vector.extract %reduce_sum3A_371[15] : f32 from vector<16xf32>
      %broadcast_in_dim3A_373 = vector.broadcast %reduce_sum3A_372 : f32 to vector<16xf32>
      %select_n3A_374 = arith.select %eq3A_14, %broadcast_in_dim3A_373, %select_n3A_353 : vector<16xi1>, vector<16xf32>
      %get3A_375 = arith.constant 1 : i32
      %get3A_376 = arith.constant 114 : i32
      %get3A_377 = arith.index_cast %get3A_375 : i32 to index
      %get3A_378 = arith.index_cast %get3A_376 : i32 to index
      %get3A_379 = arith.constant 0 : index
      %get3A_380 = tpu.vector_load %arg10[%get3A_377, %get3A_378, %get3A_379] {strides = array<i32>} : memref<4x120x32xf32, #tpu.memory_space<vmem>>, vector<16xf32>,
      %mul3A_381 = arith.mulf %get3A_380, %get3A_323 : vector<16xf32>
      %get3A_382 = arith.constant 1 : i32
      %get3A_383 = arith.constant 114 : i32
      %get3A_384 = arith.index_cast %get3A_382 : i32 to index
      %get3A_385 = arith.index_cast %get3A_383 : i32 to index
      %get3A_386 = arith.constant 16 : index
      %get3A_387 = tpu.vector_load %arg10[%get3A_384, %get3A_385, %get3A_386] {strides = array<i32>} : memref<4x120x32xf32, #tpu.memory_space<vmem>>, vector<16xf32>,
      %mul3A_388 = arith.mulf %get3A_387, %get3A_326 : vector<16xf32>
      %add3A_389 = arith.addf %mul3A_381, %mul3A_388 : vector<16xf32>
      %reduce_sum3A_390 = arith.constant true
      %reduce_sum3A_391 = vector.broadcast %reduce_sum3A_390 : i1 to vector<16xi1>
      %reduce_sum3A_392 = tpu.scan <sum>, %add3A_389 masked %reduce_sum3A_391 : vector<16xf32>, vector<16xi1> -> vector<16xf32>
      %reduce_sum3A_393 = vector.extract %reduce_sum3A_392[15] : f32 from vector<16xf32>
      %broadcast_in_dim3A_394 = vector.broadcast %reduce_sum3A_393 : f32 to vector<16xf32>
      %select_n3A_395 = arith.select %eq3A_17, %broadcast_in_dim3A_394, %select_n3A_374 : vector<16xi1>, vector<16xf32>
      %get3A_396 = arith.constant 1 : i32
      %get3A_397 = arith.constant 115 : i32
      %get3A_398 = arith.index_cast %get3A_396 : i32 to index
      %get3A_399 = arith.index_cast %get3A_397 : i32 to index
      %get3A_400 = arith.constant 0 : index
      %get3A_401 = tpu.vector_load %arg10[%get3A_398, %get3A_399, %get3A_400] {strides = array<i32>} : memref<4x120x32xf32, #tpu.memory_space<vmem>>, vector<16xf32>,
      %mul3A_402 = arith.mulf %get3A_401, %get3A_323 : vector<16xf32>
      %get3A_403 = arith.constant 1 : i32
      %get3A_404 = arith.constant 115 : i32
      %get3A_405 = arith.index_cast %get3A_403 : i32 to index
      %get3A_406 = arith.index_cast %get3A_404 : i32 to index
      %get3A_407 = arith.constant 16 : index
      %get3A_408 = tpu.vector_load %arg10[%get3A_405, %get3A_406, %get3A_407] {strides = array<i32>} : memref<4x120x32xf32, #tpu.memory_space<vmem>>, vector<16xf32>,
      %mul3A_409 = arith.mulf %get3A_408, %get3A_326 : vector<16xf32>
      %add3A_410 = arith.addf %mul3A_402, %mul3A_409 : vector<16xf32>
      %reduce_sum3A_411 = arith.constant true
      %reduce_sum3A_412 = vector.broadcast %reduce_sum3A_411 : i1 to vector<16xi1>
      %reduce_sum3A_413 = tpu.scan <sum>, %add3A_410 masked %reduce_sum3A_412 : vector<16xf32>, vector<16xi1> -> vector<16xf32>
      %reduce_sum3A_414 = vector.extract %reduce_sum3A_413[15] : f32 from vector<16xf32>
      %broadcast_in_dim3A_415 = vector.broadcast %reduce_sum3A_414 : f32 to vector<16xf32>
      %select_n3A_416 = arith.select %eq3A_20, %broadcast_in_dim3A_415, %select_n3A_395 : vector<16xi1>, vector<16xf32>
      %get3A_417 = arith.constant 1 : i32
      %get3A_418 = arith.constant 116 : i32
      %get3A_419 = arith.index_cast %get3A_417 : i32 to index
      %get3A_420 = arith.index_cast %get3A_418 : i32 to index
      %get3A_421 = arith.constant 0 : index
      %get3A_422 = tpu.vector_load %arg10[%get3A_419, %get3A_420, %get3A_421] {strides = array<i32>} : memref<4x120x32xf32, #tpu.memory_space<vmem>>, vector<16xf32>,
      %mul3A_423 = arith.mulf %get3A_422, %get3A_323 : vector<16xf32>
      %get3A_424 = arith.constant 1 : i32
      %get3A_425 = arith.constant 116 : i32
      %get3A_426 = arith.index_cast %get3A_424 : i32 to index
      %get3A_427 = arith.index_cast %get3A_425 : i32 to index
      %get3A_428 = arith.constant 16 : index
      %get3A_429 = tpu.vector_load %arg10[%get3A_426, %get3A_427, %get3A_428] {strides = array<i32>} : memref<4x120x32xf32, #tpu.memory_space<vmem>>, vector<16xf32>,
      %mul3A_430 = arith.mulf %get3A_429, %get3A_326 : vector<16xf32>
      %add3A_431 = arith.addf %mul3A_423, %mul3A_430 : vector<16xf32>
      %reduce_sum3A_432 = arith.constant true
      %reduce_sum3A_433 = vector.broadcast %reduce_sum3A_432 : i1 to vector<16xi1>
      %reduce_sum3A_434 = tpu.scan <sum>, %add3A_431 masked %reduce_sum3A_433 : vector<16xf32>, vector<16xi1> -> vector<16xf32>
      %reduce_sum3A_435 = vector.extract %reduce_sum3A_434[15] : f32 from vector<16xf32>
      %broadcast_in_dim3A_436 = vector.broadcast %reduce_sum3A_435 : f32 to vector<16xf32>
      %select_n3A_437 = arith.select %eq3A_23, %broadcast_in_dim3A_436, %select_n3A_416 : vector<16xi1>, vector<16xf32>
      %get3A_438 = arith.constant 1 : i32
      %get3A_439 = arith.constant 117 : i32
      %get3A_440 = arith.index_cast %get3A_438 : i32 to index
      %get3A_441 = arith.index_cast %get3A_439 : i32 to index
      %get3A_442 = arith.constant 0 : index
      %get3A_443 = tpu.vector_load %arg10[%get3A_440, %get3A_441, %get3A_442] {strides = array<i32>} : memref<4x120x32xf32, #tpu.memory_space<vmem>>, vector<16xf32>,
      %mul3A_444 = arith.mulf %get3A_443, %get3A_323 : vector<16xf32>
      %get3A_445 = arith.constant 1 : i32
      %get3A_446 = arith.constant 117 : i32
      %get3A_447 = arith.index_cast %get3A_445 : i32 to index
      %get3A_448 = arith.index_cast %get3A_446 : i32 to index
      %get3A_449 = arith.constant 16 : index
      %get3A_450 = tpu.vector_load %arg10[%get3A_447, %get3A_448, %get3A_449] {strides = array<i32>} : memref<4x120x32xf32, #tpu.memory_space<vmem>>, vector<16xf32>,
      %mul3A_451 = arith.mulf %get3A_450, %get3A_326 : vector<16xf32>
      %add3A_452 = arith.addf %mul3A_444, %mul3A_451 : vector<16xf32>
      %reduce_sum3A_453 = arith.constant true
      %reduce_sum3A_454 = vector.broadcast %reduce_sum3A_453 : i1 to vector<16xi1>
      %reduce_sum3A_455 = tpu.scan <sum>, %add3A_452 masked %reduce_sum3A_454 : vector<16xf32>, vector<16xi1> -> vector<16xf32>
      %reduce_sum3A_456 = vector.extract %reduce_sum3A_455[15] : f32 from vector<16xf32>
      %broadcast_in_dim3A_457 = vector.broadcast %reduce_sum3A_456 : f32 to vector<16xf32>
      %select_n3A_458 = arith.select %eq3A_26, %broadcast_in_dim3A_457, %select_n3A_437 : vector<16xi1>, vector<16xf32>
      %get3A_459 = arith.constant 1 : i32
      %get3A_460 = arith.constant 118 : i32
      %get3A_461 = arith.index_cast %get3A_459 : i32 to index
      %get3A_462 = arith.index_cast %get3A_460 : i32 to index
      %get3A_463 = arith.constant 0 : index
      %get3A_464 = tpu.vector_load %arg10[%get3A_461, %get3A_462, %get3A_463] {strides = array<i32>} : memref<4x120x32xf32, #tpu.memory_space<vmem>>, vector<16xf32>,
      %mul3A_465 = arith.mulf %get3A_464, %get3A_323 : vector<16xf32>
      %get3A_466 = arith.constant 1 : i32
      %get3A_467 = arith.constant 118 : i32
      %get3A_468 = arith.index_cast %get3A_466 : i32 to index
      %get3A_469 = arith.index_cast %get3A_467 : i32 to index
      %get3A_470 = arith.constant 16 : index
      %get3A_471 = tpu.vector_load %arg10[%get3A_468, %get3A_469, %get3A_470] {strides = array<i32>} : memref<4x120x32xf32, #tpu.memory_space<vmem>>, vector<16xf32>,
      %mul3A_472 = arith.mulf %get3A_471, %get3A_326 : vector<16xf32>
      %add3A_473 = arith.addf %mul3A_465, %mul3A_472 : vector<16xf32>
      %reduce_sum3A_474 = arith.constant true
      %reduce_sum3A_475 = vector.broadcast %reduce_sum3A_474 : i1 to vector<16xi1>
      %reduce_sum3A_476 = tpu.scan <sum>, %add3A_473 masked %reduce_sum3A_475 : vector<16xf32>, vector<16xi1> -> vector<16xf32>
      %reduce_sum3A_477 = vector.extract %reduce_sum3A_476[15] : f32 from vector<16xf32>
      %broadcast_in_dim3A_478 = vector.broadcast %reduce_sum3A_477 : f32 to vector<16xf32>
      %select_n3A_479 = arith.select %eq3A_29, %broadcast_in_dim3A_478, %select_n3A_458 : vector<16xi1>, vector<16xf32>
      %get3A_480 = arith.constant 1 : i32
      %get3A_481 = arith.constant 119 : i32
      %get3A_482 = arith.index_cast %get3A_480 : i32 to index
      %get3A_483 = arith.index_cast %get3A_481 : i32 to index
      %get3A_484 = arith.constant 0 : index
      %get3A_485 = tpu.vector_load %arg10[%get3A_482, %get3A_483, %get3A_484] {strides = array<i32>} : memref<4x120x32xf32, #tpu.memory_space<vmem>>, vector<16xf32>,
      %mul3A_486 = arith.mulf %get3A_485, %get3A_323 : vector<16xf32>
      %get3A_487 = arith.constant 1 : i32
      %get3A_488 = arith.constant 119 : i32
      %get3A_489 = arith.index_cast %get3A_487 : i32 to index
      %get3A_490 = arith.index_cast %get3A_488 : i32 to index
      %get3A_491 = arith.constant 16 : index
      %get3A_492 = tpu.vector_load %arg10[%get3A_489, %get3A_490, %get3A_491] {strides = array<i32>} : memref<4x120x32xf32, #tpu.memory_space<vmem>>, vector<16xf32>,
      %mul3A_493 = arith.mulf %get3A_492, %get3A_326 : vector<16xf32>
      %add3A_494 = arith.addf %mul3A_486, %mul3A_493 : vector<16xf32>
      %reduce_sum3A_495 = arith.constant true
      %reduce_sum3A_496 = vector.broadcast %reduce_sum3A_495 : i1 to vector<16xi1>
      %reduce_sum3A_497 = tpu.scan <sum>, %add3A_494 masked %reduce_sum3A_496 : vector<16xf32>, vector<16xi1> -> vector<16xf32>
      %reduce_sum3A_498 = vector.extract %reduce_sum3A_497[15] : f32 from vector<16xf32>
      %broadcast_in_dim3A_499 = vector.broadcast %reduce_sum3A_498 : f32 to vector<16xf32>
      %select_n3A_500 = arith.select %eq3A_32, %broadcast_in_dim3A_499, %select_n3A_479 : vector<16xi1>, vector<16xf32>
      %swap3A_501 = arith.constant 1 : i32
      %swap3A_502 = arith.index_cast %swap3A_501 : i32 to index
      %swap3A_503 = arith.constant 112 : index
      %swap3A_504 = tpu.vector_load %arg11[%swap3A_502, %swap3A_503] {strides = array<i32>} : memref<8x128xf32, #tpu.memory_space<vmem>>, vector<16xf32>,
      tpu.vector_store %arg11[%swap3A_502, %swap3A_503], %select_n3A_500 {strides = array<i32>} : memref<8x128xf32, #tpu.memory_space<vmem>>, vector<16xf32>,
      %add3A_505 = arith.constant 4 : i32
      %add3A_506 = arith.addi %add3A_305, %add3A_505 : i32
      %sub3A_507 = arith.constant 1 : i32
      %sub3A_508 = arith.subi %add3A_506, %sub3A_507 : i32
      %lt3A_509 = arith.constant 128 : i32
      %lt3A_510 = arith.cmpi slt, %sub3A_508, %lt3A_509 : i32
      %convert_element_type3A_511 = arith.extui %lt3A_510 : i1 to i32
      %cond3A_512 = arith.constant 0 : i32
      %cond3A_513 = arith.cmpi ne, %convert_element_type3A_511, %cond3A_512 : i32
      scf.if %cond3A_513 {
        %add3A_1775 = arith.constant 4 : i32
        %add3A_1776 = arith.addi %add3A_305, %add3A_1775 : i32
        %sub3A_1777 = arith.constant 1 : i32
        %sub3A_1778 = arith.subi %add3A_1776, %sub3A_1777 : i32
        %dma_start3A_1779 = arith.constant 0 : i32
        %dma_start3A_1780 = arith.constant 0 : i32
        %dma_start3A_1781 = arith.constant 0 : i32
        %dma_start3A_1782 = tpu.memref_slice %arg10[%dma_start3A_1779, %dma_start3A_1780, %dma_start3A_1781] : memref<4x120x32xf32, #tpu.memory_space<vmem>> -> memref<1x120x32xf32, #tpu.memory_space<vmem>>
        %dma_start3A_1783 = tpu.memref_squeeze %dma_start3A_1782 : memref<1x120x32xf32, #tpu.memory_space<vmem>> -> memref<120x32xf32, #tpu.memory_space<vmem>>
        %dma_start3A_1784 = arith.constant 0 : i32
        %dma_start3A_1785 = tpu.memref_slice %arg8[%sub3A_1778, %dma_start3A_1784] : memref<128x120xi32, #tpu.memory_space<vmem>> -> memref<1x120xi32, #tpu.memory_space<vmem>>
        %dma_start3A_1786 = tpu.memref_squeeze %dma_start3A_1785 : memref<1x120xi32, #tpu.memory_space<vmem>> -> memref<120xi32, #tpu.memory_space<vmem>>
        %dma_start3A_1787 = arith.constant 0 : i32
        %dma_start3A_1788 = arith.constant 0 : i32
        %dma_start3A_1789 = tpu.memref_slice %arg5[%dma_start3A_1787, %dma_start3A_1788] : memref<1000000x32xf32, #tpu.memory_space<hbm>> -> memref<1000000x32xf32, #tpu.memory_space<hbm>>
        tpu.enqueue_indirect_dma source(%dma_start3A_1789 : memref<1000000x32xf32, #tpu.memory_space<hbm>>) target(%dma_start3A_1783 : memref<120x32xf32, #tpu.memory_space<vmem>>) offsets(%dma_start3A_1786 : memref<120xi32, #tpu.memory_space<vmem>>) semaphore(%arg12 : memref<!tpu.dma_semaphore, #tpu.memory_space<semaphore_mem>>)
      } else {
      }
      %add3A_514 = arith.constant 2 : i32
      %add3A_515 = arith.addi %mul3A_101, %add3A_514 : i32
      %dma_wait3A_516 = arith.constant 2 : i32
      %dma_wait3A_517 = arith.constant 0 : i32
      %dma_wait3A_518 = arith.constant 0 : i32
      %dma_wait3A_519 = tpu.memref_slice %arg10[%dma_wait3A_516, %dma_wait3A_517, %dma_wait3A_518] : memref<4x120x32xf32, #tpu.memory_space<vmem>> -> memref<1x120x32xf32, #tpu.memory_space<vmem>>
      %dma_wait3A_520 = tpu.memref_squeeze %dma_wait3A_519 : memref<1x120x32xf32, #tpu.memory_space<vmem>> -> memref<120x32xf32, #tpu.memory_space<vmem>>
      %dma_wait3A_521 = arith.constant 0 : i32
      %dma_wait3A_522 = arith.constant 0 : i32
      %dma_wait3A_523 = tpu.memref_slice %arg5[%dma_wait3A_521, %dma_wait3A_522] : memref<1000000x32xf32, #tpu.memory_space<hbm>> -> memref<120x32xf32, #tpu.memory_space<hbm>>
      %dma_wait3A_524 = arith.constant 0 : i32
      %dma_wait3A_525 = arith.constant 0 : i32
      %dma_wait3A_526 = tpu.memref_slice %arg10[%dma_wait3A_516, %dma_wait3A_524, %dma_wait3A_525] : memref<4x120x32xf32, #tpu.memory_space<vmem>> -> memref<1x120x32xf32, #tpu.memory_space<vmem>>
      %dma_wait3A_527 = tpu.memref_squeeze %dma_wait3A_526 : memref<1x120x32xf32, #tpu.memory_space<vmem>> -> memref<120x32xf32, #tpu.memory_space<vmem>>
      %dma_wait3A_528 = arith.constant 0 : i32
      %dma_wait3A_529 = arith.constant 0 : i32
      %dma_wait3A_530 = tpu.memref_slice %arg5[%dma_wait3A_528, %dma_wait3A_529] : memref<1000000x32xf32, #tpu.memory_space<hbm>> -> memref<120x32xf32, #tpu.memory_space<hbm>>
      tpu.wait_dma2 semaphore(%arg14 : memref<!tpu.dma_semaphore, #tpu.memory_space<semaphore_mem>>) src(%dma_wait3A_530 : memref<120x32xf32, #tpu.memory_space<hbm>>) dst(%dma_wait3A_527 : memref<120x32xf32, #tpu.memory_space<vmem>>)
      %get3A_531 = arith.index_cast %add3A_515 : i32 to index
      %get3A_532 = arith.constant 0 : index
      %get3A_533 = tpu.vector_load %arg9[%get3A_531, %get3A_532] {strides = array<i32>} : memref<128x32xf32, #tpu.memory_space<vmem>>, vector<16xf32>,
      %get3A_534 = arith.index_cast %add3A_515 : i32 to index
      %get3A_535 = arith.constant 16 : index
      %get3A_536 = tpu.vector_load %arg9[%get3A_534, %get3A_535] {strides = array<i32>} : memref<128x32xf32, #tpu.memory_space<vmem>>, vector<16xf32>,
      %scan3A_537 = arith.constant 0 : i32
      %scan3A_538 = arith.constant 0 : i32
      %scan3A_539 = arith.constant 7 : i32
      %scan3A_540 = arith.addi %scan3A_538, %scan3A_539 : i32
      %scan3A_541 = arith.constant 1 : i32
      scf.for %scan3A_1775 = %scan3A_538 to %scan3A_540 step %scan3A_541  : i32 {
        %mul3A_1776 = arith.constant 16 : i32
        %mul3A_1777 = arith.muli %scan3A_1775, %mul3A_1776 : i32
        %add3A_1778 = arith.constant 0 : i32
        %add3A_1779 = arith.addi %mul3A_1777, %add3A_1778 : i32
        %get3A_1780 = arith.constant 2 : i32
        %get3A_1781 = arith.index_cast %get3A_1780 : i32 to index
        %get3A_1782 = arith.index_cast %add3A_1779 : i32 to index
        %get3A_1783 = arith.constant 0 : index
        %get3A_1784 = tpu.vector_load %arg10[%get3A_1781, %get3A_1782, %get3A_1783] {strides = array<i32>} : memref<4x120x32xf32, #tpu.memory_space<vmem>>, vector<16xf32>,
        %mul3A_1785 = arith.mulf %get3A_1784, %get3A_533 : vector<16xf32>
        %get3A_1786 = arith.constant 2 : i32
        %get3A_1787 = arith.index_cast %get3A_1786 : i32 to index
        %get3A_1788 = arith.index_cast %add3A_1779 : i32 to index
        %get3A_1789 = arith.constant 16 : index
        %get3A_1790 = tpu.vector_load %arg10[%get3A_1787, %get3A_1788, %get3A_1789] {strides = array<i32>} : memref<4x120x32xf32, #tpu.memory_space<vmem>>, vector<16xf32>,
        %mul3A_1791 = arith.mulf %get3A_1790, %get3A_536 : vector<16xf32>
        %add3A_1792 = arith.addf %mul3A_1785, %mul3A_1791 : vector<16xf32>
        %reduce_sum3A_1793 = arith.constant true
        %reduce_sum3A_1794 = vector.broadcast %reduce_sum3A_1793 : i1 to vector<16xi1>
        %reduce_sum3A_1795 = tpu.scan <sum>, %add3A_1792 masked %reduce_sum3A_1794 : vector<16xf32>, vector<16xi1> -> vector<16xf32>
        %reduce_sum3A_1796 = vector.extract %reduce_sum3A_1795[15] : f32 from vector<16xf32>
        %broadcast_in_dim3A_1797 = vector.broadcast %reduce_sum3A_1796 : f32 to vector<16xf32>
        %select_n3A_1798 = arith.select %eq3A_11, %broadcast_in_dim3A_1797, %broadcast_in_dim3A_57 : vector<16xi1>, vector<16xf32>
        %mul3A_1799 = arith.constant 16 : i32
        %mul3A_1800 = arith.muli %scan3A_1775, %mul3A_1799 : i32
        %add3A_1801 = arith.constant 1 : i32
        %add3A_1802 = arith.addi %mul3A_1800, %add3A_1801 : i32
        %get3A_1803 = arith.constant 2 : i32
        %get3A_1804 = arith.index_cast %get3A_1803 : i32 to index
        %get3A_1805 = arith.index_cast %add3A_1802 : i32 to index
        %get3A_1806 = arith.constant 0 : index
        %get3A_1807 = tpu.vector_load %arg10[%get3A_1804, %get3A_1805, %get3A_1806] {strides = array<i32>} : memref<4x120x32xf32, #tpu.memory_space<vmem>>, vector<16xf32>,
        %mul3A_1808 = arith.mulf %get3A_1807, %get3A_533 : vector<16xf32>
        %get3A_1809 = arith.constant 2 : i32
        %get3A_1810 = arith.index_cast %get3A_1809 : i32 to index
        %get3A_1811 = arith.index_cast %add3A_1802 : i32 to index
        %get3A_1812 = arith.constant 16 : index
        %get3A_1813 = tpu.vector_load %arg10[%get3A_1810, %get3A_1811, %get3A_1812] {strides = array<i32>} : memref<4x120x32xf32, #tpu.memory_space<vmem>>, vector<16xf32>,
        %mul3A_1814 = arith.mulf %get3A_1813, %get3A_536 : vector<16xf32>
        %add3A_1815 = arith.addf %mul3A_1808, %mul3A_1814 : vector<16xf32>
        %reduce_sum3A_1816 = arith.constant true
        %reduce_sum3A_1817 = vector.broadcast %reduce_sum3A_1816 : i1 to vector<16xi1>
        %reduce_sum3A_1818 = tpu.scan <sum>, %add3A_1815 masked %reduce_sum3A_1817 : vector<16xf32>, vector<16xi1> -> vector<16xf32>
        %reduce_sum3A_1819 = vector.extract %reduce_sum3A_1818[15] : f32 from vector<16xf32>
        %broadcast_in_dim3A_1820 = vector.broadcast %reduce_sum3A_1819 : f32 to vector<16xf32>
        %select_n3A_1821 = arith.select %eq3A_14, %broadcast_in_dim3A_1820, %select_n3A_1798 : vector<16xi1>, vector<16xf32>
        %mul3A_1822 = arith.constant 16 : i32
        %mul3A_1823 = arith.muli %scan3A_1775, %mul3A_1822 : i32
        %add3A_1824 = arith.constant 2 : i32
        %add3A_1825 = arith.addi %mul3A_1823, %add3A_1824 : i32
        %get3A_1826 = arith.constant 2 : i32
        %get3A_1827 = arith.index_cast %get3A_1826 : i32 to index
        %get3A_1828 = arith.index_cast %add3A_1825 : i32 to index
        %get3A_1829 = arith.constant 0 : index
        %get3A_1830 = tpu.vector_load %arg10[%get3A_1827, %get3A_1828, %get3A_1829] {strides = array<i32>} : memref<4x120x32xf32, #tpu.memory_space<vmem>>, vector<16xf32>,
        %mul3A_1831 = arith.mulf %get3A_1830, %get3A_533 : vector<16xf32>
        %get3A_1832 = arith.constant 2 : i32
        %get3A_1833 = arith.index_cast %get3A_1832 : i32 to index
        %get3A_1834 = arith.index_cast %add3A_1825 : i32 to index
        %get3A_1835 = arith.constant 16 : index
        %get3A_1836 = tpu.vector_load %arg10[%get3A_1833, %get3A_1834, %get3A_1835] {strides = array<i32>} : memref<4x120x32xf32, #tpu.memory_space<vmem>>, vector<16xf32>,
        %mul3A_1837 = arith.mulf %get3A_1836, %get3A_536 : vector<16xf32>
        %add3A_1838 = arith.addf %mul3A_1831, %mul3A_1837 : vector<16xf32>
        %reduce_sum3A_1839 = arith.constant true
        %reduce_sum3A_1840 = vector.broadcast %reduce_sum3A_1839 : i1 to vector<16xi1>
        %reduce_sum3A_1841 = tpu.scan <sum>, %add3A_1838 masked %reduce_sum3A_1840 : vector<16xf32>, vector<16xi1> -> vector<16xf32>
        %reduce_sum3A_1842 = vector.extract %reduce_sum3A_1841[15] : f32 from vector<16xf32>
        %broadcast_in_dim3A_1843 = vector.broadcast %reduce_sum3A_1842 : f32 to vector<16xf32>
        %select_n3A_1844 = arith.select %eq3A_17, %broadcast_in_dim3A_1843, %select_n3A_1821 : vector<16xi1>, vector<16xf32>
        %mul3A_1845 = arith.constant 16 : i32
        %mul3A_1846 = arith.muli %scan3A_1775, %mul3A_1845 : i32
        %add3A_1847 = arith.constant 3 : i32
        %add3A_1848 = arith.addi %mul3A_1846, %add3A_1847 : i32
        %get3A_1849 = arith.constant 2 : i32
        %get3A_1850 = arith.index_cast %get3A_1849 : i32 to index
        %get3A_1851 = arith.index_cast %add3A_1848 : i32 to index
        %get3A_1852 = arith.constant 0 : index
        %get3A_1853 = tpu.vector_load %arg10[%get3A_1850, %get3A_1851, %get3A_1852] {strides = array<i32>} : memref<4x120x32xf32, #tpu.memory_space<vmem>>, vector<16xf32>,
        %mul3A_1854 = arith.mulf %get3A_1853, %get3A_533 : vector<16xf32>
        %get3A_1855 = arith.constant 2 : i32
        %get3A_1856 = arith.index_cast %get3A_1855 : i32 to index
        %get3A_1857 = arith.index_cast %add3A_1848 : i32 to index
        %get3A_1858 = arith.constant 16 : index
        %get3A_1859 = tpu.vector_load %arg10[%get3A_1856, %get3A_1857, %get3A_1858] {strides = array<i32>} : memref<4x120x32xf32, #tpu.memory_space<vmem>>, vector<16xf32>,
        %mul3A_1860 = arith.mulf %get3A_1859, %get3A_536 : vector<16xf32>
        %add3A_1861 = arith.addf %mul3A_1854, %mul3A_1860 : vector<16xf32>
        %reduce_sum3A_1862 = arith.constant true
        %reduce_sum3A_1863 = vector.broadcast %reduce_sum3A_1862 : i1 to vector<16xi1>
        %reduce_sum3A_1864 = tpu.scan <sum>, %add3A_1861 masked %reduce_sum3A_1863 : vector<16xf32>, vector<16xi1> -> vector<16xf32>
        %reduce_sum3A_1865 = vector.extract %reduce_sum3A_1864[15] : f32 from vector<16xf32>
        %broadcast_in_dim3A_1866 = vector.broadcast %reduce_sum3A_1865 : f32 to vector<16xf32>
        %select_n3A_1867 = arith.select %eq3A_20, %broadcast_in_dim3A_1866, %select_n3A_1844 : vector<16xi1>, vector<16xf32>
        %mul3A_1868 = arith.constant 16 : i32
        %mul3A_1869 = arith.muli %scan3A_1775, %mul3A_1868 : i32
        %add3A_1870 = arith.constant 4 : i32
        %add3A_1871 = arith.addi %mul3A_1869, %add3A_1870 : i32
        %get3A_1872 = arith.constant 2 : i32
        %get3A_1873 = arith.index_cast %get3A_1872 : i32 to index
        %get3A_1874 = arith.index_cast %add3A_1871 : i32 to index
        %get3A_1875 = arith.constant 0 : index
        %get3A_1876 = tpu.vector_load %arg10[%get3A_1873, %get3A_1874, %get3A_1875] {strides = array<i32>} : memref<4x120x32xf32, #tpu.memory_space<vmem>>, vector<16xf32>,
        %mul3A_1877 = arith.mulf %get3A_1876, %get3A_533 : vector<16xf32>
        %get3A_1878 = arith.constant 2 : i32
        %get3A_1879 = arith.index_cast %get3A_1878 : i32 to index
        %get3A_1880 = arith.index_cast %add3A_1871 : i32 to index
        %get3A_1881 = arith.constant 16 : index
        %get3A_1882 = tpu.vector_load %arg10[%get3A_1879, %get3A_1880, %get3A_1881] {strides = array<i32>} : memref<4x120x32xf32, #tpu.memory_space<vmem>>, vector<16xf32>,
        %mul3A_1883 = arith.mulf %get3A_1882, %get3A_536 : vector<16xf32>
        %add3A_1884 = arith.addf %mul3A_1877, %mul3A_1883 : vector<16xf32>
        %reduce_sum3A_1885 = arith.constant true
        %reduce_sum3A_1886 = vector.broadcast %reduce_sum3A_1885 : i1 to vector<16xi1>
        %reduce_sum3A_1887 = tpu.scan <sum>, %add3A_1884 masked %reduce_sum3A_1886 : vector<16xf32>, vector<16xi1> -> vector<16xf32>
        %reduce_sum3A_1888 = vector.extract %reduce_sum3A_1887[15] : f32 from vector<16xf32>
        %broadcast_in_dim3A_1889 = vector.broadcast %reduce_sum3A_1888 : f32 to vector<16xf32>
        %select_n3A_1890 = arith.select %eq3A_23, %broadcast_in_dim3A_1889, %select_n3A_1867 : vector<16xi1>, vector<16xf32>
        %mul3A_1891 = arith.constant 16 : i32
        %mul3A_1892 = arith.muli %scan3A_1775, %mul3A_1891 : i32
        %add3A_1893 = arith.constant 5 : i32
        %add3A_1894 = arith.addi %mul3A_1892, %add3A_1893 : i32
        %get3A_1895 = arith.constant 2 : i32
        %get3A_1896 = arith.index_cast %get3A_1895 : i32 to index
        %get3A_1897 = arith.index_cast %add3A_1894 : i32 to index
        %get3A_1898 = arith.constant 0 : index
        %get3A_1899 = tpu.vector_load %arg10[%get3A_1896, %get3A_1897, %get3A_1898] {strides = array<i32>} : memref<4x120x32xf32, #tpu.memory_space<vmem>>, vector<16xf32>,
        %mul3A_1900 = arith.mulf %get3A_1899, %get3A_533 : vector<16xf32>
        %get3A_1901 = arith.constant 2 : i32
        %get3A_1902 = arith.index_cast %get3A_1901 : i32 to index
        %get3A_1903 = arith.index_cast %add3A_1894 : i32 to index
        %get3A_1904 = arith.constant 16 : index
        %get3A_1905 = tpu.vector_load %arg10[%get3A_1902, %get3A_1903, %get3A_1904] {strides = array<i32>} : memref<4x120x32xf32, #tpu.memory_space<vmem>>, vector<16xf32>,
        %mul3A_1906 = arith.mulf %get3A_1905, %get3A_536 : vector<16xf32>
        %add3A_1907 = arith.addf %mul3A_1900, %mul3A_1906 : vector<16xf32>
        %reduce_sum3A_1908 = arith.constant true
        %reduce_sum3A_1909 = vector.broadcast %reduce_sum3A_1908 : i1 to vector<16xi1>
        %reduce_sum3A_1910 = tpu.scan <sum>, %add3A_1907 masked %reduce_sum3A_1909 : vector<16xf32>, vector<16xi1> -> vector<16xf32>
        %reduce_sum3A_1911 = vector.extract %reduce_sum3A_1910[15] : f32 from vector<16xf32>
        %broadcast_in_dim3A_1912 = vector.broadcast %reduce_sum3A_1911 : f32 to vector<16xf32>
        %select_n3A_1913 = arith.select %eq3A_26, %broadcast_in_dim3A_1912, %select_n3A_1890 : vector<16xi1>, vector<16xf32>
        %mul3A_1914 = arith.constant 16 : i32
        %mul3A_1915 = arith.muli %scan3A_1775, %mul3A_1914 : i32
        %add3A_1916 = arith.constant 6 : i32
        %add3A_1917 = arith.addi %mul3A_1915, %add3A_1916 : i32
        %get3A_1918 = arith.constant 2 : i32
        %get3A_1919 = arith.index_cast %get3A_1918 : i32 to index
        %get3A_1920 = arith.index_cast %add3A_1917 : i32 to index
        %get3A_1921 = arith.constant 0 : index
        %get3A_1922 = tpu.vector_load %arg10[%get3A_1919, %get3A_1920, %get3A_1921] {strides = array<i32>} : memref<4x120x32xf32, #tpu.memory_space<vmem>>, vector<16xf32>,
        %mul3A_1923 = arith.mulf %get3A_1922, %get3A_533 : vector<16xf32>
        %get3A_1924 = arith.constant 2 : i32
        %get3A_1925 = arith.index_cast %get3A_1924 : i32 to index
        %get3A_1926 = arith.index_cast %add3A_1917 : i32 to index
        %get3A_1927 = arith.constant 16 : index
        %get3A_1928 = tpu.vector_load %arg10[%get3A_1925, %get3A_1926, %get3A_1927] {strides = array<i32>} : memref<4x120x32xf32, #tpu.memory_space<vmem>>, vector<16xf32>,
        %mul3A_1929 = arith.mulf %get3A_1928, %get3A_536 : vector<16xf32>
        %add3A_1930 = arith.addf %mul3A_1923, %mul3A_1929 : vector<16xf32>
        %reduce_sum3A_1931 = arith.constant true
        %reduce_sum3A_1932 = vector.broadcast %reduce_sum3A_1931 : i1 to vector<16xi1>
        %reduce_sum3A_1933 = tpu.scan <sum>, %add3A_1930 masked %reduce_sum3A_1932 : vector<16xf32>, vector<16xi1> -> vector<16xf32>
        %reduce_sum3A_1934 = vector.extract %reduce_sum3A_1933[15] : f32 from vector<16xf32>
        %broadcast_in_dim3A_1935 = vector.broadcast %reduce_sum3A_1934 : f32 to vector<16xf32>
        %select_n3A_1936 = arith.select %eq3A_29, %broadcast_in_dim3A_1935, %select_n3A_1913 : vector<16xi1>, vector<16xf32>
        %mul3A_1937 = arith.constant 16 : i32
        %mul3A_1938 = arith.muli %scan3A_1775, %mul3A_1937 : i32
        %add3A_1939 = arith.constant 7 : i32
        %add3A_1940 = arith.addi %mul3A_1938, %add3A_1939 : i32
        %get3A_1941 = arith.constant 2 : i32
        %get3A_1942 = arith.index_cast %get3A_1941 : i32 to index
        %get3A_1943 = arith.index_cast %add3A_1940 : i32 to index
        %get3A_1944 = arith.constant 0 : index
        %get3A_1945 = tpu.vector_load %arg10[%get3A_1942, %get3A_1943, %get3A_1944] {strides = array<i32>} : memref<4x120x32xf32, #tpu.memory_space<vmem>>, vector<16xf32>,
        %mul3A_1946 = arith.mulf %get3A_1945, %get3A_533 : vector<16xf32>
        %get3A_1947 = arith.constant 2 : i32
        %get3A_1948 = arith.index_cast %get3A_1947 : i32 to index
        %get3A_1949 = arith.index_cast %add3A_1940 : i32 to index
        %get3A_1950 = arith.constant 16 : index
        %get3A_1951 = tpu.vector_load %arg10[%get3A_1948, %get3A_1949, %get3A_1950] {strides = array<i32>} : memref<4x120x32xf32, #tpu.memory_space<vmem>>, vector<16xf32>,
        %mul3A_1952 = arith.mulf %get3A_1951, %get3A_536 : vector<16xf32>
        %add3A_1953 = arith.addf %mul3A_1946, %mul3A_1952 : vector<16xf32>
        %reduce_sum3A_1954 = arith.constant true
        %reduce_sum3A_1955 = vector.broadcast %reduce_sum3A_1954 : i1 to vector<16xi1>
        %reduce_sum3A_1956 = tpu.scan <sum>, %add3A_1953 masked %reduce_sum3A_1955 : vector<16xf32>, vector<16xi1> -> vector<16xf32>
        %reduce_sum3A_1957 = vector.extract %reduce_sum3A_1956[15] : f32 from vector<16xf32>
        %broadcast_in_dim3A_1958 = vector.broadcast %reduce_sum3A_1957 : f32 to vector<16xf32>
        %select_n3A_1959 = arith.select %eq3A_32, %broadcast_in_dim3A_1958, %select_n3A_1936 : vector<16xi1>, vector<16xf32>
        %mul3A_1960 = arith.constant 16 : i32
        %mul3A_1961 = arith.muli %scan3A_1775, %mul3A_1960 : i32
        %add3A_1962 = arith.constant 8 : i32
        %add3A_1963 = arith.addi %mul3A_1961, %add3A_1962 : i32
        %get3A_1964 = arith.constant 2 : i32
        %get3A_1965 = arith.index_cast %get3A_1964 : i32 to index
        %get3A_1966 = arith.index_cast %add3A_1963 : i32 to index
        %get3A_1967 = arith.constant 0 : index
        %get3A_1968 = tpu.vector_load %arg10[%get3A_1965, %get3A_1966, %get3A_1967] {strides = array<i32>} : memref<4x120x32xf32, #tpu.memory_space<vmem>>, vector<16xf32>,
        %mul3A_1969 = arith.mulf %get3A_1968, %get3A_533 : vector<16xf32>
        %get3A_1970 = arith.constant 2 : i32
        %get3A_1971 = arith.index_cast %get3A_1970 : i32 to index
        %get3A_1972 = arith.index_cast %add3A_1963 : i32 to index
        %get3A_1973 = arith.constant 16 : index
        %get3A_1974 = tpu.vector_load %arg10[%get3A_1971, %get3A_1972, %get3A_1973] {strides = array<i32>} : memref<4x120x32xf32, #tpu.memory_space<vmem>>, vector<16xf32>,
        %mul3A_1975 = arith.mulf %get3A_1974, %get3A_536 : vector<16xf32>
        %add3A_1976 = arith.addf %mul3A_1969, %mul3A_1975 : vector<16xf32>
        %reduce_sum3A_1977 = arith.constant true
        %reduce_sum3A_1978 = vector.broadcast %reduce_sum3A_1977 : i1 to vector<16xi1>
        %reduce_sum3A_1979 = tpu.scan <sum>, %add3A_1976 masked %reduce_sum3A_1978 : vector<16xf32>, vector<16xi1> -> vector<16xf32>
        %reduce_sum3A_1980 = vector.extract %reduce_sum3A_1979[15] : f32 from vector<16xf32>
        %broadcast_in_dim3A_1981 = vector.broadcast %reduce_sum3A_1980 : f32 to vector<16xf32>
        %select_n3A_1982 = arith.select %eq3A_35, %broadcast_in_dim3A_1981, %select_n3A_1959 : vector<16xi1>, vector<16xf32>
        %mul3A_1983 = arith.constant 16 : i32
        %mul3A_1984 = arith.muli %scan3A_1775, %mul3A_1983 : i32
        %add3A_1985 = arith.constant 9 : i32
        %add3A_1986 = arith.addi %mul3A_1984, %add3A_1985 : i32
        %get3A_1987 = arith.constant 2 : i32
        %get3A_1988 = arith.index_cast %get3A_1987 : i32 to index
        %get3A_1989 = arith.index_cast %add3A_1986 : i32 to index
        %get3A_1990 = arith.constant 0 : index
        %get3A_1991 = tpu.vector_load %arg10[%get3A_1988, %get3A_1989, %get3A_1990] {strides = array<i32>} : memref<4x120x32xf32, #tpu.memory_space<vmem>>, vector<16xf32>,
        %mul3A_1992 = arith.mulf %get3A_1991, %get3A_533 : vector<16xf32>
        %get3A_1993 = arith.constant 2 : i32
        %get3A_1994 = arith.index_cast %get3A_1993 : i32 to index
        %get3A_1995 = arith.index_cast %add3A_1986 : i32 to index
        %get3A_1996 = arith.constant 16 : index
        %get3A_1997 = tpu.vector_load %arg10[%get3A_1994, %get3A_1995, %get3A_1996] {strides = array<i32>} : memref<4x120x32xf32, #tpu.memory_space<vmem>>, vector<16xf32>,
        %mul3A_1998 = arith.mulf %get3A_1997, %get3A_536 : vector<16xf32>
        %add3A_1999 = arith.addf %mul3A_1992, %mul3A_1998 : vector<16xf32>
        %reduce_sum3A_2000 = arith.constant true
        %reduce_sum3A_2001 = vector.broadcast %reduce_sum3A_2000 : i1 to vector<16xi1>
        %reduce_sum3A_2002 = tpu.scan <sum>, %add3A_1999 masked %reduce_sum3A_2001 : vector<16xf32>, vector<16xi1> -> vector<16xf32>
        %reduce_sum3A_2003 = vector.extract %reduce_sum3A_2002[15] : f32 from vector<16xf32>
        %broadcast_in_dim3A_2004 = vector.broadcast %reduce_sum3A_2003 : f32 to vector<16xf32>
        %select_n3A_2005 = arith.select %eq3A_38, %broadcast_in_dim3A_2004, %select_n3A_1982 : vector<16xi1>, vector<16xf32>
        %mul3A_2006 = arith.constant 16 : i32
        %mul3A_2007 = arith.muli %scan3A_1775, %mul3A_2006 : i32
        %add3A_2008 = arith.constant 10 : i32
        %add3A_2009 = arith.addi %mul3A_2007, %add3A_2008 : i32
        %get3A_2010 = arith.constant 2 : i32
        %get3A_2011 = arith.index_cast %get3A_2010 : i32 to index
        %get3A_2012 = arith.index_cast %add3A_2009 : i32 to index
        %get3A_2013 = arith.constant 0 : index
        %get3A_2014 = tpu.vector_load %arg10[%get3A_2011, %get3A_2012, %get3A_2013] {strides = array<i32>} : memref<4x120x32xf32, #tpu.memory_space<vmem>>, vector<16xf32>,
        %mul3A_2015 = arith.mulf %get3A_2014, %get3A_533 : vector<16xf32>
        %get3A_2016 = arith.constant 2 : i32
        %get3A_2017 = arith.index_cast %get3A_2016 : i32 to index
        %get3A_2018 = arith.index_cast %add3A_2009 : i32 to index
        %get3A_2019 = arith.constant 16 : index
        %get3A_2020 = tpu.vector_load %arg10[%get3A_2017, %get3A_2018, %get3A_2019] {strides = array<i32>} : memref<4x120x32xf32, #tpu.memory_space<vmem>>, vector<16xf32>,
        %mul3A_2021 = arith.mulf %get3A_2020, %get3A_536 : vector<16xf32>
        %add3A_2022 = arith.addf %mul3A_2015, %mul3A_2021 : vector<16xf32>
        %reduce_sum3A_2023 = arith.constant true
        %reduce_sum3A_2024 = vector.broadcast %reduce_sum3A_2023 : i1 to vector<16xi1>
        %reduce_sum3A_2025 = tpu.scan <sum>, %add3A_2022 masked %reduce_sum3A_2024 : vector<16xf32>, vector<16xi1> -> vector<16xf32>
        %reduce_sum3A_2026 = vector.extract %reduce_sum3A_2025[15] : f32 from vector<16xf32>
        %broadcast_in_dim3A_2027 = vector.broadcast %reduce_sum3A_2026 : f32 to vector<16xf32>
        %select_n3A_2028 = arith.select %eq3A_41, %broadcast_in_dim3A_2027, %select_n3A_2005 : vector<16xi1>, vector<16xf32>
        %mul3A_2029 = arith.constant 16 : i32
        %mul3A_2030 = arith.muli %scan3A_1775, %mul3A_2029 : i32
        %add3A_2031 = arith.constant 11 : i32
        %add3A_2032 = arith.addi %mul3A_2030, %add3A_2031 : i32
        %get3A_2033 = arith.constant 2 : i32
        %get3A_2034 = arith.index_cast %get3A_2033 : i32 to index
        %get3A_2035 = arith.index_cast %add3A_2032 : i32 to index
        %get3A_2036 = arith.constant 0 : index
        %get3A_2037 = tpu.vector_load %arg10[%get3A_2034, %get3A_2035, %get3A_2036] {strides = array<i32>} : memref<4x120x32xf32, #tpu.memory_space<vmem>>, vector<16xf32>,
        %mul3A_2038 = arith.mulf %get3A_2037, %get3A_533 : vector<16xf32>
        %get3A_2039 = arith.constant 2 : i32
        %get3A_2040 = arith.index_cast %get3A_2039 : i32 to index
        %get3A_2041 = arith.index_cast %add3A_2032 : i32 to index
        %get3A_2042 = arith.constant 16 : index
        %get3A_2043 = tpu.vector_load %arg10[%get3A_2040, %get3A_2041, %get3A_2042] {strides = array<i32>} : memref<4x120x32xf32, #tpu.memory_space<vmem>>, vector<16xf32>,
        %mul3A_2044 = arith.mulf %get3A_2043, %get3A_536 : vector<16xf32>
        %add3A_2045 = arith.addf %mul3A_2038, %mul3A_2044 : vector<16xf32>
        %reduce_sum3A_2046 = arith.constant true
        %reduce_sum3A_2047 = vector.broadcast %reduce_sum3A_2046 : i1 to vector<16xi1>
        %reduce_sum3A_2048 = tpu.scan <sum>, %add3A_2045 masked %reduce_sum3A_2047 : vector<16xf32>, vector<16xi1> -> vector<16xf32>
        %reduce_sum3A_2049 = vector.extract %reduce_sum3A_2048[15] : f32 from vector<16xf32>
        %broadcast_in_dim3A_2050 = vector.broadcast %reduce_sum3A_2049 : f32 to vector<16xf32>
        %select_n3A_2051 = arith.select %eq3A_44, %broadcast_in_dim3A_2050, %select_n3A_2028 : vector<16xi1>, vector<16xf32>
        %mul3A_2052 = arith.constant 16 : i32
        %mul3A_2053 = arith.muli %scan3A_1775, %mul3A_2052 : i32
        %add3A_2054 = arith.constant 12 : i32
        %add3A_2055 = arith.addi %mul3A_2053, %add3A_2054 : i32
        %get3A_2056 = arith.constant 2 : i32
        %get3A_2057 = arith.index_cast %get3A_2056 : i32 to index
        %get3A_2058 = arith.index_cast %add3A_2055 : i32 to index
        %get3A_2059 = arith.constant 0 : index
        %get3A_2060 = tpu.vector_load %arg10[%get3A_2057, %get3A_2058, %get3A_2059] {strides = array<i32>} : memref<4x120x32xf32, #tpu.memory_space<vmem>>, vector<16xf32>,
        %mul3A_2061 = arith.mulf %get3A_2060, %get3A_533 : vector<16xf32>
        %get3A_2062 = arith.constant 2 : i32
        %get3A_2063 = arith.index_cast %get3A_2062 : i32 to index
        %get3A_2064 = arith.index_cast %add3A_2055 : i32 to index
        %get3A_2065 = arith.constant 16 : index
        %get3A_2066 = tpu.vector_load %arg10[%get3A_2063, %get3A_2064, %get3A_2065] {strides = array<i32>} : memref<4x120x32xf32, #tpu.memory_space<vmem>>, vector<16xf32>,
        %mul3A_2067 = arith.mulf %get3A_2066, %get3A_536 : vector<16xf32>
        %add3A_2068 = arith.addf %mul3A_2061, %mul3A_2067 : vector<16xf32>
        %reduce_sum3A_2069 = arith.constant true
        %reduce_sum3A_2070 = vector.broadcast %reduce_sum3A_2069 : i1 to vector<16xi1>
        %reduce_sum3A_2071 = tpu.scan <sum>, %add3A_2068 masked %reduce_sum3A_2070 : vector<16xf32>, vector<16xi1> -> vector<16xf32>
        %reduce_sum3A_2072 = vector.extract %reduce_sum3A_2071[15] : f32 from vector<16xf32>
        %broadcast_in_dim3A_2073 = vector.broadcast %reduce_sum3A_2072 : f32 to vector<16xf32>
        %select_n3A_2074 = arith.select %eq3A_47, %broadcast_in_dim3A_2073, %select_n3A_2051 : vector<16xi1>, vector<16xf32>
        %mul3A_2075 = arith.constant 16 : i32
        %mul3A_2076 = arith.muli %scan3A_1775, %mul3A_2075 : i32
        %add3A_2077 = arith.constant 13 : i32
        %add3A_2078 = arith.addi %mul3A_2076, %add3A_2077 : i32
        %get3A_2079 = arith.constant 2 : i32
        %get3A_2080 = arith.index_cast %get3A_2079 : i32 to index
        %get3A_2081 = arith.index_cast %add3A_2078 : i32 to index
        %get3A_2082 = arith.constant 0 : index
        %get3A_2083 = tpu.vector_load %arg10[%get3A_2080, %get3A_2081, %get3A_2082] {strides = array<i32>} : memref<4x120x32xf32, #tpu.memory_space<vmem>>, vector<16xf32>,
        %mul3A_2084 = arith.mulf %get3A_2083, %get3A_533 : vector<16xf32>
        %get3A_2085 = arith.constant 2 : i32
        %get3A_2086 = arith.index_cast %get3A_2085 : i32 to index
        %get3A_2087 = arith.index_cast %add3A_2078 : i32 to index
        %get3A_2088 = arith.constant 16 : index
        %get3A_2089 = tpu.vector_load %arg10[%get3A_2086, %get3A_2087, %get3A_2088] {strides = array<i32>} : memref<4x120x32xf32, #tpu.memory_space<vmem>>, vector<16xf32>,
        %mul3A_2090 = arith.mulf %get3A_2089, %get3A_536 : vector<16xf32>
        %add3A_2091 = arith.addf %mul3A_2084, %mul3A_2090 : vector<16xf32>
        %reduce_sum3A_2092 = arith.constant true
        %reduce_sum3A_2093 = vector.broadcast %reduce_sum3A_2092 : i1 to vector<16xi1>
        %reduce_sum3A_2094 = tpu.scan <sum>, %add3A_2091 masked %reduce_sum3A_2093 : vector<16xf32>, vector<16xi1> -> vector<16xf32>
        %reduce_sum3A_2095 = vector.extract %reduce_sum3A_2094[15] : f32 from vector<16xf32>
        %broadcast_in_dim3A_2096 = vector.broadcast %reduce_sum3A_2095 : f32 to vector<16xf32>
        %select_n3A_2097 = arith.select %eq3A_50, %broadcast_in_dim3A_2096, %select_n3A_2074 : vector<16xi1>, vector<16xf32>
        %mul3A_2098 = arith.constant 16 : i32
        %mul3A_2099 = arith.muli %scan3A_1775, %mul3A_2098 : i32
        %add3A_2100 = arith.constant 14 : i32
        %add3A_2101 = arith.addi %mul3A_2099, %add3A_2100 : i32
        %get3A_2102 = arith.constant 2 : i32
        %get3A_2103 = arith.index_cast %get3A_2102 : i32 to index
        %get3A_2104 = arith.index_cast %add3A_2101 : i32 to index
        %get3A_2105 = arith.constant 0 : index
        %get3A_2106 = tpu.vector_load %arg10[%get3A_2103, %get3A_2104, %get3A_2105] {strides = array<i32>} : memref<4x120x32xf32, #tpu.memory_space<vmem>>, vector<16xf32>,
        %mul3A_2107 = arith.mulf %get3A_2106, %get3A_533 : vector<16xf32>
        %get3A_2108 = arith.constant 2 : i32
        %get3A_2109 = arith.index_cast %get3A_2108 : i32 to index
        %get3A_2110 = arith.index_cast %add3A_2101 : i32 to index
        %get3A_2111 = arith.constant 16 : index
        %get3A_2112 = tpu.vector_load %arg10[%get3A_2109, %get3A_2110, %get3A_2111] {strides = array<i32>} : memref<4x120x32xf32, #tpu.memory_space<vmem>>, vector<16xf32>,
        %mul3A_2113 = arith.mulf %get3A_2112, %get3A_536 : vector<16xf32>
        %add3A_2114 = arith.addf %mul3A_2107, %mul3A_2113 : vector<16xf32>
        %reduce_sum3A_2115 = arith.constant true
        %reduce_sum3A_2116 = vector.broadcast %reduce_sum3A_2115 : i1 to vector<16xi1>
        %reduce_sum3A_2117 = tpu.scan <sum>, %add3A_2114 masked %reduce_sum3A_2116 : vector<16xf32>, vector<16xi1> -> vector<16xf32>
        %reduce_sum3A_2118 = vector.extract %reduce_sum3A_2117[15] : f32 from vector<16xf32>
        %broadcast_in_dim3A_2119 = vector.broadcast %reduce_sum3A_2118 : f32 to vector<16xf32>
        %select_n3A_2120 = arith.select %eq3A_53, %broadcast_in_dim3A_2119, %select_n3A_2097 : vector<16xi1>, vector<16xf32>
        %mul3A_2121 = arith.constant 16 : i32
        %mul3A_2122 = arith.muli %scan3A_1775, %mul3A_2121 : i32
        %add3A_2123 = arith.constant 15 : i32
        %add3A_2124 = arith.addi %mul3A_2122, %add3A_2123 : i32
        %get3A_2125 = arith.constant 2 : i32
        %get3A_2126 = arith.index_cast %get3A_2125 : i32 to index
        %get3A_2127 = arith.index_cast %add3A_2124 : i32 to index
        %get3A_2128 = arith.constant 0 : index
        %get3A_2129 = tpu.vector_load %arg10[%get3A_2126, %get3A_2127, %get3A_2128] {strides = array<i32>} : memref<4x120x32xf32, #tpu.memory_space<vmem>>, vector<16xf32>,
        %mul3A_2130 = arith.mulf %get3A_2129, %get3A_533 : vector<16xf32>
        %get3A_2131 = arith.constant 2 : i32
        %get3A_2132 = arith.index_cast %get3A_2131 : i32 to index
        %get3A_2133 = arith.index_cast %add3A_2124 : i32 to index
        %get3A_2134 = arith.constant 16 : index
        %get3A_2135 = tpu.vector_load %arg10[%get3A_2132, %get3A_2133, %get3A_2134] {strides = array<i32>} : memref<4x120x32xf32, #tpu.memory_space<vmem>>, vector<16xf32>,
        %mul3A_2136 = arith.mulf %get3A_2135, %get3A_536 : vector<16xf32>
        %add3A_2137 = arith.addf %mul3A_2130, %mul3A_2136 : vector<16xf32>
        %reduce_sum3A_2138 = arith.constant true
        %reduce_sum3A_2139 = vector.broadcast %reduce_sum3A_2138 : i1 to vector<16xi1>
        %reduce_sum3A_2140 = tpu.scan <sum>, %add3A_2137 masked %reduce_sum3A_2139 : vector<16xf32>, vector<16xi1> -> vector<16xf32>
        %reduce_sum3A_2141 = vector.extract %reduce_sum3A_2140[15] : f32 from vector<16xf32>
        %broadcast_in_dim3A_2142 = vector.broadcast %reduce_sum3A_2141 : f32 to vector<16xf32>
        %select_n3A_2143 = arith.select %eq3A_56, %broadcast_in_dim3A_2142, %select_n3A_2120 : vector<16xi1>, vector<16xf32>
        %mul3A_2144 = arith.constant 16 : i32
        %mul3A_2145 = arith.muli %scan3A_1775, %mul3A_2144 : i32
        %swap3A_2146 = arith.constant 2 : i32
        %swap3A_2147 = arith.index_cast %swap3A_2146 : i32 to index
        %swap3A_2148 = arith.index_cast %mul3A_2145 : i32 to index
        %swap3A_2149 = tpu.vector_load %arg11[%swap3A_2147, %swap3A_2148] {strides = array<i32>} : memref<8x128xf32, #tpu.memory_space<vmem>>, vector<16xf32>,
        tpu.vector_store %arg11[%swap3A_2147, %swap3A_2148], %select_n3A_2143 {strides = array<i32>} : memref<8x128xf32, #tpu.memory_space<vmem>>, vector<16xf32>,
      }
      %scan3A_542 = arith.constant 7 : i32
      %get3A_543 = arith.constant 2 : i32
      %get3A_544 = arith.constant 112 : i32
      %get3A_545 = arith.index_cast %get3A_543 : i32 to index
      %get3A_546 = arith.index_cast %get3A_544 : i32 to index
      %get3A_547 = arith.constant 0 : index
      %get3A_548 = tpu.vector_load %arg10[%get3A_545, %get3A_546, %get3A_547] {strides = array<i32>} : memref<4x120x32xf32, #tpu.memory_space<vmem>>, vector<16xf32>,
      %mul3A_549 = arith.mulf %get3A_548, %get3A_533 : vector<16xf32>
      %get3A_550 = arith.constant 2 : i32
      %get3A_551 = arith.constant 112 : i32
      %get3A_552 = arith.index_cast %get3A_550 : i32 to index
      %get3A_553 = arith.index_cast %get3A_551 : i32 to index
      %get3A_554 = arith.constant 16 : index
      %get3A_555 = tpu.vector_load %arg10[%get3A_552, %get3A_553, %get3A_554] {strides = array<i32>} : memref<4x120x32xf32, #tpu.memory_space<vmem>>, vector<16xf32>,
      %mul3A_556 = arith.mulf %get3A_555, %get3A_536 : vector<16xf32>
      %add3A_557 = arith.addf %mul3A_549, %mul3A_556 : vector<16xf32>
      %reduce_sum3A_558 = arith.constant true
      %reduce_sum3A_559 = vector.broadcast %reduce_sum3A_558 : i1 to vector<16xi1>
      %reduce_sum3A_560 = tpu.scan <sum>, %add3A_557 masked %reduce_sum3A_559 : vector<16xf32>, vector<16xi1> -> vector<16xf32>
      %reduce_sum3A_561 = vector.extract %reduce_sum3A_560[15] : f32 from vector<16xf32>
      %broadcast_in_dim3A_562 = vector.broadcast %reduce_sum3A_561 : f32 to vector<16xf32>
      %select_n3A_563 = arith.select %eq3A_11, %broadcast_in_dim3A_562, %broadcast_in_dim3A_57 : vector<16xi1>, vector<16xf32>
      %get3A_564 = arith.constant 2 : i32
      %get3A_565 = arith.constant 113 : i32
      %get3A_566 = arith.index_cast %get3A_564 : i32 to index
      %get3A_567 = arith.index_cast %get3A_565 : i32 to index
      %get3A_568 = arith.constant 0 : index
      %get3A_569 = tpu.vector_load %arg10[%get3A_566, %get3A_567, %get3A_568] {strides = array<i32>} : memref<4x120x32xf32, #tpu.memory_space<vmem>>, vector<16xf32>,
      %mul3A_570 = arith.mulf %get3A_569, %get3A_533 : vector<16xf32>
      %get3A_571 = arith.constant 2 : i32
      %get3A_572 = arith.constant 113 : i32
      %get3A_573 = arith.index_cast %get3A_571 : i32 to index
      %get3A_574 = arith.index_cast %get3A_572 : i32 to index
      %get3A_575 = arith.constant 16 : index
      %get3A_576 = tpu.vector_load %arg10[%get3A_573, %get3A_574, %get3A_575] {strides = array<i32>} : memref<4x120x32xf32, #tpu.memory_space<vmem>>, vector<16xf32>,
      %mul3A_577 = arith.mulf %get3A_576, %get3A_536 : vector<16xf32>
      %add3A_578 = arith.addf %mul3A_570, %mul3A_577 : vector<16xf32>
      %reduce_sum3A_579 = arith.constant true
      %reduce_sum3A_580 = vector.broadcast %reduce_sum3A_579 : i1 to vector<16xi1>
      %reduce_sum3A_581 = tpu.scan <sum>, %add3A_578 masked %reduce_sum3A_580 : vector<16xf32>, vector<16xi1> -> vector<16xf32>
      %reduce_sum3A_582 = vector.extract %reduce_sum3A_581[15] : f32 from vector<16xf32>
      %broadcast_in_dim3A_583 = vector.broadcast %reduce_sum3A_582 : f32 to vector<16xf32>
      %select_n3A_584 = arith.select %eq3A_14, %broadcast_in_dim3A_583, %select_n3A_563 : vector<16xi1>, vector<16xf32>
      %get3A_585 = arith.constant 2 : i32
      %get3A_586 = arith.constant 114 : i32
      %get3A_587 = arith.index_cast %get3A_585 : i32 to index
      %get3A_588 = arith.index_cast %get3A_586 : i32 to index
      %get3A_589 = arith.constant 0 : index
      %get3A_590 = tpu.vector_load %arg10[%get3A_587, %get3A_588, %get3A_589] {strides = array<i32>} : memref<4x120x32xf32, #tpu.memory_space<vmem>>, vector<16xf32>,
      %mul3A_591 = arith.mulf %get3A_590, %get3A_533 : vector<16xf32>
      %get3A_592 = arith.constant 2 : i32
      %get3A_593 = arith.constant 114 : i32
      %get3A_594 = arith.index_cast %get3A_592 : i32 to index
      %get3A_595 = arith.index_cast %get3A_593 : i32 to index
      %get3A_596 = arith.constant 16 : index
      %get3A_597 = tpu.vector_load %arg10[%get3A_594, %get3A_595, %get3A_596] {strides = array<i32>} : memref<4x120x32xf32, #tpu.memory_space<vmem>>, vector<16xf32>,
      %mul3A_598 = arith.mulf %get3A_597, %get3A_536 : vector<16xf32>
      %add3A_599 = arith.addf %mul3A_591, %mul3A_598 : vector<16xf32>
      %reduce_sum3A_600 = arith.constant true
      %reduce_sum3A_601 = vector.broadcast %reduce_sum3A_600 : i1 to vector<16xi1>
      %reduce_sum3A_602 = tpu.scan <sum>, %add3A_599 masked %reduce_sum3A_601 : vector<16xf32>, vector<16xi1> -> vector<16xf32>
      %reduce_sum3A_603 = vector.extract %reduce_sum3A_602[15] : f32 from vector<16xf32>
      %broadcast_in_dim3A_604 = vector.broadcast %reduce_sum3A_603 : f32 to vector<16xf32>
      %select_n3A_605 = arith.select %eq3A_17, %broadcast_in_dim3A_604, %select_n3A_584 : vector<16xi1>, vector<16xf32>
      %get3A_606 = arith.constant 2 : i32
      %get3A_607 = arith.constant 115 : i32
      %get3A_608 = arith.index_cast %get3A_606 : i32 to index
      %get3A_609 = arith.index_cast %get3A_607 : i32 to index
      %get3A_610 = arith.constant 0 : index
      %get3A_611 = tpu.vector_load %arg10[%get3A_608, %get3A_609, %get3A_610] {strides = array<i32>} : memref<4x120x32xf32, #tpu.memory_space<vmem>>, vector<16xf32>,
      %mul3A_612 = arith.mulf %get3A_611, %get3A_533 : vector<16xf32>
      %get3A_613 = arith.constant 2 : i32
      %get3A_614 = arith.constant 115 : i32
      %get3A_615 = arith.index_cast %get3A_613 : i32 to index
      %get3A_616 = arith.index_cast %get3A_614 : i32 to index
      %get3A_617 = arith.constant 16 : index
      %get3A_618 = tpu.vector_load %arg10[%get3A_615, %get3A_616, %get3A_617] {strides = array<i32>} : memref<4x120x32xf32, #tpu.memory_space<vmem>>, vector<16xf32>,
      %mul3A_619 = arith.mulf %get3A_618, %get3A_536 : vector<16xf32>
      %add3A_620 = arith.addf %mul3A_612, %mul3A_619 : vector<16xf32>
      %reduce_sum3A_621 = arith.constant true
      %reduce_sum3A_622 = vector.broadcast %reduce_sum3A_621 : i1 to vector<16xi1>
      %reduce_sum3A_623 = tpu.scan <sum>, %add3A_620 masked %reduce_sum3A_622 : vector<16xf32>, vector<16xi1> -> vector<16xf32>
      %reduce_sum3A_624 = vector.extract %reduce_sum3A_623[15] : f32 from vector<16xf32>
      %broadcast_in_dim3A_625 = vector.broadcast %reduce_sum3A_624 : f32 to vector<16xf32>
      %select_n3A_626 = arith.select %eq3A_20, %broadcast_in_dim3A_625, %select_n3A_605 : vector<16xi1>, vector<16xf32>
      %get3A_627 = arith.constant 2 : i32
      %get3A_628 = arith.constant 116 : i32
      %get3A_629 = arith.index_cast %get3A_627 : i32 to index
      %get3A_630 = arith.index_cast %get3A_628 : i32 to index
      %get3A_631 = arith.constant 0 : index
      %get3A_632 = tpu.vector_load %arg10[%get3A_629, %get3A_630, %get3A_631] {strides = array<i32>} : memref<4x120x32xf32, #tpu.memory_space<vmem>>, vector<16xf32>,
      %mul3A_633 = arith.mulf %get3A_632, %get3A_533 : vector<16xf32>
      %get3A_634 = arith.constant 2 : i32
      %get3A_635 = arith.constant 116 : i32
      %get3A_636 = arith.index_cast %get3A_634 : i32 to index
      %get3A_637 = arith.index_cast %get3A_635 : i32 to index
      %get3A_638 = arith.constant 16 : index
      %get3A_639 = tpu.vector_load %arg10[%get3A_636, %get3A_637, %get3A_638] {strides = array<i32>} : memref<4x120x32xf32, #tpu.memory_space<vmem>>, vector<16xf32>,
      %mul3A_640 = arith.mulf %get3A_639, %get3A_536 : vector<16xf32>
      %add3A_641 = arith.addf %mul3A_633, %mul3A_640 : vector<16xf32>
      %reduce_sum3A_642 = arith.constant true
      %reduce_sum3A_643 = vector.broadcast %reduce_sum3A_642 : i1 to vector<16xi1>
      %reduce_sum3A_644 = tpu.scan <sum>, %add3A_641 masked %reduce_sum3A_643 : vector<16xf32>, vector<16xi1> -> vector<16xf32>
      %reduce_sum3A_645 = vector.extract %reduce_sum3A_644[15] : f32 from vector<16xf32>
      %broadcast_in_dim3A_646 = vector.broadcast %reduce_sum3A_645 : f32 to vector<16xf32>
      %select_n3A_647 = arith.select %eq3A_23, %broadcast_in_dim3A_646, %select_n3A_626 : vector<16xi1>, vector<16xf32>
      %get3A_648 = arith.constant 2 : i32
      %get3A_649 = arith.constant 117 : i32
      %get3A_650 = arith.index_cast %get3A_648 : i32 to index
      %get3A_651 = arith.index_cast %get3A_649 : i32 to index
      %get3A_652 = arith.constant 0 : index
      %get3A_653 = tpu.vector_load %arg10[%get3A_650, %get3A_651, %get3A_652] {strides = array<i32>} : memref<4x120x32xf32, #tpu.memory_space<vmem>>, vector<16xf32>,
      %mul3A_654 = arith.mulf %get3A_653, %get3A_533 : vector<16xf32>
      %get3A_655 = arith.constant 2 : i32
      %get3A_656 = arith.constant 117 : i32
      %get3A_657 = arith.index_cast %get3A_655 : i32 to index
      %get3A_658 = arith.index_cast %get3A_656 : i32 to index
      %get3A_659 = arith.constant 16 : index
      %get3A_660 = tpu.vector_load %arg10[%get3A_657, %get3A_658, %get3A_659] {strides = array<i32>} : memref<4x120x32xf32, #tpu.memory_space<vmem>>, vector<16xf32>,
      %mul3A_661 = arith.mulf %get3A_660, %get3A_536 : vector<16xf32>
      %add3A_662 = arith.addf %mul3A_654, %mul3A_661 : vector<16xf32>
      %reduce_sum3A_663 = arith.constant true
      %reduce_sum3A_664 = vector.broadcast %reduce_sum3A_663 : i1 to vector<16xi1>
      %reduce_sum3A_665 = tpu.scan <sum>, %add3A_662 masked %reduce_sum3A_664 : vector<16xf32>, vector<16xi1> -> vector<16xf32>
      %reduce_sum3A_666 = vector.extract %reduce_sum3A_665[15] : f32 from vector<16xf32>
      %broadcast_in_dim3A_667 = vector.broadcast %reduce_sum3A_666 : f32 to vector<16xf32>
      %select_n3A_668 = arith.select %eq3A_26, %broadcast_in_dim3A_667, %select_n3A_647 : vector<16xi1>, vector<16xf32>
      %get3A_669 = arith.constant 2 : i32
      %get3A_670 = arith.constant 118 : i32
      %get3A_671 = arith.index_cast %get3A_669 : i32 to index
      %get3A_672 = arith.index_cast %get3A_670 : i32 to index
      %get3A_673 = arith.constant 0 : index
      %get3A_674 = tpu.vector_load %arg10[%get3A_671, %get3A_672, %get3A_673] {strides = array<i32>} : memref<4x120x32xf32, #tpu.memory_space<vmem>>, vector<16xf32>,
      %mul3A_675 = arith.mulf %get3A_674, %get3A_533 : vector<16xf32>
      %get3A_676 = arith.constant 2 : i32
      %get3A_677 = arith.constant 118 : i32
      %get3A_678 = arith.index_cast %get3A_676 : i32 to index
      %get3A_679 = arith.index_cast %get3A_677 : i32 to index
      %get3A_680 = arith.constant 16 : index
      %get3A_681 = tpu.vector_load %arg10[%get3A_678, %get3A_679, %get3A_680] {strides = array<i32>} : memref<4x120x32xf32, #tpu.memory_space<vmem>>, vector<16xf32>,
      %mul3A_682 = arith.mulf %get3A_681, %get3A_536 : vector<16xf32>
      %add3A_683 = arith.addf %mul3A_675, %mul3A_682 : vector<16xf32>
      %reduce_sum3A_684 = arith.constant true
      %reduce_sum3A_685 = vector.broadcast %reduce_sum3A_684 : i1 to vector<16xi1>
      %reduce_sum3A_686 = tpu.scan <sum>, %add3A_683 masked %reduce_sum3A_685 : vector<16xf32>, vector<16xi1> -> vector<16xf32>
      %reduce_sum3A_687 = vector.extract %reduce_sum3A_686[15] : f32 from vector<16xf32>
      %broadcast_in_dim3A_688 = vector.broadcast %reduce_sum3A_687 : f32 to vector<16xf32>
      %select_n3A_689 = arith.select %eq3A_29, %broadcast_in_dim3A_688, %select_n3A_668 : vector<16xi1>, vector<16xf32>
      %get3A_690 = arith.constant 2 : i32
      %get3A_691 = arith.constant 119 : i32
      %get3A_692 = arith.index_cast %get3A_690 : i32 to index
      %get3A_693 = arith.index_cast %get3A_691 : i32 to index
      %get3A_694 = arith.constant 0 : index
      %get3A_695 = tpu.vector_load %arg10[%get3A_692, %get3A_693, %get3A_694] {strides = array<i32>} : memref<4x120x32xf32, #tpu.memory_space<vmem>>, vector<16xf32>,
      %mul3A_696 = arith.mulf %get3A_695, %get3A_533 : vector<16xf32>
      %get3A_697 = arith.constant 2 : i32
      %get3A_698 = arith.constant 119 : i32
      %get3A_699 = arith.index_cast %get3A_697 : i32 to index
      %get3A_700 = arith.index_cast %get3A_698 : i32 to index
      %get3A_701 = arith.constant 16 : index
      %get3A_702 = tpu.vector_load %arg10[%get3A_699, %get3A_700, %get3A_701] {strides = array<i32>} : memref<4x120x32xf32, #tpu.memory_space<vmem>>, vector<16xf32>,
      %mul3A_703 = arith.mulf %get3A_702, %get3A_536 : vector<16xf32>
      %add3A_704 = arith.addf %mul3A_696, %mul3A_703 : vector<16xf32>
      %reduce_sum3A_705 = arith.constant true
      %reduce_sum3A_706 = vector.broadcast %reduce_sum3A_705 : i1 to vector<16xi1>
      %reduce_sum3A_707 = tpu.scan <sum>, %add3A_704 masked %reduce_sum3A_706 : vector<16xf32>, vector<16xi1> -> vector<16xf32>
      %reduce_sum3A_708 = vector.extract %reduce_sum3A_707[15] : f32 from vector<16xf32>
      %broadcast_in_dim3A_709 = vector.broadcast %reduce_sum3A_708 : f32 to vector<16xf32>
      %select_n3A_710 = arith.select %eq3A_32, %broadcast_in_dim3A_709, %select_n3A_689 : vector<16xi1>, vector<16xf32>
      %swap3A_711 = arith.constant 2 : i32
      %swap3A_712 = arith.index_cast %swap3A_711 : i32 to index
      %swap3A_713 = arith.constant 112 : index
      %swap3A_714 = tpu.vector_load %arg11[%swap3A_712, %swap3A_713] {strides = array<i32>} : memref<8x128xf32, #tpu.memory_space<vmem>>, vector<16xf32>,
      tpu.vector_store %arg11[%swap3A_712, %swap3A_713], %select_n3A_710 {strides = array<i32>} : memref<8x128xf32, #tpu.memory_space<vmem>>, vector<16xf32>,
      %add3A_715 = arith.constant 4 : i32
      %add3A_716 = arith.addi %add3A_515, %add3A_715 : i32
      %sub3A_717 = arith.constant 1 : i32
      %sub3A_718 = arith.subi %add3A_716, %sub3A_717 : i32
      %lt3A_719 = arith.constant 128 : i32
      %lt3A_720 = arith.cmpi slt, %sub3A_718, %lt3A_719 : i32
      %convert_element_type3A_721 = arith.extui %lt3A_720 : i1 to i32
      %cond3A_722 = arith.constant 0 : i32
      %cond3A_723 = arith.cmpi ne, %convert_element_type3A_721, %cond3A_722 : i32
      scf.if %cond3A_723 {
        %add3A_1775 = arith.constant 4 : i32
        %add3A_1776 = arith.addi %add3A_515, %add3A_1775 : i32
        %sub3A_1777 = arith.constant 1 : i32
        %sub3A_1778 = arith.subi %add3A_1776, %sub3A_1777 : i32
        %dma_start3A_1779 = arith.constant 1 : i32
        %dma_start3A_1780 = arith.constant 0 : i32
        %dma_start3A_1781 = arith.constant 0 : i32
        %dma_start3A_1782 = tpu.memref_slice %arg10[%dma_start3A_1779, %dma_start3A_1780, %dma_start3A_1781] : memref<4x120x32xf32, #tpu.memory_space<vmem>> -> memref<1x120x32xf32, #tpu.memory_space<vmem>>
        %dma_start3A_1783 = tpu.memref_squeeze %dma_start3A_1782 : memref<1x120x32xf32, #tpu.memory_space<vmem>> -> memref<120x32xf32, #tpu.memory_space<vmem>>
        %dma_start3A_1784 = arith.constant 0 : i32
        %dma_start3A_1785 = tpu.memref_slice %arg8[%sub3A_1778, %dma_start3A_1784] : memref<128x120xi32, #tpu.memory_space<vmem>> -> memref<1x120xi32, #tpu.memory_space<vmem>>
        %dma_start3A_1786 = tpu.memref_squeeze %dma_start3A_1785 : memref<1x120xi32, #tpu.memory_space<vmem>> -> memref<120xi32, #tpu.memory_space<vmem>>
        %dma_start3A_1787 = arith.constant 0 : i32
        %dma_start3A_1788 = arith.constant 0 : i32
        %dma_start3A_1789 = tpu.memref_slice %arg5[%dma_start3A_1787, %dma_start3A_1788] : memref<1000000x32xf32, #tpu.memory_space<hbm>> -> memref<1000000x32xf32, #tpu.memory_space<hbm>>
        tpu.enqueue_indirect_dma source(%dma_start3A_1789 : memref<1000000x32xf32, #tpu.memory_space<hbm>>) target(%dma_start3A_1783 : memref<120x32xf32, #tpu.memory_space<vmem>>) offsets(%dma_start3A_1786 : memref<120xi32, #tpu.memory_space<vmem>>) semaphore(%arg13 : memref<!tpu.dma_semaphore, #tpu.memory_space<semaphore_mem>>)
      } else {
      }
      %add3A_724 = arith.constant 3 : i32
      %add3A_725 = arith.addi %mul3A_101, %add3A_724 : i32
      %dma_wait3A_726 = arith.constant 3 : i32
      %dma_wait3A_727 = arith.constant 0 : i32
      %dma_wait3A_728 = arith.constant 0 : i32
      %dma_wait3A_729 = tpu.memref_slice %arg10[%dma_wait3A_726, %dma_wait3A_727, %dma_wait3A_728] : memref<4x120x32xf32, #tpu.memory_space<vmem>> -> memref<1x120x32xf32, #tpu.memory_space<vmem>>
      %dma_wait3A_730 = tpu.memref_squeeze %dma_wait3A_729 : memref<1x120x32xf32, #tpu.memory_space<vmem>> -> memref<120x32xf32, #tpu.memory_space<vmem>>
      %dma_wait3A_731 = arith.constant 0 : i32
      %dma_wait3A_732 = arith.constant 0 : i32
      %dma_wait3A_733 = tpu.memref_slice %arg5[%dma_wait3A_731, %dma_wait3A_732] : memref<1000000x32xf32, #tpu.memory_space<hbm>> -> memref<120x32xf32, #tpu.memory_space<hbm>>
      %dma_wait3A_734 = arith.constant 0 : i32
      %dma_wait3A_735 = arith.constant 0 : i32
      %dma_wait3A_736 = tpu.memref_slice %arg10[%dma_wait3A_726, %dma_wait3A_734, %dma_wait3A_735] : memref<4x120x32xf32, #tpu.memory_space<vmem>> -> memref<1x120x32xf32, #tpu.memory_space<vmem>>
      %dma_wait3A_737 = tpu.memref_squeeze %dma_wait3A_736 : memref<1x120x32xf32, #tpu.memory_space<vmem>> -> memref<120x32xf32, #tpu.memory_space<vmem>>
      %dma_wait3A_738 = arith.constant 0 : i32
      %dma_wait3A_739 = arith.constant 0 : i32
      %dma_wait3A_740 = tpu.memref_slice %arg5[%dma_wait3A_738, %dma_wait3A_739] : memref<1000000x32xf32, #tpu.memory_space<hbm>> -> memref<120x32xf32, #tpu.memory_space<hbm>>
      tpu.wait_dma2 semaphore(%arg15 : memref<!tpu.dma_semaphore, #tpu.memory_space<semaphore_mem>>) src(%dma_wait3A_740 : memref<120x32xf32, #tpu.memory_space<hbm>>) dst(%dma_wait3A_737 : memref<120x32xf32, #tpu.memory_space<vmem>>)
      %get3A_741 = arith.index_cast %add3A_725 : i32 to index
      %get3A_742 = arith.constant 0 : index
      %get3A_743 = tpu.vector_load %arg9[%get3A_741, %get3A_742] {strides = array<i32>} : memref<128x32xf32, #tpu.memory_space<vmem>>, vector<16xf32>,
      %get3A_744 = arith.index_cast %add3A_725 : i32 to index
      %get3A_745 = arith.constant 16 : index
      %get3A_746 = tpu.vector_load %arg9[%get3A_744, %get3A_745] {strides = array<i32>} : memref<128x32xf32, #tpu.memory_space<vmem>>, vector<16xf32>,
      %scan3A_747 = arith.constant 0 : i32
      %scan3A_748 = arith.constant 0 : i32
      %scan3A_749 = arith.constant 7 : i32
      %scan3A_750 = arith.addi %scan3A_748, %scan3A_749 : i32
      %scan3A_751 = arith.constant 1 : i32
      scf.for %scan3A_1775 = %scan3A_748 to %scan3A_750 step %scan3A_751  : i32 {
        %mul3A_1776 = arith.constant 16 : i32
        %mul3A_1777 = arith.muli %scan3A_1775, %mul3A_1776 : i32
        %add3A_1778 = arith.constant 0 : i32
        %add3A_1779 = arith.addi %mul3A_1777, %add3A_1778 : i32
        %get3A_1780 = arith.constant 3 : i32
        %get3A_1781 = arith.index_cast %get3A_1780 : i32 to index
        %get3A_1782 = arith.index_cast %add3A_1779 : i32 to index
        %get3A_1783 = arith.constant 0 : index
        %get3A_1784 = tpu.vector_load %arg10[%get3A_1781, %get3A_1782, %get3A_1783] {strides = array<i32>} : memref<4x120x32xf32, #tpu.memory_space<vmem>>, vector<16xf32>,
        %mul3A_1785 = arith.mulf %get3A_1784, %get3A_743 : vector<16xf32>
        %get3A_1786 = arith.constant 3 : i32
        %get3A_1787 = arith.index_cast %get3A_1786 : i32 to index
        %get3A_1788 = arith.index_cast %add3A_1779 : i32 to index
        %get3A_1789 = arith.constant 16 : index
        %get3A_1790 = tpu.vector_load %arg10[%get3A_1787, %get3A_1788, %get3A_1789] {strides = array<i32>} : memref<4x120x32xf32, #tpu.memory_space<vmem>>, vector<16xf32>,
        %mul3A_1791 = arith.mulf %get3A_1790, %get3A_746 : vector<16xf32>
        %add3A_1792 = arith.addf %mul3A_1785, %mul3A_1791 : vector<16xf32>
        %reduce_sum3A_1793 = arith.constant true
        %reduce_sum3A_1794 = vector.broadcast %reduce_sum3A_1793 : i1 to vector<16xi1>
        %reduce_sum3A_1795 = tpu.scan <sum>, %add3A_1792 masked %reduce_sum3A_1794 : vector<16xf32>, vector<16xi1> -> vector<16xf32>
        %reduce_sum3A_1796 = vector.extract %reduce_sum3A_1795[15] : f32 from vector<16xf32>
        %broadcast_in_dim3A_1797 = vector.broadcast %reduce_sum3A_1796 : f32 to vector<16xf32>
        %select_n3A_1798 = arith.select %eq3A_11, %broadcast_in_dim3A_1797, %broadcast_in_dim3A_57 : vector<16xi1>, vector<16xf32>
        %mul3A_1799 = arith.constant 16 : i32
        %mul3A_1800 = arith.muli %scan3A_1775, %mul3A_1799 : i32
        %add3A_1801 = arith.constant 1 : i32
        %add3A_1802 = arith.addi %mul3A_1800, %add3A_1801 : i32
        %get3A_1803 = arith.constant 3 : i32
        %get3A_1804 = arith.index_cast %get3A_1803 : i32 to index
        %get3A_1805 = arith.index_cast %add3A_1802 : i32 to index
        %get3A_1806 = arith.constant 0 : index
        %get3A_1807 = tpu.vector_load %arg10[%get3A_1804, %get3A_1805, %get3A_1806] {strides = array<i32>} : memref<4x120x32xf32, #tpu.memory_space<vmem>>, vector<16xf32>,
        %mul3A_1808 = arith.mulf %get3A_1807, %get3A_743 : vector<16xf32>
        %get3A_1809 = arith.constant 3 : i32
        %get3A_1810 = arith.index_cast %get3A_1809 : i32 to index
        %get3A_1811 = arith.index_cast %add3A_1802 : i32 to index
        %get3A_1812 = arith.constant 16 : index
        %get3A_1813 = tpu.vector_load %arg10[%get3A_1810, %get3A_1811, %get3A_1812] {strides = array<i32>} : memref<4x120x32xf32, #tpu.memory_space<vmem>>, vector<16xf32>,
        %mul3A_1814 = arith.mulf %get3A_1813, %get3A_746 : vector<16xf32>
        %add3A_1815 = arith.addf %mul3A_1808, %mul3A_1814 : vector<16xf32>
        %reduce_sum3A_1816 = arith.constant true
        %reduce_sum3A_1817 = vector.broadcast %reduce_sum3A_1816 : i1 to vector<16xi1>
        %reduce_sum3A_1818 = tpu.scan <sum>, %add3A_1815 masked %reduce_sum3A_1817 : vector<16xf32>, vector<16xi1> -> vector<16xf32>
        %reduce_sum3A_1819 = vector.extract %reduce_sum3A_1818[15] : f32 from vector<16xf32>
        %broadcast_in_dim3A_1820 = vector.broadcast %reduce_sum3A_1819 : f32 to vector<16xf32>
        %select_n3A_1821 = arith.select %eq3A_14, %broadcast_in_dim3A_1820, %select_n3A_1798 : vector<16xi1>, vector<16xf32>
        %mul3A_1822 = arith.constant 16 : i32
        %mul3A_1823 = arith.muli %scan3A_1775, %mul3A_1822 : i32
        %add3A_1824 = arith.constant 2 : i32
        %add3A_1825 = arith.addi %mul3A_1823, %add3A_1824 : i32
        %get3A_1826 = arith.constant 3 : i32
        %get3A_1827 = arith.index_cast %get3A_1826 : i32 to index
        %get3A_1828 = arith.index_cast %add3A_1825 : i32 to index
        %get3A_1829 = arith.constant 0 : index
        %get3A_1830 = tpu.vector_load %arg10[%get3A_1827, %get3A_1828, %get3A_1829] {strides = array<i32>} : memref<4x120x32xf32, #tpu.memory_space<vmem>>, vector<16xf32>,
        %mul3A_1831 = arith.mulf %get3A_1830, %get3A_743 : vector<16xf32>
        %get3A_1832 = arith.constant 3 : i32
        %get3A_1833 = arith.index_cast %get3A_1832 : i32 to index
        %get3A_1834 = arith.index_cast %add3A_1825 : i32 to index
        %get3A_1835 = arith.constant 16 : index
        %get3A_1836 = tpu.vector_load %arg10[%get3A_1833, %get3A_1834, %get3A_1835] {strides = array<i32>} : memref<4x120x32xf32, #tpu.memory_space<vmem>>, vector<16xf32>,
        %mul3A_1837 = arith.mulf %get3A_1836, %get3A_746 : vector<16xf32>
        %add3A_1838 = arith.addf %mul3A_1831, %mul3A_1837 : vector<16xf32>
        %reduce_sum3A_1839 = arith.constant true
        %reduce_sum3A_1840 = vector.broadcast %reduce_sum3A_1839 : i1 to vector<16xi1>
        %reduce_sum3A_1841 = tpu.scan <sum>, %add3A_1838 masked %reduce_sum3A_1840 : vector<16xf32>, vector<16xi1> -> vector<16xf32>
        %reduce_sum3A_1842 = vector.extract %reduce_sum3A_1841[15] : f32 from vector<16xf32>
        %broadcast_in_dim3A_1843 = vector.broadcast %reduce_sum3A_1842 : f32 to vector<16xf32>
        %select_n3A_1844 = arith.select %eq3A_17, %broadcast_in_dim3A_1843, %select_n3A_1821 : vector<16xi1>, vector<16xf32>
        %mul3A_1845 = arith.constant 16 : i32
        %mul3A_1846 = arith.muli %scan3A_1775, %mul3A_1845 : i32
        %add3A_1847 = arith.constant 3 : i32
        %add3A_1848 = arith.addi %mul3A_1846, %add3A_1847 : i32
        %get3A_1849 = arith.constant 3 : i32
        %get3A_1850 = arith.index_cast %get3A_1849 : i32 to index
        %get3A_1851 = arith.index_cast %add3A_1848 : i32 to index
        %get3A_1852 = arith.constant 0 : index
        %get3A_1853 = tpu.vector_load %arg10[%get3A_1850, %get3A_1851, %get3A_1852] {strides = array<i32>} : memref<4x120x32xf32, #tpu.memory_space<vmem>>, vector<16xf32>,
        %mul3A_1854 = arith.mulf %get3A_1853, %get3A_743 : vector<16xf32>
        %get3A_1855 = arith.constant 3 : i32
        %get3A_1856 = arith.index_cast %get3A_1855 : i32 to index
        %get3A_1857 = arith.index_cast %add3A_1848 : i32 to index
        %get3A_1858 = arith.constant 16 : index
        %get3A_1859 = tpu.vector_load %arg10[%get3A_1856, %get3A_1857, %get3A_1858] {strides = array<i32>} : memref<4x120x32xf32, #tpu.memory_space<vmem>>, vector<16xf32>,
        %mul3A_1860 = arith.mulf %get3A_1859, %get3A_746 : vector<16xf32>
        %add3A_1861 = arith.addf %mul3A_1854, %mul3A_1860 : vector<16xf32>
        %reduce_sum3A_1862 = arith.constant true
        %reduce_sum3A_1863 = vector.broadcast %reduce_sum3A_1862 : i1 to vector<16xi1>
        %reduce_sum3A_1864 = tpu.scan <sum>, %add3A_1861 masked %reduce_sum3A_1863 : vector<16xf32>, vector<16xi1> -> vector<16xf32>
        %reduce_sum3A_1865 = vector.extract %reduce_sum3A_1864[15] : f32 from vector<16xf32>
        %broadcast_in_dim3A_1866 = vector.broadcast %reduce_sum3A_1865 : f32 to vector<16xf32>
        %select_n3A_1867 = arith.select %eq3A_20, %broadcast_in_dim3A_1866, %select_n3A_1844 : vector<16xi1>, vector<16xf32>
        %mul3A_1868 = arith.constant 16 : i32
        %mul3A_1869 = arith.muli %scan3A_1775, %mul3A_1868 : i32
        %add3A_1870 = arith.constant 4 : i32
        %add3A_1871 = arith.addi %mul3A_1869, %add3A_1870 : i32
        %get3A_1872 = arith.constant 3 : i32
        %get3A_1873 = arith.index_cast %get3A_1872 : i32 to index
        %get3A_1874 = arith.index_cast %add3A_1871 : i32 to index
        %get3A_1875 = arith.constant 0 : index
        %get3A_1876 = tpu.vector_load %arg10[%get3A_1873, %get3A_1874, %get3A_1875] {strides = array<i32>} : memref<4x120x32xf32, #tpu.memory_space<vmem>>, vector<16xf32>,
        %mul3A_1877 = arith.mulf %get3A_1876, %get3A_743 : vector<16xf32>
        %get3A_1878 = arith.constant 3 : i32
        %get3A_1879 = arith.index_cast %get3A_1878 : i32 to index
        %get3A_1880 = arith.index_cast %add3A_1871 : i32 to index
        %get3A_1881 = arith.constant 16 : index
        %get3A_1882 = tpu.vector_load %arg10[%get3A_1879, %get3A_1880, %get3A_1881] {strides = array<i32>} : memref<4x120x32xf32, #tpu.memory_space<vmem>>, vector<16xf32>,
        %mul3A_1883 = arith.mulf %get3A_1882, %get3A_746 : vector<16xf32>
        %add3A_1884 = arith.addf %mul3A_1877, %mul3A_1883 : vector<16xf32>
        %reduce_sum3A_1885 = arith.constant true
        %reduce_sum3A_1886 = vector.broadcast %reduce_sum3A_1885 : i1 to vector<16xi1>
        %reduce_sum3A_1887 = tpu.scan <sum>, %add3A_1884 masked %reduce_sum3A_1886 : vector<16xf32>, vector<16xi1> -> vector<16xf32>
        %reduce_sum3A_1888 = vector.extract %reduce_sum3A_1887[15] : f32 from vector<16xf32>
        %broadcast_in_dim3A_1889 = vector.broadcast %reduce_sum3A_1888 : f32 to vector<16xf32>
        %select_n3A_1890 = arith.select %eq3A_23, %broadcast_in_dim3A_1889, %select_n3A_1867 : vector<16xi1>, vector<16xf32>
        %mul3A_1891 = arith.constant 16 : i32
        %mul3A_1892 = arith.muli %scan3A_1775, %mul3A_1891 : i32
        %add3A_1893 = arith.constant 5 : i32
        %add3A_1894 = arith.addi %mul3A_1892, %add3A_1893 : i32
        %get3A_1895 = arith.constant 3 : i32
        %get3A_1896 = arith.index_cast %get3A_1895 : i32 to index
        %get3A_1897 = arith.index_cast %add3A_1894 : i32 to index
        %get3A_1898 = arith.constant 0 : index
        %get3A_1899 = tpu.vector_load %arg10[%get3A_1896, %get3A_1897, %get3A_1898] {strides = array<i32>} : memref<4x120x32xf32, #tpu.memory_space<vmem>>, vector<16xf32>,
        %mul3A_1900 = arith.mulf %get3A_1899, %get3A_743 : vector<16xf32>
        %get3A_1901 = arith.constant 3 : i32
        %get3A_1902 = arith.index_cast %get3A_1901 : i32 to index
        %get3A_1903 = arith.index_cast %add3A_1894 : i32 to index
        %get3A_1904 = arith.constant 16 : index
        %get3A_1905 = tpu.vector_load %arg10[%get3A_1902, %get3A_1903, %get3A_1904] {strides = array<i32>} : memref<4x120x32xf32, #tpu.memory_space<vmem>>, vector<16xf32>,
        %mul3A_1906 = arith.mulf %get3A_1905, %get3A_746 : vector<16xf32>
        %add3A_1907 = arith.addf %mul3A_1900, %mul3A_1906 : vector<16xf32>
        %reduce_sum3A_1908 = arith.constant true
        %reduce_sum3A_1909 = vector.broadcast %reduce_sum3A_1908 : i1 to vector<16xi1>
        %reduce_sum3A_1910 = tpu.scan <sum>, %add3A_1907 masked %reduce_sum3A_1909 : vector<16xf32>, vector<16xi1> -> vector<16xf32>
        %reduce_sum3A_1911 = vector.extract %reduce_sum3A_1910[15] : f32 from vector<16xf32>
        %broadcast_in_dim3A_1912 = vector.broadcast %reduce_sum3A_1911 : f32 to vector<16xf32>
        %select_n3A_1913 = arith.select %eq3A_26, %broadcast_in_dim3A_1912, %select_n3A_1890 : vector<16xi1>, vector<16xf32>
        %mul3A_1914 = arith.constant 16 : i32
        %mul3A_1915 = arith.muli %scan3A_1775, %mul3A_1914 : i32
        %add3A_1916 = arith.constant 6 : i32
        %add3A_1917 = arith.addi %mul3A_1915, %add3A_1916 : i32
        %get3A_1918 = arith.constant 3 : i32
        %get3A_1919 = arith.index_cast %get3A_1918 : i32 to index
        %get3A_1920 = arith.index_cast %add3A_1917 : i32 to index
        %get3A_1921 = arith.constant 0 : index
        %get3A_1922 = tpu.vector_load %arg10[%get3A_1919, %get3A_1920, %get3A_1921] {strides = array<i32>} : memref<4x120x32xf32, #tpu.memory_space<vmem>>, vector<16xf32>,
        %mul3A_1923 = arith.mulf %get3A_1922, %get3A_743 : vector<16xf32>
        %get3A_1924 = arith.constant 3 : i32
        %get3A_1925 = arith.index_cast %get3A_1924 : i32 to index
        %get3A_1926 = arith.index_cast %add3A_1917 : i32 to index
        %get3A_1927 = arith.constant 16 : index
        %get3A_1928 = tpu.vector_load %arg10[%get3A_1925, %get3A_1926, %get3A_1927] {strides = array<i32>} : memref<4x120x32xf32, #tpu.memory_space<vmem>>, vector<16xf32>,
        %mul3A_1929 = arith.mulf %get3A_1928, %get3A_746 : vector<16xf32>
        %add3A_1930 = arith.addf %mul3A_1923, %mul3A_1929 : vector<16xf32>
        %reduce_sum3A_1931 = arith.constant true
        %reduce_sum3A_1932 = vector.broadcast %reduce_sum3A_1931 : i1 to vector<16xi1>
        %reduce_sum3A_1933 = tpu.scan <sum>, %add3A_1930 masked %reduce_sum3A_1932 : vector<16xf32>, vector<16xi1> -> vector<16xf32>
        %reduce_sum3A_1934 = vector.extract %reduce_sum3A_1933[15] : f32 from vector<16xf32>
        %broadcast_in_dim3A_1935 = vector.broadcast %reduce_sum3A_1934 : f32 to vector<16xf32>
        %select_n3A_1936 = arith.select %eq3A_29, %broadcast_in_dim3A_1935, %select_n3A_1913 : vector<16xi1>, vector<16xf32>
        %mul3A_1937 = arith.constant 16 : i32
        %mul3A_1938 = arith.muli %scan3A_1775, %mul3A_1937 : i32
        %add3A_1939 = arith.constant 7 : i32
        %add3A_1940 = arith.addi %mul3A_1938, %add3A_1939 : i32
        %get3A_1941 = arith.constant 3 : i32
        %get3A_1942 = arith.index_cast %get3A_1941 : i32 to index
        %get3A_1943 = arith.index_cast %add3A_1940 : i32 to index
        %get3A_1944 = arith.constant 0 : index
        %get3A_1945 = tpu.vector_load %arg10[%get3A_1942, %get3A_1943, %get3A_1944] {strides = array<i32>} : memref<4x120x32xf32, #tpu.memory_space<vmem>>, vector<16xf32>,
        %mul3A_1946 = arith.mulf %get3A_1945, %get3A_743 : vector<16xf32>
        %get3A_1947 = arith.constant 3 : i32
        %get3A_1948 = arith.index_cast %get3A_1947 : i32 to index
        %get3A_1949 = arith.index_cast %add3A_1940 : i32 to index
        %get3A_1950 = arith.constant 16 : index
        %get3A_1951 = tpu.vector_load %arg10[%get3A_1948, %get3A_1949, %get3A_1950] {strides = array<i32>} : memref<4x120x32xf32, #tpu.memory_space<vmem>>, vector<16xf32>,
        %mul3A_1952 = arith.mulf %get3A_1951, %get3A_746 : vector<16xf32>
        %add3A_1953 = arith.addf %mul3A_1946, %mul3A_1952 : vector<16xf32>
        %reduce_sum3A_1954 = arith.constant true
        %reduce_sum3A_1955 = vector.broadcast %reduce_sum3A_1954 : i1 to vector<16xi1>
        %reduce_sum3A_1956 = tpu.scan <sum>, %add3A_1953 masked %reduce_sum3A_1955 : vector<16xf32>, vector<16xi1> -> vector<16xf32>
        %reduce_sum3A_1957 = vector.extract %reduce_sum3A_1956[15] : f32 from vector<16xf32>
        %broadcast_in_dim3A_1958 = vector.broadcast %reduce_sum3A_1957 : f32 to vector<16xf32>
        %select_n3A_1959 = arith.select %eq3A_32, %broadcast_in_dim3A_1958, %select_n3A_1936 : vector<16xi1>, vector<16xf32>
        %mul3A_1960 = arith.constant 16 : i32
        %mul3A_1961 = arith.muli %scan3A_1775, %mul3A_1960 : i32
        %add3A_1962 = arith.constant 8 : i32
        %add3A_1963 = arith.addi %mul3A_1961, %add3A_1962 : i32
        %get3A_1964 = arith.constant 3 : i32
        %get3A_1965 = arith.index_cast %get3A_1964 : i32 to index
        %get3A_1966 = arith.index_cast %add3A_1963 : i32 to index
        %get3A_1967 = arith.constant 0 : index
        %get3A_1968 = tpu.vector_load %arg10[%get3A_1965, %get3A_1966, %get3A_1967] {strides = array<i32>} : memref<4x120x32xf32, #tpu.memory_space<vmem>>, vector<16xf32>,
        %mul3A_1969 = arith.mulf %get3A_1968, %get3A_743 : vector<16xf32>
        %get3A_1970 = arith.constant 3 : i32
        %get3A_1971 = arith.index_cast %get3A_1970 : i32 to index
        %get3A_1972 = arith.index_cast %add3A_1963 : i32 to index
        %get3A_1973 = arith.constant 16 : index
        %get3A_1974 = tpu.vector_load %arg10[%get3A_1971, %get3A_1972, %get3A_1973] {strides = array<i32>} : memref<4x120x32xf32, #tpu.memory_space<vmem>>, vector<16xf32>,
        %mul3A_1975 = arith.mulf %get3A_1974, %get3A_746 : vector<16xf32>
        %add3A_1976 = arith.addf %mul3A_1969, %mul3A_1975 : vector<16xf32>
        %reduce_sum3A_1977 = arith.constant true
        %reduce_sum3A_1978 = vector.broadcast %reduce_sum3A_1977 : i1 to vector<16xi1>
        %reduce_sum3A_1979 = tpu.scan <sum>, %add3A_1976 masked %reduce_sum3A_1978 : vector<16xf32>, vector<16xi1> -> vector<16xf32>
        %reduce_sum3A_1980 = vector.extract %reduce_sum3A_1979[15] : f32 from vector<16xf32>
        %broadcast_in_dim3A_1981 = vector.broadcast %reduce_sum3A_1980 : f32 to vector<16xf32>
        %select_n3A_1982 = arith.select %eq3A_35, %broadcast_in_dim3A_1981, %select_n3A_1959 : vector<16xi1>, vector<16xf32>
        %mul3A_1983 = arith.constant 16 : i32
        %mul3A_1984 = arith.muli %scan3A_1775, %mul3A_1983 : i32
        %add3A_1985 = arith.constant 9 : i32
        %add3A_1986 = arith.addi %mul3A_1984, %add3A_1985 : i32
        %get3A_1987 = arith.constant 3 : i32
        %get3A_1988 = arith.index_cast %get3A_1987 : i32 to index
        %get3A_1989 = arith.index_cast %add3A_1986 : i32 to index
        %get3A_1990 = arith.constant 0 : index
        %get3A_1991 = tpu.vector_load %arg10[%get3A_1988, %get3A_1989, %get3A_1990] {strides = array<i32>} : memref<4x120x32xf32, #tpu.memory_space<vmem>>, vector<16xf32>,
        %mul3A_1992 = arith.mulf %get3A_1991, %get3A_743 : vector<16xf32>
        %get3A_1993 = arith.constant 3 : i32
        %get3A_1994 = arith.index_cast %get3A_1993 : i32 to index
        %get3A_1995 = arith.index_cast %add3A_1986 : i32 to index
        %get3A_1996 = arith.constant 16 : index
        %get3A_1997 = tpu.vector_load %arg10[%get3A_1994, %get3A_1995, %get3A_1996] {strides = array<i32>} : memref<4x120x32xf32, #tpu.memory_space<vmem>>, vector<16xf32>,
        %mul3A_1998 = arith.mulf %get3A_1997, %get3A_746 : vector<16xf32>
        %add3A_1999 = arith.addf %mul3A_1992, %mul3A_1998 : vector<16xf32>
        %reduce_sum3A_2000 = arith.constant true
        %reduce_sum3A_2001 = vector.broadcast %reduce_sum3A_2000 : i1 to vector<16xi1>
        %reduce_sum3A_2002 = tpu.scan <sum>, %add3A_1999 masked %reduce_sum3A_2001 : vector<16xf32>, vector<16xi1> -> vector<16xf32>
        %reduce_sum3A_2003 = vector.extract %reduce_sum3A_2002[15] : f32 from vector<16xf32>
        %broadcast_in_dim3A_2004 = vector.broadcast %reduce_sum3A_2003 : f32 to vector<16xf32>
        %select_n3A_2005 = arith.select %eq3A_38, %broadcast_in_dim3A_2004, %select_n3A_1982 : vector<16xi1>, vector<16xf32>
        %mul3A_2006 = arith.constant 16 : i32
        %mul3A_2007 = arith.muli %scan3A_1775, %mul3A_2006 : i32
        %add3A_2008 = arith.constant 10 : i32
        %add3A_2009 = arith.addi %mul3A_2007, %add3A_2008 : i32
        %get3A_2010 = arith.constant 3 : i32
        %get3A_2011 = arith.index_cast %get3A_2010 : i32 to index
        %get3A_2012 = arith.index_cast %add3A_2009 : i32 to index
        %get3A_2013 = arith.constant 0 : index
        %get3A_2014 = tpu.vector_load %arg10[%get3A_2011, %get3A_2012, %get3A_2013] {strides = array<i32>} : memref<4x120x32xf32, #tpu.memory_space<vmem>>, vector<16xf32>,
        %mul3A_2015 = arith.mulf %get3A_2014, %get3A_743 : vector<16xf32>
        %get3A_2016 = arith.constant 3 : i32
        %get3A_2017 = arith.index_cast %get3A_2016 : i32 to index
        %get3A_2018 = arith.index_cast %add3A_2009 : i32 to index
        %get3A_2019 = arith.constant 16 : index
        %get3A_2020 = tpu.vector_load %arg10[%get3A_2017, %get3A_2018, %get3A_2019] {strides = array<i32>} : memref<4x120x32xf32, #tpu.memory_space<vmem>>, vector<16xf32>,
        %mul3A_2021 = arith.mulf %get3A_2020, %get3A_746 : vector<16xf32>
        %add3A_2022 = arith.addf %mul3A_2015, %mul3A_2021 : vector<16xf32>
        %reduce_sum3A_2023 = arith.constant true
        %reduce_sum3A_2024 = vector.broadcast %reduce_sum3A_2023 : i1 to vector<16xi1>
        %reduce_sum3A_2025 = tpu.scan <sum>, %add3A_2022 masked %reduce_sum3A_2024 : vector<16xf32>, vector<16xi1> -> vector<16xf32>
        %reduce_sum3A_2026 = vector.extract %reduce_sum3A_2025[15] : f32 from vector<16xf32>
        %broadcast_in_dim3A_2027 = vector.broadcast %reduce_sum3A_2026 : f32 to vector<16xf32>
        %select_n3A_2028 = arith.select %eq3A_41, %broadcast_in_dim3A_2027, %select_n3A_2005 : vector<16xi1>, vector<16xf32>
        %mul3A_2029 = arith.constant 16 : i32
        %mul3A_2030 = arith.muli %scan3A_1775, %mul3A_2029 : i32
        %add3A_2031 = arith.constant 11 : i32
        %add3A_2032 = arith.addi %mul3A_2030, %add3A_2031 : i32
        %get3A_2033 = arith.constant 3 : i32
        %get3A_2034 = arith.index_cast %get3A_2033 : i32 to index
        %get3A_2035 = arith.index_cast %add3A_2032 : i32 to index
        %get3A_2036 = arith.constant 0 : index
        %get3A_2037 = tpu.vector_load %arg10[%get3A_2034, %get3A_2035, %get3A_2036] {strides = array<i32>} : memref<4x120x32xf32, #tpu.memory_space<vmem>>, vector<16xf32>,
        %mul3A_2038 = arith.mulf %get3A_2037, %get3A_743 : vector<16xf32>
        %get3A_2039 = arith.constant 3 : i32
        %get3A_2040 = arith.index_cast %get3A_2039 : i32 to index
        %get3A_2041 = arith.index_cast %add3A_2032 : i32 to index
        %get3A_2042 = arith.constant 16 : index
        %get3A_2043 = tpu.vector_load %arg10[%get3A_2040, %get3A_2041, %get3A_2042] {strides = array<i32>} : memref<4x120x32xf32, #tpu.memory_space<vmem>>, vector<16xf32>,
        %mul3A_2044 = arith.mulf %get3A_2043, %get3A_746 : vector<16xf32>
        %add3A_2045 = arith.addf %mul3A_2038, %mul3A_2044 : vector<16xf32>
        %reduce_sum3A_2046 = arith.constant true
        %reduce_sum3A_2047 = vector.broadcast %reduce_sum3A_2046 : i1 to vector<16xi1>
        %reduce_sum3A_2048 = tpu.scan <sum>, %add3A_2045 masked %reduce_sum3A_2047 : vector<16xf32>, vector<16xi1> -> vector<16xf32>
        %reduce_sum3A_2049 = vector.extract %reduce_sum3A_2048[15] : f32 from vector<16xf32>
        %broadcast_in_dim3A_2050 = vector.broadcast %reduce_sum3A_2049 : f32 to vector<16xf32>
        %select_n3A_2051 = arith.select %eq3A_44, %broadcast_in_dim3A_2050, %select_n3A_2028 : vector<16xi1>, vector<16xf32>
        %mul3A_2052 = arith.constant 16 : i32
        %mul3A_2053 = arith.muli %scan3A_1775, %mul3A_2052 : i32
        %add3A_2054 = arith.constant 12 : i32
        %add3A_2055 = arith.addi %mul3A_2053, %add3A_2054 : i32
        %get3A_2056 = arith.constant 3 : i32
        %get3A_2057 = arith.index_cast %get3A_2056 : i32 to index
        %get3A_2058 = arith.index_cast %add3A_2055 : i32 to index
        %get3A_2059 = arith.constant 0 : index
        %get3A_2060 = tpu.vector_load %arg10[%get3A_2057, %get3A_2058, %get3A_2059] {strides = array<i32>} : memref<4x120x32xf32, #tpu.memory_space<vmem>>, vector<16xf32>,
        %mul3A_2061 = arith.mulf %get3A_2060, %get3A_743 : vector<16xf32>
        %get3A_2062 = arith.constant 3 : i32
        %get3A_2063 = arith.index_cast %get3A_2062 : i32 to index
        %get3A_2064 = arith.index_cast %add3A_2055 : i32 to index
        %get3A_2065 = arith.constant 16 : index
        %get3A_2066 = tpu.vector_load %arg10[%get3A_2063, %get3A_2064, %get3A_2065] {strides = array<i32>} : memref<4x120x32xf32, #tpu.memory_space<vmem>>, vector<16xf32>,
        %mul3A_2067 = arith.mulf %get3A_2066, %get3A_746 : vector<16xf32>
        %add3A_2068 = arith.addf %mul3A_2061, %mul3A_2067 : vector<16xf32>
        %reduce_sum3A_2069 = arith.constant true
        %reduce_sum3A_2070 = vector.broadcast %reduce_sum3A_2069 : i1 to vector<16xi1>
        %reduce_sum3A_2071 = tpu.scan <sum>, %add3A_2068 masked %reduce_sum3A_2070 : vector<16xf32>, vector<16xi1> -> vector<16xf32>
        %reduce_sum3A_2072 = vector.extract %reduce_sum3A_2071[15] : f32 from vector<16xf32>
        %broadcast_in_dim3A_2073 = vector.broadcast %reduce_sum3A_2072 : f32 to vector<16xf32>
        %select_n3A_2074 = arith.select %eq3A_47, %broadcast_in_dim3A_2073, %select_n3A_2051 : vector<16xi1>, vector<16xf32>
        %mul3A_2075 = arith.constant 16 : i32
        %mul3A_2076 = arith.muli %scan3A_1775, %mul3A_2075 : i32
        %add3A_2077 = arith.constant 13 : i32
        %add3A_2078 = arith.addi %mul3A_2076, %add3A_2077 : i32
        %get3A_2079 = arith.constant 3 : i32
        %get3A_2080 = arith.index_cast %get3A_2079 : i32 to index
        %get3A_2081 = arith.index_cast %add3A_2078 : i32 to index
        %get3A_2082 = arith.constant 0 : index
        %get3A_2083 = tpu.vector_load %arg10[%get3A_2080, %get3A_2081, %get3A_2082] {strides = array<i32>} : memref<4x120x32xf32, #tpu.memory_space<vmem>>, vector<16xf32>,
        %mul3A_2084 = arith.mulf %get3A_2083, %get3A_743 : vector<16xf32>
        %get3A_2085 = arith.constant 3 : i32
        %get3A_2086 = arith.index_cast %get3A_2085 : i32 to index
        %get3A_2087 = arith.index_cast %add3A_2078 : i32 to index
        %get3A_2088 = arith.constant 16 : index
        %get3A_2089 = tpu.vector_load %arg10[%get3A_2086, %get3A_2087, %get3A_2088] {strides = array<i32>} : memref<4x120x32xf32, #tpu.memory_space<vmem>>, vector<16xf32>,
        %mul3A_2090 = arith.mulf %get3A_2089, %get3A_746 : vector<16xf32>
        %add3A_2091 = arith.addf %mul3A_2084, %mul3A_2090 : vector<16xf32>
        %reduce_sum3A_2092 = arith.constant true
        %reduce_sum3A_2093 = vector.broadcast %reduce_sum3A_2092 : i1 to vector<16xi1>
        %reduce_sum3A_2094 = tpu.scan <sum>, %add3A_2091 masked %reduce_sum3A_2093 : vector<16xf32>, vector<16xi1> -> vector<16xf32>
        %reduce_sum3A_2095 = vector.extract %reduce_sum3A_2094[15] : f32 from vector<16xf32>
        %broadcast_in_dim3A_2096 = vector.broadcast %reduce_sum3A_2095 : f32 to vector<16xf32>
        %select_n3A_2097 = arith.select %eq3A_50, %broadcast_in_dim3A_2096, %select_n3A_2074 : vector<16xi1>, vector<16xf32>
        %mul3A_2098 = arith.constant 16 : i32
        %mul3A_2099 = arith.muli %scan3A_1775, %mul3A_2098 : i32
        %add3A_2100 = arith.constant 14 : i32
        %add3A_2101 = arith.addi %mul3A_2099, %add3A_2100 : i32
        %get3A_2102 = arith.constant 3 : i32
        %get3A_2103 = arith.index_cast %get3A_2102 : i32 to index
        %get3A_2104 = arith.index_cast %add3A_2101 : i32 to index
        %get3A_2105 = arith.constant 0 : index
        %get3A_2106 = tpu.vector_load %arg10[%get3A_2103, %get3A_2104, %get3A_2105] {strides = array<i32>} : memref<4x120x32xf32, #tpu.memory_space<vmem>>, vector<16xf32>,
        %mul3A_2107 = arith.mulf %get3A_2106, %get3A_743 : vector<16xf32>
        %get3A_2108 = arith.constant 3 : i32
        %get3A_2109 = arith.index_cast %get3A_2108 : i32 to index
        %get3A_2110 = arith.index_cast %add3A_2101 : i32 to index
        %get3A_2111 = arith.constant 16 : index
        %get3A_2112 = tpu.vector_load %arg10[%get3A_2109, %get3A_2110, %get3A_2111] {strides = array<i32>} : memref<4x120x32xf32, #tpu.memory_space<vmem>>, vector<16xf32>,
        %mul3A_2113 = arith.mulf %get3A_2112, %get3A_746 : vector<16xf32>
        %add3A_2114 = arith.addf %mul3A_2107, %mul3A_2113 : vector<16xf32>
        %reduce_sum3A_2115 = arith.constant true
        %reduce_sum3A_2116 = vector.broadcast %reduce_sum3A_2115 : i1 to vector<16xi1>
        %reduce_sum3A_2117 = tpu.scan <sum>, %add3A_2114 masked %reduce_sum3A_2116 : vector<16xf32>, vector<16xi1> -> vector<16xf32>
        %reduce_sum3A_2118 = vector.extract %reduce_sum3A_2117[15] : f32 from vector<16xf32>
        %broadcast_in_dim3A_2119 = vector.broadcast %reduce_sum3A_2118 : f32 to vector<16xf32>
        %select_n3A_2120 = arith.select %eq3A_53, %broadcast_in_dim3A_2119, %select_n3A_2097 : vector<16xi1>, vector<16xf32>
        %mul3A_2121 = arith.constant 16 : i32
        %mul3A_2122 = arith.muli %scan3A_1775, %mul3A_2121 : i32
        %add3A_2123 = arith.constant 15 : i32
        %add3A_2124 = arith.addi %mul3A_2122, %add3A_2123 : i32
        %get3A_2125 = arith.constant 3 : i32
        %get3A_2126 = arith.index_cast %get3A_2125 : i32 to index
        %get3A_2127 = arith.index_cast %add3A_2124 : i32 to index
        %get3A_2128 = arith.constant 0 : index
        %get3A_2129 = tpu.vector_load %arg10[%get3A_2126, %get3A_2127, %get3A_2128] {strides = array<i32>} : memref<4x120x32xf32, #tpu.memory_space<vmem>>, vector<16xf32>,
        %mul3A_2130 = arith.mulf %get3A_2129, %get3A_743 : vector<16xf32>
        %get3A_2131 = arith.constant 3 : i32
        %get3A_2132 = arith.index_cast %get3A_2131 : i32 to index
        %get3A_2133 = arith.index_cast %add3A_2124 : i32 to index
        %get3A_2134 = arith.constant 16 : index
        %get3A_2135 = tpu.vector_load %arg10[%get3A_2132, %get3A_2133, %get3A_2134] {strides = array<i32>} : memref<4x120x32xf32, #tpu.memory_space<vmem>>, vector<16xf32>,
        %mul3A_2136 = arith.mulf %get3A_2135, %get3A_746 : vector<16xf32>
        %add3A_2137 = arith.addf %mul3A_2130, %mul3A_2136 : vector<16xf32>
        %reduce_sum3A_2138 = arith.constant true
        %reduce_sum3A_2139 = vector.broadcast %reduce_sum3A_2138 : i1 to vector<16xi1>
        %reduce_sum3A_2140 = tpu.scan <sum>, %add3A_2137 masked %reduce_sum3A_2139 : vector<16xf32>, vector<16xi1> -> vector<16xf32>
        %reduce_sum3A_2141 = vector.extract %reduce_sum3A_2140[15] : f32 from vector<16xf32>
        %broadcast_in_dim3A_2142 = vector.broadcast %reduce_sum3A_2141 : f32 to vector<16xf32>
        %select_n3A_2143 = arith.select %eq3A_56, %broadcast_in_dim3A_2142, %select_n3A_2120 : vector<16xi1>, vector<16xf32>
        %mul3A_2144 = arith.constant 16 : i32
        %mul3A_2145 = arith.muli %scan3A_1775, %mul3A_2144 : i32
        %swap3A_2146 = arith.constant 3 : i32
        %swap3A_2147 = arith.index_cast %swap3A_2146 : i32 to index
        %swap3A_2148 = arith.index_cast %mul3A_2145 : i32 to index
        %swap3A_2149 = tpu.vector_load %arg11[%swap3A_2147, %swap3A_2148] {strides = array<i32>} : memref<8x128xf32, #tpu.memory_space<vmem>>, vector<16xf32>,
        tpu.vector_store %arg11[%swap3A_2147, %swap3A_2148], %select_n3A_2143 {strides = array<i32>} : memref<8x128xf32, #tpu.memory_space<vmem>>, vector<16xf32>,
      }
      %scan3A_752 = arith.constant 7 : i32
      %get3A_753 = arith.constant 3 : i32
      %get3A_754 = arith.constant 112 : i32
      %get3A_755 = arith.index_cast %get3A_753 : i32 to index
      %get3A_756 = arith.index_cast %get3A_754 : i32 to index
      %get3A_757 = arith.constant 0 : index
      %get3A_758 = tpu.vector_load %arg10[%get3A_755, %get3A_756, %get3A_757] {strides = array<i32>} : memref<4x120x32xf32, #tpu.memory_space<vmem>>, vector<16xf32>,
      %mul3A_759 = arith.mulf %get3A_758, %get3A_743 : vector<16xf32>
      %get3A_760 = arith.constant 3 : i32
      %get3A_761 = arith.constant 112 : i32
      %get3A_762 = arith.index_cast %get3A_760 : i32 to index
      %get3A_763 = arith.index_cast %get3A_761 : i32 to index
      %get3A_764 = arith.constant 16 : index
      %get3A_765 = tpu.vector_load %arg10[%get3A_762, %get3A_763, %get3A_764] {strides = array<i32>} : memref<4x120x32xf32, #tpu.memory_space<vmem>>, vector<16xf32>,
      %mul3A_766 = arith.mulf %get3A_765, %get3A_746 : vector<16xf32>
      %add3A_767 = arith.addf %mul3A_759, %mul3A_766 : vector<16xf32>
      %reduce_sum3A_768 = arith.constant true
      %reduce_sum3A_769 = vector.broadcast %reduce_sum3A_768 : i1 to vector<16xi1>
      %reduce_sum3A_770 = tpu.scan <sum>, %add3A_767 masked %reduce_sum3A_769 : vector<16xf32>, vector<16xi1> -> vector<16xf32>
      %reduce_sum3A_771 = vector.extract %reduce_sum3A_770[15] : f32 from vector<16xf32>
      %broadcast_in_dim3A_772 = vector.broadcast %reduce_sum3A_771 : f32 to vector<16xf32>
      %select_n3A_773 = arith.select %eq3A_11, %broadcast_in_dim3A_772, %broadcast_in_dim3A_57 : vector<16xi1>, vector<16xf32>
      %get3A_774 = arith.constant 3 : i32
      %get3A_775 = arith.constant 113 : i32
      %get3A_776 = arith.index_cast %get3A_774 : i32 to index
      %get3A_777 = arith.index_cast %get3A_775 : i32 to index
      %get3A_778 = arith.constant 0 : index
      %get3A_779 = tpu.vector_load %arg10[%get3A_776, %get3A_777, %get3A_778] {strides = array<i32>} : memref<4x120x32xf32, #tpu.memory_space<vmem>>, vector<16xf32>,
      %mul3A_780 = arith.mulf %get3A_779, %get3A_743 : vector<16xf32>
      %get3A_781 = arith.constant 3 : i32
      %get3A_782 = arith.constant 113 : i32
      %get3A_783 = arith.index_cast %get3A_781 : i32 to index
      %get3A_784 = arith.index_cast %get3A_782 : i32 to index
      %get3A_785 = arith.constant 16 : index
      %get3A_786 = tpu.vector_load %arg10[%get3A_783, %get3A_784, %get3A_785] {strides = array<i32>} : memref<4x120x32xf32, #tpu.memory_space<vmem>>, vector<16xf32>,
      %mul3A_787 = arith.mulf %get3A_786, %get3A_746 : vector<16xf32>
      %add3A_788 = arith.addf %mul3A_780, %mul3A_787 : vector<16xf32>
      %reduce_sum3A_789 = arith.constant true
      %reduce_sum3A_790 = vector.broadcast %reduce_sum3A_789 : i1 to vector<16xi1>
      %reduce_sum3A_791 = tpu.scan <sum>, %add3A_788 masked %reduce_sum3A_790 : vector<16xf32>, vector<16xi1> -> vector<16xf32>
      %reduce_sum3A_792 = vector.extract %reduce_sum3A_791[15] : f32 from vector<16xf32>
      %broadcast_in_dim3A_793 = vector.broadcast %reduce_sum3A_792 : f32 to vector<16xf32>
      %select_n3A_794 = arith.select %eq3A_14, %broadcast_in_dim3A_793, %select_n3A_773 : vector<16xi1>, vector<16xf32>
      %get3A_795 = arith.constant 3 : i32
      %get3A_796 = arith.constant 114 : i32
      %get3A_797 = arith.index_cast %get3A_795 : i32 to index
      %get3A_798 = arith.index_cast %get3A_796 : i32 to index
      %get3A_799 = arith.constant 0 : index
      %get3A_800 = tpu.vector_load %arg10[%get3A_797, %get3A_798, %get3A_799] {strides = array<i32>} : memref<4x120x32xf32, #tpu.memory_space<vmem>>, vector<16xf32>,
      %mul3A_801 = arith.mulf %get3A_800, %get3A_743 : vector<16xf32>
      %get3A_802 = arith.constant 3 : i32
      %get3A_803 = arith.constant 114 : i32
      %get3A_804 = arith.index_cast %get3A_802 : i32 to index
      %get3A_805 = arith.index_cast %get3A_803 : i32 to index
      %get3A_806 = arith.constant 16 : index
      %get3A_807 = tpu.vector_load %arg10[%get3A_804, %get3A_805, %get3A_806] {strides = array<i32>} : memref<4x120x32xf32, #tpu.memory_space<vmem>>, vector<16xf32>,
      %mul3A_808 = arith.mulf %get3A_807, %get3A_746 : vector<16xf32>
      %add3A_809 = arith.addf %mul3A_801, %mul3A_808 : vector<16xf32>
      %reduce_sum3A_810 = arith.constant true
      %reduce_sum3A_811 = vector.broadcast %reduce_sum3A_810 : i1 to vector<16xi1>
      %reduce_sum3A_812 = tpu.scan <sum>, %add3A_809 masked %reduce_sum3A_811 : vector<16xf32>, vector<16xi1> -> vector<16xf32>
      %reduce_sum3A_813 = vector.extract %reduce_sum3A_812[15] : f32 from vector<16xf32>
      %broadcast_in_dim3A_814 = vector.broadcast %reduce_sum3A_813 : f32 to vector<16xf32>
      %select_n3A_815 = arith.select %eq3A_17, %broadcast_in_dim3A_814, %select_n3A_794 : vector<16xi1>, vector<16xf32>
      %get3A_816 = arith.constant 3 : i32
      %get3A_817 = arith.constant 115 : i32
      %get3A_818 = arith.index_cast %get3A_816 : i32 to index
      %get3A_819 = arith.index_cast %get3A_817 : i32 to index
      %get3A_820 = arith.constant 0 : index
      %get3A_821 = tpu.vector_load %arg10[%get3A_818, %get3A_819, %get3A_820] {strides = array<i32>} : memref<4x120x32xf32, #tpu.memory_space<vmem>>, vector<16xf32>,
      %mul3A_822 = arith.mulf %get3A_821, %get3A_743 : vector<16xf32>
      %get3A_823 = arith.constant 3 : i32
      %get3A_824 = arith.constant 115 : i32
      %get3A_825 = arith.index_cast %get3A_823 : i32 to index
      %get3A_826 = arith.index_cast %get3A_824 : i32 to index
      %get3A_827 = arith.constant 16 : index
      %get3A_828 = tpu.vector_load %arg10[%get3A_825, %get3A_826, %get3A_827] {strides = array<i32>} : memref<4x120x32xf32, #tpu.memory_space<vmem>>, vector<16xf32>,
      %mul3A_829 = arith.mulf %get3A_828, %get3A_746 : vector<16xf32>
      %add3A_830 = arith.addf %mul3A_822, %mul3A_829 : vector<16xf32>
      %reduce_sum3A_831 = arith.constant true
      %reduce_sum3A_832 = vector.broadcast %reduce_sum3A_831 : i1 to vector<16xi1>
      %reduce_sum3A_833 = tpu.scan <sum>, %add3A_830 masked %reduce_sum3A_832 : vector<16xf32>, vector<16xi1> -> vector<16xf32>
      %reduce_sum3A_834 = vector.extract %reduce_sum3A_833[15] : f32 from vector<16xf32>
      %broadcast_in_dim3A_835 = vector.broadcast %reduce_sum3A_834 : f32 to vector<16xf32>
      %select_n3A_836 = arith.select %eq3A_20, %broadcast_in_dim3A_835, %select_n3A_815 : vector<16xi1>, vector<16xf32>
      %get3A_837 = arith.constant 3 : i32
      %get3A_838 = arith.constant 116 : i32
      %get3A_839 = arith.index_cast %get3A_837 : i32 to index
      %get3A_840 = arith.index_cast %get3A_838 : i32 to index
      %get3A_841 = arith.constant 0 : index
      %get3A_842 = tpu.vector_load %arg10[%get3A_839, %get3A_840, %get3A_841] {strides = array<i32>} : memref<4x120x32xf32, #tpu.memory_space<vmem>>, vector<16xf32>,
      %mul3A_843 = arith.mulf %get3A_842, %get3A_743 : vector<16xf32>
      %get3A_844 = arith.constant 3 : i32
      %get3A_845 = arith.constant 116 : i32
      %get3A_846 = arith.index_cast %get3A_844 : i32 to index
      %get3A_847 = arith.index_cast %get3A_845 : i32 to index
      %get3A_848 = arith.constant 16 : index
      %get3A_849 = tpu.vector_load %arg10[%get3A_846, %get3A_847, %get3A_848] {strides = array<i32>} : memref<4x120x32xf32, #tpu.memory_space<vmem>>, vector<16xf32>,
      %mul3A_850 = arith.mulf %get3A_849, %get3A_746 : vector<16xf32>
      %add3A_851 = arith.addf %mul3A_843, %mul3A_850 : vector<16xf32>
      %reduce_sum3A_852 = arith.constant true
      %reduce_sum3A_853 = vector.broadcast %reduce_sum3A_852 : i1 to vector<16xi1>
      %reduce_sum3A_854 = tpu.scan <sum>, %add3A_851 masked %reduce_sum3A_853 : vector<16xf32>, vector<16xi1> -> vector<16xf32>
      %reduce_sum3A_855 = vector.extract %reduce_sum3A_854[15] : f32 from vector<16xf32>
      %broadcast_in_dim3A_856 = vector.broadcast %reduce_sum3A_855 : f32 to vector<16xf32>
      %select_n3A_857 = arith.select %eq3A_23, %broadcast_in_dim3A_856, %select_n3A_836 : vector<16xi1>, vector<16xf32>
      %get3A_858 = arith.constant 3 : i32
      %get3A_859 = arith.constant 117 : i32
      %get3A_860 = arith.index_cast %get3A_858 : i32 to index
      %get3A_861 = arith.index_cast %get3A_859 : i32 to index
      %get3A_862 = arith.constant 0 : index
      %get3A_863 = tpu.vector_load %arg10[%get3A_860, %get3A_861, %get3A_862] {strides = array<i32>} : memref<4x120x32xf32, #tpu.memory_space<vmem>>, vector<16xf32>,
      %mul3A_864 = arith.mulf %get3A_863, %get3A_743 : vector<16xf32>
      %get3A_865 = arith.constant 3 : i32
      %get3A_866 = arith.constant 117 : i32
      %get3A_867 = arith.index_cast %get3A_865 : i32 to index
      %get3A_868 = arith.index_cast %get3A_866 : i32 to index
      %get3A_869 = arith.constant 16 : index
      %get3A_870 = tpu.vector_load %arg10[%get3A_867, %get3A_868, %get3A_869] {strides = array<i32>} : memref<4x120x32xf32, #tpu.memory_space<vmem>>, vector<16xf32>,
      %mul3A_871 = arith.mulf %get3A_870, %get3A_746 : vector<16xf32>
      %add3A_872 = arith.addf %mul3A_864, %mul3A_871 : vector<16xf32>
      %reduce_sum3A_873 = arith.constant true
      %reduce_sum3A_874 = vector.broadcast %reduce_sum3A_873 : i1 to vector<16xi1>
      %reduce_sum3A_875 = tpu.scan <sum>, %add3A_872 masked %reduce_sum3A_874 : vector<16xf32>, vector<16xi1> -> vector<16xf32>
      %reduce_sum3A_876 = vector.extract %reduce_sum3A_875[15] : f32 from vector<16xf32>
      %broadcast_in_dim3A_877 = vector.broadcast %reduce_sum3A_876 : f32 to vector<16xf32>
      %select_n3A_878 = arith.select %eq3A_26, %broadcast_in_dim3A_877, %select_n3A_857 : vector<16xi1>, vector<16xf32>
      %get3A_879 = arith.constant 3 : i32
      %get3A_880 = arith.constant 118 : i32
      %get3A_881 = arith.index_cast %get3A_879 : i32 to index
      %get3A_882 = arith.index_cast %get3A_880 : i32 to index
      %get3A_883 = arith.constant 0 : index
      %get3A_884 = tpu.vector_load %arg10[%get3A_881, %get3A_882, %get3A_883] {strides = array<i32>} : memref<4x120x32xf32, #tpu.memory_space<vmem>>, vector<16xf32>,
      %mul3A_885 = arith.mulf %get3A_884, %get3A_743 : vector<16xf32>
      %get3A_886 = arith.constant 3 : i32
      %get3A_887 = arith.constant 118 : i32
      %get3A_888 = arith.index_cast %get3A_886 : i32 to index
      %get3A_889 = arith.index_cast %get3A_887 : i32 to index
      %get3A_890 = arith.constant 16 : index
      %get3A_891 = tpu.vector_load %arg10[%get3A_888, %get3A_889, %get3A_890] {strides = array<i32>} : memref<4x120x32xf32, #tpu.memory_space<vmem>>, vector<16xf32>,
      %mul3A_892 = arith.mulf %get3A_891, %get3A_746 : vector<16xf32>
      %add3A_893 = arith.addf %mul3A_885, %mul3A_892 : vector<16xf32>
      %reduce_sum3A_894 = arith.constant true
      %reduce_sum3A_895 = vector.broadcast %reduce_sum3A_894 : i1 to vector<16xi1>
      %reduce_sum3A_896 = tpu.scan <sum>, %add3A_893 masked %reduce_sum3A_895 : vector<16xf32>, vector<16xi1> -> vector<16xf32>
      %reduce_sum3A_897 = vector.extract %reduce_sum3A_896[15] : f32 from vector<16xf32>
      %broadcast_in_dim3A_898 = vector.broadcast %reduce_sum3A_897 : f32 to vector<16xf32>
      %select_n3A_899 = arith.select %eq3A_29, %broadcast_in_dim3A_898, %select_n3A_878 : vector<16xi1>, vector<16xf32>
      %get3A_900 = arith.constant 3 : i32
      %get3A_901 = arith.constant 119 : i32
      %get3A_902 = arith.index_cast %get3A_900 : i32 to index
      %get3A_903 = arith.index_cast %get3A_901 : i32 to index
      %get3A_904 = arith.constant 0 : index
      %get3A_905 = tpu.vector_load %arg10[%get3A_902, %get3A_903, %get3A_904] {strides = array<i32>} : memref<4x120x32xf32, #tpu.memory_space<vmem>>, vector<16xf32>,
      %mul3A_906 = arith.mulf %get3A_905, %get3A_743 : vector<16xf32>
      %get3A_907 = arith.constant 3 : i32
      %get3A_908 = arith.constant 119 : i32
      %get3A_909 = arith.index_cast %get3A_907 : i32 to index
      %get3A_910 = arith.index_cast %get3A_908 : i32 to index
      %get3A_911 = arith.constant 16 : index
      %get3A_912 = tpu.vector_load %arg10[%get3A_909, %get3A_910, %get3A_911] {strides = array<i32>} : memref<4x120x32xf32, #tpu.memory_space<vmem>>, vector<16xf32>,
      %mul3A_913 = arith.mulf %get3A_912, %get3A_746 : vector<16xf32>
      %add3A_914 = arith.addf %mul3A_906, %mul3A_913 : vector<16xf32>
      %reduce_sum3A_915 = arith.constant true
      %reduce_sum3A_916 = vector.broadcast %reduce_sum3A_915 : i1 to vector<16xi1>
      %reduce_sum3A_917 = tpu.scan <sum>, %add3A_914 masked %reduce_sum3A_916 : vector<16xf32>, vector<16xi1> -> vector<16xf32>
      %reduce_sum3A_918 = vector.extract %reduce_sum3A_917[15] : f32 from vector<16xf32>
      %broadcast_in_dim3A_919 = vector.broadcast %reduce_sum3A_918 : f32 to vector<16xf32>
      %select_n3A_920 = arith.select %eq3A_32, %broadcast_in_dim3A_919, %select_n3A_899 : vector<16xi1>, vector<16xf32>
      %swap3A_921 = arith.constant 3 : i32
      %swap3A_922 = arith.index_cast %swap3A_921 : i32 to index
      %swap3A_923 = arith.constant 112 : index
      %swap3A_924 = tpu.vector_load %arg11[%swap3A_922, %swap3A_923] {strides = array<i32>} : memref<8x128xf32, #tpu.memory_space<vmem>>, vector<16xf32>,
      tpu.vector_store %arg11[%swap3A_922, %swap3A_923], %select_n3A_920 {strides = array<i32>} : memref<8x128xf32, #tpu.memory_space<vmem>>, vector<16xf32>,
      %add3A_925 = arith.constant 4 : i32
      %add3A_926 = arith.addi %add3A_725, %add3A_925 : i32
      %sub3A_927 = arith.constant 1 : i32
      %sub3A_928 = arith.subi %add3A_926, %sub3A_927 : i32
      %lt3A_929 = arith.constant 128 : i32
      %lt3A_930 = arith.cmpi slt, %sub3A_928, %lt3A_929 : i32
      %convert_element_type3A_931 = arith.extui %lt3A_930 : i1 to i32
      %cond3A_932 = arith.constant 0 : i32
      %cond3A_933 = arith.cmpi ne, %convert_element_type3A_931, %cond3A_932 : i32
      scf.if %cond3A_933 {
        %add3A_1775 = arith.constant 4 : i32
        %add3A_1776 = arith.addi %add3A_725, %add3A_1775 : i32
        %sub3A_1777 = arith.constant 1 : i32
        %sub3A_1778 = arith.subi %add3A_1776, %sub3A_1777 : i32
        %dma_start3A_1779 = arith.constant 2 : i32
        %dma_start3A_1780 = arith.constant 0 : i32
        %dma_start3A_1781 = arith.constant 0 : i32
        %dma_start3A_1782 = tpu.memref_slice %arg10[%dma_start3A_1779, %dma_start3A_1780, %dma_start3A_1781] : memref<4x120x32xf32, #tpu.memory_space<vmem>> -> memref<1x120x32xf32, #tpu.memory_space<vmem>>
        %dma_start3A_1783 = tpu.memref_squeeze %dma_start3A_1782 : memref<1x120x32xf32, #tpu.memory_space<vmem>> -> memref<120x32xf32, #tpu.memory_space<vmem>>
        %dma_start3A_1784 = arith.constant 0 : i32
        %dma_start3A_1785 = tpu.memref_slice %arg8[%sub3A_1778, %dma_start3A_1784] : memref<128x120xi32, #tpu.memory_space<vmem>> -> memref<1x120xi32, #tpu.memory_space<vmem>>
        %dma_start3A_1786 = tpu.memref_squeeze %dma_start3A_1785 : memref<1x120xi32, #tpu.memory_space<vmem>> -> memref<120xi32, #tpu.memory_space<vmem>>
        %dma_start3A_1787 = arith.constant 0 : i32
        %dma_start3A_1788 = arith.constant 0 : i32
        %dma_start3A_1789 = tpu.memref_slice %arg5[%dma_start3A_1787, %dma_start3A_1788] : memref<1000000x32xf32, #tpu.memory_space<hbm>> -> memref<1000000x32xf32, #tpu.memory_space<hbm>>
        tpu.enqueue_indirect_dma source(%dma_start3A_1789 : memref<1000000x32xf32, #tpu.memory_space<hbm>>) target(%dma_start3A_1783 : memref<120x32xf32, #tpu.memory_space<vmem>>) offsets(%dma_start3A_1786 : memref<120xi32, #tpu.memory_space<vmem>>) semaphore(%arg14 : memref<!tpu.dma_semaphore, #tpu.memory_space<semaphore_mem>>)
      } else {
      }
      %add3A_934 = arith.constant 4 : i32
      %add3A_935 = arith.addi %mul3A_101, %add3A_934 : i32
      %dma_wait3A_936 = arith.constant 0 : i32
      %dma_wait3A_937 = arith.constant 0 : i32
      %dma_wait3A_938 = arith.constant 0 : i32
      %dma_wait3A_939 = tpu.memref_slice %arg10[%dma_wait3A_936, %dma_wait3A_937, %dma_wait3A_938] : memref<4x120x32xf32, #tpu.memory_space<vmem>> -> memref<1x120x32xf32, #tpu.memory_space<vmem>>
      %dma_wait3A_940 = tpu.memref_squeeze %dma_wait3A_939 : memref<1x120x32xf32, #tpu.memory_space<vmem>> -> memref<120x32xf32, #tpu.memory_space<vmem>>
      %dma_wait3A_941 = arith.constant 0 : i32
      %dma_wait3A_942 = arith.constant 0 : i32
      %dma_wait3A_943 = tpu.memref_slice %arg5[%dma_wait3A_941, %dma_wait3A_942] : memref<1000000x32xf32, #tpu.memory_space<hbm>> -> memref<120x32xf32, #tpu.memory_space<hbm>>
      %dma_wait3A_944 = arith.constant 0 : i32
      %dma_wait3A_945 = arith.constant 0 : i32
      %dma_wait3A_946 = tpu.memref_slice %arg10[%dma_wait3A_936, %dma_wait3A_944, %dma_wait3A_945] : memref<4x120x32xf32, #tpu.memory_space<vmem>> -> memref<1x120x32xf32, #tpu.memory_space<vmem>>
      %dma_wait3A_947 = tpu.memref_squeeze %dma_wait3A_946 : memref<1x120x32xf32, #tpu.memory_space<vmem>> -> memref<120x32xf32, #tpu.memory_space<vmem>>
      %dma_wait3A_948 = arith.constant 0 : i32
      %dma_wait3A_949 = arith.constant 0 : i32
      %dma_wait3A_950 = tpu.memref_slice %arg5[%dma_wait3A_948, %dma_wait3A_949] : memref<1000000x32xf32, #tpu.memory_space<hbm>> -> memref<120x32xf32, #tpu.memory_space<hbm>>
      tpu.wait_dma2 semaphore(%arg12 : memref<!tpu.dma_semaphore, #tpu.memory_space<semaphore_mem>>) src(%dma_wait3A_950 : memref<120x32xf32, #tpu.memory_space<hbm>>) dst(%dma_wait3A_947 : memref<120x32xf32, #tpu.memory_space<vmem>>)
      %get3A_951 = arith.index_cast %add3A_935 : i32 to index
      %get3A_952 = arith.constant 0 : index
      %get3A_953 = tpu.vector_load %arg9[%get3A_951, %get3A_952] {strides = array<i32>} : memref<128x32xf32, #tpu.memory_space<vmem>>, vector<16xf32>,
      %get3A_954 = arith.index_cast %add3A_935 : i32 to index
      %get3A_955 = arith.constant 16 : index
      %get3A_956 = tpu.vector_load %arg9[%get3A_954, %get3A_955] {strides = array<i32>} : memref<128x32xf32, #tpu.memory_space<vmem>>, vector<16xf32>,
      %scan3A_957 = arith.constant 0 : i32
      %scan3A_958 = arith.constant 0 : i32
      %scan3A_959 = arith.constant 7 : i32
      %scan3A_960 = arith.addi %scan3A_958, %scan3A_959 : i32
      %scan3A_961 = arith.constant 1 : i32
      scf.for %scan3A_1775 = %scan3A_958 to %scan3A_960 step %scan3A_961  : i32 {
        %mul3A_1776 = arith.constant 16 : i32
        %mul3A_1777 = arith.muli %scan3A_1775, %mul3A_1776 : i32
        %add3A_1778 = arith.constant 0 : i32
        %add3A_1779 = arith.addi %mul3A_1777, %add3A_1778 : i32
        %get3A_1780 = arith.constant 0 : i32
        %get3A_1781 = arith.index_cast %get3A_1780 : i32 to index
        %get3A_1782 = arith.index_cast %add3A_1779 : i32 to index
        %get3A_1783 = arith.constant 0 : index
        %get3A_1784 = tpu.vector_load %arg10[%get3A_1781, %get3A_1782, %get3A_1783] {strides = array<i32>} : memref<4x120x32xf32, #tpu.memory_space<vmem>>, vector<16xf32>,
        %mul3A_1785 = arith.mulf %get3A_1784, %get3A_953 : vector<16xf32>
        %get3A_1786 = arith.constant 0 : i32
        %get3A_1787 = arith.index_cast %get3A_1786 : i32 to index
        %get3A_1788 = arith.index_cast %add3A_1779 : i32 to index
        %get3A_1789 = arith.constant 16 : index
        %get3A_1790 = tpu.vector_load %arg10[%get3A_1787, %get3A_1788, %get3A_1789] {strides = array<i32>} : memref<4x120x32xf32, #tpu.memory_space<vmem>>, vector<16xf32>,
        %mul3A_1791 = arith.mulf %get3A_1790, %get3A_956 : vector<16xf32>
        %add3A_1792 = arith.addf %mul3A_1785, %mul3A_1791 : vector<16xf32>
        %reduce_sum3A_1793 = arith.constant true
        %reduce_sum3A_1794 = vector.broadcast %reduce_sum3A_1793 : i1 to vector<16xi1>
        %reduce_sum3A_1795 = tpu.scan <sum>, %add3A_1792 masked %reduce_sum3A_1794 : vector<16xf32>, vector<16xi1> -> vector<16xf32>
        %reduce_sum3A_1796 = vector.extract %reduce_sum3A_1795[15] : f32 from vector<16xf32>
        %broadcast_in_dim3A_1797 = vector.broadcast %reduce_sum3A_1796 : f32 to vector<16xf32>
        %select_n3A_1798 = arith.select %eq3A_11, %broadcast_in_dim3A_1797, %broadcast_in_dim3A_57 : vector<16xi1>, vector<16xf32>
        %mul3A_1799 = arith.constant 16 : i32
        %mul3A_1800 = arith.muli %scan3A_1775, %mul3A_1799 : i32
        %add3A_1801 = arith.constant 1 : i32
        %add3A_1802 = arith.addi %mul3A_1800, %add3A_1801 : i32
        %get3A_1803 = arith.constant 0 : i32
        %get3A_1804 = arith.index_cast %get3A_1803 : i32 to index
        %get3A_1805 = arith.index_cast %add3A_1802 : i32 to index
        %get3A_1806 = arith.constant 0 : index
        %get3A_1807 = tpu.vector_load %arg10[%get3A_1804, %get3A_1805, %get3A_1806] {strides = array<i32>} : memref<4x120x32xf32, #tpu.memory_space<vmem>>, vector<16xf32>,
        %mul3A_1808 = arith.mulf %get3A_1807, %get3A_953 : vector<16xf32>
        %get3A_1809 = arith.constant 0 : i32
        %get3A_1810 = arith.index_cast %get3A_1809 : i32 to index
        %get3A_1811 = arith.index_cast %add3A_1802 : i32 to index
        %get3A_1812 = arith.constant 16 : index
        %get3A_1813 = tpu.vector_load %arg10[%get3A_1810, %get3A_1811, %get3A_1812] {strides = array<i32>} : memref<4x120x32xf32, #tpu.memory_space<vmem>>, vector<16xf32>,
        %mul3A_1814 = arith.mulf %get3A_1813, %get3A_956 : vector<16xf32>
        %add3A_1815 = arith.addf %mul3A_1808, %mul3A_1814 : vector<16xf32>
        %reduce_sum3A_1816 = arith.constant true
        %reduce_sum3A_1817 = vector.broadcast %reduce_sum3A_1816 : i1 to vector<16xi1>
        %reduce_sum3A_1818 = tpu.scan <sum>, %add3A_1815 masked %reduce_sum3A_1817 : vector<16xf32>, vector<16xi1> -> vector<16xf32>
        %reduce_sum3A_1819 = vector.extract %reduce_sum3A_1818[15] : f32 from vector<16xf32>
        %broadcast_in_dim3A_1820 = vector.broadcast %reduce_sum3A_1819 : f32 to vector<16xf32>
        %select_n3A_1821 = arith.select %eq3A_14, %broadcast_in_dim3A_1820, %select_n3A_1798 : vector<16xi1>, vector<16xf32>
        %mul3A_1822 = arith.constant 16 : i32
        %mul3A_1823 = arith.muli %scan3A_1775, %mul3A_1822 : i32
        %add3A_1824 = arith.constant 2 : i32
        %add3A_1825 = arith.addi %mul3A_1823, %add3A_1824 : i32
        %get3A_1826 = arith.constant 0 : i32
        %get3A_1827 = arith.index_cast %get3A_1826 : i32 to index
        %get3A_1828 = arith.index_cast %add3A_1825 : i32 to index
        %get3A_1829 = arith.constant 0 : index
        %get3A_1830 = tpu.vector_load %arg10[%get3A_1827, %get3A_1828, %get3A_1829] {strides = array<i32>} : memref<4x120x32xf32, #tpu.memory_space<vmem>>, vector<16xf32>,
        %mul3A_1831 = arith.mulf %get3A_1830, %get3A_953 : vector<16xf32>
        %get3A_1832 = arith.constant 0 : i32
        %get3A_1833 = arith.index_cast %get3A_1832 : i32 to index
        %get3A_1834 = arith.index_cast %add3A_1825 : i32 to index
        %get3A_1835 = arith.constant 16 : index
        %get3A_1836 = tpu.vector_load %arg10[%get3A_1833, %get3A_1834, %get3A_1835] {strides = array<i32>} : memref<4x120x32xf32, #tpu.memory_space<vmem>>, vector<16xf32>,
        %mul3A_1837 = arith.mulf %get3A_1836, %get3A_956 : vector<16xf32>
        %add3A_1838 = arith.addf %mul3A_1831, %mul3A_1837 : vector<16xf32>
        %reduce_sum3A_1839 = arith.constant true
        %reduce_sum3A_1840 = vector.broadcast %reduce_sum3A_1839 : i1 to vector<16xi1>
        %reduce_sum3A_1841 = tpu.scan <sum>, %add3A_1838 masked %reduce_sum3A_1840 : vector<16xf32>, vector<16xi1> -> vector<16xf32>
        %reduce_sum3A_1842 = vector.extract %reduce_sum3A_1841[15] : f32 from vector<16xf32>
        %broadcast_in_dim3A_1843 = vector.broadcast %reduce_sum3A_1842 : f32 to vector<16xf32>
        %select_n3A_1844 = arith.select %eq3A_17, %broadcast_in_dim3A_1843, %select_n3A_1821 : vector<16xi1>, vector<16xf32>
        %mul3A_1845 = arith.constant 16 : i32
        %mul3A_1846 = arith.muli %scan3A_1775, %mul3A_1845 : i32
        %add3A_1847 = arith.constant 3 : i32
        %add3A_1848 = arith.addi %mul3A_1846, %add3A_1847 : i32
        %get3A_1849 = arith.constant 0 : i32
        %get3A_1850 = arith.index_cast %get3A_1849 : i32 to index
        %get3A_1851 = arith.index_cast %add3A_1848 : i32 to index
        %get3A_1852 = arith.constant 0 : index
        %get3A_1853 = tpu.vector_load %arg10[%get3A_1850, %get3A_1851, %get3A_1852] {strides = array<i32>} : memref<4x120x32xf32, #tpu.memory_space<vmem>>, vector<16xf32>,
        %mul3A_1854 = arith.mulf %get3A_1853, %get3A_953 : vector<16xf32>
        %get3A_1855 = arith.constant 0 : i32
        %get3A_1856 = arith.index_cast %get3A_1855 : i32 to index
        %get3A_1857 = arith.index_cast %add3A_1848 : i32 to index
        %get3A_1858 = arith.constant 16 : index
        %get3A_1859 = tpu.vector_load %arg10[%get3A_1856, %get3A_1857, %get3A_1858] {strides = array<i32>} : memref<4x120x32xf32, #tpu.memory_space<vmem>>, vector<16xf32>,
        %mul3A_1860 = arith.mulf %get3A_1859, %get3A_956 : vector<16xf32>
        %add3A_1861 = arith.addf %mul3A_1854, %mul3A_1860 : vector<16xf32>
        %reduce_sum3A_1862 = arith.constant true
        %reduce_sum3A_1863 = vector.broadcast %reduce_sum3A_1862 : i1 to vector<16xi1>
        %reduce_sum3A_1864 = tpu.scan <sum>, %add3A_1861 masked %reduce_sum3A_1863 : vector<16xf32>, vector<16xi1> -> vector<16xf32>
        %reduce_sum3A_1865 = vector.extract %reduce_sum3A_1864[15] : f32 from vector<16xf32>
        %broadcast_in_dim3A_1866 = vector.broadcast %reduce_sum3A_1865 : f32 to vector<16xf32>
        %select_n3A_1867 = arith.select %eq3A_20, %broadcast_in_dim3A_1866, %select_n3A_1844 : vector<16xi1>, vector<16xf32>
        %mul3A_1868 = arith.constant 16 : i32
        %mul3A_1869 = arith.muli %scan3A_1775, %mul3A_1868 : i32
        %add3A_1870 = arith.constant 4 : i32
        %add3A_1871 = arith.addi %mul3A_1869, %add3A_1870 : i32
        %get3A_1872 = arith.constant 0 : i32
        %get3A_1873 = arith.index_cast %get3A_1872 : i32 to index
        %get3A_1874 = arith.index_cast %add3A_1871 : i32 to index
        %get3A_1875 = arith.constant 0 : index
        %get3A_1876 = tpu.vector_load %arg10[%get3A_1873, %get3A_1874, %get3A_1875] {strides = array<i32>} : memref<4x120x32xf32, #tpu.memory_space<vmem>>, vector<16xf32>,
        %mul3A_1877 = arith.mulf %get3A_1876, %get3A_953 : vector<16xf32>
        %get3A_1878 = arith.constant 0 : i32
        %get3A_1879 = arith.index_cast %get3A_1878 : i32 to index
        %get3A_1880 = arith.index_cast %add3A_1871 : i32 to index
        %get3A_1881 = arith.constant 16 : index
        %get3A_1882 = tpu.vector_load %arg10[%get3A_1879, %get3A_1880, %get3A_1881] {strides = array<i32>} : memref<4x120x32xf32, #tpu.memory_space<vmem>>, vector<16xf32>,
        %mul3A_1883 = arith.mulf %get3A_1882, %get3A_956 : vector<16xf32>
        %add3A_1884 = arith.addf %mul3A_1877, %mul3A_1883 : vector<16xf32>
        %reduce_sum3A_1885 = arith.constant true
        %reduce_sum3A_1886 = vector.broadcast %reduce_sum3A_1885 : i1 to vector<16xi1>
        %reduce_sum3A_1887 = tpu.scan <sum>, %add3A_1884 masked %reduce_sum3A_1886 : vector<16xf32>, vector<16xi1> -> vector<16xf32>
        %reduce_sum3A_1888 = vector.extract %reduce_sum3A_1887[15] : f32 from vector<16xf32>
        %broadcast_in_dim3A_1889 = vector.broadcast %reduce_sum3A_1888 : f32 to vector<16xf32>
        %select_n3A_1890 = arith.select %eq3A_23, %broadcast_in_dim3A_1889, %select_n3A_1867 : vector<16xi1>, vector<16xf32>
        %mul3A_1891 = arith.constant 16 : i32
        %mul3A_1892 = arith.muli %scan3A_1775, %mul3A_1891 : i32
        %add3A_1893 = arith.constant 5 : i32
        %add3A_1894 = arith.addi %mul3A_1892, %add3A_1893 : i32
        %get3A_1895 = arith.constant 0 : i32
        %get3A_1896 = arith.index_cast %get3A_1895 : i32 to index
        %get3A_1897 = arith.index_cast %add3A_1894 : i32 to index
        %get3A_1898 = arith.constant 0 : index
        %get3A_1899 = tpu.vector_load %arg10[%get3A_1896, %get3A_1897, %get3A_1898] {strides = array<i32>} : memref<4x120x32xf32, #tpu.memory_space<vmem>>, vector<16xf32>,
        %mul3A_1900 = arith.mulf %get3A_1899, %get3A_953 : vector<16xf32>
        %get3A_1901 = arith.constant 0 : i32
        %get3A_1902 = arith.index_cast %get3A_1901 : i32 to index
        %get3A_1903 = arith.index_cast %add3A_1894 : i32 to index
        %get3A_1904 = arith.constant 16 : index
        %get3A_1905 = tpu.vector_load %arg10[%get3A_1902, %get3A_1903, %get3A_1904] {strides = array<i32>} : memref<4x120x32xf32, #tpu.memory_space<vmem>>, vector<16xf32>,
        %mul3A_1906 = arith.mulf %get3A_1905, %get3A_956 : vector<16xf32>
        %add3A_1907 = arith.addf %mul3A_1900, %mul3A_1906 : vector<16xf32>
        %reduce_sum3A_1908 = arith.constant true
        %reduce_sum3A_1909 = vector.broadcast %reduce_sum3A_1908 : i1 to vector<16xi1>
        %reduce_sum3A_1910 = tpu.scan <sum>, %add3A_1907 masked %reduce_sum3A_1909 : vector<16xf32>, vector<16xi1> -> vector<16xf32>
        %reduce_sum3A_1911 = vector.extract %reduce_sum3A_1910[15] : f32 from vector<16xf32>
        %broadcast_in_dim3A_1912 = vector.broadcast %reduce_sum3A_1911 : f32 to vector<16xf32>
        %select_n3A_1913 = arith.select %eq3A_26, %broadcast_in_dim3A_1912, %select_n3A_1890 : vector<16xi1>, vector<16xf32>
        %mul3A_1914 = arith.constant 16 : i32
        %mul3A_1915 = arith.muli %scan3A_1775, %mul3A_1914 : i32
        %add3A_1916 = arith.constant 6 : i32
        %add3A_1917 = arith.addi %mul3A_1915, %add3A_1916 : i32
        %get3A_1918 = arith.constant 0 : i32
        %get3A_1919 = arith.index_cast %get3A_1918 : i32 to index
        %get3A_1920 = arith.index_cast %add3A_1917 : i32 to index
        %get3A_1921 = arith.constant 0 : index
        %get3A_1922 = tpu.vector_load %arg10[%get3A_1919, %get3A_1920, %get3A_1921] {strides = array<i32>} : memref<4x120x32xf32, #tpu.memory_space<vmem>>, vector<16xf32>,
        %mul3A_1923 = arith.mulf %get3A_1922, %get3A_953 : vector<16xf32>
        %get3A_1924 = arith.constant 0 : i32
        %get3A_1925 = arith.index_cast %get3A_1924 : i32 to index
        %get3A_1926 = arith.index_cast %add3A_1917 : i32 to index
        %get3A_1927 = arith.constant 16 : index
        %get3A_1928 = tpu.vector_load %arg10[%get3A_1925, %get3A_1926, %get3A_1927] {strides = array<i32>} : memref<4x120x32xf32, #tpu.memory_space<vmem>>, vector<16xf32>,
        %mul3A_1929 = arith.mulf %get3A_1928, %get3A_956 : vector<16xf32>
        %add3A_1930 = arith.addf %mul3A_1923, %mul3A_1929 : vector<16xf32>
        %reduce_sum3A_1931 = arith.constant true
        %reduce_sum3A_1932 = vector.broadcast %reduce_sum3A_1931 : i1 to vector<16xi1>
        %reduce_sum3A_1933 = tpu.scan <sum>, %add3A_1930 masked %reduce_sum3A_1932 : vector<16xf32>, vector<16xi1> -> vector<16xf32>
        %reduce_sum3A_1934 = vector.extract %reduce_sum3A_1933[15] : f32 from vector<16xf32>
        %broadcast_in_dim3A_1935 = vector.broadcast %reduce_sum3A_1934 : f32 to vector<16xf32>
        %select_n3A_1936 = arith.select %eq3A_29, %broadcast_in_dim3A_1935, %select_n3A_1913 : vector<16xi1>, vector<16xf32>
        %mul3A_1937 = arith.constant 16 : i32
        %mul3A_1938 = arith.muli %scan3A_1775, %mul3A_1937 : i32
        %add3A_1939 = arith.constant 7 : i32
        %add3A_1940 = arith.addi %mul3A_1938, %add3A_1939 : i32
        %get3A_1941 = arith.constant 0 : i32
        %get3A_1942 = arith.index_cast %get3A_1941 : i32 to index
        %get3A_1943 = arith.index_cast %add3A_1940 : i32 to index
        %get3A_1944 = arith.constant 0 : index
        %get3A_1945 = tpu.vector_load %arg10[%get3A_1942, %get3A_1943, %get3A_1944] {strides = array<i32>} : memref<4x120x32xf32, #tpu.memory_space<vmem>>, vector<16xf32>,
        %mul3A_1946 = arith.mulf %get3A_1945, %get3A_953 : vector<16xf32>
        %get3A_1947 = arith.constant 0 : i32
        %get3A_1948 = arith.index_cast %get3A_1947 : i32 to index
        %get3A_1949 = arith.index_cast %add3A_1940 : i32 to index
        %get3A_1950 = arith.constant 16 : index
        %get3A_1951 = tpu.vector_load %arg10[%get3A_1948, %get3A_1949, %get3A_1950] {strides = array<i32>} : memref<4x120x32xf32, #tpu.memory_space<vmem>>, vector<16xf32>,
        %mul3A_1952 = arith.mulf %get3A_1951, %get3A_956 : vector<16xf32>
        %add3A_1953 = arith.addf %mul3A_1946, %mul3A_1952 : vector<16xf32>
        %reduce_sum3A_1954 = arith.constant true
        %reduce_sum3A_1955 = vector.broadcast %reduce_sum3A_1954 : i1 to vector<16xi1>
        %reduce_sum3A_1956 = tpu.scan <sum>, %add3A_1953 masked %reduce_sum3A_1955 : vector<16xf32>, vector<16xi1> -> vector<16xf32>
        %reduce_sum3A_1957 = vector.extract %reduce_sum3A_1956[15] : f32 from vector<16xf32>
        %broadcast_in_dim3A_1958 = vector.broadcast %reduce_sum3A_1957 : f32 to vector<16xf32>
        %select_n3A_1959 = arith.select %eq3A_32, %broadcast_in_dim3A_1958, %select_n3A_1936 : vector<16xi1>, vector<16xf32>
        %mul3A_1960 = arith.constant 16 : i32
        %mul3A_1961 = arith.muli %scan3A_1775, %mul3A_1960 : i32
        %add3A_1962 = arith.constant 8 : i32
        %add3A_1963 = arith.addi %mul3A_1961, %add3A_1962 : i32
        %get3A_1964 = arith.constant 0 : i32
        %get3A_1965 = arith.index_cast %get3A_1964 : i32 to index
        %get3A_1966 = arith.index_cast %add3A_1963 : i32 to index
        %get3A_1967 = arith.constant 0 : index
        %get3A_1968 = tpu.vector_load %arg10[%get3A_1965, %get3A_1966, %get3A_1967] {strides = array<i32>} : memref<4x120x32xf32, #tpu.memory_space<vmem>>, vector<16xf32>,
        %mul3A_1969 = arith.mulf %get3A_1968, %get3A_953 : vector<16xf32>
        %get3A_1970 = arith.constant 0 : i32
        %get3A_1971 = arith.index_cast %get3A_1970 : i32 to index
        %get3A_1972 = arith.index_cast %add3A_1963 : i32 to index
        %get3A_1973 = arith.constant 16 : index
        %get3A_1974 = tpu.vector_load %arg10[%get3A_1971, %get3A_1972, %get3A_1973] {strides = array<i32>} : memref<4x120x32xf32, #tpu.memory_space<vmem>>, vector<16xf32>,
        %mul3A_1975 = arith.mulf %get3A_1974, %get3A_956 : vector<16xf32>
        %add3A_1976 = arith.addf %mul3A_1969, %mul3A_1975 : vector<16xf32>
        %reduce_sum3A_1977 = arith.constant true
        %reduce_sum3A_1978 = vector.broadcast %reduce_sum3A_1977 : i1 to vector<16xi1>
        %reduce_sum3A_1979 = tpu.scan <sum>, %add3A_1976 masked %reduce_sum3A_1978 : vector<16xf32>, vector<16xi1> -> vector<16xf32>
        %reduce_sum3A_1980 = vector.extract %reduce_sum3A_1979[15] : f32 from vector<16xf32>
        %broadcast_in_dim3A_1981 = vector.broadcast %reduce_sum3A_1980 : f32 to vector<16xf32>
        %select_n3A_1982 = arith.select %eq3A_35, %broadcast_in_dim3A_1981, %select_n3A_1959 : vector<16xi1>, vector<16xf32>
        %mul3A_1983 = arith.constant 16 : i32
        %mul3A_1984 = arith.muli %scan3A_1775, %mul3A_1983 : i32
        %add3A_1985 = arith.constant 9 : i32
        %add3A_1986 = arith.addi %mul3A_1984, %add3A_1985 : i32
        %get3A_1987 = arith.constant 0 : i32
        %get3A_1988 = arith.index_cast %get3A_1987 : i32 to index
        %get3A_1989 = arith.index_cast %add3A_1986 : i32 to index
        %get3A_1990 = arith.constant 0 : index
        %get3A_1991 = tpu.vector_load %arg10[%get3A_1988, %get3A_1989, %get3A_1990] {strides = array<i32>} : memref<4x120x32xf32, #tpu.memory_space<vmem>>, vector<16xf32>,
        %mul3A_1992 = arith.mulf %get3A_1991, %get3A_953 : vector<16xf32>
        %get3A_1993 = arith.constant 0 : i32
        %get3A_1994 = arith.index_cast %get3A_1993 : i32 to index
        %get3A_1995 = arith.index_cast %add3A_1986 : i32 to index
        %get3A_1996 = arith.constant 16 : index
        %get3A_1997 = tpu.vector_load %arg10[%get3A_1994, %get3A_1995, %get3A_1996] {strides = array<i32>} : memref<4x120x32xf32, #tpu.memory_space<vmem>>, vector<16xf32>,
        %mul3A_1998 = arith.mulf %get3A_1997, %get3A_956 : vector<16xf32>
        %add3A_1999 = arith.addf %mul3A_1992, %mul3A_1998 : vector<16xf32>
        %reduce_sum3A_2000 = arith.constant true
        %reduce_sum3A_2001 = vector.broadcast %reduce_sum3A_2000 : i1 to vector<16xi1>
        %reduce_sum3A_2002 = tpu.scan <sum>, %add3A_1999 masked %reduce_sum3A_2001 : vector<16xf32>, vector<16xi1> -> vector<16xf32>
        %reduce_sum3A_2003 = vector.extract %reduce_sum3A_2002[15] : f32 from vector<16xf32>
        %broadcast_in_dim3A_2004 = vector.broadcast %reduce_sum3A_2003 : f32 to vector<16xf32>
        %select_n3A_2005 = arith.select %eq3A_38, %broadcast_in_dim3A_2004, %select_n3A_1982 : vector<16xi1>, vector<16xf32>
        %mul3A_2006 = arith.constant 16 : i32
        %mul3A_2007 = arith.muli %scan3A_1775, %mul3A_2006 : i32
        %add3A_2008 = arith.constant 10 : i32
        %add3A_2009 = arith.addi %mul3A_2007, %add3A_2008 : i32
        %get3A_2010 = arith.constant 0 : i32
        %get3A_2011 = arith.index_cast %get3A_2010 : i32 to index
        %get3A_2012 = arith.index_cast %add3A_2009 : i32 to index
        %get3A_2013 = arith.constant 0 : index
        %get3A_2014 = tpu.vector_load %arg10[%get3A_2011, %get3A_2012, %get3A_2013] {strides = array<i32>} : memref<4x120x32xf32, #tpu.memory_space<vmem>>, vector<16xf32>,
        %mul3A_2015 = arith.mulf %get3A_2014, %get3A_953 : vector<16xf32>
        %get3A_2016 = arith.constant 0 : i32
        %get3A_2017 = arith.index_cast %get3A_2016 : i32 to index
        %get3A_2018 = arith.index_cast %add3A_2009 : i32 to index
        %get3A_2019 = arith.constant 16 : index
        %get3A_2020 = tpu.vector_load %arg10[%get3A_2017, %get3A_2018, %get3A_2019] {strides = array<i32>} : memref<4x120x32xf32, #tpu.memory_space<vmem>>, vector<16xf32>,
        %mul3A_2021 = arith.mulf %get3A_2020, %get3A_956 : vector<16xf32>
        %add3A_2022 = arith.addf %mul3A_2015, %mul3A_2021 : vector<16xf32>
        %reduce_sum3A_2023 = arith.constant true
        %reduce_sum3A_2024 = vector.broadcast %reduce_sum3A_2023 : i1 to vector<16xi1>
        %reduce_sum3A_2025 = tpu.scan <sum>, %add3A_2022 masked %reduce_sum3A_2024 : vector<16xf32>, vector<16xi1> -> vector<16xf32>
        %reduce_sum3A_2026 = vector.extract %reduce_sum3A_2025[15] : f32 from vector<16xf32>
        %broadcast_in_dim3A_2027 = vector.broadcast %reduce_sum3A_2026 : f32 to vector<16xf32>
        %select_n3A_2028 = arith.select %eq3A_41, %broadcast_in_dim3A_2027, %select_n3A_2005 : vector<16xi1>, vector<16xf32>
        %mul3A_2029 = arith.constant 16 : i32
        %mul3A_2030 = arith.muli %scan3A_1775, %mul3A_2029 : i32
        %add3A_2031 = arith.constant 11 : i32
        %add3A_2032 = arith.addi %mul3A_2030, %add3A_2031 : i32
        %get3A_2033 = arith.constant 0 : i32
        %get3A_2034 = arith.index_cast %get3A_2033 : i32 to index
        %get3A_2035 = arith.index_cast %add3A_2032 : i32 to index
        %get3A_2036 = arith.constant 0 : index
        %get3A_2037 = tpu.vector_load %arg10[%get3A_2034, %get3A_2035, %get3A_2036] {strides = array<i32>} : memref<4x120x32xf32, #tpu.memory_space<vmem>>, vector<16xf32>,
        %mul3A_2038 = arith.mulf %get3A_2037, %get3A_953 : vector<16xf32>
        %get3A_2039 = arith.constant 0 : i32
        %get3A_2040 = arith.index_cast %get3A_2039 : i32 to index
        %get3A_2041 = arith.index_cast %add3A_2032 : i32 to index
        %get3A_2042 = arith.constant 16 : index
        %get3A_2043 = tpu.vector_load %arg10[%get3A_2040, %get3A_2041, %get3A_2042] {strides = array<i32>} : memref<4x120x32xf32, #tpu.memory_space<vmem>>, vector<16xf32>,
        %mul3A_2044 = arith.mulf %get3A_2043, %get3A_956 : vector<16xf32>
        %add3A_2045 = arith.addf %mul3A_2038, %mul3A_2044 : vector<16xf32>
        %reduce_sum3A_2046 = arith.constant true
        %reduce_sum3A_2047 = vector.broadcast %reduce_sum3A_2046 : i1 to vector<16xi1>
        %reduce_sum3A_2048 = tpu.scan <sum>, %add3A_2045 masked %reduce_sum3A_2047 : vector<16xf32>, vector<16xi1> -> vector<16xf32>
        %reduce_sum3A_2049 = vector.extract %reduce_sum3A_2048[15] : f32 from vector<16xf32>
        %broadcast_in_dim3A_2050 = vector.broadcast %reduce_sum3A_2049 : f32 to vector<16xf32>
        %select_n3A_2051 = arith.select %eq3A_44, %broadcast_in_dim3A_2050, %select_n3A_2028 : vector<16xi1>, vector<16xf32>
        %mul3A_2052 = arith.constant 16 : i32
        %mul3A_2053 = arith.muli %scan3A_1775, %mul3A_2052 : i32
        %add3A_2054 = arith.constant 12 : i32
        %add3A_2055 = arith.addi %mul3A_2053, %add3A_2054 : i32
        %get3A_2056 = arith.constant 0 : i32
        %get3A_2057 = arith.index_cast %get3A_2056 : i32 to index
        %get3A_2058 = arith.index_cast %add3A_2055 : i32 to index
        %get3A_2059 = arith.constant 0 : index
        %get3A_2060 = tpu.vector_load %arg10[%get3A_2057, %get3A_2058, %get3A_2059] {strides = array<i32>} : memref<4x120x32xf32, #tpu.memory_space<vmem>>, vector<16xf32>,
        %mul3A_2061 = arith.mulf %get3A_2060, %get3A_953 : vector<16xf32>
        %get3A_2062 = arith.constant 0 : i32
        %get3A_2063 = arith.index_cast %get3A_2062 : i32 to index
        %get3A_2064 = arith.index_cast %add3A_2055 : i32 to index
        %get3A_2065 = arith.constant 16 : index
        %get3A_2066 = tpu.vector_load %arg10[%get3A_2063, %get3A_2064, %get3A_2065] {strides = array<i32>} : memref<4x120x32xf32, #tpu.memory_space<vmem>>, vector<16xf32>,
        %mul3A_2067 = arith.mulf %get3A_2066, %get3A_956 : vector<16xf32>
        %add3A_2068 = arith.addf %mul3A_2061, %mul3A_2067 : vector<16xf32>
        %reduce_sum3A_2069 = arith.constant true
        %reduce_sum3A_2070 = vector.broadcast %reduce_sum3A_2069 : i1 to vector<16xi1>
        %reduce_sum3A_2071 = tpu.scan <sum>, %add3A_2068 masked %reduce_sum3A_2070 : vector<16xf32>, vector<16xi1> -> vector<16xf32>
        %reduce_sum3A_2072 = vector.extract %reduce_sum3A_2071[15] : f32 from vector<16xf32>
        %broadcast_in_dim3A_2073 = vector.broadcast %reduce_sum3A_2072 : f32 to vector<16xf32>
        %select_n3A_2074 = arith.select %eq3A_47, %broadcast_in_dim3A_2073, %select_n3A_2051 : vector<16xi1>, vector<16xf32>
        %mul3A_2075 = arith.constant 16 : i32
        %mul3A_2076 = arith.muli %scan3A_1775, %mul3A_2075 : i32
        %add3A_2077 = arith.constant 13 : i32
        %add3A_2078 = arith.addi %mul3A_2076, %add3A_2077 : i32
        %get3A_2079 = arith.constant 0 : i32
        %get3A_2080 = arith.index_cast %get3A_2079 : i32 to index
        %get3A_2081 = arith.index_cast %add3A_2078 : i32 to index
        %get3A_2082 = arith.constant 0 : index
        %get3A_2083 = tpu.vector_load %arg10[%get3A_2080, %get3A_2081, %get3A_2082] {strides = array<i32>} : memref<4x120x32xf32, #tpu.memory_space<vmem>>, vector<16xf32>,
        %mul3A_2084 = arith.mulf %get3A_2083, %get3A_953 : vector<16xf32>
        %get3A_2085 = arith.constant 0 : i32
        %get3A_2086 = arith.index_cast %get3A_2085 : i32 to index
        %get3A_2087 = arith.index_cast %add3A_2078 : i32 to index
        %get3A_2088 = arith.constant 16 : index
        %get3A_2089 = tpu.vector_load %arg10[%get3A_2086, %get3A_2087, %get3A_2088] {strides = array<i32>} : memref<4x120x32xf32, #tpu.memory_space<vmem>>, vector<16xf32>,
        %mul3A_2090 = arith.mulf %get3A_2089, %get3A_956 : vector<16xf32>
        %add3A_2091 = arith.addf %mul3A_2084, %mul3A_2090 : vector<16xf32>
        %reduce_sum3A_2092 = arith.constant true
        %reduce_sum3A_2093 = vector.broadcast %reduce_sum3A_2092 : i1 to vector<16xi1>
        %reduce_sum3A_2094 = tpu.scan <sum>, %add3A_2091 masked %reduce_sum3A_2093 : vector<16xf32>, vector<16xi1> -> vector<16xf32>
        %reduce_sum3A_2095 = vector.extract %reduce_sum3A_2094[15] : f32 from vector<16xf32>
        %broadcast_in_dim3A_2096 = vector.broadcast %reduce_sum3A_2095 : f32 to vector<16xf32>
        %select_n3A_2097 = arith.select %eq3A_50, %broadcast_in_dim3A_2096, %select_n3A_2074 : vector<16xi1>, vector<16xf32>
        %mul3A_2098 = arith.constant 16 : i32
        %mul3A_2099 = arith.muli %scan3A_1775, %mul3A_2098 : i32
        %add3A_2100 = arith.constant 14 : i32
        %add3A_2101 = arith.addi %mul3A_2099, %add3A_2100 : i32
        %get3A_2102 = arith.constant 0 : i32
        %get3A_2103 = arith.index_cast %get3A_2102 : i32 to index
        %get3A_2104 = arith.index_cast %add3A_2101 : i32 to index
        %get3A_2105 = arith.constant 0 : index
        %get3A_2106 = tpu.vector_load %arg10[%get3A_2103, %get3A_2104, %get3A_2105] {strides = array<i32>} : memref<4x120x32xf32, #tpu.memory_space<vmem>>, vector<16xf32>,
        %mul3A_2107 = arith.mulf %get3A_2106, %get3A_953 : vector<16xf32>
        %get3A_2108 = arith.constant 0 : i32
        %get3A_2109 = arith.index_cast %get3A_2108 : i32 to index
        %get3A_2110 = arith.index_cast %add3A_2101 : i32 to index
        %get3A_2111 = arith.constant 16 : index
        %get3A_2112 = tpu.vector_load %arg10[%get3A_2109, %get3A_2110, %get3A_2111] {strides = array<i32>} : memref<4x120x32xf32, #tpu.memory_space<vmem>>, vector<16xf32>,
        %mul3A_2113 = arith.mulf %get3A_2112, %get3A_956 : vector<16xf32>
        %add3A_2114 = arith.addf %mul3A_2107, %mul3A_2113 : vector<16xf32>
        %reduce_sum3A_2115 = arith.constant true
        %reduce_sum3A_2116 = vector.broadcast %reduce_sum3A_2115 : i1 to vector<16xi1>
        %reduce_sum3A_2117 = tpu.scan <sum>, %add3A_2114 masked %reduce_sum3A_2116 : vector<16xf32>, vector<16xi1> -> vector<16xf32>
        %reduce_sum3A_2118 = vector.extract %reduce_sum3A_2117[15] : f32 from vector<16xf32>
        %broadcast_in_dim3A_2119 = vector.broadcast %reduce_sum3A_2118 : f32 to vector<16xf32>
        %select_n3A_2120 = arith.select %eq3A_53, %broadcast_in_dim3A_2119, %select_n3A_2097 : vector<16xi1>, vector<16xf32>
        %mul3A_2121 = arith.constant 16 : i32
        %mul3A_2122 = arith.muli %scan3A_1775, %mul3A_2121 : i32
        %add3A_2123 = arith.constant 15 : i32
        %add3A_2124 = arith.addi %mul3A_2122, %add3A_2123 : i32
        %get3A_2125 = arith.constant 0 : i32
        %get3A_2126 = arith.index_cast %get3A_2125 : i32 to index
        %get3A_2127 = arith.index_cast %add3A_2124 : i32 to index
        %get3A_2128 = arith.constant 0 : index
        %get3A_2129 = tpu.vector_load %arg10[%get3A_2126, %get3A_2127, %get3A_2128] {strides = array<i32>} : memref<4x120x32xf32, #tpu.memory_space<vmem>>, vector<16xf32>,
        %mul3A_2130 = arith.mulf %get3A_2129, %get3A_953 : vector<16xf32>
        %get3A_2131 = arith.constant 0 : i32
        %get3A_2132 = arith.index_cast %get3A_2131 : i32 to index
        %get3A_2133 = arith.index_cast %add3A_2124 : i32 to index
        %get3A_2134 = arith.constant 16 : index
        %get3A_2135 = tpu.vector_load %arg10[%get3A_2132, %get3A_2133, %get3A_2134] {strides = array<i32>} : memref<4x120x32xf32, #tpu.memory_space<vmem>>, vector<16xf32>,
        %mul3A_2136 = arith.mulf %get3A_2135, %get3A_956 : vector<16xf32>
        %add3A_2137 = arith.addf %mul3A_2130, %mul3A_2136 : vector<16xf32>
        %reduce_sum3A_2138 = arith.constant true
        %reduce_sum3A_2139 = vector.broadcast %reduce_sum3A_2138 : i1 to vector<16xi1>
        %reduce_sum3A_2140 = tpu.scan <sum>, %add3A_2137 masked %reduce_sum3A_2139 : vector<16xf32>, vector<16xi1> -> vector<16xf32>
        %reduce_sum3A_2141 = vector.extract %reduce_sum3A_2140[15] : f32 from vector<16xf32>
        %broadcast_in_dim3A_2142 = vector.broadcast %reduce_sum3A_2141 : f32 to vector<16xf32>
        %select_n3A_2143 = arith.select %eq3A_56, %broadcast_in_dim3A_2142, %select_n3A_2120 : vector<16xi1>, vector<16xf32>
        %mul3A_2144 = arith.constant 16 : i32
        %mul3A_2145 = arith.muli %scan3A_1775, %mul3A_2144 : i32
        %swap3A_2146 = arith.constant 4 : i32
        %swap3A_2147 = arith.index_cast %swap3A_2146 : i32 to index
        %swap3A_2148 = arith.index_cast %mul3A_2145 : i32 to index
        %swap3A_2149 = tpu.vector_load %arg11[%swap3A_2147, %swap3A_2148] {strides = array<i32>} : memref<8x128xf32, #tpu.memory_space<vmem>>, vector<16xf32>,
        tpu.vector_store %arg11[%swap3A_2147, %swap3A_2148], %select_n3A_2143 {strides = array<i32>} : memref<8x128xf32, #tpu.memory_space<vmem>>, vector<16xf32>,
      }
      %scan3A_962 = arith.constant 7 : i32
      %get3A_963 = arith.constant 0 : i32
      %get3A_964 = arith.constant 112 : i32
      %get3A_965 = arith.index_cast %get3A_963 : i32 to index
      %get3A_966 = arith.index_cast %get3A_964 : i32 to index
      %get3A_967 = arith.constant 0 : index
      %get3A_968 = tpu.vector_load %arg10[%get3A_965, %get3A_966, %get3A_967] {strides = array<i32>} : memref<4x120x32xf32, #tpu.memory_space<vmem>>, vector<16xf32>,
      %mul3A_969 = arith.mulf %get3A_968, %get3A_953 : vector<16xf32>
      %get3A_970 = arith.constant 0 : i32
      %get3A_971 = arith.constant 112 : i32
      %get3A_972 = arith.index_cast %get3A_970 : i32 to index
      %get3A_973 = arith.index_cast %get3A_971 : i32 to index
      %get3A_974 = arith.constant 16 : index
      %get3A_975 = tpu.vector_load %arg10[%get3A_972, %get3A_973, %get3A_974] {strides = array<i32>} : memref<4x120x32xf32, #tpu.memory_space<vmem>>, vector<16xf32>,
      %mul3A_976 = arith.mulf %get3A_975, %get3A_956 : vector<16xf32>
      %add3A_977 = arith.addf %mul3A_969, %mul3A_976 : vector<16xf32>
      %reduce_sum3A_978 = arith.constant true
      %reduce_sum3A_979 = vector.broadcast %reduce_sum3A_978 : i1 to vector<16xi1>
      %reduce_sum3A_980 = tpu.scan <sum>, %add3A_977 masked %reduce_sum3A_979 : vector<16xf32>, vector<16xi1> -> vector<16xf32>
      %reduce_sum3A_981 = vector.extract %reduce_sum3A_980[15] : f32 from vector<16xf32>
      %broadcast_in_dim3A_982 = vector.broadcast %reduce_sum3A_981 : f32 to vector<16xf32>
      %select_n3A_983 = arith.select %eq3A_11, %broadcast_in_dim3A_982, %broadcast_in_dim3A_57 : vector<16xi1>, vector<16xf32>
      %get3A_984 = arith.constant 0 : i32
      %get3A_985 = arith.constant 113 : i32
      %get3A_986 = arith.index_cast %get3A_984 : i32 to index
      %get3A_987 = arith.index_cast %get3A_985 : i32 to index
      %get3A_988 = arith.constant 0 : index
      %get3A_989 = tpu.vector_load %arg10[%get3A_986, %get3A_987, %get3A_988] {strides = array<i32>} : memref<4x120x32xf32, #tpu.memory_space<vmem>>, vector<16xf32>,
      %mul3A_990 = arith.mulf %get3A_989, %get3A_953 : vector<16xf32>
      %get3A_991 = arith.constant 0 : i32
      %get3A_992 = arith.constant 113 : i32
      %get3A_993 = arith.index_cast %get3A_991 : i32 to index
      %get3A_994 = arith.index_cast %get3A_992 : i32 to index
      %get3A_995 = arith.constant 16 : index
      %get3A_996 = tpu.vector_load %arg10[%get3A_993, %get3A_994, %get3A_995] {strides = array<i32>} : memref<4x120x32xf32, #tpu.memory_space<vmem>>, vector<16xf32>,
      %mul3A_997 = arith.mulf %get3A_996, %get3A_956 : vector<16xf32>
      %add3A_998 = arith.addf %mul3A_990, %mul3A_997 : vector<16xf32>
      %reduce_sum3A_999 = arith.constant true
      %reduce_sum3A_1000 = vector.broadcast %reduce_sum3A_999 : i1 to vector<16xi1>
      %reduce_sum3A_1001 = tpu.scan <sum>, %add3A_998 masked %reduce_sum3A_1000 : vector<16xf32>, vector<16xi1> -> vector<16xf32>
      %reduce_sum3A_1002 = vector.extract %reduce_sum3A_1001[15] : f32 from vector<16xf32>
      %broadcast_in_dim3A_1003 = vector.broadcast %reduce_sum3A_1002 : f32 to vector<16xf32>
      %select_n3A_1004 = arith.select %eq3A_14, %broadcast_in_dim3A_1003, %select_n3A_983 : vector<16xi1>, vector<16xf32>
      %get3A_1005 = arith.constant 0 : i32
      %get3A_1006 = arith.constant 114 : i32
      %get3A_1007 = arith.index_cast %get3A_1005 : i32 to index
      %get3A_1008 = arith.index_cast %get3A_1006 : i32 to index
      %get3A_1009 = arith.constant 0 : index
      %get3A_1010 = tpu.vector_load %arg10[%get3A_1007, %get3A_1008, %get3A_1009] {strides = array<i32>} : memref<4x120x32xf32, #tpu.memory_space<vmem>>, vector<16xf32>,
      %mul3A_1011 = arith.mulf %get3A_1010, %get3A_953 : vector<16xf32>
      %get3A_1012 = arith.constant 0 : i32
      %get3A_1013 = arith.constant 114 : i32
      %get3A_1014 = arith.index_cast %get3A_1012 : i32 to index
      %get3A_1015 = arith.index_cast %get3A_1013 : i32 to index
      %get3A_1016 = arith.constant 16 : index
      %get3A_1017 = tpu.vector_load %arg10[%get3A_1014, %get3A_1015, %get3A_1016] {strides = array<i32>} : memref<4x120x32xf32, #tpu.memory_space<vmem>>, vector<16xf32>,
      %mul3A_1018 = arith.mulf %get3A_1017, %get3A_956 : vector<16xf32>
      %add3A_1019 = arith.addf %mul3A_1011, %mul3A_1018 : vector<16xf32>
      %reduce_sum3A_1020 = arith.constant true
      %reduce_sum3A_1021 = vector.broadcast %reduce_sum3A_1020 : i1 to vector<16xi1>
      %reduce_sum3A_1022 = tpu.scan <sum>, %add3A_1019 masked %reduce_sum3A_1021 : vector<16xf32>, vector<16xi1> -> vector<16xf32>
      %reduce_sum3A_1023 = vector.extract %reduce_sum3A_1022[15] : f32 from vector<16xf32>
      %broadcast_in_dim3A_1024 = vector.broadcast %reduce_sum3A_1023 : f32 to vector<16xf32>
      %select_n3A_1025 = arith.select %eq3A_17, %broadcast_in_dim3A_1024, %select_n3A_1004 : vector<16xi1>, vector<16xf32>
      %get3A_1026 = arith.constant 0 : i32
      %get3A_1027 = arith.constant 115 : i32
      %get3A_1028 = arith.index_cast %get3A_1026 : i32 to index
      %get3A_1029 = arith.index_cast %get3A_1027 : i32 to index
      %get3A_1030 = arith.constant 0 : index
      %get3A_1031 = tpu.vector_load %arg10[%get3A_1028, %get3A_1029, %get3A_1030] {strides = array<i32>} : memref<4x120x32xf32, #tpu.memory_space<vmem>>, vector<16xf32>,
      %mul3A_1032 = arith.mulf %get3A_1031, %get3A_953 : vector<16xf32>
      %get3A_1033 = arith.constant 0 : i32
      %get3A_1034 = arith.constant 115 : i32
      %get3A_1035 = arith.index_cast %get3A_1033 : i32 to index
      %get3A_1036 = arith.index_cast %get3A_1034 : i32 to index
      %get3A_1037 = arith.constant 16 : index
      %get3A_1038 = tpu.vector_load %arg10[%get3A_1035, %get3A_1036, %get3A_1037] {strides = array<i32>} : memref<4x120x32xf32, #tpu.memory_space<vmem>>, vector<16xf32>,
      %mul3A_1039 = arith.mulf %get3A_1038, %get3A_956 : vector<16xf32>
      %add3A_1040 = arith.addf %mul3A_1032, %mul3A_1039 : vector<16xf32>
      %reduce_sum3A_1041 = arith.constant true
      %reduce_sum3A_1042 = vector.broadcast %reduce_sum3A_1041 : i1 to vector<16xi1>
      %reduce_sum3A_1043 = tpu.scan <sum>, %add3A_1040 masked %reduce_sum3A_1042 : vector<16xf32>, vector<16xi1> -> vector<16xf32>
      %reduce_sum3A_1044 = vector.extract %reduce_sum3A_1043[15] : f32 from vector<16xf32>
      %broadcast_in_dim3A_1045 = vector.broadcast %reduce_sum3A_1044 : f32 to vector<16xf32>
      %select_n3A_1046 = arith.select %eq3A_20, %broadcast_in_dim3A_1045, %select_n3A_1025 : vector<16xi1>, vector<16xf32>
      %get3A_1047 = arith.constant 0 : i32
      %get3A_1048 = arith.constant 116 : i32
      %get3A_1049 = arith.index_cast %get3A_1047 : i32 to index
      %get3A_1050 = arith.index_cast %get3A_1048 : i32 to index
      %get3A_1051 = arith.constant 0 : index
      %get3A_1052 = tpu.vector_load %arg10[%get3A_1049, %get3A_1050, %get3A_1051] {strides = array<i32>} : memref<4x120x32xf32, #tpu.memory_space<vmem>>, vector<16xf32>,
      %mul3A_1053 = arith.mulf %get3A_1052, %get3A_953 : vector<16xf32>
      %get3A_1054 = arith.constant 0 : i32
      %get3A_1055 = arith.constant 116 : i32
      %get3A_1056 = arith.index_cast %get3A_1054 : i32 to index
      %get3A_1057 = arith.index_cast %get3A_1055 : i32 to index
      %get3A_1058 = arith.constant 16 : index
      %get3A_1059 = tpu.vector_load %arg10[%get3A_1056, %get3A_1057, %get3A_1058] {strides = array<i32>} : memref<4x120x32xf32, #tpu.memory_space<vmem>>, vector<16xf32>,
      %mul3A_1060 = arith.mulf %get3A_1059, %get3A_956 : vector<16xf32>
      %add3A_1061 = arith.addf %mul3A_1053, %mul3A_1060 : vector<16xf32>
      %reduce_sum3A_1062 = arith.constant true
      %reduce_sum3A_1063 = vector.broadcast %reduce_sum3A_1062 : i1 to vector<16xi1>
      %reduce_sum3A_1064 = tpu.scan <sum>, %add3A_1061 masked %reduce_sum3A_1063 : vector<16xf32>, vector<16xi1> -> vector<16xf32>
      %reduce_sum3A_1065 = vector.extract %reduce_sum3A_1064[15] : f32 from vector<16xf32>
      %broadcast_in_dim3A_1066 = vector.broadcast %reduce_sum3A_1065 : f32 to vector<16xf32>
      %select_n3A_1067 = arith.select %eq3A_23, %broadcast_in_dim3A_1066, %select_n3A_1046 : vector<16xi1>, vector<16xf32>
      %get3A_1068 = arith.constant 0 : i32
      %get3A_1069 = arith.constant 117 : i32
      %get3A_1070 = arith.index_cast %get3A_1068 : i32 to index
      %get3A_1071 = arith.index_cast %get3A_1069 : i32 to index
      %get3A_1072 = arith.constant 0 : index
      %get3A_1073 = tpu.vector_load %arg10[%get3A_1070, %get3A_1071, %get3A_1072] {strides = array<i32>} : memref<4x120x32xf32, #tpu.memory_space<vmem>>, vector<16xf32>,
      %mul3A_1074 = arith.mulf %get3A_1073, %get3A_953 : vector<16xf32>
      %get3A_1075 = arith.constant 0 : i32
      %get3A_1076 = arith.constant 117 : i32
      %get3A_1077 = arith.index_cast %get3A_1075 : i32 to index
      %get3A_1078 = arith.index_cast %get3A_1076 : i32 to index
      %get3A_1079 = arith.constant 16 : index
      %get3A_1080 = tpu.vector_load %arg10[%get3A_1077, %get3A_1078, %get3A_1079] {strides = array<i32>} : memref<4x120x32xf32, #tpu.memory_space<vmem>>, vector<16xf32>,
      %mul3A_1081 = arith.mulf %get3A_1080, %get3A_956 : vector<16xf32>
      %add3A_1082 = arith.addf %mul3A_1074, %mul3A_1081 : vector<16xf32>
      %reduce_sum3A_1083 = arith.constant true
      %reduce_sum3A_1084 = vector.broadcast %reduce_sum3A_1083 : i1 to vector<16xi1>
      %reduce_sum3A_1085 = tpu.scan <sum>, %add3A_1082 masked %reduce_sum3A_1084 : vector<16xf32>, vector<16xi1> -> vector<16xf32>
      %reduce_sum3A_1086 = vector.extract %reduce_sum3A_1085[15] : f32 from vector<16xf32>
      %broadcast_in_dim3A_1087 = vector.broadcast %reduce_sum3A_1086 : f32 to vector<16xf32>
      %select_n3A_1088 = arith.select %eq3A_26, %broadcast_in_dim3A_1087, %select_n3A_1067 : vector<16xi1>, vector<16xf32>
      %get3A_1089 = arith.constant 0 : i32
      %get3A_1090 = arith.constant 118 : i32
      %get3A_1091 = arith.index_cast %get3A_1089 : i32 to index
      %get3A_1092 = arith.index_cast %get3A_1090 : i32 to index
      %get3A_1093 = arith.constant 0 : index
      %get3A_1094 = tpu.vector_load %arg10[%get3A_1091, %get3A_1092, %get3A_1093] {strides = array<i32>} : memref<4x120x32xf32, #tpu.memory_space<vmem>>, vector<16xf32>,
      %mul3A_1095 = arith.mulf %get3A_1094, %get3A_953 : vector<16xf32>
      %get3A_1096 = arith.constant 0 : i32
      %get3A_1097 = arith.constant 118 : i32
      %get3A_1098 = arith.index_cast %get3A_1096 : i32 to index
      %get3A_1099 = arith.index_cast %get3A_1097 : i32 to index
      %get3A_1100 = arith.constant 16 : index
      %get3A_1101 = tpu.vector_load %arg10[%get3A_1098, %get3A_1099, %get3A_1100] {strides = array<i32>} : memref<4x120x32xf32, #tpu.memory_space<vmem>>, vector<16xf32>,
      %mul3A_1102 = arith.mulf %get3A_1101, %get3A_956 : vector<16xf32>
      %add3A_1103 = arith.addf %mul3A_1095, %mul3A_1102 : vector<16xf32>
      %reduce_sum3A_1104 = arith.constant true
      %reduce_sum3A_1105 = vector.broadcast %reduce_sum3A_1104 : i1 to vector<16xi1>
      %reduce_sum3A_1106 = tpu.scan <sum>, %add3A_1103 masked %reduce_sum3A_1105 : vector<16xf32>, vector<16xi1> -> vector<16xf32>
      %reduce_sum3A_1107 = vector.extract %reduce_sum3A_1106[15] : f32 from vector<16xf32>
      %broadcast_in_dim3A_1108 = vector.broadcast %reduce_sum3A_1107 : f32 to vector<16xf32>
      %select_n3A_1109 = arith.select %eq3A_29, %broadcast_in_dim3A_1108, %select_n3A_1088 : vector<16xi1>, vector<16xf32>
      %get3A_1110 = arith.constant 0 : i32
      %get3A_1111 = arith.constant 119 : i32
      %get3A_1112 = arith.index_cast %get3A_1110 : i32 to index
      %get3A_1113 = arith.index_cast %get3A_1111 : i32 to index
      %get3A_1114 = arith.constant 0 : index
      %get3A_1115 = tpu.vector_load %arg10[%get3A_1112, %get3A_1113, %get3A_1114] {strides = array<i32>} : memref<4x120x32xf32, #tpu.memory_space<vmem>>, vector<16xf32>,
      %mul3A_1116 = arith.mulf %get3A_1115, %get3A_953 : vector<16xf32>
      %get3A_1117 = arith.constant 0 : i32
      %get3A_1118 = arith.constant 119 : i32
      %get3A_1119 = arith.index_cast %get3A_1117 : i32 to index
      %get3A_1120 = arith.index_cast %get3A_1118 : i32 to index
      %get3A_1121 = arith.constant 16 : index
      %get3A_1122 = tpu.vector_load %arg10[%get3A_1119, %get3A_1120, %get3A_1121] {strides = array<i32>} : memref<4x120x32xf32, #tpu.memory_space<vmem>>, vector<16xf32>,
      %mul3A_1123 = arith.mulf %get3A_1122, %get3A_956 : vector<16xf32>
      %add3A_1124 = arith.addf %mul3A_1116, %mul3A_1123 : vector<16xf32>
      %reduce_sum3A_1125 = arith.constant true
      %reduce_sum3A_1126 = vector.broadcast %reduce_sum3A_1125 : i1 to vector<16xi1>
      %reduce_sum3A_1127 = tpu.scan <sum>, %add3A_1124 masked %reduce_sum3A_1126 : vector<16xf32>, vector<16xi1> -> vector<16xf32>
      %reduce_sum3A_1128 = vector.extract %reduce_sum3A_1127[15] : f32 from vector<16xf32>
      %broadcast_in_dim3A_1129 = vector.broadcast %reduce_sum3A_1128 : f32 to vector<16xf32>
      %select_n3A_1130 = arith.select %eq3A_32, %broadcast_in_dim3A_1129, %select_n3A_1109 : vector<16xi1>, vector<16xf32>
      %swap3A_1131 = arith.constant 4 : i32
      %swap3A_1132 = arith.index_cast %swap3A_1131 : i32 to index
      %swap3A_1133 = arith.constant 112 : index
      %swap3A_1134 = tpu.vector_load %arg11[%swap3A_1132, %swap3A_1133] {strides = array<i32>} : memref<8x128xf32, #tpu.memory_space<vmem>>, vector<16xf32>,
      tpu.vector_store %arg11[%swap3A_1132, %swap3A_1133], %select_n3A_1130 {strides = array<i32>} : memref<8x128xf32, #tpu.memory_space<vmem>>, vector<16xf32>,
      %add3A_1135 = arith.constant 4 : i32
      %add3A_1136 = arith.addi %add3A_935, %add3A_1135 : i32
      %sub3A_1137 = arith.constant 1 : i32
      %sub3A_1138 = arith.subi %add3A_1136, %sub3A_1137 : i32
      %lt3A_1139 = arith.constant 128 : i32
      %lt3A_1140 = arith.cmpi slt, %sub3A_1138, %lt3A_1139 : i32
      %convert_element_type3A_1141 = arith.extui %lt3A_1140 : i1 to i32
      %cond3A_1142 = arith.constant 0 : i32
      %cond3A_1143 = arith.cmpi ne, %convert_element_type3A_1141, %cond3A_1142 : i32
      scf.if %cond3A_1143 {
        %add3A_1775 = arith.constant 4 : i32
        %add3A_1776 = arith.addi %add3A_935, %add3A_1775 : i32
        %sub3A_1777 = arith.constant 1 : i32
        %sub3A_1778 = arith.subi %add3A_1776, %sub3A_1777 : i32
        %dma_start3A_1779 = arith.constant 3 : i32
        %dma_start3A_1780 = arith.constant 0 : i32
        %dma_start3A_1781 = arith.constant 0 : i32
        %dma_start3A_1782 = tpu.memref_slice %arg10[%dma_start3A_1779, %dma_start3A_1780, %dma_start3A_1781] : memref<4x120x32xf32, #tpu.memory_space<vmem>> -> memref<1x120x32xf32, #tpu.memory_space<vmem>>
        %dma_start3A_1783 = tpu.memref_squeeze %dma_start3A_1782 : memref<1x120x32xf32, #tpu.memory_space<vmem>> -> memref<120x32xf32, #tpu.memory_space<vmem>>
        %dma_start3A_1784 = arith.constant 0 : i32
        %dma_start3A_1785 = tpu.memref_slice %arg8[%sub3A_1778, %dma_start3A_1784] : memref<128x120xi32, #tpu.memory_space<vmem>> -> memref<1x120xi32, #tpu.memory_space<vmem>>
        %dma_start3A_1786 = tpu.memref_squeeze %dma_start3A_1785 : memref<1x120xi32, #tpu.memory_space<vmem>> -> memref<120xi32, #tpu.memory_space<vmem>>
        %dma_start3A_1787 = arith.constant 0 : i32
        %dma_start3A_1788 = arith.constant 0 : i32
        %dma_start3A_1789 = tpu.memref_slice %arg5[%dma_start3A_1787, %dma_start3A_1788] : memref<1000000x32xf32, #tpu.memory_space<hbm>> -> memref<1000000x32xf32, #tpu.memory_space<hbm>>
        tpu.enqueue_indirect_dma source(%dma_start3A_1789 : memref<1000000x32xf32, #tpu.memory_space<hbm>>) target(%dma_start3A_1783 : memref<120x32xf32, #tpu.memory_space<vmem>>) offsets(%dma_start3A_1786 : memref<120xi32, #tpu.memory_space<vmem>>) semaphore(%arg15 : memref<!tpu.dma_semaphore, #tpu.memory_space<semaphore_mem>>)
      } else {
      }
      %add3A_1144 = arith.constant 5 : i32
      %add3A_1145 = arith.addi %mul3A_101, %add3A_1144 : i32
      %dma_wait3A_1146 = arith.constant 1 : i32
      %dma_wait3A_1147 = arith.constant 0 : i32
      %dma_wait3A_1148 = arith.constant 0 : i32
      %dma_wait3A_1149 = tpu.memref_slice %arg10[%dma_wait3A_1146, %dma_wait3A_1147, %dma_wait3A_1148] : memref<4x120x32xf32, #tpu.memory_space<vmem>> -> memref<1x120x32xf32, #tpu.memory_space<vmem>>
      %dma_wait3A_1150 = tpu.memref_squeeze %dma_wait3A_1149 : memref<1x120x32xf32, #tpu.memory_space<vmem>> -> memref<120x32xf32, #tpu.memory_space<vmem>>
      %dma_wait3A_1151 = arith.constant 0 : i32
      %dma_wait3A_1152 = arith.constant 0 : i32
      %dma_wait3A_1153 = tpu.memref_slice %arg5[%dma_wait3A_1151, %dma_wait3A_1152] : memref<1000000x32xf32, #tpu.memory_space<hbm>> -> memref<120x32xf32, #tpu.memory_space<hbm>>
      %dma_wait3A_1154 = arith.constant 0 : i32
      %dma_wait3A_1155 = arith.constant 0 : i32
      %dma_wait3A_1156 = tpu.memref_slice %arg10[%dma_wait3A_1146, %dma_wait3A_1154, %dma_wait3A_1155] : memref<4x120x32xf32, #tpu.memory_space<vmem>> -> memref<1x120x32xf32, #tpu.memory_space<vmem>>
      %dma_wait3A_1157 = tpu.memref_squeeze %dma_wait3A_1156 : memref<1x120x32xf32, #tpu.memory_space<vmem>> -> memref<120x32xf32, #tpu.memory_space<vmem>>
      %dma_wait3A_1158 = arith.constant 0 : i32
      %dma_wait3A_1159 = arith.constant 0 : i32
      %dma_wait3A_1160 = tpu.memref_slice %arg5[%dma_wait3A_1158, %dma_wait3A_1159] : memref<1000000x32xf32, #tpu.memory_space<hbm>> -> memref<120x32xf32, #tpu.memory_space<hbm>>
      tpu.wait_dma2 semaphore(%arg13 : memref<!tpu.dma_semaphore, #tpu.memory_space<semaphore_mem>>) src(%dma_wait3A_1160 : memref<120x32xf32, #tpu.memory_space<hbm>>) dst(%dma_wait3A_1157 : memref<120x32xf32, #tpu.memory_space<vmem>>)
      %get3A_1161 = arith.index_cast %add3A_1145 : i32 to index
      %get3A_1162 = arith.constant 0 : index
      %get3A_1163 = tpu.vector_load %arg9[%get3A_1161, %get3A_1162] {strides = array<i32>} : memref<128x32xf32, #tpu.memory_space<vmem>>, vector<16xf32>,
      %get3A_1164 = arith.index_cast %add3A_1145 : i32 to index
      %get3A_1165 = arith.constant 16 : index
      %get3A_1166 = tpu.vector_load %arg9[%get3A_1164, %get3A_1165] {strides = array<i32>} : memref<128x32xf32, #tpu.memory_space<vmem>>, vector<16xf32>,
      %scan3A_1167 = arith.constant 0 : i32
      %scan3A_1168 = arith.constant 0 : i32
      %scan3A_1169 = arith.constant 7 : i32
      %scan3A_1170 = arith.addi %scan3A_1168, %scan3A_1169 : i32
      %scan3A_1171 = arith.constant 1 : i32
      scf.for %scan3A_1775 = %scan3A_1168 to %scan3A_1170 step %scan3A_1171  : i32 {
        %mul3A_1776 = arith.constant 16 : i32
        %mul3A_1777 = arith.muli %scan3A_1775, %mul3A_1776 : i32
        %add3A_1778 = arith.constant 0 : i32
        %add3A_1779 = arith.addi %mul3A_1777, %add3A_1778 : i32
        %get3A_1780 = arith.constant 1 : i32
        %get3A_1781 = arith.index_cast %get3A_1780 : i32 to index
        %get3A_1782 = arith.index_cast %add3A_1779 : i32 to index
        %get3A_1783 = arith.constant 0 : index
        %get3A_1784 = tpu.vector_load %arg10[%get3A_1781, %get3A_1782, %get3A_1783] {strides = array<i32>} : memref<4x120x32xf32, #tpu.memory_space<vmem>>, vector<16xf32>,
        %mul3A_1785 = arith.mulf %get3A_1784, %get3A_1163 : vector<16xf32>
        %get3A_1786 = arith.constant 1 : i32
        %get3A_1787 = arith.index_cast %get3A_1786 : i32 to index
        %get3A_1788 = arith.index_cast %add3A_1779 : i32 to index
        %get3A_1789 = arith.constant 16 : index
        %get3A_1790 = tpu.vector_load %arg10[%get3A_1787, %get3A_1788, %get3A_1789] {strides = array<i32>} : memref<4x120x32xf32, #tpu.memory_space<vmem>>, vector<16xf32>,
        %mul3A_1791 = arith.mulf %get3A_1790, %get3A_1166 : vector<16xf32>
        %add3A_1792 = arith.addf %mul3A_1785, %mul3A_1791 : vector<16xf32>
        %reduce_sum3A_1793 = arith.constant true
        %reduce_sum3A_1794 = vector.broadcast %reduce_sum3A_1793 : i1 to vector<16xi1>
        %reduce_sum3A_1795 = tpu.scan <sum>, %add3A_1792 masked %reduce_sum3A_1794 : vector<16xf32>, vector<16xi1> -> vector<16xf32>
        %reduce_sum3A_1796 = vector.extract %reduce_sum3A_1795[15] : f32 from vector<16xf32>
        %broadcast_in_dim3A_1797 = vector.broadcast %reduce_sum3A_1796 : f32 to vector<16xf32>
        %select_n3A_1798 = arith.select %eq3A_11, %broadcast_in_dim3A_1797, %broadcast_in_dim3A_57 : vector<16xi1>, vector<16xf32>
        %mul3A_1799 = arith.constant 16 : i32
        %mul3A_1800 = arith.muli %scan3A_1775, %mul3A_1799 : i32
        %add3A_1801 = arith.constant 1 : i32
        %add3A_1802 = arith.addi %mul3A_1800, %add3A_1801 : i32
        %get3A_1803 = arith.constant 1 : i32
        %get3A_1804 = arith.index_cast %get3A_1803 : i32 to index
        %get3A_1805 = arith.index_cast %add3A_1802 : i32 to index
        %get3A_1806 = arith.constant 0 : index
        %get3A_1807 = tpu.vector_load %arg10[%get3A_1804, %get3A_1805, %get3A_1806] {strides = array<i32>} : memref<4x120x32xf32, #tpu.memory_space<vmem>>, vector<16xf32>,
        %mul3A_1808 = arith.mulf %get3A_1807, %get3A_1163 : vector<16xf32>
        %get3A_1809 = arith.constant 1 : i32
        %get3A_1810 = arith.index_cast %get3A_1809 : i32 to index
        %get3A_1811 = arith.index_cast %add3A_1802 : i32 to index
        %get3A_1812 = arith.constant 16 : index
        %get3A_1813 = tpu.vector_load %arg10[%get3A_1810, %get3A_1811, %get3A_1812] {strides = array<i32>} : memref<4x120x32xf32, #tpu.memory_space<vmem>>, vector<16xf32>,
        %mul3A_1814 = arith.mulf %get3A_1813, %get3A_1166 : vector<16xf32>
        %add3A_1815 = arith.addf %mul3A_1808, %mul3A_1814 : vector<16xf32>
        %reduce_sum3A_1816 = arith.constant true
        %reduce_sum3A_1817 = vector.broadcast %reduce_sum3A_1816 : i1 to vector<16xi1>
        %reduce_sum3A_1818 = tpu.scan <sum>, %add3A_1815 masked %reduce_sum3A_1817 : vector<16xf32>, vector<16xi1> -> vector<16xf32>
        %reduce_sum3A_1819 = vector.extract %reduce_sum3A_1818[15] : f32 from vector<16xf32>
        %broadcast_in_dim3A_1820 = vector.broadcast %reduce_sum3A_1819 : f32 to vector<16xf32>
        %select_n3A_1821 = arith.select %eq3A_14, %broadcast_in_dim3A_1820, %select_n3A_1798 : vector<16xi1>, vector<16xf32>
        %mul3A_1822 = arith.constant 16 : i32
        %mul3A_1823 = arith.muli %scan3A_1775, %mul3A_1822 : i32
        %add3A_1824 = arith.constant 2 : i32
        %add3A_1825 = arith.addi %mul3A_1823, %add3A_1824 : i32
        %get3A_1826 = arith.constant 1 : i32
        %get3A_1827 = arith.index_cast %get3A_1826 : i32 to index
        %get3A_1828 = arith.index_cast %add3A_1825 : i32 to index
        %get3A_1829 = arith.constant 0 : index
        %get3A_1830 = tpu.vector_load %arg10[%get3A_1827, %get3A_1828, %get3A_1829] {strides = array<i32>} : memref<4x120x32xf32, #tpu.memory_space<vmem>>, vector<16xf32>,
        %mul3A_1831 = arith.mulf %get3A_1830, %get3A_1163 : vector<16xf32>
        %get3A_1832 = arith.constant 1 : i32
        %get3A_1833 = arith.index_cast %get3A_1832 : i32 to index
        %get3A_1834 = arith.index_cast %add3A_1825 : i32 to index
        %get3A_1835 = arith.constant 16 : index
        %get3A_1836 = tpu.vector_load %arg10[%get3A_1833, %get3A_1834, %get3A_1835] {strides = array<i32>} : memref<4x120x32xf32, #tpu.memory_space<vmem>>, vector<16xf32>,
        %mul3A_1837 = arith.mulf %get3A_1836, %get3A_1166 : vector<16xf32>
        %add3A_1838 = arith.addf %mul3A_1831, %mul3A_1837 : vector<16xf32>
        %reduce_sum3A_1839 = arith.constant true
        %reduce_sum3A_1840 = vector.broadcast %reduce_sum3A_1839 : i1 to vector<16xi1>
        %reduce_sum3A_1841 = tpu.scan <sum>, %add3A_1838 masked %reduce_sum3A_1840 : vector<16xf32>, vector<16xi1> -> vector<16xf32>
        %reduce_sum3A_1842 = vector.extract %reduce_sum3A_1841[15] : f32 from vector<16xf32>
        %broadcast_in_dim3A_1843 = vector.broadcast %reduce_sum3A_1842 : f32 to vector<16xf32>
        %select_n3A_1844 = arith.select %eq3A_17, %broadcast_in_dim3A_1843, %select_n3A_1821 : vector<16xi1>, vector<16xf32>
        %mul3A_1845 = arith.constant 16 : i32
        %mul3A_1846 = arith.muli %scan3A_1775, %mul3A_1845 : i32
        %add3A_1847 = arith.constant 3 : i32
        %add3A_1848 = arith.addi %mul3A_1846, %add3A_1847 : i32
        %get3A_1849 = arith.constant 1 : i32
        %get3A_1850 = arith.index_cast %get3A_1849 : i32 to index
        %get3A_1851 = arith.index_cast %add3A_1848 : i32 to index
        %get3A_1852 = arith.constant 0 : index
        %get3A_1853 = tpu.vector_load %arg10[%get3A_1850, %get3A_1851, %get3A_1852] {strides = array<i32>} : memref<4x120x32xf32, #tpu.memory_space<vmem>>, vector<16xf32>,
        %mul3A_1854 = arith.mulf %get3A_1853, %get3A_1163 : vector<16xf32>
        %get3A_1855 = arith.constant 1 : i32
        %get3A_1856 = arith.index_cast %get3A_1855 : i32 to index
        %get3A_1857 = arith.index_cast %add3A_1848 : i32 to index
        %get3A_1858 = arith.constant 16 : index
        %get3A_1859 = tpu.vector_load %arg10[%get3A_1856, %get3A_1857, %get3A_1858] {strides = array<i32>} : memref<4x120x32xf32, #tpu.memory_space<vmem>>, vector<16xf32>,
        %mul3A_1860 = arith.mulf %get3A_1859, %get3A_1166 : vector<16xf32>
        %add3A_1861 = arith.addf %mul3A_1854, %mul3A_1860 : vector<16xf32>
        %reduce_sum3A_1862 = arith.constant true
        %reduce_sum3A_1863 = vector.broadcast %reduce_sum3A_1862 : i1 to vector<16xi1>
        %reduce_sum3A_1864 = tpu.scan <sum>, %add3A_1861 masked %reduce_sum3A_1863 : vector<16xf32>, vector<16xi1> -> vector<16xf32>
        %reduce_sum3A_1865 = vector.extract %reduce_sum3A_1864[15] : f32 from vector<16xf32>
        %broadcast_in_dim3A_1866 = vector.broadcast %reduce_sum3A_1865 : f32 to vector<16xf32>
        %select_n3A_1867 = arith.select %eq3A_20, %broadcast_in_dim3A_1866, %select_n3A_1844 : vector<16xi1>, vector<16xf32>
        %mul3A_1868 = arith.constant 16 : i32
        %mul3A_1869 = arith.muli %scan3A_1775, %mul3A_1868 : i32
        %add3A_1870 = arith.constant 4 : i32
        %add3A_1871 = arith.addi %mul3A_1869, %add3A_1870 : i32
        %get3A_1872 = arith.constant 1 : i32
        %get3A_1873 = arith.index_cast %get3A_1872 : i32 to index
        %get3A_1874 = arith.index_cast %add3A_1871 : i32 to index
        %get3A_1875 = arith.constant 0 : index
        %get3A_1876 = tpu.vector_load %arg10[%get3A_1873, %get3A_1874, %get3A_1875] {strides = array<i32>} : memref<4x120x32xf32, #tpu.memory_space<vmem>>, vector<16xf32>,
        %mul3A_1877 = arith.mulf %get3A_1876, %get3A_1163 : vector<16xf32>
        %get3A_1878 = arith.constant 1 : i32
        %get3A_1879 = arith.index_cast %get3A_1878 : i32 to index
        %get3A_1880 = arith.index_cast %add3A_1871 : i32 to index
        %get3A_1881 = arith.constant 16 : index
        %get3A_1882 = tpu.vector_load %arg10[%get3A_1879, %get3A_1880, %get3A_1881] {strides = array<i32>} : memref<4x120x32xf32, #tpu.memory_space<vmem>>, vector<16xf32>,
        %mul3A_1883 = arith.mulf %get3A_1882, %get3A_1166 : vector<16xf32>
        %add3A_1884 = arith.addf %mul3A_1877, %mul3A_1883 : vector<16xf32>
        %reduce_sum3A_1885 = arith.constant true
        %reduce_sum3A_1886 = vector.broadcast %reduce_sum3A_1885 : i1 to vector<16xi1>
        %reduce_sum3A_1887 = tpu.scan <sum>, %add3A_1884 masked %reduce_sum3A_1886 : vector<16xf32>, vector<16xi1> -> vector<16xf32>
        %reduce_sum3A_1888 = vector.extract %reduce_sum3A_1887[15] : f32 from vector<16xf32>
        %broadcast_in_dim3A_1889 = vector.broadcast %reduce_sum3A_1888 : f32 to vector<16xf32>
        %select_n3A_1890 = arith.select %eq3A_23, %broadcast_in_dim3A_1889, %select_n3A_1867 : vector<16xi1>, vector<16xf32>
        %mul3A_1891 = arith.constant 16 : i32
        %mul3A_1892 = arith.muli %scan3A_1775, %mul3A_1891 : i32
        %add3A_1893 = arith.constant 5 : i32
        %add3A_1894 = arith.addi %mul3A_1892, %add3A_1893 : i32
        %get3A_1895 = arith.constant 1 : i32
        %get3A_1896 = arith.index_cast %get3A_1895 : i32 to index
        %get3A_1897 = arith.index_cast %add3A_1894 : i32 to index
        %get3A_1898 = arith.constant 0 : index
        %get3A_1899 = tpu.vector_load %arg10[%get3A_1896, %get3A_1897, %get3A_1898] {strides = array<i32>} : memref<4x120x32xf32, #tpu.memory_space<vmem>>, vector<16xf32>,
        %mul3A_1900 = arith.mulf %get3A_1899, %get3A_1163 : vector<16xf32>
        %get3A_1901 = arith.constant 1 : i32
        %get3A_1902 = arith.index_cast %get3A_1901 : i32 to index
        %get3A_1903 = arith.index_cast %add3A_1894 : i32 to index
        %get3A_1904 = arith.constant 16 : index
        %get3A_1905 = tpu.vector_load %arg10[%get3A_1902, %get3A_1903, %get3A_1904] {strides = array<i32>} : memref<4x120x32xf32, #tpu.memory_space<vmem>>, vector<16xf32>,
        %mul3A_1906 = arith.mulf %get3A_1905, %get3A_1166 : vector<16xf32>
        %add3A_1907 = arith.addf %mul3A_1900, %mul3A_1906 : vector<16xf32>
        %reduce_sum3A_1908 = arith.constant true
        %reduce_sum3A_1909 = vector.broadcast %reduce_sum3A_1908 : i1 to vector<16xi1>
        %reduce_sum3A_1910 = tpu.scan <sum>, %add3A_1907 masked %reduce_sum3A_1909 : vector<16xf32>, vector<16xi1> -> vector<16xf32>
        %reduce_sum3A_1911 = vector.extract %reduce_sum3A_1910[15] : f32 from vector<16xf32>
        %broadcast_in_dim3A_1912 = vector.broadcast %reduce_sum3A_1911 : f32 to vector<16xf32>
        %select_n3A_1913 = arith.select %eq3A_26, %broadcast_in_dim3A_1912, %select_n3A_1890 : vector<16xi1>, vector<16xf32>
        %mul3A_1914 = arith.constant 16 : i32
        %mul3A_1915 = arith.muli %scan3A_1775, %mul3A_1914 : i32
        %add3A_1916 = arith.constant 6 : i32
        %add3A_1917 = arith.addi %mul3A_1915, %add3A_1916 : i32
        %get3A_1918 = arith.constant 1 : i32
        %get3A_1919 = arith.index_cast %get3A_1918 : i32 to index
        %get3A_1920 = arith.index_cast %add3A_1917 : i32 to index
        %get3A_1921 = arith.constant 0 : index
        %get3A_1922 = tpu.vector_load %arg10[%get3A_1919, %get3A_1920, %get3A_1921] {strides = array<i32>} : memref<4x120x32xf32, #tpu.memory_space<vmem>>, vector<16xf32>,
        %mul3A_1923 = arith.mulf %get3A_1922, %get3A_1163 : vector<16xf32>
        %get3A_1924 = arith.constant 1 : i32
        %get3A_1925 = arith.index_cast %get3A_1924 : i32 to index
        %get3A_1926 = arith.index_cast %add3A_1917 : i32 to index
        %get3A_1927 = arith.constant 16 : index
        %get3A_1928 = tpu.vector_load %arg10[%get3A_1925, %get3A_1926, %get3A_1927] {strides = array<i32>} : memref<4x120x32xf32, #tpu.memory_space<vmem>>, vector<16xf32>,
        %mul3A_1929 = arith.mulf %get3A_1928, %get3A_1166 : vector<16xf32>
        %add3A_1930 = arith.addf %mul3A_1923, %mul3A_1929 : vector<16xf32>
        %reduce_sum3A_1931 = arith.constant true
        %reduce_sum3A_1932 = vector.broadcast %reduce_sum3A_1931 : i1 to vector<16xi1>
        %reduce_sum3A_1933 = tpu.scan <sum>, %add3A_1930 masked %reduce_sum3A_1932 : vector<16xf32>, vector<16xi1> -> vector<16xf32>
        %reduce_sum3A_1934 = vector.extract %reduce_sum3A_1933[15] : f32 from vector<16xf32>
        %broadcast_in_dim3A_1935 = vector.broadcast %reduce_sum3A_1934 : f32 to vector<16xf32>
        %select_n3A_1936 = arith.select %eq3A_29, %broadcast_in_dim3A_1935, %select_n3A_1913 : vector<16xi1>, vector<16xf32>
        %mul3A_1937 = arith.constant 16 : i32
        %mul3A_1938 = arith.muli %scan3A_1775, %mul3A_1937 : i32
        %add3A_1939 = arith.constant 7 : i32
        %add3A_1940 = arith.addi %mul3A_1938, %add3A_1939 : i32
        %get3A_1941 = arith.constant 1 : i32
        %get3A_1942 = arith.index_cast %get3A_1941 : i32 to index
        %get3A_1943 = arith.index_cast %add3A_1940 : i32 to index
        %get3A_1944 = arith.constant 0 : index
        %get3A_1945 = tpu.vector_load %arg10[%get3A_1942, %get3A_1943, %get3A_1944] {strides = array<i32>} : memref<4x120x32xf32, #tpu.memory_space<vmem>>, vector<16xf32>,
        %mul3A_1946 = arith.mulf %get3A_1945, %get3A_1163 : vector<16xf32>
        %get3A_1947 = arith.constant 1 : i32
        %get3A_1948 = arith.index_cast %get3A_1947 : i32 to index
        %get3A_1949 = arith.index_cast %add3A_1940 : i32 to index
        %get3A_1950 = arith.constant 16 : index
        %get3A_1951 = tpu.vector_load %arg10[%get3A_1948, %get3A_1949, %get3A_1950] {strides = array<i32>} : memref<4x120x32xf32, #tpu.memory_space<vmem>>, vector<16xf32>,
        %mul3A_1952 = arith.mulf %get3A_1951, %get3A_1166 : vector<16xf32>
        %add3A_1953 = arith.addf %mul3A_1946, %mul3A_1952 : vector<16xf32>
        %reduce_sum3A_1954 = arith.constant true
        %reduce_sum3A_1955 = vector.broadcast %reduce_sum3A_1954 : i1 to vector<16xi1>
        %reduce_sum3A_1956 = tpu.scan <sum>, %add3A_1953 masked %reduce_sum3A_1955 : vector<16xf32>, vector<16xi1> -> vector<16xf32>
        %reduce_sum3A_1957 = vector.extract %reduce_sum3A_1956[15] : f32 from vector<16xf32>
        %broadcast_in_dim3A_1958 = vector.broadcast %reduce_sum3A_1957 : f32 to vector<16xf32>
        %select_n3A_1959 = arith.select %eq3A_32, %broadcast_in_dim3A_1958, %select_n3A_1936 : vector<16xi1>, vector<16xf32>
        %mul3A_1960 = arith.constant 16 : i32
        %mul3A_1961 = arith.muli %scan3A_1775, %mul3A_1960 : i32
        %add3A_1962 = arith.constant 8 : i32
        %add3A_1963 = arith.addi %mul3A_1961, %add3A_1962 : i32
        %get3A_1964 = arith.constant 1 : i32
        %get3A_1965 = arith.index_cast %get3A_1964 : i32 to index
        %get3A_1966 = arith.index_cast %add3A_1963 : i32 to index
        %get3A_1967 = arith.constant 0 : index
        %get3A_1968 = tpu.vector_load %arg10[%get3A_1965, %get3A_1966, %get3A_1967] {strides = array<i32>} : memref<4x120x32xf32, #tpu.memory_space<vmem>>, vector<16xf32>,
        %mul3A_1969 = arith.mulf %get3A_1968, %get3A_1163 : vector<16xf32>
        %get3A_1970 = arith.constant 1 : i32
        %get3A_1971 = arith.index_cast %get3A_1970 : i32 to index
        %get3A_1972 = arith.index_cast %add3A_1963 : i32 to index
        %get3A_1973 = arith.constant 16 : index
        %get3A_1974 = tpu.vector_load %arg10[%get3A_1971, %get3A_1972, %get3A_1973] {strides = array<i32>} : memref<4x120x32xf32, #tpu.memory_space<vmem>>, vector<16xf32>,
        %mul3A_1975 = arith.mulf %get3A_1974, %get3A_1166 : vector<16xf32>
        %add3A_1976 = arith.addf %mul3A_1969, %mul3A_1975 : vector<16xf32>
        %reduce_sum3A_1977 = arith.constant true
        %reduce_sum3A_1978 = vector.broadcast %reduce_sum3A_1977 : i1 to vector<16xi1>
        %reduce_sum3A_1979 = tpu.scan <sum>, %add3A_1976 masked %reduce_sum3A_1978 : vector<16xf32>, vector<16xi1> -> vector<16xf32>
        %reduce_sum3A_1980 = vector.extract %reduce_sum3A_1979[15] : f32 from vector<16xf32>
        %broadcast_in_dim3A_1981 = vector.broadcast %reduce_sum3A_1980 : f32 to vector<16xf32>
        %select_n3A_1982 = arith.select %eq3A_35, %broadcast_in_dim3A_1981, %select_n3A_1959 : vector<16xi1>, vector<16xf32>
        %mul3A_1983 = arith.constant 16 : i32
        %mul3A_1984 = arith.muli %scan3A_1775, %mul3A_1983 : i32
        %add3A_1985 = arith.constant 9 : i32
        %add3A_1986 = arith.addi %mul3A_1984, %add3A_1985 : i32
        %get3A_1987 = arith.constant 1 : i32
        %get3A_1988 = arith.index_cast %get3A_1987 : i32 to index
        %get3A_1989 = arith.index_cast %add3A_1986 : i32 to index
        %get3A_1990 = arith.constant 0 : index
        %get3A_1991 = tpu.vector_load %arg10[%get3A_1988, %get3A_1989, %get3A_1990] {strides = array<i32>} : memref<4x120x32xf32, #tpu.memory_space<vmem>>, vector<16xf32>,
        %mul3A_1992 = arith.mulf %get3A_1991, %get3A_1163 : vector<16xf32>
        %get3A_1993 = arith.constant 1 : i32
        %get3A_1994 = arith.index_cast %get3A_1993 : i32 to index
        %get3A_1995 = arith.index_cast %add3A_1986 : i32 to index
        %get3A_1996 = arith.constant 16 : index
        %get3A_1997 = tpu.vector_load %arg10[%get3A_1994, %get3A_1995, %get3A_1996] {strides = array<i32>} : memref<4x120x32xf32, #tpu.memory_space<vmem>>, vector<16xf32>,
        %mul3A_1998 = arith.mulf %get3A_1997, %get3A_1166 : vector<16xf32>
        %add3A_1999 = arith.addf %mul3A_1992, %mul3A_1998 : vector<16xf32>
        %reduce_sum3A_2000 = arith.constant true
        %reduce_sum3A_2001 = vector.broadcast %reduce_sum3A_2000 : i1 to vector<16xi1>
        %reduce_sum3A_2002 = tpu.scan <sum>, %add3A_1999 masked %reduce_sum3A_2001 : vector<16xf32>, vector<16xi1> -> vector<16xf32>
        %reduce_sum3A_2003 = vector.extract %reduce_sum3A_2002[15] : f32 from vector<16xf32>
        %broadcast_in_dim3A_2004 = vector.broadcast %reduce_sum3A_2003 : f32 to vector<16xf32>
        %select_n3A_2005 = arith.select %eq3A_38, %broadcast_in_dim3A_2004, %select_n3A_1982 : vector<16xi1>, vector<16xf32>
        %mul3A_2006 = arith.constant 16 : i32
        %mul3A_2007 = arith.muli %scan3A_1775, %mul3A_2006 : i32
        %add3A_2008 = arith.constant 10 : i32
        %add3A_2009 = arith.addi %mul3A_2007, %add3A_2008 : i32
        %get3A_2010 = arith.constant 1 : i32
        %get3A_2011 = arith.index_cast %get3A_2010 : i32 to index
        %get3A_2012 = arith.index_cast %add3A_2009 : i32 to index
        %get3A_2013 = arith.constant 0 : index
        %get3A_2014 = tpu.vector_load %arg10[%get3A_2011, %get3A_2012, %get3A_2013] {strides = array<i32>} : memref<4x120x32xf32, #tpu.memory_space<vmem>>, vector<16xf32>,
        %mul3A_2015 = arith.mulf %get3A_2014, %get3A_1163 : vector<16xf32>
        %get3A_2016 = arith.constant 1 : i32
        %get3A_2017 = arith.index_cast %get3A_2016 : i32 to index
        %get3A_2018 = arith.index_cast %add3A_2009 : i32 to index
        %get3A_2019 = arith.constant 16 : index
        %get3A_2020 = tpu.vector_load %arg10[%get3A_2017, %get3A_2018, %get3A_2019] {strides = array<i32>} : memref<4x120x32xf32, #tpu.memory_space<vmem>>, vector<16xf32>,
        %mul3A_2021 = arith.mulf %get3A_2020, %get3A_1166 : vector<16xf32>
        %add3A_2022 = arith.addf %mul3A_2015, %mul3A_2021 : vector<16xf32>
        %reduce_sum3A_2023 = arith.constant true
        %reduce_sum3A_2024 = vector.broadcast %reduce_sum3A_2023 : i1 to vector<16xi1>
        %reduce_sum3A_2025 = tpu.scan <sum>, %add3A_2022 masked %reduce_sum3A_2024 : vector<16xf32>, vector<16xi1> -> vector<16xf32>
        %reduce_sum3A_2026 = vector.extract %reduce_sum3A_2025[15] : f32 from vector<16xf32>
        %broadcast_in_dim3A_2027 = vector.broadcast %reduce_sum3A_2026 : f32 to vector<16xf32>
        %select_n3A_2028 = arith.select %eq3A_41, %broadcast_in_dim3A_2027, %select_n3A_2005 : vector<16xi1>, vector<16xf32>
        %mul3A_2029 = arith.constant 16 : i32
        %mul3A_2030 = arith.muli %scan3A_1775, %mul3A_2029 : i32
        %add3A_2031 = arith.constant 11 : i32
        %add3A_2032 = arith.addi %mul3A_2030, %add3A_2031 : i32
        %get3A_2033 = arith.constant 1 : i32
        %get3A_2034 = arith.index_cast %get3A_2033 : i32 to index
        %get3A_2035 = arith.index_cast %add3A_2032 : i32 to index
        %get3A_2036 = arith.constant 0 : index
        %get3A_2037 = tpu.vector_load %arg10[%get3A_2034, %get3A_2035, %get3A_2036] {strides = array<i32>} : memref<4x120x32xf32, #tpu.memory_space<vmem>>, vector<16xf32>,
        %mul3A_2038 = arith.mulf %get3A_2037, %get3A_1163 : vector<16xf32>
        %get3A_2039 = arith.constant 1 : i32
        %get3A_2040 = arith.index_cast %get3A_2039 : i32 to index
        %get3A_2041 = arith.index_cast %add3A_2032 : i32 to index
        %get3A_2042 = arith.constant 16 : index
        %get3A_2043 = tpu.vector_load %arg10[%get3A_2040, %get3A_2041, %get3A_2042] {strides = array<i32>} : memref<4x120x32xf32, #tpu.memory_space<vmem>>, vector<16xf32>,
        %mul3A_2044 = arith.mulf %get3A_2043, %get3A_1166 : vector<16xf32>
        %add3A_2045 = arith.addf %mul3A_2038, %mul3A_2044 : vector<16xf32>
        %reduce_sum3A_2046 = arith.constant true
        %reduce_sum3A_2047 = vector.broadcast %reduce_sum3A_2046 : i1 to vector<16xi1>
        %reduce_sum3A_2048 = tpu.scan <sum>, %add3A_2045 masked %reduce_sum3A_2047 : vector<16xf32>, vector<16xi1> -> vector<16xf32>
        %reduce_sum3A_2049 = vector.extract %reduce_sum3A_2048[15] : f32 from vector<16xf32>
        %broadcast_in_dim3A_2050 = vector.broadcast %reduce_sum3A_2049 : f32 to vector<16xf32>
        %select_n3A_2051 = arith.select %eq3A_44, %broadcast_in_dim3A_2050, %select_n3A_2028 : vector<16xi1>, vector<16xf32>
        %mul3A_2052 = arith.constant 16 : i32
        %mul3A_2053 = arith.muli %scan3A_1775, %mul3A_2052 : i32
        %add3A_2054 = arith.constant 12 : i32
        %add3A_2055 = arith.addi %mul3A_2053, %add3A_2054 : i32
        %get3A_2056 = arith.constant 1 : i32
        %get3A_2057 = arith.index_cast %get3A_2056 : i32 to index
        %get3A_2058 = arith.index_cast %add3A_2055 : i32 to index
        %get3A_2059 = arith.constant 0 : index
        %get3A_2060 = tpu.vector_load %arg10[%get3A_2057, %get3A_2058, %get3A_2059] {strides = array<i32>} : memref<4x120x32xf32, #tpu.memory_space<vmem>>, vector<16xf32>,
        %mul3A_2061 = arith.mulf %get3A_2060, %get3A_1163 : vector<16xf32>
        %get3A_2062 = arith.constant 1 : i32
        %get3A_2063 = arith.index_cast %get3A_2062 : i32 to index
        %get3A_2064 = arith.index_cast %add3A_2055 : i32 to index
        %get3A_2065 = arith.constant 16 : index
        %get3A_2066 = tpu.vector_load %arg10[%get3A_2063, %get3A_2064, %get3A_2065] {strides = array<i32>} : memref<4x120x32xf32, #tpu.memory_space<vmem>>, vector<16xf32>,
        %mul3A_2067 = arith.mulf %get3A_2066, %get3A_1166 : vector<16xf32>
        %add3A_2068 = arith.addf %mul3A_2061, %mul3A_2067 : vector<16xf32>
        %reduce_sum3A_2069 = arith.constant true
        %reduce_sum3A_2070 = vector.broadcast %reduce_sum3A_2069 : i1 to vector<16xi1>
        %reduce_sum3A_2071 = tpu.scan <sum>, %add3A_2068 masked %reduce_sum3A_2070 : vector<16xf32>, vector<16xi1> -> vector<16xf32>
        %reduce_sum3A_2072 = vector.extract %reduce_sum3A_2071[15] : f32 from vector<16xf32>
        %broadcast_in_dim3A_2073 = vector.broadcast %reduce_sum3A_2072 : f32 to vector<16xf32>
        %select_n3A_2074 = arith.select %eq3A_47, %broadcast_in_dim3A_2073, %select_n3A_2051 : vector<16xi1>, vector<16xf32>
        %mul3A_2075 = arith.constant 16 : i32
        %mul3A_2076 = arith.muli %scan3A_1775, %mul3A_2075 : i32
        %add3A_2077 = arith.constant 13 : i32
        %add3A_2078 = arith.addi %mul3A_2076, %add3A_2077 : i32
        %get3A_2079 = arith.constant 1 : i32
        %get3A_2080 = arith.index_cast %get3A_2079 : i32 to index
        %get3A_2081 = arith.index_cast %add3A_2078 : i32 to index
        %get3A_2082 = arith.constant 0 : index
        %get3A_2083 = tpu.vector_load %arg10[%get3A_2080, %get3A_2081, %get3A_2082] {strides = array<i32>} : memref<4x120x32xf32, #tpu.memory_space<vmem>>, vector<16xf32>,
        %mul3A_2084 = arith.mulf %get3A_2083, %get3A_1163 : vector<16xf32>
        %get3A_2085 = arith.constant 1 : i32
        %get3A_2086 = arith.index_cast %get3A_2085 : i32 to index
        %get3A_2087 = arith.index_cast %add3A_2078 : i32 to index
        %get3A_2088 = arith.constant 16 : index
        %get3A_2089 = tpu.vector_load %arg10[%get3A_2086, %get3A_2087, %get3A_2088] {strides = array<i32>} : memref<4x120x32xf32, #tpu.memory_space<vmem>>, vector<16xf32>,
        %mul3A_2090 = arith.mulf %get3A_2089, %get3A_1166 : vector<16xf32>
        %add3A_2091 = arith.addf %mul3A_2084, %mul3A_2090 : vector<16xf32>
        %reduce_sum3A_2092 = arith.constant true
        %reduce_sum3A_2093 = vector.broadcast %reduce_sum3A_2092 : i1 to vector<16xi1>
        %reduce_sum3A_2094 = tpu.scan <sum>, %add3A_2091 masked %reduce_sum3A_2093 : vector<16xf32>, vector<16xi1> -> vector<16xf32>
        %reduce_sum3A_2095 = vector.extract %reduce_sum3A_2094[15] : f32 from vector<16xf32>
        %broadcast_in_dim3A_2096 = vector.broadcast %reduce_sum3A_2095 : f32 to vector<16xf32>
        %select_n3A_2097 = arith.select %eq3A_50, %broadcast_in_dim3A_2096, %select_n3A_2074 : vector<16xi1>, vector<16xf32>
        %mul3A_2098 = arith.constant 16 : i32
        %mul3A_2099 = arith.muli %scan3A_1775, %mul3A_2098 : i32
        %add3A_2100 = arith.constant 14 : i32
        %add3A_2101 = arith.addi %mul3A_2099, %add3A_2100 : i32
        %get3A_2102 = arith.constant 1 : i32
        %get3A_2103 = arith.index_cast %get3A_2102 : i32 to index
        %get3A_2104 = arith.index_cast %add3A_2101 : i32 to index
        %get3A_2105 = arith.constant 0 : index
        %get3A_2106 = tpu.vector_load %arg10[%get3A_2103, %get3A_2104, %get3A_2105] {strides = array<i32>} : memref<4x120x32xf32, #tpu.memory_space<vmem>>, vector<16xf32>,
        %mul3A_2107 = arith.mulf %get3A_2106, %get3A_1163 : vector<16xf32>
        %get3A_2108 = arith.constant 1 : i32
        %get3A_2109 = arith.index_cast %get3A_2108 : i32 to index
        %get3A_2110 = arith.index_cast %add3A_2101 : i32 to index
        %get3A_2111 = arith.constant 16 : index
        %get3A_2112 = tpu.vector_load %arg10[%get3A_2109, %get3A_2110, %get3A_2111] {strides = array<i32>} : memref<4x120x32xf32, #tpu.memory_space<vmem>>, vector<16xf32>,
        %mul3A_2113 = arith.mulf %get3A_2112, %get3A_1166 : vector<16xf32>
        %add3A_2114 = arith.addf %mul3A_2107, %mul3A_2113 : vector<16xf32>
        %reduce_sum3A_2115 = arith.constant true
        %reduce_sum3A_2116 = vector.broadcast %reduce_sum3A_2115 : i1 to vector<16xi1>
        %reduce_sum3A_2117 = tpu.scan <sum>, %add3A_2114 masked %reduce_sum3A_2116 : vector<16xf32>, vector<16xi1> -> vector<16xf32>
        %reduce_sum3A_2118 = vector.extract %reduce_sum3A_2117[15] : f32 from vector<16xf32>
        %broadcast_in_dim3A_2119 = vector.broadcast %reduce_sum3A_2118 : f32 to vector<16xf32>
        %select_n3A_2120 = arith.select %eq3A_53, %broadcast_in_dim3A_2119, %select_n3A_2097 : vector<16xi1>, vector<16xf32>
        %mul3A_2121 = arith.constant 16 : i32
        %mul3A_2122 = arith.muli %scan3A_1775, %mul3A_2121 : i32
        %add3A_2123 = arith.constant 15 : i32
        %add3A_2124 = arith.addi %mul3A_2122, %add3A_2123 : i32
        %get3A_2125 = arith.constant 1 : i32
        %get3A_2126 = arith.index_cast %get3A_2125 : i32 to index
        %get3A_2127 = arith.index_cast %add3A_2124 : i32 to index
        %get3A_2128 = arith.constant 0 : index
        %get3A_2129 = tpu.vector_load %arg10[%get3A_2126, %get3A_2127, %get3A_2128] {strides = array<i32>} : memref<4x120x32xf32, #tpu.memory_space<vmem>>, vector<16xf32>,
        %mul3A_2130 = arith.mulf %get3A_2129, %get3A_1163 : vector<16xf32>
        %get3A_2131 = arith.constant 1 : i32
        %get3A_2132 = arith.index_cast %get3A_2131 : i32 to index
        %get3A_2133 = arith.index_cast %add3A_2124 : i32 to index
        %get3A_2134 = arith.constant 16 : index
        %get3A_2135 = tpu.vector_load %arg10[%get3A_2132, %get3A_2133, %get3A_2134] {strides = array<i32>} : memref<4x120x32xf32, #tpu.memory_space<vmem>>, vector<16xf32>,
        %mul3A_2136 = arith.mulf %get3A_2135, %get3A_1166 : vector<16xf32>
        %add3A_2137 = arith.addf %mul3A_2130, %mul3A_2136 : vector<16xf32>
        %reduce_sum3A_2138 = arith.constant true
        %reduce_sum3A_2139 = vector.broadcast %reduce_sum3A_2138 : i1 to vector<16xi1>
        %reduce_sum3A_2140 = tpu.scan <sum>, %add3A_2137 masked %reduce_sum3A_2139 : vector<16xf32>, vector<16xi1> -> vector<16xf32>
        %reduce_sum3A_2141 = vector.extract %reduce_sum3A_2140[15] : f32 from vector<16xf32>
        %broadcast_in_dim3A_2142 = vector.broadcast %reduce_sum3A_2141 : f32 to vector<16xf32>
        %select_n3A_2143 = arith.select %eq3A_56, %broadcast_in_dim3A_2142, %select_n3A_2120 : vector<16xi1>, vector<16xf32>
        %mul3A_2144 = arith.constant 16 : i32
        %mul3A_2145 = arith.muli %scan3A_1775, %mul3A_2144 : i32
        %swap3A_2146 = arith.constant 5 : i32
        %swap3A_2147 = arith.index_cast %swap3A_2146 : i32 to index
        %swap3A_2148 = arith.index_cast %mul3A_2145 : i32 to index
        %swap3A_2149 = tpu.vector_load %arg11[%swap3A_2147, %swap3A_2148] {strides = array<i32>} : memref<8x128xf32, #tpu.memory_space<vmem>>, vector<16xf32>,
        tpu.vector_store %arg11[%swap3A_2147, %swap3A_2148], %select_n3A_2143 {strides = array<i32>} : memref<8x128xf32, #tpu.memory_space<vmem>>, vector<16xf32>,
      }
      %scan3A_1172 = arith.constant 7 : i32
      %get3A_1173 = arith.constant 1 : i32
      %get3A_1174 = arith.constant 112 : i32
      %get3A_1175 = arith.index_cast %get3A_1173 : i32 to index
      %get3A_1176 = arith.index_cast %get3A_1174 : i32 to index
      %get3A_1177 = arith.constant 0 : index
      %get3A_1178 = tpu.vector_load %arg10[%get3A_1175, %get3A_1176, %get3A_1177] {strides = array<i32>} : memref<4x120x32xf32, #tpu.memory_space<vmem>>, vector<16xf32>,
      %mul3A_1179 = arith.mulf %get3A_1178, %get3A_1163 : vector<16xf32>
      %get3A_1180 = arith.constant 1 : i32
      %get3A_1181 = arith.constant 112 : i32
      %get3A_1182 = arith.index_cast %get3A_1180 : i32 to index
      %get3A_1183 = arith.index_cast %get3A_1181 : i32 to index
      %get3A_1184 = arith.constant 16 : index
      %get3A_1185 = tpu.vector_load %arg10[%get3A_1182, %get3A_1183, %get3A_1184] {strides = array<i32>} : memref<4x120x32xf32, #tpu.memory_space<vmem>>, vector<16xf32>,
      %mul3A_1186 = arith.mulf %get3A_1185, %get3A_1166 : vector<16xf32>
      %add3A_1187 = arith.addf %mul3A_1179, %mul3A_1186 : vector<16xf32>
      %reduce_sum3A_1188 = arith.constant true
      %reduce_sum3A_1189 = vector.broadcast %reduce_sum3A_1188 : i1 to vector<16xi1>
      %reduce_sum3A_1190 = tpu.scan <sum>, %add3A_1187 masked %reduce_sum3A_1189 : vector<16xf32>, vector<16xi1> -> vector<16xf32>
      %reduce_sum3A_1191 = vector.extract %reduce_sum3A_1190[15] : f32 from vector<16xf32>
      %broadcast_in_dim3A_1192 = vector.broadcast %reduce_sum3A_1191 : f32 to vector<16xf32>
      %select_n3A_1193 = arith.select %eq3A_11, %broadcast_in_dim3A_1192, %broadcast_in_dim3A_57 : vector<16xi1>, vector<16xf32>
      %get3A_1194 = arith.constant 1 : i32
      %get3A_1195 = arith.constant 113 : i32
      %get3A_1196 = arith.index_cast %get3A_1194 : i32 to index
      %get3A_1197 = arith.index_cast %get3A_1195 : i32 to index
      %get3A_1198 = arith.constant 0 : index
      %get3A_1199 = tpu.vector_load %arg10[%get3A_1196, %get3A_1197, %get3A_1198] {strides = array<i32>} : memref<4x120x32xf32, #tpu.memory_space<vmem>>, vector<16xf32>,
      %mul3A_1200 = arith.mulf %get3A_1199, %get3A_1163 : vector<16xf32>
      %get3A_1201 = arith.constant 1 : i32
      %get3A_1202 = arith.constant 113 : i32
      %get3A_1203 = arith.index_cast %get3A_1201 : i32 to index
      %get3A_1204 = arith.index_cast %get3A_1202 : i32 to index
      %get3A_1205 = arith.constant 16 : index
      %get3A_1206 = tpu.vector_load %arg10[%get3A_1203, %get3A_1204, %get3A_1205] {strides = array<i32>} : memref<4x120x32xf32, #tpu.memory_space<vmem>>, vector<16xf32>,
      %mul3A_1207 = arith.mulf %get3A_1206, %get3A_1166 : vector<16xf32>
      %add3A_1208 = arith.addf %mul3A_1200, %mul3A_1207 : vector<16xf32>
      %reduce_sum3A_1209 = arith.constant true
      %reduce_sum3A_1210 = vector.broadcast %reduce_sum3A_1209 : i1 to vector<16xi1>
      %reduce_sum3A_1211 = tpu.scan <sum>, %add3A_1208 masked %reduce_sum3A_1210 : vector<16xf32>, vector<16xi1> -> vector<16xf32>
      %reduce_sum3A_1212 = vector.extract %reduce_sum3A_1211[15] : f32 from vector<16xf32>
      %broadcast_in_dim3A_1213 = vector.broadcast %reduce_sum3A_1212 : f32 to vector<16xf32>
      %select_n3A_1214 = arith.select %eq3A_14, %broadcast_in_dim3A_1213, %select_n3A_1193 : vector<16xi1>, vector<16xf32>
      %get3A_1215 = arith.constant 1 : i32
      %get3A_1216 = arith.constant 114 : i32
      %get3A_1217 = arith.index_cast %get3A_1215 : i32 to index
      %get3A_1218 = arith.index_cast %get3A_1216 : i32 to index
      %get3A_1219 = arith.constant 0 : index
      %get3A_1220 = tpu.vector_load %arg10[%get3A_1217, %get3A_1218, %get3A_1219] {strides = array<i32>} : memref<4x120x32xf32, #tpu.memory_space<vmem>>, vector<16xf32>,
      %mul3A_1221 = arith.mulf %get3A_1220, %get3A_1163 : vector<16xf32>
      %get3A_1222 = arith.constant 1 : i32
      %get3A_1223 = arith.constant 114 : i32
      %get3A_1224 = arith.index_cast %get3A_1222 : i32 to index
      %get3A_1225 = arith.index_cast %get3A_1223 : i32 to index
      %get3A_1226 = arith.constant 16 : index
      %get3A_1227 = tpu.vector_load %arg10[%get3A_1224, %get3A_1225, %get3A_1226] {strides = array<i32>} : memref<4x120x32xf32, #tpu.memory_space<vmem>>, vector<16xf32>,
      %mul3A_1228 = arith.mulf %get3A_1227, %get3A_1166 : vector<16xf32>
      %add3A_1229 = arith.addf %mul3A_1221, %mul3A_1228 : vector<16xf32>
      %reduce_sum3A_1230 = arith.constant true
      %reduce_sum3A_1231 = vector.broadcast %reduce_sum3A_1230 : i1 to vector<16xi1>
      %reduce_sum3A_1232 = tpu.scan <sum>, %add3A_1229 masked %reduce_sum3A_1231 : vector<16xf32>, vector<16xi1> -> vector<16xf32>
      %reduce_sum3A_1233 = vector.extract %reduce_sum3A_1232[15] : f32 from vector<16xf32>
      %broadcast_in_dim3A_1234 = vector.broadcast %reduce_sum3A_1233 : f32 to vector<16xf32>
      %select_n3A_1235 = arith.select %eq3A_17, %broadcast_in_dim3A_1234, %select_n3A_1214 : vector<16xi1>, vector<16xf32>
      %get3A_1236 = arith.constant 1 : i32
      %get3A_1237 = arith.constant 115 : i32
      %get3A_1238 = arith.index_cast %get3A_1236 : i32 to index
      %get3A_1239 = arith.index_cast %get3A_1237 : i32 to index
      %get3A_1240 = arith.constant 0 : index
      %get3A_1241 = tpu.vector_load %arg10[%get3A_1238, %get3A_1239, %get3A_1240] {strides = array<i32>} : memref<4x120x32xf32, #tpu.memory_space<vmem>>, vector<16xf32>,
      %mul3A_1242 = arith.mulf %get3A_1241, %get3A_1163 : vector<16xf32>
      %get3A_1243 = arith.constant 1 : i32
      %get3A_1244 = arith.constant 115 : i32
      %get3A_1245 = arith.index_cast %get3A_1243 : i32 to index
      %get3A_1246 = arith.index_cast %get3A_1244 : i32 to index
      %get3A_1247 = arith.constant 16 : index
      %get3A_1248 = tpu.vector_load %arg10[%get3A_1245, %get3A_1246, %get3A_1247] {strides = array<i32>} : memref<4x120x32xf32, #tpu.memory_space<vmem>>, vector<16xf32>,
      %mul3A_1249 = arith.mulf %get3A_1248, %get3A_1166 : vector<16xf32>
      %add3A_1250 = arith.addf %mul3A_1242, %mul3A_1249 : vector<16xf32>
      %reduce_sum3A_1251 = arith.constant true
      %reduce_sum3A_1252 = vector.broadcast %reduce_sum3A_1251 : i1 to vector<16xi1>
      %reduce_sum3A_1253 = tpu.scan <sum>, %add3A_1250 masked %reduce_sum3A_1252 : vector<16xf32>, vector<16xi1> -> vector<16xf32>
      %reduce_sum3A_1254 = vector.extract %reduce_sum3A_1253[15] : f32 from vector<16xf32>
      %broadcast_in_dim3A_1255 = vector.broadcast %reduce_sum3A_1254 : f32 to vector<16xf32>
      %select_n3A_1256 = arith.select %eq3A_20, %broadcast_in_dim3A_1255, %select_n3A_1235 : vector<16xi1>, vector<16xf32>
      %get3A_1257 = arith.constant 1 : i32
      %get3A_1258 = arith.constant 116 : i32
      %get3A_1259 = arith.index_cast %get3A_1257 : i32 to index
      %get3A_1260 = arith.index_cast %get3A_1258 : i32 to index
      %get3A_1261 = arith.constant 0 : index
      %get3A_1262 = tpu.vector_load %arg10[%get3A_1259, %get3A_1260, %get3A_1261] {strides = array<i32>} : memref<4x120x32xf32, #tpu.memory_space<vmem>>, vector<16xf32>,
      %mul3A_1263 = arith.mulf %get3A_1262, %get3A_1163 : vector<16xf32>
      %get3A_1264 = arith.constant 1 : i32
      %get3A_1265 = arith.constant 116 : i32
      %get3A_1266 = arith.index_cast %get3A_1264 : i32 to index
      %get3A_1267 = arith.index_cast %get3A_1265 : i32 to index
      %get3A_1268 = arith.constant 16 : index
      %get3A_1269 = tpu.vector_load %arg10[%get3A_1266, %get3A_1267, %get3A_1268] {strides = array<i32>} : memref<4x120x32xf32, #tpu.memory_space<vmem>>, vector<16xf32>,
      %mul3A_1270 = arith.mulf %get3A_1269, %get3A_1166 : vector<16xf32>
      %add3A_1271 = arith.addf %mul3A_1263, %mul3A_1270 : vector<16xf32>
      %reduce_sum3A_1272 = arith.constant true
      %reduce_sum3A_1273 = vector.broadcast %reduce_sum3A_1272 : i1 to vector<16xi1>
      %reduce_sum3A_1274 = tpu.scan <sum>, %add3A_1271 masked %reduce_sum3A_1273 : vector<16xf32>, vector<16xi1> -> vector<16xf32>
      %reduce_sum3A_1275 = vector.extract %reduce_sum3A_1274[15] : f32 from vector<16xf32>
      %broadcast_in_dim3A_1276 = vector.broadcast %reduce_sum3A_1275 : f32 to vector<16xf32>
      %select_n3A_1277 = arith.select %eq3A_23, %broadcast_in_dim3A_1276, %select_n3A_1256 : vector<16xi1>, vector<16xf32>
      %get3A_1278 = arith.constant 1 : i32
      %get3A_1279 = arith.constant 117 : i32
      %get3A_1280 = arith.index_cast %get3A_1278 : i32 to index
      %get3A_1281 = arith.index_cast %get3A_1279 : i32 to index
      %get3A_1282 = arith.constant 0 : index
      %get3A_1283 = tpu.vector_load %arg10[%get3A_1280, %get3A_1281, %get3A_1282] {strides = array<i32>} : memref<4x120x32xf32, #tpu.memory_space<vmem>>, vector<16xf32>,
      %mul3A_1284 = arith.mulf %get3A_1283, %get3A_1163 : vector<16xf32>
      %get3A_1285 = arith.constant 1 : i32
      %get3A_1286 = arith.constant 117 : i32
      %get3A_1287 = arith.index_cast %get3A_1285 : i32 to index
      %get3A_1288 = arith.index_cast %get3A_1286 : i32 to index
      %get3A_1289 = arith.constant 16 : index
      %get3A_1290 = tpu.vector_load %arg10[%get3A_1287, %get3A_1288, %get3A_1289] {strides = array<i32>} : memref<4x120x32xf32, #tpu.memory_space<vmem>>, vector<16xf32>,
      %mul3A_1291 = arith.mulf %get3A_1290, %get3A_1166 : vector<16xf32>
      %add3A_1292 = arith.addf %mul3A_1284, %mul3A_1291 : vector<16xf32>
      %reduce_sum3A_1293 = arith.constant true
      %reduce_sum3A_1294 = vector.broadcast %reduce_sum3A_1293 : i1 to vector<16xi1>
      %reduce_sum3A_1295 = tpu.scan <sum>, %add3A_1292 masked %reduce_sum3A_1294 : vector<16xf32>, vector<16xi1> -> vector<16xf32>
      %reduce_sum3A_1296 = vector.extract %reduce_sum3A_1295[15] : f32 from vector<16xf32>
      %broadcast_in_dim3A_1297 = vector.broadcast %reduce_sum3A_1296 : f32 to vector<16xf32>
      %select_n3A_1298 = arith.select %eq3A_26, %broadcast_in_dim3A_1297, %select_n3A_1277 : vector<16xi1>, vector<16xf32>
      %get3A_1299 = arith.constant 1 : i32
      %get3A_1300 = arith.constant 118 : i32
      %get3A_1301 = arith.index_cast %get3A_1299 : i32 to index
      %get3A_1302 = arith.index_cast %get3A_1300 : i32 to index
      %get3A_1303 = arith.constant 0 : index
      %get3A_1304 = tpu.vector_load %arg10[%get3A_1301, %get3A_1302, %get3A_1303] {strides = array<i32>} : memref<4x120x32xf32, #tpu.memory_space<vmem>>, vector<16xf32>,
      %mul3A_1305 = arith.mulf %get3A_1304, %get3A_1163 : vector<16xf32>
      %get3A_1306 = arith.constant 1 : i32
      %get3A_1307 = arith.constant 118 : i32
      %get3A_1308 = arith.index_cast %get3A_1306 : i32 to index
      %get3A_1309 = arith.index_cast %get3A_1307 : i32 to index
      %get3A_1310 = arith.constant 16 : index
      %get3A_1311 = tpu.vector_load %arg10[%get3A_1308, %get3A_1309, %get3A_1310] {strides = array<i32>} : memref<4x120x32xf32, #tpu.memory_space<vmem>>, vector<16xf32>,
      %mul3A_1312 = arith.mulf %get3A_1311, %get3A_1166 : vector<16xf32>
      %add3A_1313 = arith.addf %mul3A_1305, %mul3A_1312 : vector<16xf32>
      %reduce_sum3A_1314 = arith.constant true
      %reduce_sum3A_1315 = vector.broadcast %reduce_sum3A_1314 : i1 to vector<16xi1>
      %reduce_sum3A_1316 = tpu.scan <sum>, %add3A_1313 masked %reduce_sum3A_1315 : vector<16xf32>, vector<16xi1> -> vector<16xf32>
      %reduce_sum3A_1317 = vector.extract %reduce_sum3A_1316[15] : f32 from vector<16xf32>
      %broadcast_in_dim3A_1318 = vector.broadcast %reduce_sum3A_1317 : f32 to vector<16xf32>
      %select_n3A_1319 = arith.select %eq3A_29, %broadcast_in_dim3A_1318, %select_n3A_1298 : vector<16xi1>, vector<16xf32>
      %get3A_1320 = arith.constant 1 : i32
      %get3A_1321 = arith.constant 119 : i32
      %get3A_1322 = arith.index_cast %get3A_1320 : i32 to index
      %get3A_1323 = arith.index_cast %get3A_1321 : i32 to index
      %get3A_1324 = arith.constant 0 : index
      %get3A_1325 = tpu.vector_load %arg10[%get3A_1322, %get3A_1323, %get3A_1324] {strides = array<i32>} : memref<4x120x32xf32, #tpu.memory_space<vmem>>, vector<16xf32>,
      %mul3A_1326 = arith.mulf %get3A_1325, %get3A_1163 : vector<16xf32>
      %get3A_1327 = arith.constant 1 : i32
      %get3A_1328 = arith.constant 119 : i32
      %get3A_1329 = arith.index_cast %get3A_1327 : i32 to index
      %get3A_1330 = arith.index_cast %get3A_1328 : i32 to index
      %get3A_1331 = arith.constant 16 : index
      %get3A_1332 = tpu.vector_load %arg10[%get3A_1329, %get3A_1330, %get3A_1331] {strides = array<i32>} : memref<4x120x32xf32, #tpu.memory_space<vmem>>, vector<16xf32>,
      %mul3A_1333 = arith.mulf %get3A_1332, %get3A_1166 : vector<16xf32>
      %add3A_1334 = arith.addf %mul3A_1326, %mul3A_1333 : vector<16xf32>
      %reduce_sum3A_1335 = arith.constant true
      %reduce_sum3A_1336 = vector.broadcast %reduce_sum3A_1335 : i1 to vector<16xi1>
      %reduce_sum3A_1337 = tpu.scan <sum>, %add3A_1334 masked %reduce_sum3A_1336 : vector<16xf32>, vector<16xi1> -> vector<16xf32>
      %reduce_sum3A_1338 = vector.extract %reduce_sum3A_1337[15] : f32 from vector<16xf32>
      %broadcast_in_dim3A_1339 = vector.broadcast %reduce_sum3A_1338 : f32 to vector<16xf32>
      %select_n3A_1340 = arith.select %eq3A_32, %broadcast_in_dim3A_1339, %select_n3A_1319 : vector<16xi1>, vector<16xf32>
      %swap3A_1341 = arith.constant 5 : i32
      %swap3A_1342 = arith.index_cast %swap3A_1341 : i32 to index
      %swap3A_1343 = arith.constant 112 : index
      %swap3A_1344 = tpu.vector_load %arg11[%swap3A_1342, %swap3A_1343] {strides = array<i32>} : memref<8x128xf32, #tpu.memory_space<vmem>>, vector<16xf32>,
      tpu.vector_store %arg11[%swap3A_1342, %swap3A_1343], %select_n3A_1340 {strides = array<i32>} : memref<8x128xf32, #tpu.memory_space<vmem>>, vector<16xf32>,
      %add3A_1345 = arith.constant 4 : i32
      %add3A_1346 = arith.addi %add3A_1145, %add3A_1345 : i32
      %sub3A_1347 = arith.constant 1 : i32
      %sub3A_1348 = arith.subi %add3A_1346, %sub3A_1347 : i32
      %lt3A_1349 = arith.constant 128 : i32
      %lt3A_1350 = arith.cmpi slt, %sub3A_1348, %lt3A_1349 : i32
      %convert_element_type3A_1351 = arith.extui %lt3A_1350 : i1 to i32
      %cond3A_1352 = arith.constant 0 : i32
      %cond3A_1353 = arith.cmpi ne, %convert_element_type3A_1351, %cond3A_1352 : i32
      scf.if %cond3A_1353 {
        %add3A_1775 = arith.constant 4 : i32
        %add3A_1776 = arith.addi %add3A_1145, %add3A_1775 : i32
        %sub3A_1777 = arith.constant 1 : i32
        %sub3A_1778 = arith.subi %add3A_1776, %sub3A_1777 : i32
        %dma_start3A_1779 = arith.constant 0 : i32
        %dma_start3A_1780 = arith.constant 0 : i32
        %dma_start3A_1781 = arith.constant 0 : i32
        %dma_start3A_1782 = tpu.memref_slice %arg10[%dma_start3A_1779, %dma_start3A_1780, %dma_start3A_1781] : memref<4x120x32xf32, #tpu.memory_space<vmem>> -> memref<1x120x32xf32, #tpu.memory_space<vmem>>
        %dma_start3A_1783 = tpu.memref_squeeze %dma_start3A_1782 : memref<1x120x32xf32, #tpu.memory_space<vmem>> -> memref<120x32xf32, #tpu.memory_space<vmem>>
        %dma_start3A_1784 = arith.constant 0 : i32
        %dma_start3A_1785 = tpu.memref_slice %arg8[%sub3A_1778, %dma_start3A_1784] : memref<128x120xi32, #tpu.memory_space<vmem>> -> memref<1x120xi32, #tpu.memory_space<vmem>>
        %dma_start3A_1786 = tpu.memref_squeeze %dma_start3A_1785 : memref<1x120xi32, #tpu.memory_space<vmem>> -> memref<120xi32, #tpu.memory_space<vmem>>
        %dma_start3A_1787 = arith.constant 0 : i32
        %dma_start3A_1788 = arith.constant 0 : i32
        %dma_start3A_1789 = tpu.memref_slice %arg5[%dma_start3A_1787, %dma_start3A_1788] : memref<1000000x32xf32, #tpu.memory_space<hbm>> -> memref<1000000x32xf32, #tpu.memory_space<hbm>>
        tpu.enqueue_indirect_dma source(%dma_start3A_1789 : memref<1000000x32xf32, #tpu.memory_space<hbm>>) target(%dma_start3A_1783 : memref<120x32xf32, #tpu.memory_space<vmem>>) offsets(%dma_start3A_1786 : memref<120xi32, #tpu.memory_space<vmem>>) semaphore(%arg12 : memref<!tpu.dma_semaphore, #tpu.memory_space<semaphore_mem>>)
      } else {
      }
      %add3A_1354 = arith.constant 6 : i32
      %add3A_1355 = arith.addi %mul3A_101, %add3A_1354 : i32
      %dma_wait3A_1356 = arith.constant 2 : i32
      %dma_wait3A_1357 = arith.constant 0 : i32
      %dma_wait3A_1358 = arith.constant 0 : i32
      %dma_wait3A_1359 = tpu.memref_slice %arg10[%dma_wait3A_1356, %dma_wait3A_1357, %dma_wait3A_1358] : memref<4x120x32xf32, #tpu.memory_space<vmem>> -> memref<1x120x32xf32, #tpu.memory_space<vmem>>
      %dma_wait3A_1360 = tpu.memref_squeeze %dma_wait3A_1359 : memref<1x120x32xf32, #tpu.memory_space<vmem>> -> memref<120x32xf32, #tpu.memory_space<vmem>>
      %dma_wait3A_1361 = arith.constant 0 : i32
      %dma_wait3A_1362 = arith.constant 0 : i32
      %dma_wait3A_1363 = tpu.memref_slice %arg5[%dma_wait3A_1361, %dma_wait3A_1362] : memref<1000000x32xf32, #tpu.memory_space<hbm>> -> memref<120x32xf32, #tpu.memory_space<hbm>>
      %dma_wait3A_1364 = arith.constant 0 : i32
      %dma_wait3A_1365 = arith.constant 0 : i32
      %dma_wait3A_1366 = tpu.memref_slice %arg10[%dma_wait3A_1356, %dma_wait3A_1364, %dma_wait3A_1365] : memref<4x120x32xf32, #tpu.memory_space<vmem>> -> memref<1x120x32xf32, #tpu.memory_space<vmem>>
      %dma_wait3A_1367 = tpu.memref_squeeze %dma_wait3A_1366 : memref<1x120x32xf32, #tpu.memory_space<vmem>> -> memref<120x32xf32, #tpu.memory_space<vmem>>
      %dma_wait3A_1368 = arith.constant 0 : i32
      %dma_wait3A_1369 = arith.constant 0 : i32
      %dma_wait3A_1370 = tpu.memref_slice %arg5[%dma_wait3A_1368, %dma_wait3A_1369] : memref<1000000x32xf32, #tpu.memory_space<hbm>> -> memref<120x32xf32, #tpu.memory_space<hbm>>
      tpu.wait_dma2 semaphore(%arg14 : memref<!tpu.dma_semaphore, #tpu.memory_space<semaphore_mem>>) src(%dma_wait3A_1370 : memref<120x32xf32, #tpu.memory_space<hbm>>) dst(%dma_wait3A_1367 : memref<120x32xf32, #tpu.memory_space<vmem>>)
      %get3A_1371 = arith.index_cast %add3A_1355 : i32 to index
      %get3A_1372 = arith.constant 0 : index
      %get3A_1373 = tpu.vector_load %arg9[%get3A_1371, %get3A_1372] {strides = array<i32>} : memref<128x32xf32, #tpu.memory_space<vmem>>, vector<16xf32>,
      %get3A_1374 = arith.index_cast %add3A_1355 : i32 to index
      %get3A_1375 = arith.constant 16 : index
      %get3A_1376 = tpu.vector_load %arg9[%get3A_1374, %get3A_1375] {strides = array<i32>} : memref<128x32xf32, #tpu.memory_space<vmem>>, vector<16xf32>,
      %scan3A_1377 = arith.constant 0 : i32
      %scan3A_1378 = arith.constant 0 : i32
      %scan3A_1379 = arith.constant 7 : i32
      %scan3A_1380 = arith.addi %scan3A_1378, %scan3A_1379 : i32
      %scan3A_1381 = arith.constant 1 : i32
      scf.for %scan3A_1775 = %scan3A_1378 to %scan3A_1380 step %scan3A_1381  : i32 {
        %mul3A_1776 = arith.constant 16 : i32
        %mul3A_1777 = arith.muli %scan3A_1775, %mul3A_1776 : i32
        %add3A_1778 = arith.constant 0 : i32
        %add3A_1779 = arith.addi %mul3A_1777, %add3A_1778 : i32
        %get3A_1780 = arith.constant 2 : i32
        %get3A_1781 = arith.index_cast %get3A_1780 : i32 to index
        %get3A_1782 = arith.index_cast %add3A_1779 : i32 to index
        %get3A_1783 = arith.constant 0 : index
        %get3A_1784 = tpu.vector_load %arg10[%get3A_1781, %get3A_1782, %get3A_1783] {strides = array<i32>} : memref<4x120x32xf32, #tpu.memory_space<vmem>>, vector<16xf32>,
        %mul3A_1785 = arith.mulf %get3A_1784, %get3A_1373 : vector<16xf32>
        %get3A_1786 = arith.constant 2 : i32
        %get3A_1787 = arith.index_cast %get3A_1786 : i32 to index
        %get3A_1788 = arith.index_cast %add3A_1779 : i32 to index
        %get3A_1789 = arith.constant 16 : index
        %get3A_1790 = tpu.vector_load %arg10[%get3A_1787, %get3A_1788, %get3A_1789] {strides = array<i32>} : memref<4x120x32xf32, #tpu.memory_space<vmem>>, vector<16xf32>,
        %mul3A_1791 = arith.mulf %get3A_1790, %get3A_1376 : vector<16xf32>
        %add3A_1792 = arith.addf %mul3A_1785, %mul3A_1791 : vector<16xf32>
        %reduce_sum3A_1793 = arith.constant true
        %reduce_sum3A_1794 = vector.broadcast %reduce_sum3A_1793 : i1 to vector<16xi1>
        %reduce_sum3A_1795 = tpu.scan <sum>, %add3A_1792 masked %reduce_sum3A_1794 : vector<16xf32>, vector<16xi1> -> vector<16xf32>
        %reduce_sum3A_1796 = vector.extract %reduce_sum3A_1795[15] : f32 from vector<16xf32>
        %broadcast_in_dim3A_1797 = vector.broadcast %reduce_sum3A_1796 : f32 to vector<16xf32>
        %select_n3A_1798 = arith.select %eq3A_11, %broadcast_in_dim3A_1797, %broadcast_in_dim3A_57 : vector<16xi1>, vector<16xf32>
        %mul3A_1799 = arith.constant 16 : i32
        %mul3A_1800 = arith.muli %scan3A_1775, %mul3A_1799 : i32
        %add3A_1801 = arith.constant 1 : i32
        %add3A_1802 = arith.addi %mul3A_1800, %add3A_1801 : i32
        %get3A_1803 = arith.constant 2 : i32
        %get3A_1804 = arith.index_cast %get3A_1803 : i32 to index
        %get3A_1805 = arith.index_cast %add3A_1802 : i32 to index
        %get3A_1806 = arith.constant 0 : index
        %get3A_1807 = tpu.vector_load %arg10[%get3A_1804, %get3A_1805, %get3A_1806] {strides = array<i32>} : memref<4x120x32xf32, #tpu.memory_space<vmem>>, vector<16xf32>,
        %mul3A_1808 = arith.mulf %get3A_1807, %get3A_1373 : vector<16xf32>
        %get3A_1809 = arith.constant 2 : i32
        %get3A_1810 = arith.index_cast %get3A_1809 : i32 to index
        %get3A_1811 = arith.index_cast %add3A_1802 : i32 to index
        %get3A_1812 = arith.constant 16 : index
        %get3A_1813 = tpu.vector_load %arg10[%get3A_1810, %get3A_1811, %get3A_1812] {strides = array<i32>} : memref<4x120x32xf32, #tpu.memory_space<vmem>>, vector<16xf32>,
        %mul3A_1814 = arith.mulf %get3A_1813, %get3A_1376 : vector<16xf32>
        %add3A_1815 = arith.addf %mul3A_1808, %mul3A_1814 : vector<16xf32>
        %reduce_sum3A_1816 = arith.constant true
        %reduce_sum3A_1817 = vector.broadcast %reduce_sum3A_1816 : i1 to vector<16xi1>
        %reduce_sum3A_1818 = tpu.scan <sum>, %add3A_1815 masked %reduce_sum3A_1817 : vector<16xf32>, vector<16xi1> -> vector<16xf32>
        %reduce_sum3A_1819 = vector.extract %reduce_sum3A_1818[15] : f32 from vector<16xf32>
        %broadcast_in_dim3A_1820 = vector.broadcast %reduce_sum3A_1819 : f32 to vector<16xf32>
        %select_n3A_1821 = arith.select %eq3A_14, %broadcast_in_dim3A_1820, %select_n3A_1798 : vector<16xi1>, vector<16xf32>
        %mul3A_1822 = arith.constant 16 : i32
        %mul3A_1823 = arith.muli %scan3A_1775, %mul3A_1822 : i32
        %add3A_1824 = arith.constant 2 : i32
        %add3A_1825 = arith.addi %mul3A_1823, %add3A_1824 : i32
        %get3A_1826 = arith.constant 2 : i32
        %get3A_1827 = arith.index_cast %get3A_1826 : i32 to index
        %get3A_1828 = arith.index_cast %add3A_1825 : i32 to index
        %get3A_1829 = arith.constant 0 : index
        %get3A_1830 = tpu.vector_load %arg10[%get3A_1827, %get3A_1828, %get3A_1829] {strides = array<i32>} : memref<4x120x32xf32, #tpu.memory_space<vmem>>, vector<16xf32>,
        %mul3A_1831 = arith.mulf %get3A_1830, %get3A_1373 : vector<16xf32>
        %get3A_1832 = arith.constant 2 : i32
        %get3A_1833 = arith.index_cast %get3A_1832 : i32 to index
        %get3A_1834 = arith.index_cast %add3A_1825 : i32 to index
        %get3A_1835 = arith.constant 16 : index
        %get3A_1836 = tpu.vector_load %arg10[%get3A_1833, %get3A_1834, %get3A_1835] {strides = array<i32>} : memref<4x120x32xf32, #tpu.memory_space<vmem>>, vector<16xf32>,
        %mul3A_1837 = arith.mulf %get3A_1836, %get3A_1376 : vector<16xf32>
        %add3A_1838 = arith.addf %mul3A_1831, %mul3A_1837 : vector<16xf32>
        %reduce_sum3A_1839 = arith.constant true
        %reduce_sum3A_1840 = vector.broadcast %reduce_sum3A_1839 : i1 to vector<16xi1>
        %reduce_sum3A_1841 = tpu.scan <sum>, %add3A_1838 masked %reduce_sum3A_1840 : vector<16xf32>, vector<16xi1> -> vector<16xf32>
        %reduce_sum3A_1842 = vector.extract %reduce_sum3A_1841[15] : f32 from vector<16xf32>
        %broadcast_in_dim3A_1843 = vector.broadcast %reduce_sum3A_1842 : f32 to vector<16xf32>
        %select_n3A_1844 = arith.select %eq3A_17, %broadcast_in_dim3A_1843, %select_n3A_1821 : vector<16xi1>, vector<16xf32>
        %mul3A_1845 = arith.constant 16 : i32
        %mul3A_1846 = arith.muli %scan3A_1775, %mul3A_1845 : i32
        %add3A_1847 = arith.constant 3 : i32
        %add3A_1848 = arith.addi %mul3A_1846, %add3A_1847 : i32
        %get3A_1849 = arith.constant 2 : i32
        %get3A_1850 = arith.index_cast %get3A_1849 : i32 to index
        %get3A_1851 = arith.index_cast %add3A_1848 : i32 to index
        %get3A_1852 = arith.constant 0 : index
        %get3A_1853 = tpu.vector_load %arg10[%get3A_1850, %get3A_1851, %get3A_1852] {strides = array<i32>} : memref<4x120x32xf32, #tpu.memory_space<vmem>>, vector<16xf32>,
        %mul3A_1854 = arith.mulf %get3A_1853, %get3A_1373 : vector<16xf32>
        %get3A_1855 = arith.constant 2 : i32
        %get3A_1856 = arith.index_cast %get3A_1855 : i32 to index
        %get3A_1857 = arith.index_cast %add3A_1848 : i32 to index
        %get3A_1858 = arith.constant 16 : index
        %get3A_1859 = tpu.vector_load %arg10[%get3A_1856, %get3A_1857, %get3A_1858] {strides = array<i32>} : memref<4x120x32xf32, #tpu.memory_space<vmem>>, vector<16xf32>,
        %mul3A_1860 = arith.mulf %get3A_1859, %get3A_1376 : vector<16xf32>
        %add3A_1861 = arith.addf %mul3A_1854, %mul3A_1860 : vector<16xf32>
        %reduce_sum3A_1862 = arith.constant true
        %reduce_sum3A_1863 = vector.broadcast %reduce_sum3A_1862 : i1 to vector<16xi1>
        %reduce_sum3A_1864 = tpu.scan <sum>, %add3A_1861 masked %reduce_sum3A_1863 : vector<16xf32>, vector<16xi1> -> vector<16xf32>
        %reduce_sum3A_1865 = vector.extract %reduce_sum3A_1864[15] : f32 from vector<16xf32>
        %broadcast_in_dim3A_1866 = vector.broadcast %reduce_sum3A_1865 : f32 to vector<16xf32>
        %select_n3A_1867 = arith.select %eq3A_20, %broadcast_in_dim3A_1866, %select_n3A_1844 : vector<16xi1>, vector<16xf32>
        %mul3A_1868 = arith.constant 16 : i32
        %mul3A_1869 = arith.muli %scan3A_1775, %mul3A_1868 : i32
        %add3A_1870 = arith.constant 4 : i32
        %add3A_1871 = arith.addi %mul3A_1869, %add3A_1870 : i32
        %get3A_1872 = arith.constant 2 : i32
        %get3A_1873 = arith.index_cast %get3A_1872 : i32 to index
        %get3A_1874 = arith.index_cast %add3A_1871 : i32 to index
        %get3A_1875 = arith.constant 0 : index
        %get3A_1876 = tpu.vector_load %arg10[%get3A_1873, %get3A_1874, %get3A_1875] {strides = array<i32>} : memref<4x120x32xf32, #tpu.memory_space<vmem>>, vector<16xf32>,
        %mul3A_1877 = arith.mulf %get3A_1876, %get3A_1373 : vector<16xf32>
        %get3A_1878 = arith.constant 2 : i32
        %get3A_1879 = arith.index_cast %get3A_1878 : i32 to index
        %get3A_1880 = arith.index_cast %add3A_1871 : i32 to index
        %get3A_1881 = arith.constant 16 : index
        %get3A_1882 = tpu.vector_load %arg10[%get3A_1879, %get3A_1880, %get3A_1881] {strides = array<i32>} : memref<4x120x32xf32, #tpu.memory_space<vmem>>, vector<16xf32>,
        %mul3A_1883 = arith.mulf %get3A_1882, %get3A_1376 : vector<16xf32>
        %add3A_1884 = arith.addf %mul3A_1877, %mul3A_1883 : vector<16xf32>
        %reduce_sum3A_1885 = arith.constant true
        %reduce_sum3A_1886 = vector.broadcast %reduce_sum3A_1885 : i1 to vector<16xi1>
        %reduce_sum3A_1887 = tpu.scan <sum>, %add3A_1884 masked %reduce_sum3A_1886 : vector<16xf32>, vector<16xi1> -> vector<16xf32>
        %reduce_sum3A_1888 = vector.extract %reduce_sum3A_1887[15] : f32 from vector<16xf32>
        %broadcast_in_dim3A_1889 = vector.broadcast %reduce_sum3A_1888 : f32 to vector<16xf32>
        %select_n3A_1890 = arith.select %eq3A_23, %broadcast_in_dim3A_1889, %select_n3A_1867 : vector<16xi1>, vector<16xf32>
        %mul3A_1891 = arith.constant 16 : i32
        %mul3A_1892 = arith.muli %scan3A_1775, %mul3A_1891 : i32
        %add3A_1893 = arith.constant 5 : i32
        %add3A_1894 = arith.addi %mul3A_1892, %add3A_1893 : i32
        %get3A_1895 = arith.constant 2 : i32
        %get3A_1896 = arith.index_cast %get3A_1895 : i32 to index
        %get3A_1897 = arith.index_cast %add3A_1894 : i32 to index
        %get3A_1898 = arith.constant 0 : index
        %get3A_1899 = tpu.vector_load %arg10[%get3A_1896, %get3A_1897, %get3A_1898] {strides = array<i32>} : memref<4x120x32xf32, #tpu.memory_space<vmem>>, vector<16xf32>,
        %mul3A_1900 = arith.mulf %get3A_1899, %get3A_1373 : vector<16xf32>
        %get3A_1901 = arith.constant 2 : i32
        %get3A_1902 = arith.index_cast %get3A_1901 : i32 to index
        %get3A_1903 = arith.index_cast %add3A_1894 : i32 to index
        %get3A_1904 = arith.constant 16 : index
        %get3A_1905 = tpu.vector_load %arg10[%get3A_1902, %get3A_1903, %get3A_1904] {strides = array<i32>} : memref<4x120x32xf32, #tpu.memory_space<vmem>>, vector<16xf32>,
        %mul3A_1906 = arith.mulf %get3A_1905, %get3A_1376 : vector<16xf32>
        %add3A_1907 = arith.addf %mul3A_1900, %mul3A_1906 : vector<16xf32>
        %reduce_sum3A_1908 = arith.constant true
        %reduce_sum3A_1909 = vector.broadcast %reduce_sum3A_1908 : i1 to vector<16xi1>
        %reduce_sum3A_1910 = tpu.scan <sum>, %add3A_1907 masked %reduce_sum3A_1909 : vector<16xf32>, vector<16xi1> -> vector<16xf32>
        %reduce_sum3A_1911 = vector.extract %reduce_sum3A_1910[15] : f32 from vector<16xf32>
        %broadcast_in_dim3A_1912 = vector.broadcast %reduce_sum3A_1911 : f32 to vector<16xf32>
        %select_n3A_1913 = arith.select %eq3A_26, %broadcast_in_dim3A_1912, %select_n3A_1890 : vector<16xi1>, vector<16xf32>
        %mul3A_1914 = arith.constant 16 : i32
        %mul3A_1915 = arith.muli %scan3A_1775, %mul3A_1914 : i32
        %add3A_1916 = arith.constant 6 : i32
        %add3A_1917 = arith.addi %mul3A_1915, %add3A_1916 : i32
        %get3A_1918 = arith.constant 2 : i32
        %get3A_1919 = arith.index_cast %get3A_1918 : i32 to index
        %get3A_1920 = arith.index_cast %add3A_1917 : i32 to index
        %get3A_1921 = arith.constant 0 : index
        %get3A_1922 = tpu.vector_load %arg10[%get3A_1919, %get3A_1920, %get3A_1921] {strides = array<i32>} : memref<4x120x32xf32, #tpu.memory_space<vmem>>, vector<16xf32>,
        %mul3A_1923 = arith.mulf %get3A_1922, %get3A_1373 : vector<16xf32>
        %get3A_1924 = arith.constant 2 : i32
        %get3A_1925 = arith.index_cast %get3A_1924 : i32 to index
        %get3A_1926 = arith.index_cast %add3A_1917 : i32 to index
        %get3A_1927 = arith.constant 16 : index
        %get3A_1928 = tpu.vector_load %arg10[%get3A_1925, %get3A_1926, %get3A_1927] {strides = array<i32>} : memref<4x120x32xf32, #tpu.memory_space<vmem>>, vector<16xf32>,
        %mul3A_1929 = arith.mulf %get3A_1928, %get3A_1376 : vector<16xf32>
        %add3A_1930 = arith.addf %mul3A_1923, %mul3A_1929 : vector<16xf32>
        %reduce_sum3A_1931 = arith.constant true
        %reduce_sum3A_1932 = vector.broadcast %reduce_sum3A_1931 : i1 to vector<16xi1>
        %reduce_sum3A_1933 = tpu.scan <sum>, %add3A_1930 masked %reduce_sum3A_1932 : vector<16xf32>, vector<16xi1> -> vector<16xf32>
        %reduce_sum3A_1934 = vector.extract %reduce_sum3A_1933[15] : f32 from vector<16xf32>
        %broadcast_in_dim3A_1935 = vector.broadcast %reduce_sum3A_1934 : f32 to vector<16xf32>
        %select_n3A_1936 = arith.select %eq3A_29, %broadcast_in_dim3A_1935, %select_n3A_1913 : vector<16xi1>, vector<16xf32>
        %mul3A_1937 = arith.constant 16 : i32
        %mul3A_1938 = arith.muli %scan3A_1775, %mul3A_1937 : i32
        %add3A_1939 = arith.constant 7 : i32
        %add3A_1940 = arith.addi %mul3A_1938, %add3A_1939 : i32
        %get3A_1941 = arith.constant 2 : i32
        %get3A_1942 = arith.index_cast %get3A_1941 : i32 to index
        %get3A_1943 = arith.index_cast %add3A_1940 : i32 to index
        %get3A_1944 = arith.constant 0 : index
        %get3A_1945 = tpu.vector_load %arg10[%get3A_1942, %get3A_1943, %get3A_1944] {strides = array<i32>} : memref<4x120x32xf32, #tpu.memory_space<vmem>>, vector<16xf32>,
        %mul3A_1946 = arith.mulf %get3A_1945, %get3A_1373 : vector<16xf32>
        %get3A_1947 = arith.constant 2 : i32
        %get3A_1948 = arith.index_cast %get3A_1947 : i32 to index
        %get3A_1949 = arith.index_cast %add3A_1940 : i32 to index
        %get3A_1950 = arith.constant 16 : index
        %get3A_1951 = tpu.vector_load %arg10[%get3A_1948, %get3A_1949, %get3A_1950] {strides = array<i32>} : memref<4x120x32xf32, #tpu.memory_space<vmem>>, vector<16xf32>,
        %mul3A_1952 = arith.mulf %get3A_1951, %get3A_1376 : vector<16xf32>
        %add3A_1953 = arith.addf %mul3A_1946, %mul3A_1952 : vector<16xf32>
        %reduce_sum3A_1954 = arith.constant true
        %reduce_sum3A_1955 = vector.broadcast %reduce_sum3A_1954 : i1 to vector<16xi1>
        %reduce_sum3A_1956 = tpu.scan <sum>, %add3A_1953 masked %reduce_sum3A_1955 : vector<16xf32>, vector<16xi1> -> vector<16xf32>
        %reduce_sum3A_1957 = vector.extract %reduce_sum3A_1956[15] : f32 from vector<16xf32>
        %broadcast_in_dim3A_1958 = vector.broadcast %reduce_sum3A_1957 : f32 to vector<16xf32>
        %select_n3A_1959 = arith.select %eq3A_32, %broadcast_in_dim3A_1958, %select_n3A_1936 : vector<16xi1>, vector<16xf32>
        %mul3A_1960 = arith.constant 16 : i32
        %mul3A_1961 = arith.muli %scan3A_1775, %mul3A_1960 : i32
        %add3A_1962 = arith.constant 8 : i32
        %add3A_1963 = arith.addi %mul3A_1961, %add3A_1962 : i32
        %get3A_1964 = arith.constant 2 : i32
        %get3A_1965 = arith.index_cast %get3A_1964 : i32 to index
        %get3A_1966 = arith.index_cast %add3A_1963 : i32 to index
        %get3A_1967 = arith.constant 0 : index
        %get3A_1968 = tpu.vector_load %arg10[%get3A_1965, %get3A_1966, %get3A_1967] {strides = array<i32>} : memref<4x120x32xf32, #tpu.memory_space<vmem>>, vector<16xf32>,
        %mul3A_1969 = arith.mulf %get3A_1968, %get3A_1373 : vector<16xf32>
        %get3A_1970 = arith.constant 2 : i32
        %get3A_1971 = arith.index_cast %get3A_1970 : i32 to index
        %get3A_1972 = arith.index_cast %add3A_1963 : i32 to index
        %get3A_1973 = arith.constant 16 : index
        %get3A_1974 = tpu.vector_load %arg10[%get3A_1971, %get3A_1972, %get3A_1973] {strides = array<i32>} : memref<4x120x32xf32, #tpu.memory_space<vmem>>, vector<16xf32>,
        %mul3A_1975 = arith.mulf %get3A_1974, %get3A_1376 : vector<16xf32>
        %add3A_1976 = arith.addf %mul3A_1969, %mul3A_1975 : vector<16xf32>
        %reduce_sum3A_1977 = arith.constant true
        %reduce_sum3A_1978 = vector.broadcast %reduce_sum3A_1977 : i1 to vector<16xi1>
        %reduce_sum3A_1979 = tpu.scan <sum>, %add3A_1976 masked %reduce_sum3A_1978 : vector<16xf32>, vector<16xi1> -> vector<16xf32>
        %reduce_sum3A_1980 = vector.extract %reduce_sum3A_1979[15] : f32 from vector<16xf32>
        %broadcast_in_dim3A_1981 = vector.broadcast %reduce_sum3A_1980 : f32 to vector<16xf32>
        %select_n3A_1982 = arith.select %eq3A_35, %broadcast_in_dim3A_1981, %select_n3A_1959 : vector<16xi1>, vector<16xf32>
        %mul3A_1983 = arith.constant 16 : i32
        %mul3A_1984 = arith.muli %scan3A_1775, %mul3A_1983 : i32
        %add3A_1985 = arith.constant 9 : i32
        %add3A_1986 = arith.addi %mul3A_1984, %add3A_1985 : i32
        %get3A_1987 = arith.constant 2 : i32
        %get3A_1988 = arith.index_cast %get3A_1987 : i32 to index
        %get3A_1989 = arith.index_cast %add3A_1986 : i32 to index
        %get3A_1990 = arith.constant 0 : index
        %get3A_1991 = tpu.vector_load %arg10[%get3A_1988, %get3A_1989, %get3A_1990] {strides = array<i32>} : memref<4x120x32xf32, #tpu.memory_space<vmem>>, vector<16xf32>,
        %mul3A_1992 = arith.mulf %get3A_1991, %get3A_1373 : vector<16xf32>
        %get3A_1993 = arith.constant 2 : i32
        %get3A_1994 = arith.index_cast %get3A_1993 : i32 to index
        %get3A_1995 = arith.index_cast %add3A_1986 : i32 to index
        %get3A_1996 = arith.constant 16 : index
        %get3A_1997 = tpu.vector_load %arg10[%get3A_1994, %get3A_1995, %get3A_1996] {strides = array<i32>} : memref<4x120x32xf32, #tpu.memory_space<vmem>>, vector<16xf32>,
        %mul3A_1998 = arith.mulf %get3A_1997, %get3A_1376 : vector<16xf32>
        %add3A_1999 = arith.addf %mul3A_1992, %mul3A_1998 : vector<16xf32>
        %reduce_sum3A_2000 = arith.constant true
        %reduce_sum3A_2001 = vector.broadcast %reduce_sum3A_2000 : i1 to vector<16xi1>
        %reduce_sum3A_2002 = tpu.scan <sum>, %add3A_1999 masked %reduce_sum3A_2001 : vector<16xf32>, vector<16xi1> -> vector<16xf32>
        %reduce_sum3A_2003 = vector.extract %reduce_sum3A_2002[15] : f32 from vector<16xf32>
        %broadcast_in_dim3A_2004 = vector.broadcast %reduce_sum3A_2003 : f32 to vector<16xf32>
        %select_n3A_2005 = arith.select %eq3A_38, %broadcast_in_dim3A_2004, %select_n3A_1982 : vector<16xi1>, vector<16xf32>
        %mul3A_2006 = arith.constant 16 : i32
        %mul3A_2007 = arith.muli %scan3A_1775, %mul3A_2006 : i32
        %add3A_2008 = arith.constant 10 : i32
        %add3A_2009 = arith.addi %mul3A_2007, %add3A_2008 : i32
        %get3A_2010 = arith.constant 2 : i32
        %get3A_2011 = arith.index_cast %get3A_2010 : i32 to index
        %get3A_2012 = arith.index_cast %add3A_2009 : i32 to index
        %get3A_2013 = arith.constant 0 : index
        %get3A_2014 = tpu.vector_load %arg10[%get3A_2011, %get3A_2012, %get3A_2013] {strides = array<i32>} : memref<4x120x32xf32, #tpu.memory_space<vmem>>, vector<16xf32>,
        %mul3A_2015 = arith.mulf %get3A_2014, %get3A_1373 : vector<16xf32>
        %get3A_2016 = arith.constant 2 : i32
        %get3A_2017 = arith.index_cast %get3A_2016 : i32 to index
        %get3A_2018 = arith.index_cast %add3A_2009 : i32 to index
        %get3A_2019 = arith.constant 16 : index
        %get3A_2020 = tpu.vector_load %arg10[%get3A_2017, %get3A_2018, %get3A_2019] {strides = array<i32>} : memref<4x120x32xf32, #tpu.memory_space<vmem>>, vector<16xf32>,
        %mul3A_2021 = arith.mulf %get3A_2020, %get3A_1376 : vector<16xf32>
        %add3A_2022 = arith.addf %mul3A_2015, %mul3A_2021 : vector<16xf32>
        %reduce_sum3A_2023 = arith.constant true
        %reduce_sum3A_2024 = vector.broadcast %reduce_sum3A_2023 : i1 to vector<16xi1>
        %reduce_sum3A_2025 = tpu.scan <sum>, %add3A_2022 masked %reduce_sum3A_2024 : vector<16xf32>, vector<16xi1> -> vector<16xf32>
        %reduce_sum3A_2026 = vector.extract %reduce_sum3A_2025[15] : f32 from vector<16xf32>
        %broadcast_in_dim3A_2027 = vector.broadcast %reduce_sum3A_2026 : f32 to vector<16xf32>
        %select_n3A_2028 = arith.select %eq3A_41, %broadcast_in_dim3A_2027, %select_n3A_2005 : vector<16xi1>, vector<16xf32>
        %mul3A_2029 = arith.constant 16 : i32
        %mul3A_2030 = arith.muli %scan3A_1775, %mul3A_2029 : i32
        %add3A_2031 = arith.constant 11 : i32
        %add3A_2032 = arith.addi %mul3A_2030, %add3A_2031 : i32
        %get3A_2033 = arith.constant 2 : i32
        %get3A_2034 = arith.index_cast %get3A_2033 : i32 to index
        %get3A_2035 = arith.index_cast %add3A_2032 : i32 to index
        %get3A_2036 = arith.constant 0 : index
        %get3A_2037 = tpu.vector_load %arg10[%get3A_2034, %get3A_2035, %get3A_2036] {strides = array<i32>} : memref<4x120x32xf32, #tpu.memory_space<vmem>>, vector<16xf32>,
        %mul3A_2038 = arith.mulf %get3A_2037, %get3A_1373 : vector<16xf32>
        %get3A_2039 = arith.constant 2 : i32
        %get3A_2040 = arith.index_cast %get3A_2039 : i32 to index
        %get3A_2041 = arith.index_cast %add3A_2032 : i32 to index
        %get3A_2042 = arith.constant 16 : index
        %get3A_2043 = tpu.vector_load %arg10[%get3A_2040, %get3A_2041, %get3A_2042] {strides = array<i32>} : memref<4x120x32xf32, #tpu.memory_space<vmem>>, vector<16xf32>,
        %mul3A_2044 = arith.mulf %get3A_2043, %get3A_1376 : vector<16xf32>
        %add3A_2045 = arith.addf %mul3A_2038, %mul3A_2044 : vector<16xf32>
        %reduce_sum3A_2046 = arith.constant true
        %reduce_sum3A_2047 = vector.broadcast %reduce_sum3A_2046 : i1 to vector<16xi1>
        %reduce_sum3A_2048 = tpu.scan <sum>, %add3A_2045 masked %reduce_sum3A_2047 : vector<16xf32>, vector<16xi1> -> vector<16xf32>
        %reduce_sum3A_2049 = vector.extract %reduce_sum3A_2048[15] : f32 from vector<16xf32>
        %broadcast_in_dim3A_2050 = vector.broadcast %reduce_sum3A_2049 : f32 to vector<16xf32>
        %select_n3A_2051 = arith.select %eq3A_44, %broadcast_in_dim3A_2050, %select_n3A_2028 : vector<16xi1>, vector<16xf32>
        %mul3A_2052 = arith.constant 16 : i32
        %mul3A_2053 = arith.muli %scan3A_1775, %mul3A_2052 : i32
        %add3A_2054 = arith.constant 12 : i32
        %add3A_2055 = arith.addi %mul3A_2053, %add3A_2054 : i32
        %get3A_2056 = arith.constant 2 : i32
        %get3A_2057 = arith.index_cast %get3A_2056 : i32 to index
        %get3A_2058 = arith.index_cast %add3A_2055 : i32 to index
        %get3A_2059 = arith.constant 0 : index
        %get3A_2060 = tpu.vector_load %arg10[%get3A_2057, %get3A_2058, %get3A_2059] {strides = array<i32>} : memref<4x120x32xf32, #tpu.memory_space<vmem>>, vector<16xf32>,
        %mul3A_2061 = arith.mulf %get3A_2060, %get3A_1373 : vector<16xf32>
        %get3A_2062 = arith.constant 2 : i32
        %get3A_2063 = arith.index_cast %get3A_2062 : i32 to index
        %get3A_2064 = arith.index_cast %add3A_2055 : i32 to index
        %get3A_2065 = arith.constant 16 : index
        %get3A_2066 = tpu.vector_load %arg10[%get3A_2063, %get3A_2064, %get3A_2065] {strides = array<i32>} : memref<4x120x32xf32, #tpu.memory_space<vmem>>, vector<16xf32>,
        %mul3A_2067 = arith.mulf %get3A_2066, %get3A_1376 : vector<16xf32>
        %add3A_2068 = arith.addf %mul3A_2061, %mul3A_2067 : vector<16xf32>
        %reduce_sum3A_2069 = arith.constant true
        %reduce_sum3A_2070 = vector.broadcast %reduce_sum3A_2069 : i1 to vector<16xi1>
        %reduce_sum3A_2071 = tpu.scan <sum>, %add3A_2068 masked %reduce_sum3A_2070 : vector<16xf32>, vector<16xi1> -> vector<16xf32>
        %reduce_sum3A_2072 = vector.extract %reduce_sum3A_2071[15] : f32 from vector<16xf32>
        %broadcast_in_dim3A_2073 = vector.broadcast %reduce_sum3A_2072 : f32 to vector<16xf32>
        %select_n3A_2074 = arith.select %eq3A_47, %broadcast_in_dim3A_2073, %select_n3A_2051 : vector<16xi1>, vector<16xf32>
        %mul3A_2075 = arith.constant 16 : i32
        %mul3A_2076 = arith.muli %scan3A_1775, %mul3A_2075 : i32
        %add3A_2077 = arith.constant 13 : i32
        %add3A_2078 = arith.addi %mul3A_2076, %add3A_2077 : i32
        %get3A_2079 = arith.constant 2 : i32
        %get3A_2080 = arith.index_cast %get3A_2079 : i32 to index
        %get3A_2081 = arith.index_cast %add3A_2078 : i32 to index
        %get3A_2082 = arith.constant 0 : index
        %get3A_2083 = tpu.vector_load %arg10[%get3A_2080, %get3A_2081, %get3A_2082] {strides = array<i32>} : memref<4x120x32xf32, #tpu.memory_space<vmem>>, vector<16xf32>,
        %mul3A_2084 = arith.mulf %get3A_2083, %get3A_1373 : vector<16xf32>
        %get3A_2085 = arith.constant 2 : i32
        %get3A_2086 = arith.index_cast %get3A_2085 : i32 to index
        %get3A_2087 = arith.index_cast %add3A_2078 : i32 to index
        %get3A_2088 = arith.constant 16 : index
        %get3A_2089 = tpu.vector_load %arg10[%get3A_2086, %get3A_2087, %get3A_2088] {strides = array<i32>} : memref<4x120x32xf32, #tpu.memory_space<vmem>>, vector<16xf32>,
        %mul3A_2090 = arith.mulf %get3A_2089, %get3A_1376 : vector<16xf32>
        %add3A_2091 = arith.addf %mul3A_2084, %mul3A_2090 : vector<16xf32>
        %reduce_sum3A_2092 = arith.constant true
        %reduce_sum3A_2093 = vector.broadcast %reduce_sum3A_2092 : i1 to vector<16xi1>
        %reduce_sum3A_2094 = tpu.scan <sum>, %add3A_2091 masked %reduce_sum3A_2093 : vector<16xf32>, vector<16xi1> -> vector<16xf32>
        %reduce_sum3A_2095 = vector.extract %reduce_sum3A_2094[15] : f32 from vector<16xf32>
        %broadcast_in_dim3A_2096 = vector.broadcast %reduce_sum3A_2095 : f32 to vector<16xf32>
        %select_n3A_2097 = arith.select %eq3A_50, %broadcast_in_dim3A_2096, %select_n3A_2074 : vector<16xi1>, vector<16xf32>
        %mul3A_2098 = arith.constant 16 : i32
        %mul3A_2099 = arith.muli %scan3A_1775, %mul3A_2098 : i32
        %add3A_2100 = arith.constant 14 : i32
        %add3A_2101 = arith.addi %mul3A_2099, %add3A_2100 : i32
        %get3A_2102 = arith.constant 2 : i32
        %get3A_2103 = arith.index_cast %get3A_2102 : i32 to index
        %get3A_2104 = arith.index_cast %add3A_2101 : i32 to index
        %get3A_2105 = arith.constant 0 : index
        %get3A_2106 = tpu.vector_load %arg10[%get3A_2103, %get3A_2104, %get3A_2105] {strides = array<i32>} : memref<4x120x32xf32, #tpu.memory_space<vmem>>, vector<16xf32>,
        %mul3A_2107 = arith.mulf %get3A_2106, %get3A_1373 : vector<16xf32>
        %get3A_2108 = arith.constant 2 : i32
        %get3A_2109 = arith.index_cast %get3A_2108 : i32 to index
        %get3A_2110 = arith.index_cast %add3A_2101 : i32 to index
        %get3A_2111 = arith.constant 16 : index
        %get3A_2112 = tpu.vector_load %arg10[%get3A_2109, %get3A_2110, %get3A_2111] {strides = array<i32>} : memref<4x120x32xf32, #tpu.memory_space<vmem>>, vector<16xf32>,
        %mul3A_2113 = arith.mulf %get3A_2112, %get3A_1376 : vector<16xf32>
        %add3A_2114 = arith.addf %mul3A_2107, %mul3A_2113 : vector<16xf32>
        %reduce_sum3A_2115 = arith.constant true
        %reduce_sum3A_2116 = vector.broadcast %reduce_sum3A_2115 : i1 to vector<16xi1>
        %reduce_sum3A_2117 = tpu.scan <sum>, %add3A_2114 masked %reduce_sum3A_2116 : vector<16xf32>, vector<16xi1> -> vector<16xf32>
        %reduce_sum3A_2118 = vector.extract %reduce_sum3A_2117[15] : f32 from vector<16xf32>
        %broadcast_in_dim3A_2119 = vector.broadcast %reduce_sum3A_2118 : f32 to vector<16xf32>
        %select_n3A_2120 = arith.select %eq3A_53, %broadcast_in_dim3A_2119, %select_n3A_2097 : vector<16xi1>, vector<16xf32>
        %mul3A_2121 = arith.constant 16 : i32
        %mul3A_2122 = arith.muli %scan3A_1775, %mul3A_2121 : i32
        %add3A_2123 = arith.constant 15 : i32
        %add3A_2124 = arith.addi %mul3A_2122, %add3A_2123 : i32
        %get3A_2125 = arith.constant 2 : i32
        %get3A_2126 = arith.index_cast %get3A_2125 : i32 to index
        %get3A_2127 = arith.index_cast %add3A_2124 : i32 to index
        %get3A_2128 = arith.constant 0 : index
        %get3A_2129 = tpu.vector_load %arg10[%get3A_2126, %get3A_2127, %get3A_2128] {strides = array<i32>} : memref<4x120x32xf32, #tpu.memory_space<vmem>>, vector<16xf32>,
        %mul3A_2130 = arith.mulf %get3A_2129, %get3A_1373 : vector<16xf32>
        %get3A_2131 = arith.constant 2 : i32
        %get3A_2132 = arith.index_cast %get3A_2131 : i32 to index
        %get3A_2133 = arith.index_cast %add3A_2124 : i32 to index
        %get3A_2134 = arith.constant 16 : index
        %get3A_2135 = tpu.vector_load %arg10[%get3A_2132, %get3A_2133, %get3A_2134] {strides = array<i32>} : memref<4x120x32xf32, #tpu.memory_space<vmem>>, vector<16xf32>,
        %mul3A_2136 = arith.mulf %get3A_2135, %get3A_1376 : vector<16xf32>
        %add3A_2137 = arith.addf %mul3A_2130, %mul3A_2136 : vector<16xf32>
        %reduce_sum3A_2138 = arith.constant true
        %reduce_sum3A_2139 = vector.broadcast %reduce_sum3A_2138 : i1 to vector<16xi1>
        %reduce_sum3A_2140 = tpu.scan <sum>, %add3A_2137 masked %reduce_sum3A_2139 : vector<16xf32>, vector<16xi1> -> vector<16xf32>
        %reduce_sum3A_2141 = vector.extract %reduce_sum3A_2140[15] : f32 from vector<16xf32>
        %broadcast_in_dim3A_2142 = vector.broadcast %reduce_sum3A_2141 : f32 to vector<16xf32>
        %select_n3A_2143 = arith.select %eq3A_56, %broadcast_in_dim3A_2142, %select_n3A_2120 : vector<16xi1>, vector<16xf32>
        %mul3A_2144 = arith.constant 16 : i32
        %mul3A_2145 = arith.muli %scan3A_1775, %mul3A_2144 : i32
        %swap3A_2146 = arith.constant 6 : i32
        %swap3A_2147 = arith.index_cast %swap3A_2146 : i32 to index
        %swap3A_2148 = arith.index_cast %mul3A_2145 : i32 to index
        %swap3A_2149 = tpu.vector_load %arg11[%swap3A_2147, %swap3A_2148] {strides = array<i32>} : memref<8x128xf32, #tpu.memory_space<vmem>>, vector<16xf32>,
        tpu.vector_store %arg11[%swap3A_2147, %swap3A_2148], %select_n3A_2143 {strides = array<i32>} : memref<8x128xf32, #tpu.memory_space<vmem>>, vector<16xf32>,
      }
      %scan3A_1382 = arith.constant 7 : i32
      %get3A_1383 = arith.constant 2 : i32
      %get3A_1384 = arith.constant 112 : i32
      %get3A_1385 = arith.index_cast %get3A_1383 : i32 to index
      %get3A_1386 = arith.index_cast %get3A_1384 : i32 to index
      %get3A_1387 = arith.constant 0 : index
      %get3A_1388 = tpu.vector_load %arg10[%get3A_1385, %get3A_1386, %get3A_1387] {strides = array<i32>} : memref<4x120x32xf32, #tpu.memory_space<vmem>>, vector<16xf32>,
      %mul3A_1389 = arith.mulf %get3A_1388, %get3A_1373 : vector<16xf32>
      %get3A_1390 = arith.constant 2 : i32
      %get3A_1391 = arith.constant 112 : i32
      %get3A_1392 = arith.index_cast %get3A_1390 : i32 to index
      %get3A_1393 = arith.index_cast %get3A_1391 : i32 to index
      %get3A_1394 = arith.constant 16 : index
      %get3A_1395 = tpu.vector_load %arg10[%get3A_1392, %get3A_1393, %get3A_1394] {strides = array<i32>} : memref<4x120x32xf32, #tpu.memory_space<vmem>>, vector<16xf32>,
      %mul3A_1396 = arith.mulf %get3A_1395, %get3A_1376 : vector<16xf32>
      %add3A_1397 = arith.addf %mul3A_1389, %mul3A_1396 : vector<16xf32>
      %reduce_sum3A_1398 = arith.constant true
      %reduce_sum3A_1399 = vector.broadcast %reduce_sum3A_1398 : i1 to vector<16xi1>
      %reduce_sum3A_1400 = tpu.scan <sum>, %add3A_1397 masked %reduce_sum3A_1399 : vector<16xf32>, vector<16xi1> -> vector<16xf32>
      %reduce_sum3A_1401 = vector.extract %reduce_sum3A_1400[15] : f32 from vector<16xf32>
      %broadcast_in_dim3A_1402 = vector.broadcast %reduce_sum3A_1401 : f32 to vector<16xf32>
      %select_n3A_1403 = arith.select %eq3A_11, %broadcast_in_dim3A_1402, %broadcast_in_dim3A_57 : vector<16xi1>, vector<16xf32>
      %get3A_1404 = arith.constant 2 : i32
      %get3A_1405 = arith.constant 113 : i32
      %get3A_1406 = arith.index_cast %get3A_1404 : i32 to index
      %get3A_1407 = arith.index_cast %get3A_1405 : i32 to index
      %get3A_1408 = arith.constant 0 : index
      %get3A_1409 = tpu.vector_load %arg10[%get3A_1406, %get3A_1407, %get3A_1408] {strides = array<i32>} : memref<4x120x32xf32, #tpu.memory_space<vmem>>, vector<16xf32>,
      %mul3A_1410 = arith.mulf %get3A_1409, %get3A_1373 : vector<16xf32>
      %get3A_1411 = arith.constant 2 : i32
      %get3A_1412 = arith.constant 113 : i32
      %get3A_1413 = arith.index_cast %get3A_1411 : i32 to index
      %get3A_1414 = arith.index_cast %get3A_1412 : i32 to index
      %get3A_1415 = arith.constant 16 : index
      %get3A_1416 = tpu.vector_load %arg10[%get3A_1413, %get3A_1414, %get3A_1415] {strides = array<i32>} : memref<4x120x32xf32, #tpu.memory_space<vmem>>, vector<16xf32>,
      %mul3A_1417 = arith.mulf %get3A_1416, %get3A_1376 : vector<16xf32>
      %add3A_1418 = arith.addf %mul3A_1410, %mul3A_1417 : vector<16xf32>
      %reduce_sum3A_1419 = arith.constant true
      %reduce_sum3A_1420 = vector.broadcast %reduce_sum3A_1419 : i1 to vector<16xi1>
      %reduce_sum3A_1421 = tpu.scan <sum>, %add3A_1418 masked %reduce_sum3A_1420 : vector<16xf32>, vector<16xi1> -> vector<16xf32>
      %reduce_sum3A_1422 = vector.extract %reduce_sum3A_1421[15] : f32 from vector<16xf32>
      %broadcast_in_dim3A_1423 = vector.broadcast %reduce_sum3A_1422 : f32 to vector<16xf32>
      %select_n3A_1424 = arith.select %eq3A_14, %broadcast_in_dim3A_1423, %select_n3A_1403 : vector<16xi1>, vector<16xf32>
      %get3A_1425 = arith.constant 2 : i32
      %get3A_1426 = arith.constant 114 : i32
      %get3A_1427 = arith.index_cast %get3A_1425 : i32 to index
      %get3A_1428 = arith.index_cast %get3A_1426 : i32 to index
      %get3A_1429 = arith.constant 0 : index
      %get3A_1430 = tpu.vector_load %arg10[%get3A_1427, %get3A_1428, %get3A_1429] {strides = array<i32>} : memref<4x120x32xf32, #tpu.memory_space<vmem>>, vector<16xf32>,
      %mul3A_1431 = arith.mulf %get3A_1430, %get3A_1373 : vector<16xf32>
      %get3A_1432 = arith.constant 2 : i32
      %get3A_1433 = arith.constant 114 : i32
      %get3A_1434 = arith.index_cast %get3A_1432 : i32 to index
      %get3A_1435 = arith.index_cast %get3A_1433 : i32 to index
      %get3A_1436 = arith.constant 16 : index
      %get3A_1437 = tpu.vector_load %arg10[%get3A_1434, %get3A_1435, %get3A_1436] {strides = array<i32>} : memref<4x120x32xf32, #tpu.memory_space<vmem>>, vector<16xf32>,
      %mul3A_1438 = arith.mulf %get3A_1437, %get3A_1376 : vector<16xf32>
      %add3A_1439 = arith.addf %mul3A_1431, %mul3A_1438 : vector<16xf32>
      %reduce_sum3A_1440 = arith.constant true
      %reduce_sum3A_1441 = vector.broadcast %reduce_sum3A_1440 : i1 to vector<16xi1>
      %reduce_sum3A_1442 = tpu.scan <sum>, %add3A_1439 masked %reduce_sum3A_1441 : vector<16xf32>, vector<16xi1> -> vector<16xf32>
      %reduce_sum3A_1443 = vector.extract %reduce_sum3A_1442[15] : f32 from vector<16xf32>
      %broadcast_in_dim3A_1444 = vector.broadcast %reduce_sum3A_1443 : f32 to vector<16xf32>
      %select_n3A_1445 = arith.select %eq3A_17, %broadcast_in_dim3A_1444, %select_n3A_1424 : vector<16xi1>, vector<16xf32>
      %get3A_1446 = arith.constant 2 : i32
      %get3A_1447 = arith.constant 115 : i32
      %get3A_1448 = arith.index_cast %get3A_1446 : i32 to index
      %get3A_1449 = arith.index_cast %get3A_1447 : i32 to index
      %get3A_1450 = arith.constant 0 : index
      %get3A_1451 = tpu.vector_load %arg10[%get3A_1448, %get3A_1449, %get3A_1450] {strides = array<i32>} : memref<4x120x32xf32, #tpu.memory_space<vmem>>, vector<16xf32>,
      %mul3A_1452 = arith.mulf %get3A_1451, %get3A_1373 : vector<16xf32>
      %get3A_1453 = arith.constant 2 : i32
      %get3A_1454 = arith.constant 115 : i32
      %get3A_1455 = arith.index_cast %get3A_1453 : i32 to index
      %get3A_1456 = arith.index_cast %get3A_1454 : i32 to index
      %get3A_1457 = arith.constant 16 : index
      %get3A_1458 = tpu.vector_load %arg10[%get3A_1455, %get3A_1456, %get3A_1457] {strides = array<i32>} : memref<4x120x32xf32, #tpu.memory_space<vmem>>, vector<16xf32>,
      %mul3A_1459 = arith.mulf %get3A_1458, %get3A_1376 : vector<16xf32>
      %add3A_1460 = arith.addf %mul3A_1452, %mul3A_1459 : vector<16xf32>
      %reduce_sum3A_1461 = arith.constant true
      %reduce_sum3A_1462 = vector.broadcast %reduce_sum3A_1461 : i1 to vector<16xi1>
      %reduce_sum3A_1463 = tpu.scan <sum>, %add3A_1460 masked %reduce_sum3A_1462 : vector<16xf32>, vector<16xi1> -> vector<16xf32>
      %reduce_sum3A_1464 = vector.extract %reduce_sum3A_1463[15] : f32 from vector<16xf32>
      %broadcast_in_dim3A_1465 = vector.broadcast %reduce_sum3A_1464 : f32 to vector<16xf32>
      %select_n3A_1466 = arith.select %eq3A_20, %broadcast_in_dim3A_1465, %select_n3A_1445 : vector<16xi1>, vector<16xf32>
      %get3A_1467 = arith.constant 2 : i32
      %get3A_1468 = arith.constant 116 : i32
      %get3A_1469 = arith.index_cast %get3A_1467 : i32 to index
      %get3A_1470 = arith.index_cast %get3A_1468 : i32 to index
      %get3A_1471 = arith.constant 0 : index
      %get3A_1472 = tpu.vector_load %arg10[%get3A_1469, %get3A_1470, %get3A_1471] {strides = array<i32>} : memref<4x120x32xf32, #tpu.memory_space<vmem>>, vector<16xf32>,
      %mul3A_1473 = arith.mulf %get3A_1472, %get3A_1373 : vector<16xf32>
      %get3A_1474 = arith.constant 2 : i32
      %get3A_1475 = arith.constant 116 : i32
      %get3A_1476 = arith.index_cast %get3A_1474 : i32 to index
      %get3A_1477 = arith.index_cast %get3A_1475 : i32 to index
      %get3A_1478 = arith.constant 16 : index
      %get3A_1479 = tpu.vector_load %arg10[%get3A_1476, %get3A_1477, %get3A_1478] {strides = array<i32>} : memref<4x120x32xf32, #tpu.memory_space<vmem>>, vector<16xf32>,
      %mul3A_1480 = arith.mulf %get3A_1479, %get3A_1376 : vector<16xf32>
      %add3A_1481 = arith.addf %mul3A_1473, %mul3A_1480 : vector<16xf32>
      %reduce_sum3A_1482 = arith.constant true
      %reduce_sum3A_1483 = vector.broadcast %reduce_sum3A_1482 : i1 to vector<16xi1>
      %reduce_sum3A_1484 = tpu.scan <sum>, %add3A_1481 masked %reduce_sum3A_1483 : vector<16xf32>, vector<16xi1> -> vector<16xf32>
      %reduce_sum3A_1485 = vector.extract %reduce_sum3A_1484[15] : f32 from vector<16xf32>
      %broadcast_in_dim3A_1486 = vector.broadcast %reduce_sum3A_1485 : f32 to vector<16xf32>
      %select_n3A_1487 = arith.select %eq3A_23, %broadcast_in_dim3A_1486, %select_n3A_1466 : vector<16xi1>, vector<16xf32>
      %get3A_1488 = arith.constant 2 : i32
      %get3A_1489 = arith.constant 117 : i32
      %get3A_1490 = arith.index_cast %get3A_1488 : i32 to index
      %get3A_1491 = arith.index_cast %get3A_1489 : i32 to index
      %get3A_1492 = arith.constant 0 : index
      %get3A_1493 = tpu.vector_load %arg10[%get3A_1490, %get3A_1491, %get3A_1492] {strides = array<i32>} : memref<4x120x32xf32, #tpu.memory_space<vmem>>, vector<16xf32>,
      %mul3A_1494 = arith.mulf %get3A_1493, %get3A_1373 : vector<16xf32>
      %get3A_1495 = arith.constant 2 : i32
      %get3A_1496 = arith.constant 117 : i32
      %get3A_1497 = arith.index_cast %get3A_1495 : i32 to index
      %get3A_1498 = arith.index_cast %get3A_1496 : i32 to index
      %get3A_1499 = arith.constant 16 : index
      %get3A_1500 = tpu.vector_load %arg10[%get3A_1497, %get3A_1498, %get3A_1499] {strides = array<i32>} : memref<4x120x32xf32, #tpu.memory_space<vmem>>, vector<16xf32>,
      %mul3A_1501 = arith.mulf %get3A_1500, %get3A_1376 : vector<16xf32>
      %add3A_1502 = arith.addf %mul3A_1494, %mul3A_1501 : vector<16xf32>
      %reduce_sum3A_1503 = arith.constant true
      %reduce_sum3A_1504 = vector.broadcast %reduce_sum3A_1503 : i1 to vector<16xi1>
      %reduce_sum3A_1505 = tpu.scan <sum>, %add3A_1502 masked %reduce_sum3A_1504 : vector<16xf32>, vector<16xi1> -> vector<16xf32>
      %reduce_sum3A_1506 = vector.extract %reduce_sum3A_1505[15] : f32 from vector<16xf32>
      %broadcast_in_dim3A_1507 = vector.broadcast %reduce_sum3A_1506 : f32 to vector<16xf32>
      %select_n3A_1508 = arith.select %eq3A_26, %broadcast_in_dim3A_1507, %select_n3A_1487 : vector<16xi1>, vector<16xf32>
      %get3A_1509 = arith.constant 2 : i32
      %get3A_1510 = arith.constant 118 : i32
      %get3A_1511 = arith.index_cast %get3A_1509 : i32 to index
      %get3A_1512 = arith.index_cast %get3A_1510 : i32 to index
      %get3A_1513 = arith.constant 0 : index
      %get3A_1514 = tpu.vector_load %arg10[%get3A_1511, %get3A_1512, %get3A_1513] {strides = array<i32>} : memref<4x120x32xf32, #tpu.memory_space<vmem>>, vector<16xf32>,
      %mul3A_1515 = arith.mulf %get3A_1514, %get3A_1373 : vector<16xf32>
      %get3A_1516 = arith.constant 2 : i32
      %get3A_1517 = arith.constant 118 : i32
      %get3A_1518 = arith.index_cast %get3A_1516 : i32 to index
      %get3A_1519 = arith.index_cast %get3A_1517 : i32 to index
      %get3A_1520 = arith.constant 16 : index
      %get3A_1521 = tpu.vector_load %arg10[%get3A_1518, %get3A_1519, %get3A_1520] {strides = array<i32>} : memref<4x120x32xf32, #tpu.memory_space<vmem>>, vector<16xf32>,
      %mul3A_1522 = arith.mulf %get3A_1521, %get3A_1376 : vector<16xf32>
      %add3A_1523 = arith.addf %mul3A_1515, %mul3A_1522 : vector<16xf32>
      %reduce_sum3A_1524 = arith.constant true
      %reduce_sum3A_1525 = vector.broadcast %reduce_sum3A_1524 : i1 to vector<16xi1>
      %reduce_sum3A_1526 = tpu.scan <sum>, %add3A_1523 masked %reduce_sum3A_1525 : vector<16xf32>, vector<16xi1> -> vector<16xf32>
      %reduce_sum3A_1527 = vector.extract %reduce_sum3A_1526[15] : f32 from vector<16xf32>
      %broadcast_in_dim3A_1528 = vector.broadcast %reduce_sum3A_1527 : f32 to vector<16xf32>
      %select_n3A_1529 = arith.select %eq3A_29, %broadcast_in_dim3A_1528, %select_n3A_1508 : vector<16xi1>, vector<16xf32>
      %get3A_1530 = arith.constant 2 : i32
      %get3A_1531 = arith.constant 119 : i32
      %get3A_1532 = arith.index_cast %get3A_1530 : i32 to index
      %get3A_1533 = arith.index_cast %get3A_1531 : i32 to index
      %get3A_1534 = arith.constant 0 : index
      %get3A_1535 = tpu.vector_load %arg10[%get3A_1532, %get3A_1533, %get3A_1534] {strides = array<i32>} : memref<4x120x32xf32, #tpu.memory_space<vmem>>, vector<16xf32>,
      %mul3A_1536 = arith.mulf %get3A_1535, %get3A_1373 : vector<16xf32>
      %get3A_1537 = arith.constant 2 : i32
      %get3A_1538 = arith.constant 119 : i32
      %get3A_1539 = arith.index_cast %get3A_1537 : i32 to index
      %get3A_1540 = arith.index_cast %get3A_1538 : i32 to index
      %get3A_1541 = arith.constant 16 : index
      %get3A_1542 = tpu.vector_load %arg10[%get3A_1539, %get3A_1540, %get3A_1541] {strides = array<i32>} : memref<4x120x32xf32, #tpu.memory_space<vmem>>, vector<16xf32>,
      %mul3A_1543 = arith.mulf %get3A_1542, %get3A_1376 : vector<16xf32>
      %add3A_1544 = arith.addf %mul3A_1536, %mul3A_1543 : vector<16xf32>
      %reduce_sum3A_1545 = arith.constant true
      %reduce_sum3A_1546 = vector.broadcast %reduce_sum3A_1545 : i1 to vector<16xi1>
      %reduce_sum3A_1547 = tpu.scan <sum>, %add3A_1544 masked %reduce_sum3A_1546 : vector<16xf32>, vector<16xi1> -> vector<16xf32>
      %reduce_sum3A_1548 = vector.extract %reduce_sum3A_1547[15] : f32 from vector<16xf32>
      %broadcast_in_dim3A_1549 = vector.broadcast %reduce_sum3A_1548 : f32 to vector<16xf32>
      %select_n3A_1550 = arith.select %eq3A_32, %broadcast_in_dim3A_1549, %select_n3A_1529 : vector<16xi1>, vector<16xf32>
      %swap3A_1551 = arith.constant 6 : i32
      %swap3A_1552 = arith.index_cast %swap3A_1551 : i32 to index
      %swap3A_1553 = arith.constant 112 : index
      %swap3A_1554 = tpu.vector_load %arg11[%swap3A_1552, %swap3A_1553] {strides = array<i32>} : memref<8x128xf32, #tpu.memory_space<vmem>>, vector<16xf32>,
      tpu.vector_store %arg11[%swap3A_1552, %swap3A_1553], %select_n3A_1550 {strides = array<i32>} : memref<8x128xf32, #tpu.memory_space<vmem>>, vector<16xf32>,
      %add3A_1555 = arith.constant 4 : i32
      %add3A_1556 = arith.addi %add3A_1355, %add3A_1555 : i32
      %sub3A_1557 = arith.constant 1 : i32
      %sub3A_1558 = arith.subi %add3A_1556, %sub3A_1557 : i32
      %lt3A_1559 = arith.constant 128 : i32
      %lt3A_1560 = arith.cmpi slt, %sub3A_1558, %lt3A_1559 : i32
      %convert_element_type3A_1561 = arith.extui %lt3A_1560 : i1 to i32
      %cond3A_1562 = arith.constant 0 : i32
      %cond3A_1563 = arith.cmpi ne, %convert_element_type3A_1561, %cond3A_1562 : i32
      scf.if %cond3A_1563 {
        %add3A_1775 = arith.constant 4 : i32
        %add3A_1776 = arith.addi %add3A_1355, %add3A_1775 : i32
        %sub3A_1777 = arith.constant 1 : i32
        %sub3A_1778 = arith.subi %add3A_1776, %sub3A_1777 : i32
        %dma_start3A_1779 = arith.constant 1 : i32
        %dma_start3A_1780 = arith.constant 0 : i32
        %dma_start3A_1781 = arith.constant 0 : i32
        %dma_start3A_1782 = tpu.memref_slice %arg10[%dma_start3A_1779, %dma_start3A_1780, %dma_start3A_1781] : memref<4x120x32xf32, #tpu.memory_space<vmem>> -> memref<1x120x32xf32, #tpu.memory_space<vmem>>
        %dma_start3A_1783 = tpu.memref_squeeze %dma_start3A_1782 : memref<1x120x32xf32, #tpu.memory_space<vmem>> -> memref<120x32xf32, #tpu.memory_space<vmem>>
        %dma_start3A_1784 = arith.constant 0 : i32
        %dma_start3A_1785 = tpu.memref_slice %arg8[%sub3A_1778, %dma_start3A_1784] : memref<128x120xi32, #tpu.memory_space<vmem>> -> memref<1x120xi32, #tpu.memory_space<vmem>>
        %dma_start3A_1786 = tpu.memref_squeeze %dma_start3A_1785 : memref<1x120xi32, #tpu.memory_space<vmem>> -> memref<120xi32, #tpu.memory_space<vmem>>
        %dma_start3A_1787 = arith.constant 0 : i32
        %dma_start3A_1788 = arith.constant 0 : i32
        %dma_start3A_1789 = tpu.memref_slice %arg5[%dma_start3A_1787, %dma_start3A_1788] : memref<1000000x32xf32, #tpu.memory_space<hbm>> -> memref<1000000x32xf32, #tpu.memory_space<hbm>>
        tpu.enqueue_indirect_dma source(%dma_start3A_1789 : memref<1000000x32xf32, #tpu.memory_space<hbm>>) target(%dma_start3A_1783 : memref<120x32xf32, #tpu.memory_space<vmem>>) offsets(%dma_start3A_1786 : memref<120xi32, #tpu.memory_space<vmem>>) semaphore(%arg13 : memref<!tpu.dma_semaphore, #tpu.memory_space<semaphore_mem>>)
      } else {
      }
      %add3A_1564 = arith.constant 7 : i32
      %add3A_1565 = arith.addi %mul3A_101, %add3A_1564 : i32
      %dma_wait3A_1566 = arith.constant 3 : i32
      %dma_wait3A_1567 = arith.constant 0 : i32
      %dma_wait3A_1568 = arith.constant 0 : i32
      %dma_wait3A_1569 = tpu.memref_slice %arg10[%dma_wait3A_1566, %dma_wait3A_1567, %dma_wait3A_1568] : memref<4x120x32xf32, #tpu.memory_space<vmem>> -> memref<1x120x32xf32, #tpu.memory_space<vmem>>
      %dma_wait3A_1570 = tpu.memref_squeeze %dma_wait3A_1569 : memref<1x120x32xf32, #tpu.memory_space<vmem>> -> memref<120x32xf32, #tpu.memory_space<vmem>>
      %dma_wait3A_1571 = arith.constant 0 : i32
      %dma_wait3A_1572 = arith.constant 0 : i32
      %dma_wait3A_1573 = tpu.memref_slice %arg5[%dma_wait3A_1571, %dma_wait3A_1572] : memref<1000000x32xf32, #tpu.memory_space<hbm>> -> memref<120x32xf32, #tpu.memory_space<hbm>>
      %dma_wait3A_1574 = arith.constant 0 : i32
      %dma_wait3A_1575 = arith.constant 0 : i32
      %dma_wait3A_1576 = tpu.memref_slice %arg10[%dma_wait3A_1566, %dma_wait3A_1574, %dma_wait3A_1575] : memref<4x120x32xf32, #tpu.memory_space<vmem>> -> memref<1x120x32xf32, #tpu.memory_space<vmem>>
      %dma_wait3A_1577 = tpu.memref_squeeze %dma_wait3A_1576 : memref<1x120x32xf32, #tpu.memory_space<vmem>> -> memref<120x32xf32, #tpu.memory_space<vmem>>
      %dma_wait3A_1578 = arith.constant 0 : i32
      %dma_wait3A_1579 = arith.constant 0 : i32
      %dma_wait3A_1580 = tpu.memref_slice %arg5[%dma_wait3A_1578, %dma_wait3A_1579] : memref<1000000x32xf32, #tpu.memory_space<hbm>> -> memref<120x32xf32, #tpu.memory_space<hbm>>
      tpu.wait_dma2 semaphore(%arg15 : memref<!tpu.dma_semaphore, #tpu.memory_space<semaphore_mem>>) src(%dma_wait3A_1580 : memref<120x32xf32, #tpu.memory_space<hbm>>) dst(%dma_wait3A_1577 : memref<120x32xf32, #tpu.memory_space<vmem>>)
      %get3A_1581 = arith.index_cast %add3A_1565 : i32 to index
      %get3A_1582 = arith.constant 0 : index
      %get3A_1583 = tpu.vector_load %arg9[%get3A_1581, %get3A_1582] {strides = array<i32>} : memref<128x32xf32, #tpu.memory_space<vmem>>, vector<16xf32>,
      %get3A_1584 = arith.index_cast %add3A_1565 : i32 to index
      %get3A_1585 = arith.constant 16 : index
      %get3A_1586 = tpu.vector_load %arg9[%get3A_1584, %get3A_1585] {strides = array<i32>} : memref<128x32xf32, #tpu.memory_space<vmem>>, vector<16xf32>,
      %scan3A_1587 = arith.constant 0 : i32
      %scan3A_1588 = arith.constant 0 : i32
      %scan3A_1589 = arith.constant 7 : i32
      %scan3A_1590 = arith.addi %scan3A_1588, %scan3A_1589 : i32
      %scan3A_1591 = arith.constant 1 : i32
      scf.for %scan3A_1775 = %scan3A_1588 to %scan3A_1590 step %scan3A_1591  : i32 {
        %mul3A_1776 = arith.constant 16 : i32
        %mul3A_1777 = arith.muli %scan3A_1775, %mul3A_1776 : i32
        %add3A_1778 = arith.constant 0 : i32
        %add3A_1779 = arith.addi %mul3A_1777, %add3A_1778 : i32
        %get3A_1780 = arith.constant 3 : i32
        %get3A_1781 = arith.index_cast %get3A_1780 : i32 to index
        %get3A_1782 = arith.index_cast %add3A_1779 : i32 to index
        %get3A_1783 = arith.constant 0 : index
        %get3A_1784 = tpu.vector_load %arg10[%get3A_1781, %get3A_1782, %get3A_1783] {strides = array<i32>} : memref<4x120x32xf32, #tpu.memory_space<vmem>>, vector<16xf32>,
        %mul3A_1785 = arith.mulf %get3A_1784, %get3A_1583 : vector<16xf32>
        %get3A_1786 = arith.constant 3 : i32
        %get3A_1787 = arith.index_cast %get3A_1786 : i32 to index
        %get3A_1788 = arith.index_cast %add3A_1779 : i32 to index
        %get3A_1789 = arith.constant 16 : index
        %get3A_1790 = tpu.vector_load %arg10[%get3A_1787, %get3A_1788, %get3A_1789] {strides = array<i32>} : memref<4x120x32xf32, #tpu.memory_space<vmem>>, vector<16xf32>,
        %mul3A_1791 = arith.mulf %get3A_1790, %get3A_1586 : vector<16xf32>
        %add3A_1792 = arith.addf %mul3A_1785, %mul3A_1791 : vector<16xf32>
        %reduce_sum3A_1793 = arith.constant true
        %reduce_sum3A_1794 = vector.broadcast %reduce_sum3A_1793 : i1 to vector<16xi1>
        %reduce_sum3A_1795 = tpu.scan <sum>, %add3A_1792 masked %reduce_sum3A_1794 : vector<16xf32>, vector<16xi1> -> vector<16xf32>
        %reduce_sum3A_1796 = vector.extract %reduce_sum3A_1795[15] : f32 from vector<16xf32>
        %broadcast_in_dim3A_1797 = vector.broadcast %reduce_sum3A_1796 : f32 to vector<16xf32>
        %select_n3A_1798 = arith.select %eq3A_11, %broadcast_in_dim3A_1797, %broadcast_in_dim3A_57 : vector<16xi1>, vector<16xf32>
        %mul3A_1799 = arith.constant 16 : i32
        %mul3A_1800 = arith.muli %scan3A_1775, %mul3A_1799 : i32
        %add3A_1801 = arith.constant 1 : i32
        %add3A_1802 = arith.addi %mul3A_1800, %add3A_1801 : i32
        %get3A_1803 = arith.constant 3 : i32
        %get3A_1804 = arith.index_cast %get3A_1803 : i32 to index
        %get3A_1805 = arith.index_cast %add3A_1802 : i32 to index
        %get3A_1806 = arith.constant 0 : index
        %get3A_1807 = tpu.vector_load %arg10[%get3A_1804, %get3A_1805, %get3A_1806] {strides = array<i32>} : memref<4x120x32xf32, #tpu.memory_space<vmem>>, vector<16xf32>,
        %mul3A_1808 = arith.mulf %get3A_1807, %get3A_1583 : vector<16xf32>
        %get3A_1809 = arith.constant 3 : i32
        %get3A_1810 = arith.index_cast %get3A_1809 : i32 to index
        %get3A_1811 = arith.index_cast %add3A_1802 : i32 to index
        %get3A_1812 = arith.constant 16 : index
        %get3A_1813 = tpu.vector_load %arg10[%get3A_1810, %get3A_1811, %get3A_1812] {strides = array<i32>} : memref<4x120x32xf32, #tpu.memory_space<vmem>>, vector<16xf32>,
        %mul3A_1814 = arith.mulf %get3A_1813, %get3A_1586 : vector<16xf32>
        %add3A_1815 = arith.addf %mul3A_1808, %mul3A_1814 : vector<16xf32>
        %reduce_sum3A_1816 = arith.constant true
        %reduce_sum3A_1817 = vector.broadcast %reduce_sum3A_1816 : i1 to vector<16xi1>
        %reduce_sum3A_1818 = tpu.scan <sum>, %add3A_1815 masked %reduce_sum3A_1817 : vector<16xf32>, vector<16xi1> -> vector<16xf32>
        %reduce_sum3A_1819 = vector.extract %reduce_sum3A_1818[15] : f32 from vector<16xf32>
        %broadcast_in_dim3A_1820 = vector.broadcast %reduce_sum3A_1819 : f32 to vector<16xf32>
        %select_n3A_1821 = arith.select %eq3A_14, %broadcast_in_dim3A_1820, %select_n3A_1798 : vector<16xi1>, vector<16xf32>
        %mul3A_1822 = arith.constant 16 : i32
        %mul3A_1823 = arith.muli %scan3A_1775, %mul3A_1822 : i32
        %add3A_1824 = arith.constant 2 : i32
        %add3A_1825 = arith.addi %mul3A_1823, %add3A_1824 : i32
        %get3A_1826 = arith.constant 3 : i32
        %get3A_1827 = arith.index_cast %get3A_1826 : i32 to index
        %get3A_1828 = arith.index_cast %add3A_1825 : i32 to index
        %get3A_1829 = arith.constant 0 : index
        %get3A_1830 = tpu.vector_load %arg10[%get3A_1827, %get3A_1828, %get3A_1829] {strides = array<i32>} : memref<4x120x32xf32, #tpu.memory_space<vmem>>, vector<16xf32>,
        %mul3A_1831 = arith.mulf %get3A_1830, %get3A_1583 : vector<16xf32>
        %get3A_1832 = arith.constant 3 : i32
        %get3A_1833 = arith.index_cast %get3A_1832 : i32 to index
        %get3A_1834 = arith.index_cast %add3A_1825 : i32 to index
        %get3A_1835 = arith.constant 16 : index
        %get3A_1836 = tpu.vector_load %arg10[%get3A_1833, %get3A_1834, %get3A_1835] {strides = array<i32>} : memref<4x120x32xf32, #tpu.memory_space<vmem>>, vector<16xf32>,
        %mul3A_1837 = arith.mulf %get3A_1836, %get3A_1586 : vector<16xf32>
        %add3A_1838 = arith.addf %mul3A_1831, %mul3A_1837 : vector<16xf32>
        %reduce_sum3A_1839 = arith.constant true
        %reduce_sum3A_1840 = vector.broadcast %reduce_sum3A_1839 : i1 to vector<16xi1>
        %reduce_sum3A_1841 = tpu.scan <sum>, %add3A_1838 masked %reduce_sum3A_1840 : vector<16xf32>, vector<16xi1> -> vector<16xf32>
        %reduce_sum3A_1842 = vector.extract %reduce_sum3A_1841[15] : f32 from vector<16xf32>
        %broadcast_in_dim3A_1843 = vector.broadcast %reduce_sum3A_1842 : f32 to vector<16xf32>
        %select_n3A_1844 = arith.select %eq3A_17, %broadcast_in_dim3A_1843, %select_n3A_1821 : vector<16xi1>, vector<16xf32>
        %mul3A_1845 = arith.constant 16 : i32
        %mul3A_1846 = arith.muli %scan3A_1775, %mul3A_1845 : i32
        %add3A_1847 = arith.constant 3 : i32
        %add3A_1848 = arith.addi %mul3A_1846, %add3A_1847 : i32
        %get3A_1849 = arith.constant 3 : i32
        %get3A_1850 = arith.index_cast %get3A_1849 : i32 to index
        %get3A_1851 = arith.index_cast %add3A_1848 : i32 to index
        %get3A_1852 = arith.constant 0 : index
        %get3A_1853 = tpu.vector_load %arg10[%get3A_1850, %get3A_1851, %get3A_1852] {strides = array<i32>} : memref<4x120x32xf32, #tpu.memory_space<vmem>>, vector<16xf32>,
        %mul3A_1854 = arith.mulf %get3A_1853, %get3A_1583 : vector<16xf32>
        %get3A_1855 = arith.constant 3 : i32
        %get3A_1856 = arith.index_cast %get3A_1855 : i32 to index
        %get3A_1857 = arith.index_cast %add3A_1848 : i32 to index
        %get3A_1858 = arith.constant 16 : index
        %get3A_1859 = tpu.vector_load %arg10[%get3A_1856, %get3A_1857, %get3A_1858] {strides = array<i32>} : memref<4x120x32xf32, #tpu.memory_space<vmem>>, vector<16xf32>,
        %mul3A_1860 = arith.mulf %get3A_1859, %get3A_1586 : vector<16xf32>
        %add3A_1861 = arith.addf %mul3A_1854, %mul3A_1860 : vector<16xf32>
        %reduce_sum3A_1862 = arith.constant true
        %reduce_sum3A_1863 = vector.broadcast %reduce_sum3A_1862 : i1 to vector<16xi1>
        %reduce_sum3A_1864 = tpu.scan <sum>, %add3A_1861 masked %reduce_sum3A_1863 : vector<16xf32>, vector<16xi1> -> vector<16xf32>
        %reduce_sum3A_1865 = vector.extract %reduce_sum3A_1864[15] : f32 from vector<16xf32>
        %broadcast_in_dim3A_1866 = vector.broadcast %reduce_sum3A_1865 : f32 to vector<16xf32>
        %select_n3A_1867 = arith.select %eq3A_20, %broadcast_in_dim3A_1866, %select_n3A_1844 : vector<16xi1>, vector<16xf32>
        %mul3A_1868 = arith.constant 16 : i32
        %mul3A_1869 = arith.muli %scan3A_1775, %mul3A_1868 : i32
        %add3A_1870 = arith.constant 4 : i32
        %add3A_1871 = arith.addi %mul3A_1869, %add3A_1870 : i32
        %get3A_1872 = arith.constant 3 : i32
        %get3A_1873 = arith.index_cast %get3A_1872 : i32 to index
        %get3A_1874 = arith.index_cast %add3A_1871 : i32 to index
        %get3A_1875 = arith.constant 0 : index
        %get3A_1876 = tpu.vector_load %arg10[%get3A_1873, %get3A_1874, %get3A_1875] {strides = array<i32>} : memref<4x120x32xf32, #tpu.memory_space<vmem>>, vector<16xf32>,
        %mul3A_1877 = arith.mulf %get3A_1876, %get3A_1583 : vector<16xf32>
        %get3A_1878 = arith.constant 3 : i32
        %get3A_1879 = arith.index_cast %get3A_1878 : i32 to index
        %get3A_1880 = arith.index_cast %add3A_1871 : i32 to index
        %get3A_1881 = arith.constant 16 : index
        %get3A_1882 = tpu.vector_load %arg10[%get3A_1879, %get3A_1880, %get3A_1881] {strides = array<i32>} : memref<4x120x32xf32, #tpu.memory_space<vmem>>, vector<16xf32>,
        %mul3A_1883 = arith.mulf %get3A_1882, %get3A_1586 : vector<16xf32>
        %add3A_1884 = arith.addf %mul3A_1877, %mul3A_1883 : vector<16xf32>
        %reduce_sum3A_1885 = arith.constant true
        %reduce_sum3A_1886 = vector.broadcast %reduce_sum3A_1885 : i1 to vector<16xi1>
        %reduce_sum3A_1887 = tpu.scan <sum>, %add3A_1884 masked %reduce_sum3A_1886 : vector<16xf32>, vector<16xi1> -> vector<16xf32>
        %reduce_sum3A_1888 = vector.extract %reduce_sum3A_1887[15] : f32 from vector<16xf32>
        %broadcast_in_dim3A_1889 = vector.broadcast %reduce_sum3A_1888 : f32 to vector<16xf32>
        %select_n3A_1890 = arith.select %eq3A_23, %broadcast_in_dim3A_1889, %select_n3A_1867 : vector<16xi1>, vector<16xf32>
        %mul3A_1891 = arith.constant 16 : i32
        %mul3A_1892 = arith.muli %scan3A_1775, %mul3A_1891 : i32
        %add3A_1893 = arith.constant 5 : i32
        %add3A_1894 = arith.addi %mul3A_1892, %add3A_1893 : i32
        %get3A_1895 = arith.constant 3 : i32
        %get3A_1896 = arith.index_cast %get3A_1895 : i32 to index
        %get3A_1897 = arith.index_cast %add3A_1894 : i32 to index
        %get3A_1898 = arith.constant 0 : index
        %get3A_1899 = tpu.vector_load %arg10[%get3A_1896, %get3A_1897, %get3A_1898] {strides = array<i32>} : memref<4x120x32xf32, #tpu.memory_space<vmem>>, vector<16xf32>,
        %mul3A_1900 = arith.mulf %get3A_1899, %get3A_1583 : vector<16xf32>
        %get3A_1901 = arith.constant 3 : i32
        %get3A_1902 = arith.index_cast %get3A_1901 : i32 to index
        %get3A_1903 = arith.index_cast %add3A_1894 : i32 to index
        %get3A_1904 = arith.constant 16 : index
        %get3A_1905 = tpu.vector_load %arg10[%get3A_1902, %get3A_1903, %get3A_1904] {strides = array<i32>} : memref<4x120x32xf32, #tpu.memory_space<vmem>>, vector<16xf32>,
        %mul3A_1906 = arith.mulf %get3A_1905, %get3A_1586 : vector<16xf32>
        %add3A_1907 = arith.addf %mul3A_1900, %mul3A_1906 : vector<16xf32>
        %reduce_sum3A_1908 = arith.constant true
        %reduce_sum3A_1909 = vector.broadcast %reduce_sum3A_1908 : i1 to vector<16xi1>
        %reduce_sum3A_1910 = tpu.scan <sum>, %add3A_1907 masked %reduce_sum3A_1909 : vector<16xf32>, vector<16xi1> -> vector<16xf32>
        %reduce_sum3A_1911 = vector.extract %reduce_sum3A_1910[15] : f32 from vector<16xf32>
        %broadcast_in_dim3A_1912 = vector.broadcast %reduce_sum3A_1911 : f32 to vector<16xf32>
        %select_n3A_1913 = arith.select %eq3A_26, %broadcast_in_dim3A_1912, %select_n3A_1890 : vector<16xi1>, vector<16xf32>
        %mul3A_1914 = arith.constant 16 : i32
        %mul3A_1915 = arith.muli %scan3A_1775, %mul3A_1914 : i32
        %add3A_1916 = arith.constant 6 : i32
        %add3A_1917 = arith.addi %mul3A_1915, %add3A_1916 : i32
        %get3A_1918 = arith.constant 3 : i32
        %get3A_1919 = arith.index_cast %get3A_1918 : i32 to index
        %get3A_1920 = arith.index_cast %add3A_1917 : i32 to index
        %get3A_1921 = arith.constant 0 : index
        %get3A_1922 = tpu.vector_load %arg10[%get3A_1919, %get3A_1920, %get3A_1921] {strides = array<i32>} : memref<4x120x32xf32, #tpu.memory_space<vmem>>, vector<16xf32>,
        %mul3A_1923 = arith.mulf %get3A_1922, %get3A_1583 : vector<16xf32>
        %get3A_1924 = arith.constant 3 : i32
        %get3A_1925 = arith.index_cast %get3A_1924 : i32 to index
        %get3A_1926 = arith.index_cast %add3A_1917 : i32 to index
        %get3A_1927 = arith.constant 16 : index
        %get3A_1928 = tpu.vector_load %arg10[%get3A_1925, %get3A_1926, %get3A_1927] {strides = array<i32>} : memref<4x120x32xf32, #tpu.memory_space<vmem>>, vector<16xf32>,
        %mul3A_1929 = arith.mulf %get3A_1928, %get3A_1586 : vector<16xf32>
        %add3A_1930 = arith.addf %mul3A_1923, %mul3A_1929 : vector<16xf32>
        %reduce_sum3A_1931 = arith.constant true
        %reduce_sum3A_1932 = vector.broadcast %reduce_sum3A_1931 : i1 to vector<16xi1>
        %reduce_sum3A_1933 = tpu.scan <sum>, %add3A_1930 masked %reduce_sum3A_1932 : vector<16xf32>, vector<16xi1> -> vector<16xf32>
        %reduce_sum3A_1934 = vector.extract %reduce_sum3A_1933[15] : f32 from vector<16xf32>
        %broadcast_in_dim3A_1935 = vector.broadcast %reduce_sum3A_1934 : f32 to vector<16xf32>
        %select_n3A_1936 = arith.select %eq3A_29, %broadcast_in_dim3A_1935, %select_n3A_1913 : vector<16xi1>, vector<16xf32>
        %mul3A_1937 = arith.constant 16 : i32
        %mul3A_1938 = arith.muli %scan3A_1775, %mul3A_1937 : i32
        %add3A_1939 = arith.constant 7 : i32
        %add3A_1940 = arith.addi %mul3A_1938, %add3A_1939 : i32
        %get3A_1941 = arith.constant 3 : i32
        %get3A_1942 = arith.index_cast %get3A_1941 : i32 to index
        %get3A_1943 = arith.index_cast %add3A_1940 : i32 to index
        %get3A_1944 = arith.constant 0 : index
        %get3A_1945 = tpu.vector_load %arg10[%get3A_1942, %get3A_1943, %get3A_1944] {strides = array<i32>} : memref<4x120x32xf32, #tpu.memory_space<vmem>>, vector<16xf32>,
        %mul3A_1946 = arith.mulf %get3A_1945, %get3A_1583 : vector<16xf32>
        %get3A_1947 = arith.constant 3 : i32
        %get3A_1948 = arith.index_cast %get3A_1947 : i32 to index
        %get3A_1949 = arith.index_cast %add3A_1940 : i32 to index
        %get3A_1950 = arith.constant 16 : index
        %get3A_1951 = tpu.vector_load %arg10[%get3A_1948, %get3A_1949, %get3A_1950] {strides = array<i32>} : memref<4x120x32xf32, #tpu.memory_space<vmem>>, vector<16xf32>,
        %mul3A_1952 = arith.mulf %get3A_1951, %get3A_1586 : vector<16xf32>
        %add3A_1953 = arith.addf %mul3A_1946, %mul3A_1952 : vector<16xf32>
        %reduce_sum3A_1954 = arith.constant true
        %reduce_sum3A_1955 = vector.broadcast %reduce_sum3A_1954 : i1 to vector<16xi1>
        %reduce_sum3A_1956 = tpu.scan <sum>, %add3A_1953 masked %reduce_sum3A_1955 : vector<16xf32>, vector<16xi1> -> vector<16xf32>
        %reduce_sum3A_1957 = vector.extract %reduce_sum3A_1956[15] : f32 from vector<16xf32>
        %broadcast_in_dim3A_1958 = vector.broadcast %reduce_sum3A_1957 : f32 to vector<16xf32>
        %select_n3A_1959 = arith.select %eq3A_32, %broadcast_in_dim3A_1958, %select_n3A_1936 : vector<16xi1>, vector<16xf32>
        %mul3A_1960 = arith.constant 16 : i32
        %mul3A_1961 = arith.muli %scan3A_1775, %mul3A_1960 : i32
        %add3A_1962 = arith.constant 8 : i32
        %add3A_1963 = arith.addi %mul3A_1961, %add3A_1962 : i32
        %get3A_1964 = arith.constant 3 : i32
        %get3A_1965 = arith.index_cast %get3A_1964 : i32 to index
        %get3A_1966 = arith.index_cast %add3A_1963 : i32 to index
        %get3A_1967 = arith.constant 0 : index
        %get3A_1968 = tpu.vector_load %arg10[%get3A_1965, %get3A_1966, %get3A_1967] {strides = array<i32>} : memref<4x120x32xf32, #tpu.memory_space<vmem>>, vector<16xf32>,
        %mul3A_1969 = arith.mulf %get3A_1968, %get3A_1583 : vector<16xf32>
        %get3A_1970 = arith.constant 3 : i32
        %get3A_1971 = arith.index_cast %get3A_1970 : i32 to index
        %get3A_1972 = arith.index_cast %add3A_1963 : i32 to index
        %get3A_1973 = arith.constant 16 : index
        %get3A_1974 = tpu.vector_load %arg10[%get3A_1971, %get3A_1972, %get3A_1973] {strides = array<i32>} : memref<4x120x32xf32, #tpu.memory_space<vmem>>, vector<16xf32>,
        %mul3A_1975 = arith.mulf %get3A_1974, %get3A_1586 : vector<16xf32>
        %add3A_1976 = arith.addf %mul3A_1969, %mul3A_1975 : vector<16xf32>
        %reduce_sum3A_1977 = arith.constant true
        %reduce_sum3A_1978 = vector.broadcast %reduce_sum3A_1977 : i1 to vector<16xi1>
        %reduce_sum3A_1979 = tpu.scan <sum>, %add3A_1976 masked %reduce_sum3A_1978 : vector<16xf32>, vector<16xi1> -> vector<16xf32>
        %reduce_sum3A_1980 = vector.extract %reduce_sum3A_1979[15] : f32 from vector<16xf32>
        %broadcast_in_dim3A_1981 = vector.broadcast %reduce_sum3A_1980 : f32 to vector<16xf32>
        %select_n3A_1982 = arith.select %eq3A_35, %broadcast_in_dim3A_1981, %select_n3A_1959 : vector<16xi1>, vector<16xf32>
        %mul3A_1983 = arith.constant 16 : i32
        %mul3A_1984 = arith.muli %scan3A_1775, %mul3A_1983 : i32
        %add3A_1985 = arith.constant 9 : i32
        %add3A_1986 = arith.addi %mul3A_1984, %add3A_1985 : i32
        %get3A_1987 = arith.constant 3 : i32
        %get3A_1988 = arith.index_cast %get3A_1987 : i32 to index
        %get3A_1989 = arith.index_cast %add3A_1986 : i32 to index
        %get3A_1990 = arith.constant 0 : index
        %get3A_1991 = tpu.vector_load %arg10[%get3A_1988, %get3A_1989, %get3A_1990] {strides = array<i32>} : memref<4x120x32xf32, #tpu.memory_space<vmem>>, vector<16xf32>,
        %mul3A_1992 = arith.mulf %get3A_1991, %get3A_1583 : vector<16xf32>
        %get3A_1993 = arith.constant 3 : i32
        %get3A_1994 = arith.index_cast %get3A_1993 : i32 to index
        %get3A_1995 = arith.index_cast %add3A_1986 : i32 to index
        %get3A_1996 = arith.constant 16 : index
        %get3A_1997 = tpu.vector_load %arg10[%get3A_1994, %get3A_1995, %get3A_1996] {strides = array<i32>} : memref<4x120x32xf32, #tpu.memory_space<vmem>>, vector<16xf32>,
        %mul3A_1998 = arith.mulf %get3A_1997, %get3A_1586 : vector<16xf32>
        %add3A_1999 = arith.addf %mul3A_1992, %mul3A_1998 : vector<16xf32>
        %reduce_sum3A_2000 = arith.constant true
        %reduce_sum3A_2001 = vector.broadcast %reduce_sum3A_2000 : i1 to vector<16xi1>
        %reduce_sum3A_2002 = tpu.scan <sum>, %add3A_1999 masked %reduce_sum3A_2001 : vector<16xf32>, vector<16xi1> -> vector<16xf32>
        %reduce_sum3A_2003 = vector.extract %reduce_sum3A_2002[15] : f32 from vector<16xf32>
        %broadcast_in_dim3A_2004 = vector.broadcast %reduce_sum3A_2003 : f32 to vector<16xf32>
        %select_n3A_2005 = arith.select %eq3A_38, %broadcast_in_dim3A_2004, %select_n3A_1982 : vector<16xi1>, vector<16xf32>
        %mul3A_2006 = arith.constant 16 : i32
        %mul3A_2007 = arith.muli %scan3A_1775, %mul3A_2006 : i32
        %add3A_2008 = arith.constant 10 : i32
        %add3A_2009 = arith.addi %mul3A_2007, %add3A_2008 : i32
        %get3A_2010 = arith.constant 3 : i32
        %get3A_2011 = arith.index_cast %get3A_2010 : i32 to index
        %get3A_2012 = arith.index_cast %add3A_2009 : i32 to index
        %get3A_2013 = arith.constant 0 : index
        %get3A_2014 = tpu.vector_load %arg10[%get3A_2011, %get3A_2012, %get3A_2013] {strides = array<i32>} : memref<4x120x32xf32, #tpu.memory_space<vmem>>, vector<16xf32>,
        %mul3A_2015 = arith.mulf %get3A_2014, %get3A_1583 : vector<16xf32>
        %get3A_2016 = arith.constant 3 : i32
        %get3A_2017 = arith.index_cast %get3A_2016 : i32 to index
        %get3A_2018 = arith.index_cast %add3A_2009 : i32 to index
        %get3A_2019 = arith.constant 16 : index
        %get3A_2020 = tpu.vector_load %arg10[%get3A_2017, %get3A_2018, %get3A_2019] {strides = array<i32>} : memref<4x120x32xf32, #tpu.memory_space<vmem>>, vector<16xf32>,
        %mul3A_2021 = arith.mulf %get3A_2020, %get3A_1586 : vector<16xf32>
        %add3A_2022 = arith.addf %mul3A_2015, %mul3A_2021 : vector<16xf32>
        %reduce_sum3A_2023 = arith.constant true
        %reduce_sum3A_2024 = vector.broadcast %reduce_sum3A_2023 : i1 to vector<16xi1>
        %reduce_sum3A_2025 = tpu.scan <sum>, %add3A_2022 masked %reduce_sum3A_2024 : vector<16xf32>, vector<16xi1> -> vector<16xf32>
        %reduce_sum3A_2026 = vector.extract %reduce_sum3A_2025[15] : f32 from vector<16xf32>
        %broadcast_in_dim3A_2027 = vector.broadcast %reduce_sum3A_2026 : f32 to vector<16xf32>
        %select_n3A_2028 = arith.select %eq3A_41, %broadcast_in_dim3A_2027, %select_n3A_2005 : vector<16xi1>, vector<16xf32>
        %mul3A_2029 = arith.constant 16 : i32
        %mul3A_2030 = arith.muli %scan3A_1775, %mul3A_2029 : i32
        %add3A_2031 = arith.constant 11 : i32
        %add3A_2032 = arith.addi %mul3A_2030, %add3A_2031 : i32
        %get3A_2033 = arith.constant 3 : i32
        %get3A_2034 = arith.index_cast %get3A_2033 : i32 to index
        %get3A_2035 = arith.index_cast %add3A_2032 : i32 to index
        %get3A_2036 = arith.constant 0 : index
        %get3A_2037 = tpu.vector_load %arg10[%get3A_2034, %get3A_2035, %get3A_2036] {strides = array<i32>} : memref<4x120x32xf32, #tpu.memory_space<vmem>>, vector<16xf32>,
        %mul3A_2038 = arith.mulf %get3A_2037, %get3A_1583 : vector<16xf32>
        %get3A_2039 = arith.constant 3 : i32
        %get3A_2040 = arith.index_cast %get3A_2039 : i32 to index
        %get3A_2041 = arith.index_cast %add3A_2032 : i32 to index
        %get3A_2042 = arith.constant 16 : index
        %get3A_2043 = tpu.vector_load %arg10[%get3A_2040, %get3A_2041, %get3A_2042] {strides = array<i32>} : memref<4x120x32xf32, #tpu.memory_space<vmem>>, vector<16xf32>,
        %mul3A_2044 = arith.mulf %get3A_2043, %get3A_1586 : vector<16xf32>
        %add3A_2045 = arith.addf %mul3A_2038, %mul3A_2044 : vector<16xf32>
        %reduce_sum3A_2046 = arith.constant true
        %reduce_sum3A_2047 = vector.broadcast %reduce_sum3A_2046 : i1 to vector<16xi1>
        %reduce_sum3A_2048 = tpu.scan <sum>, %add3A_2045 masked %reduce_sum3A_2047 : vector<16xf32>, vector<16xi1> -> vector<16xf32>
        %reduce_sum3A_2049 = vector.extract %reduce_sum3A_2048[15] : f32 from vector<16xf32>
        %broadcast_in_dim3A_2050 = vector.broadcast %reduce_sum3A_2049 : f32 to vector<16xf32>
        %select_n3A_2051 = arith.select %eq3A_44, %broadcast_in_dim3A_2050, %select_n3A_2028 : vector<16xi1>, vector<16xf32>
        %mul3A_2052 = arith.constant 16 : i32
        %mul3A_2053 = arith.muli %scan3A_1775, %mul3A_2052 : i32
        %add3A_2054 = arith.constant 12 : i32
        %add3A_2055 = arith.addi %mul3A_2053, %add3A_2054 : i32
        %get3A_2056 = arith.constant 3 : i32
        %get3A_2057 = arith.index_cast %get3A_2056 : i32 to index
        %get3A_2058 = arith.index_cast %add3A_2055 : i32 to index
        %get3A_2059 = arith.constant 0 : index
        %get3A_2060 = tpu.vector_load %arg10[%get3A_2057, %get3A_2058, %get3A_2059] {strides = array<i32>} : memref<4x120x32xf32, #tpu.memory_space<vmem>>, vector<16xf32>,
        %mul3A_2061 = arith.mulf %get3A_2060, %get3A_1583 : vector<16xf32>
        %get3A_2062 = arith.constant 3 : i32
        %get3A_2063 = arith.index_cast %get3A_2062 : i32 to index
        %get3A_2064 = arith.index_cast %add3A_2055 : i32 to index
        %get3A_2065 = arith.constant 16 : index
        %get3A_2066 = tpu.vector_load %arg10[%get3A_2063, %get3A_2064, %get3A_2065] {strides = array<i32>} : memref<4x120x32xf32, #tpu.memory_space<vmem>>, vector<16xf32>,
        %mul3A_2067 = arith.mulf %get3A_2066, %get3A_1586 : vector<16xf32>
        %add3A_2068 = arith.addf %mul3A_2061, %mul3A_2067 : vector<16xf32>
        %reduce_sum3A_2069 = arith.constant true
        %reduce_sum3A_2070 = vector.broadcast %reduce_sum3A_2069 : i1 to vector<16xi1>
        %reduce_sum3A_2071 = tpu.scan <sum>, %add3A_2068 masked %reduce_sum3A_2070 : vector<16xf32>, vector<16xi1> -> vector<16xf32>
        %reduce_sum3A_2072 = vector.extract %reduce_sum3A_2071[15] : f32 from vector<16xf32>
        %broadcast_in_dim3A_2073 = vector.broadcast %reduce_sum3A_2072 : f32 to vector<16xf32>
        %select_n3A_2074 = arith.select %eq3A_47, %broadcast_in_dim3A_2073, %select_n3A_2051 : vector<16xi1>, vector<16xf32>
        %mul3A_2075 = arith.constant 16 : i32
        %mul3A_2076 = arith.muli %scan3A_1775, %mul3A_2075 : i32
        %add3A_2077 = arith.constant 13 : i32
        %add3A_2078 = arith.addi %mul3A_2076, %add3A_2077 : i32
        %get3A_2079 = arith.constant 3 : i32
        %get3A_2080 = arith.index_cast %get3A_2079 : i32 to index
        %get3A_2081 = arith.index_cast %add3A_2078 : i32 to index
        %get3A_2082 = arith.constant 0 : index
        %get3A_2083 = tpu.vector_load %arg10[%get3A_2080, %get3A_2081, %get3A_2082] {strides = array<i32>} : memref<4x120x32xf32, #tpu.memory_space<vmem>>, vector<16xf32>,
        %mul3A_2084 = arith.mulf %get3A_2083, %get3A_1583 : vector<16xf32>
        %get3A_2085 = arith.constant 3 : i32
        %get3A_2086 = arith.index_cast %get3A_2085 : i32 to index
        %get3A_2087 = arith.index_cast %add3A_2078 : i32 to index
        %get3A_2088 = arith.constant 16 : index
        %get3A_2089 = tpu.vector_load %arg10[%get3A_2086, %get3A_2087, %get3A_2088] {strides = array<i32>} : memref<4x120x32xf32, #tpu.memory_space<vmem>>, vector<16xf32>,
        %mul3A_2090 = arith.mulf %get3A_2089, %get3A_1586 : vector<16xf32>
        %add3A_2091 = arith.addf %mul3A_2084, %mul3A_2090 : vector<16xf32>
        %reduce_sum3A_2092 = arith.constant true
        %reduce_sum3A_2093 = vector.broadcast %reduce_sum3A_2092 : i1 to vector<16xi1>
        %reduce_sum3A_2094 = tpu.scan <sum>, %add3A_2091 masked %reduce_sum3A_2093 : vector<16xf32>, vector<16xi1> -> vector<16xf32>
        %reduce_sum3A_2095 = vector.extract %reduce_sum3A_2094[15] : f32 from vector<16xf32>
        %broadcast_in_dim3A_2096 = vector.broadcast %reduce_sum3A_2095 : f32 to vector<16xf32>
        %select_n3A_2097 = arith.select %eq3A_50, %broadcast_in_dim3A_2096, %select_n3A_2074 : vector<16xi1>, vector<16xf32>
        %mul3A_2098 = arith.constant 16 : i32
        %mul3A_2099 = arith.muli %scan3A_1775, %mul3A_2098 : i32
        %add3A_2100 = arith.constant 14 : i32
        %add3A_2101 = arith.addi %mul3A_2099, %add3A_2100 : i32
        %get3A_2102 = arith.constant 3 : i32
        %get3A_2103 = arith.index_cast %get3A_2102 : i32 to index
        %get3A_2104 = arith.index_cast %add3A_2101 : i32 to index
        %get3A_2105 = arith.constant 0 : index
        %get3A_2106 = tpu.vector_load %arg10[%get3A_2103, %get3A_2104, %get3A_2105] {strides = array<i32>} : memref<4x120x32xf32, #tpu.memory_space<vmem>>, vector<16xf32>,
        %mul3A_2107 = arith.mulf %get3A_2106, %get3A_1583 : vector<16xf32>
        %get3A_2108 = arith.constant 3 : i32
        %get3A_2109 = arith.index_cast %get3A_2108 : i32 to index
        %get3A_2110 = arith.index_cast %add3A_2101 : i32 to index
        %get3A_2111 = arith.constant 16 : index
        %get3A_2112 = tpu.vector_load %arg10[%get3A_2109, %get3A_2110, %get3A_2111] {strides = array<i32>} : memref<4x120x32xf32, #tpu.memory_space<vmem>>, vector<16xf32>,
        %mul3A_2113 = arith.mulf %get3A_2112, %get3A_1586 : vector<16xf32>
        %add3A_2114 = arith.addf %mul3A_2107, %mul3A_2113 : vector<16xf32>
        %reduce_sum3A_2115 = arith.constant true
        %reduce_sum3A_2116 = vector.broadcast %reduce_sum3A_2115 : i1 to vector<16xi1>
        %reduce_sum3A_2117 = tpu.scan <sum>, %add3A_2114 masked %reduce_sum3A_2116 : vector<16xf32>, vector<16xi1> -> vector<16xf32>
        %reduce_sum3A_2118 = vector.extract %reduce_sum3A_2117[15] : f32 from vector<16xf32>
        %broadcast_in_dim3A_2119 = vector.broadcast %reduce_sum3A_2118 : f32 to vector<16xf32>
        %select_n3A_2120 = arith.select %eq3A_53, %broadcast_in_dim3A_2119, %select_n3A_2097 : vector<16xi1>, vector<16xf32>
        %mul3A_2121 = arith.constant 16 : i32
        %mul3A_2122 = arith.muli %scan3A_1775, %mul3A_2121 : i32
        %add3A_2123 = arith.constant 15 : i32
        %add3A_2124 = arith.addi %mul3A_2122, %add3A_2123 : i32
        %get3A_2125 = arith.constant 3 : i32
        %get3A_2126 = arith.index_cast %get3A_2125 : i32 to index
        %get3A_2127 = arith.index_cast %add3A_2124 : i32 to index
        %get3A_2128 = arith.constant 0 : index
        %get3A_2129 = tpu.vector_load %arg10[%get3A_2126, %get3A_2127, %get3A_2128] {strides = array<i32>} : memref<4x120x32xf32, #tpu.memory_space<vmem>>, vector<16xf32>,
        %mul3A_2130 = arith.mulf %get3A_2129, %get3A_1583 : vector<16xf32>
        %get3A_2131 = arith.constant 3 : i32
        %get3A_2132 = arith.index_cast %get3A_2131 : i32 to index
        %get3A_2133 = arith.index_cast %add3A_2124 : i32 to index
        %get3A_2134 = arith.constant 16 : index
        %get3A_2135 = tpu.vector_load %arg10[%get3A_2132, %get3A_2133, %get3A_2134] {strides = array<i32>} : memref<4x120x32xf32, #tpu.memory_space<vmem>>, vector<16xf32>,
        %mul3A_2136 = arith.mulf %get3A_2135, %get3A_1586 : vector<16xf32>
        %add3A_2137 = arith.addf %mul3A_2130, %mul3A_2136 : vector<16xf32>
        %reduce_sum3A_2138 = arith.constant true
        %reduce_sum3A_2139 = vector.broadcast %reduce_sum3A_2138 : i1 to vector<16xi1>
        %reduce_sum3A_2140 = tpu.scan <sum>, %add3A_2137 masked %reduce_sum3A_2139 : vector<16xf32>, vector<16xi1> -> vector<16xf32>
        %reduce_sum3A_2141 = vector.extract %reduce_sum3A_2140[15] : f32 from vector<16xf32>
        %broadcast_in_dim3A_2142 = vector.broadcast %reduce_sum3A_2141 : f32 to vector<16xf32>
        %select_n3A_2143 = arith.select %eq3A_56, %broadcast_in_dim3A_2142, %select_n3A_2120 : vector<16xi1>, vector<16xf32>
        %mul3A_2144 = arith.constant 16 : i32
        %mul3A_2145 = arith.muli %scan3A_1775, %mul3A_2144 : i32
        %swap3A_2146 = arith.constant 7 : i32
        %swap3A_2147 = arith.index_cast %swap3A_2146 : i32 to index
        %swap3A_2148 = arith.index_cast %mul3A_2145 : i32 to index
        %swap3A_2149 = tpu.vector_load %arg11[%swap3A_2147, %swap3A_2148] {strides = array<i32>} : memref<8x128xf32, #tpu.memory_space<vmem>>, vector<16xf32>,
        tpu.vector_store %arg11[%swap3A_2147, %swap3A_2148], %select_n3A_2143 {strides = array<i32>} : memref<8x128xf32, #tpu.memory_space<vmem>>, vector<16xf32>,
      }
      %scan3A_1592 = arith.constant 7 : i32
      %get3A_1593 = arith.constant 3 : i32
      %get3A_1594 = arith.constant 112 : i32
      %get3A_1595 = arith.index_cast %get3A_1593 : i32 to index
      %get3A_1596 = arith.index_cast %get3A_1594 : i32 to index
      %get3A_1597 = arith.constant 0 : index
      %get3A_1598 = tpu.vector_load %arg10[%get3A_1595, %get3A_1596, %get3A_1597] {strides = array<i32>} : memref<4x120x32xf32, #tpu.memory_space<vmem>>, vector<16xf32>,
      %mul3A_1599 = arith.mulf %get3A_1598, %get3A_1583 : vector<16xf32>
      %get3A_1600 = arith.constant 3 : i32
      %get3A_1601 = arith.constant 112 : i32
      %get3A_1602 = arith.index_cast %get3A_1600 : i32 to index
      %get3A_1603 = arith.index_cast %get3A_1601 : i32 to index
      %get3A_1604 = arith.constant 16 : index
      %get3A_1605 = tpu.vector_load %arg10[%get3A_1602, %get3A_1603, %get3A_1604] {strides = array<i32>} : memref<4x120x32xf32, #tpu.memory_space<vmem>>, vector<16xf32>,
      %mul3A_1606 = arith.mulf %get3A_1605, %get3A_1586 : vector<16xf32>
      %add3A_1607 = arith.addf %mul3A_1599, %mul3A_1606 : vector<16xf32>
      %reduce_sum3A_1608 = arith.constant true
      %reduce_sum3A_1609 = vector.broadcast %reduce_sum3A_1608 : i1 to vector<16xi1>
      %reduce_sum3A_1610 = tpu.scan <sum>, %add3A_1607 masked %reduce_sum3A_1609 : vector<16xf32>, vector<16xi1> -> vector<16xf32>
      %reduce_sum3A_1611 = vector.extract %reduce_sum3A_1610[15] : f32 from vector<16xf32>
      %broadcast_in_dim3A_1612 = vector.broadcast %reduce_sum3A_1611 : f32 to vector<16xf32>
      %select_n3A_1613 = arith.select %eq3A_11, %broadcast_in_dim3A_1612, %broadcast_in_dim3A_57 : vector<16xi1>, vector<16xf32>
      %get3A_1614 = arith.constant 3 : i32
      %get3A_1615 = arith.constant 113 : i32
      %get3A_1616 = arith.index_cast %get3A_1614 : i32 to index
      %get3A_1617 = arith.index_cast %get3A_1615 : i32 to index
      %get3A_1618 = arith.constant 0 : index
      %get3A_1619 = tpu.vector_load %arg10[%get3A_1616, %get3A_1617, %get3A_1618] {strides = array<i32>} : memref<4x120x32xf32, #tpu.memory_space<vmem>>, vector<16xf32>,
      %mul3A_1620 = arith.mulf %get3A_1619, %get3A_1583 : vector<16xf32>
      %get3A_1621 = arith.constant 3 : i32
      %get3A_1622 = arith.constant 113 : i32
      %get3A_1623 = arith.index_cast %get3A_1621 : i32 to index
      %get3A_1624 = arith.index_cast %get3A_1622 : i32 to index
      %get3A_1625 = arith.constant 16 : index
      %get3A_1626 = tpu.vector_load %arg10[%get3A_1623, %get3A_1624, %get3A_1625] {strides = array<i32>} : memref<4x120x32xf32, #tpu.memory_space<vmem>>, vector<16xf32>,
      %mul3A_1627 = arith.mulf %get3A_1626, %get3A_1586 : vector<16xf32>
      %add3A_1628 = arith.addf %mul3A_1620, %mul3A_1627 : vector<16xf32>
      %reduce_sum3A_1629 = arith.constant true
      %reduce_sum3A_1630 = vector.broadcast %reduce_sum3A_1629 : i1 to vector<16xi1>
      %reduce_sum3A_1631 = tpu.scan <sum>, %add3A_1628 masked %reduce_sum3A_1630 : vector<16xf32>, vector<16xi1> -> vector<16xf32>
      %reduce_sum3A_1632 = vector.extract %reduce_sum3A_1631[15] : f32 from vector<16xf32>
      %broadcast_in_dim3A_1633 = vector.broadcast %reduce_sum3A_1632 : f32 to vector<16xf32>
      %select_n3A_1634 = arith.select %eq3A_14, %broadcast_in_dim3A_1633, %select_n3A_1613 : vector<16xi1>, vector<16xf32>
      %get3A_1635 = arith.constant 3 : i32
      %get3A_1636 = arith.constant 114 : i32
      %get3A_1637 = arith.index_cast %get3A_1635 : i32 to index
      %get3A_1638 = arith.index_cast %get3A_1636 : i32 to index
      %get3A_1639 = arith.constant 0 : index
      %get3A_1640 = tpu.vector_load %arg10[%get3A_1637, %get3A_1638, %get3A_1639] {strides = array<i32>} : memref<4x120x32xf32, #tpu.memory_space<vmem>>, vector<16xf32>,
      %mul3A_1641 = arith.mulf %get3A_1640, %get3A_1583 : vector<16xf32>
      %get3A_1642 = arith.constant 3 : i32
      %get3A_1643 = arith.constant 114 : i32
      %get3A_1644 = arith.index_cast %get3A_1642 : i32 to index
      %get3A_1645 = arith.index_cast %get3A_1643 : i32 to index
      %get3A_1646 = arith.constant 16 : index
      %get3A_1647 = tpu.vector_load %arg10[%get3A_1644, %get3A_1645, %get3A_1646] {strides = array<i32>} : memref<4x120x32xf32, #tpu.memory_space<vmem>>, vector<16xf32>,
      %mul3A_1648 = arith.mulf %get3A_1647, %get3A_1586 : vector<16xf32>
      %add3A_1649 = arith.addf %mul3A_1641, %mul3A_1648 : vector<16xf32>
      %reduce_sum3A_1650 = arith.constant true
      %reduce_sum3A_1651 = vector.broadcast %reduce_sum3A_1650 : i1 to vector<16xi1>
      %reduce_sum3A_1652 = tpu.scan <sum>, %add3A_1649 masked %reduce_sum3A_1651 : vector<16xf32>, vector<16xi1> -> vector<16xf32>
      %reduce_sum3A_1653 = vector.extract %reduce_sum3A_1652[15] : f32 from vector<16xf32>
      %broadcast_in_dim3A_1654 = vector.broadcast %reduce_sum3A_1653 : f32 to vector<16xf32>
      %select_n3A_1655 = arith.select %eq3A_17, %broadcast_in_dim3A_1654, %select_n3A_1634 : vector<16xi1>, vector<16xf32>
      %get3A_1656 = arith.constant 3 : i32
      %get3A_1657 = arith.constant 115 : i32
      %get3A_1658 = arith.index_cast %get3A_1656 : i32 to index
      %get3A_1659 = arith.index_cast %get3A_1657 : i32 to index
      %get3A_1660 = arith.constant 0 : index
      %get3A_1661 = tpu.vector_load %arg10[%get3A_1658, %get3A_1659, %get3A_1660] {strides = array<i32>} : memref<4x120x32xf32, #tpu.memory_space<vmem>>, vector<16xf32>,
      %mul3A_1662 = arith.mulf %get3A_1661, %get3A_1583 : vector<16xf32>
      %get3A_1663 = arith.constant 3 : i32
      %get3A_1664 = arith.constant 115 : i32
      %get3A_1665 = arith.index_cast %get3A_1663 : i32 to index
      %get3A_1666 = arith.index_cast %get3A_1664 : i32 to index
      %get3A_1667 = arith.constant 16 : index
      %get3A_1668 = tpu.vector_load %arg10[%get3A_1665, %get3A_1666, %get3A_1667] {strides = array<i32>} : memref<4x120x32xf32, #tpu.memory_space<vmem>>, vector<16xf32>,
      %mul3A_1669 = arith.mulf %get3A_1668, %get3A_1586 : vector<16xf32>
      %add3A_1670 = arith.addf %mul3A_1662, %mul3A_1669 : vector<16xf32>
      %reduce_sum3A_1671 = arith.constant true
      %reduce_sum3A_1672 = vector.broadcast %reduce_sum3A_1671 : i1 to vector<16xi1>
      %reduce_sum3A_1673 = tpu.scan <sum>, %add3A_1670 masked %reduce_sum3A_1672 : vector<16xf32>, vector<16xi1> -> vector<16xf32>
      %reduce_sum3A_1674 = vector.extract %reduce_sum3A_1673[15] : f32 from vector<16xf32>
      %broadcast_in_dim3A_1675 = vector.broadcast %reduce_sum3A_1674 : f32 to vector<16xf32>
      %select_n3A_1676 = arith.select %eq3A_20, %broadcast_in_dim3A_1675, %select_n3A_1655 : vector<16xi1>, vector<16xf32>
      %get3A_1677 = arith.constant 3 : i32
      %get3A_1678 = arith.constant 116 : i32
      %get3A_1679 = arith.index_cast %get3A_1677 : i32 to index
      %get3A_1680 = arith.index_cast %get3A_1678 : i32 to index
      %get3A_1681 = arith.constant 0 : index
      %get3A_1682 = tpu.vector_load %arg10[%get3A_1679, %get3A_1680, %get3A_1681] {strides = array<i32>} : memref<4x120x32xf32, #tpu.memory_space<vmem>>, vector<16xf32>,
      %mul3A_1683 = arith.mulf %get3A_1682, %get3A_1583 : vector<16xf32>
      %get3A_1684 = arith.constant 3 : i32
      %get3A_1685 = arith.constant 116 : i32
      %get3A_1686 = arith.index_cast %get3A_1684 : i32 to index
      %get3A_1687 = arith.index_cast %get3A_1685 : i32 to index
      %get3A_1688 = arith.constant 16 : index
      %get3A_1689 = tpu.vector_load %arg10[%get3A_1686, %get3A_1687, %get3A_1688] {strides = array<i32>} : memref<4x120x32xf32, #tpu.memory_space<vmem>>, vector<16xf32>,
      %mul3A_1690 = arith.mulf %get3A_1689, %get3A_1586 : vector<16xf32>
      %add3A_1691 = arith.addf %mul3A_1683, %mul3A_1690 : vector<16xf32>
      %reduce_sum3A_1692 = arith.constant true
      %reduce_sum3A_1693 = vector.broadcast %reduce_sum3A_1692 : i1 to vector<16xi1>
      %reduce_sum3A_1694 = tpu.scan <sum>, %add3A_1691 masked %reduce_sum3A_1693 : vector<16xf32>, vector<16xi1> -> vector<16xf32>
      %reduce_sum3A_1695 = vector.extract %reduce_sum3A_1694[15] : f32 from vector<16xf32>
      %broadcast_in_dim3A_1696 = vector.broadcast %reduce_sum3A_1695 : f32 to vector<16xf32>
      %select_n3A_1697 = arith.select %eq3A_23, %broadcast_in_dim3A_1696, %select_n3A_1676 : vector<16xi1>, vector<16xf32>
      %get3A_1698 = arith.constant 3 : i32
      %get3A_1699 = arith.constant 117 : i32
      %get3A_1700 = arith.index_cast %get3A_1698 : i32 to index
      %get3A_1701 = arith.index_cast %get3A_1699 : i32 to index
      %get3A_1702 = arith.constant 0 : index
      %get3A_1703 = tpu.vector_load %arg10[%get3A_1700, %get3A_1701, %get3A_1702] {strides = array<i32>} : memref<4x120x32xf32, #tpu.memory_space<vmem>>, vector<16xf32>,
      %mul3A_1704 = arith.mulf %get3A_1703, %get3A_1583 : vector<16xf32>
      %get3A_1705 = arith.constant 3 : i32
      %get3A_1706 = arith.constant 117 : i32
      %get3A_1707 = arith.index_cast %get3A_1705 : i32 to index
      %get3A_1708 = arith.index_cast %get3A_1706 : i32 to index
      %get3A_1709 = arith.constant 16 : index
      %get3A_1710 = tpu.vector_load %arg10[%get3A_1707, %get3A_1708, %get3A_1709] {strides = array<i32>} : memref<4x120x32xf32, #tpu.memory_space<vmem>>, vector<16xf32>,
      %mul3A_1711 = arith.mulf %get3A_1710, %get3A_1586 : vector<16xf32>
      %add3A_1712 = arith.addf %mul3A_1704, %mul3A_1711 : vector<16xf32>
      %reduce_sum3A_1713 = arith.constant true
      %reduce_sum3A_1714 = vector.broadcast %reduce_sum3A_1713 : i1 to vector<16xi1>
      %reduce_sum3A_1715 = tpu.scan <sum>, %add3A_1712 masked %reduce_sum3A_1714 : vector<16xf32>, vector<16xi1> -> vector<16xf32>
      %reduce_sum3A_1716 = vector.extract %reduce_sum3A_1715[15] : f32 from vector<16xf32>
      %broadcast_in_dim3A_1717 = vector.broadcast %reduce_sum3A_1716 : f32 to vector<16xf32>
      %select_n3A_1718 = arith.select %eq3A_26, %broadcast_in_dim3A_1717, %select_n3A_1697 : vector<16xi1>, vector<16xf32>
      %get3A_1719 = arith.constant 3 : i32
      %get3A_1720 = arith.constant 118 : i32
      %get3A_1721 = arith.index_cast %get3A_1719 : i32 to index
      %get3A_1722 = arith.index_cast %get3A_1720 : i32 to index
      %get3A_1723 = arith.constant 0 : index
      %get3A_1724 = tpu.vector_load %arg10[%get3A_1721, %get3A_1722, %get3A_1723] {strides = array<i32>} : memref<4x120x32xf32, #tpu.memory_space<vmem>>, vector<16xf32>,
      %mul3A_1725 = arith.mulf %get3A_1724, %get3A_1583 : vector<16xf32>
      %get3A_1726 = arith.constant 3 : i32
      %get3A_1727 = arith.constant 118 : i32
      %get3A_1728 = arith.index_cast %get3A_1726 : i32 to index
      %get3A_1729 = arith.index_cast %get3A_1727 : i32 to index
      %get3A_1730 = arith.constant 16 : index
      %get3A_1731 = tpu.vector_load %arg10[%get3A_1728, %get3A_1729, %get3A_1730] {strides = array<i32>} : memref<4x120x32xf32, #tpu.memory_space<vmem>>, vector<16xf32>,
      %mul3A_1732 = arith.mulf %get3A_1731, %get3A_1586 : vector<16xf32>
      %add3A_1733 = arith.addf %mul3A_1725, %mul3A_1732 : vector<16xf32>
      %reduce_sum3A_1734 = arith.constant true
      %reduce_sum3A_1735 = vector.broadcast %reduce_sum3A_1734 : i1 to vector<16xi1>
      %reduce_sum3A_1736 = tpu.scan <sum>, %add3A_1733 masked %reduce_sum3A_1735 : vector<16xf32>, vector<16xi1> -> vector<16xf32>
      %reduce_sum3A_1737 = vector.extract %reduce_sum3A_1736[15] : f32 from vector<16xf32>
      %broadcast_in_dim3A_1738 = vector.broadcast %reduce_sum3A_1737 : f32 to vector<16xf32>
      %select_n3A_1739 = arith.select %eq3A_29, %broadcast_in_dim3A_1738, %select_n3A_1718 : vector<16xi1>, vector<16xf32>
      %get3A_1740 = arith.constant 3 : i32
      %get3A_1741 = arith.constant 119 : i32
      %get3A_1742 = arith.index_cast %get3A_1740 : i32 to index
      %get3A_1743 = arith.index_cast %get3A_1741 : i32 to index
      %get3A_1744 = arith.constant 0 : index
      %get3A_1745 = tpu.vector_load %arg10[%get3A_1742, %get3A_1743, %get3A_1744] {strides = array<i32>} : memref<4x120x32xf32, #tpu.memory_space<vmem>>, vector<16xf32>,
      %mul3A_1746 = arith.mulf %get3A_1745, %get3A_1583 : vector<16xf32>
      %get3A_1747 = arith.constant 3 : i32
      %get3A_1748 = arith.constant 119 : i32
      %get3A_1749 = arith.index_cast %get3A_1747 : i32 to index
      %get3A_1750 = arith.index_cast %get3A_1748 : i32 to index
      %get3A_1751 = arith.constant 16 : index
      %get3A_1752 = tpu.vector_load %arg10[%get3A_1749, %get3A_1750, %get3A_1751] {strides = array<i32>} : memref<4x120x32xf32, #tpu.memory_space<vmem>>, vector<16xf32>,
      %mul3A_1753 = arith.mulf %get3A_1752, %get3A_1586 : vector<16xf32>
      %add3A_1754 = arith.addf %mul3A_1746, %mul3A_1753 : vector<16xf32>
      %reduce_sum3A_1755 = arith.constant true
      %reduce_sum3A_1756 = vector.broadcast %reduce_sum3A_1755 : i1 to vector<16xi1>
      %reduce_sum3A_1757 = tpu.scan <sum>, %add3A_1754 masked %reduce_sum3A_1756 : vector<16xf32>, vector<16xi1> -> vector<16xf32>
      %reduce_sum3A_1758 = vector.extract %reduce_sum3A_1757[15] : f32 from vector<16xf32>
      %broadcast_in_dim3A_1759 = vector.broadcast %reduce_sum3A_1758 : f32 to vector<16xf32>
      %select_n3A_1760 = arith.select %eq3A_32, %broadcast_in_dim3A_1759, %select_n3A_1739 : vector<16xi1>, vector<16xf32>
      %swap3A_1761 = arith.constant 7 : i32
      %swap3A_1762 = arith.index_cast %swap3A_1761 : i32 to index
      %swap3A_1763 = arith.constant 112 : index
      %swap3A_1764 = tpu.vector_load %arg11[%swap3A_1762, %swap3A_1763] {strides = array<i32>} : memref<8x128xf32, #tpu.memory_space<vmem>>, vector<16xf32>,
      tpu.vector_store %arg11[%swap3A_1762, %swap3A_1763], %select_n3A_1760 {strides = array<i32>} : memref<8x128xf32, #tpu.memory_space<vmem>>, vector<16xf32>,
      %add3A_1765 = arith.constant 4 : i32
      %add3A_1766 = arith.addi %add3A_1565, %add3A_1765 : i32
      %sub3A_1767 = arith.constant 1 : i32
      %sub3A_1768 = arith.subi %add3A_1766, %sub3A_1767 : i32
      %lt3A_1769 = arith.constant 128 : i32
      %lt3A_1770 = arith.cmpi slt, %sub3A_1768, %lt3A_1769 : i32
      %convert_element_type3A_1771 = arith.extui %lt3A_1770 : i1 to i32
      %cond3A_1772 = arith.constant 0 : i32
      %cond3A_1773 = arith.cmpi ne, %convert_element_type3A_1771, %cond3A_1772 : i32
      scf.if %cond3A_1773 {
        %add3A_1775 = arith.constant 4 : i32
        %add3A_1776 = arith.addi %add3A_1565, %add3A_1775 : i32
        %sub3A_1777 = arith.constant 1 : i32
        %sub3A_1778 = arith.subi %add3A_1776, %sub3A_1777 : i32
        %dma_start3A_1779 = arith.constant 2 : i32
        %dma_start3A_1780 = arith.constant 0 : i32
        %dma_start3A_1781 = arith.constant 0 : i32
        %dma_start3A_1782 = tpu.memref_slice %arg10[%dma_start3A_1779, %dma_start3A_1780, %dma_start3A_1781] : memref<4x120x32xf32, #tpu.memory_space<vmem>> -> memref<1x120x32xf32, #tpu.memory_space<vmem>>
        %dma_start3A_1783 = tpu.memref_squeeze %dma_start3A_1782 : memref<1x120x32xf32, #tpu.memory_space<vmem>> -> memref<120x32xf32, #tpu.memory_space<vmem>>
        %dma_start3A_1784 = arith.constant 0 : i32
        %dma_start3A_1785 = tpu.memref_slice %arg8[%sub3A_1778, %dma_start3A_1784] : memref<128x120xi32, #tpu.memory_space<vmem>> -> memref<1x120xi32, #tpu.memory_space<vmem>>
        %dma_start3A_1786 = tpu.memref_squeeze %dma_start3A_1785 : memref<1x120xi32, #tpu.memory_space<vmem>> -> memref<120xi32, #tpu.memory_space<vmem>>
        %dma_start3A_1787 = arith.constant 0 : i32
        %dma_start3A_1788 = arith.constant 0 : i32
        %dma_start3A_1789 = tpu.memref_slice %arg5[%dma_start3A_1787, %dma_start3A_1788] : memref<1000000x32xf32, #tpu.memory_space<hbm>> -> memref<1000000x32xf32, #tpu.memory_space<hbm>>
        tpu.enqueue_indirect_dma source(%dma_start3A_1789 : memref<1000000x32xf32, #tpu.memory_space<hbm>>) target(%dma_start3A_1783 : memref<120x32xf32, #tpu.memory_space<vmem>>) offsets(%dma_start3A_1786 : memref<120xi32, #tpu.memory_space<vmem>>) semaphore(%arg14 : memref<!tpu.dma_semaphore, #tpu.memory_space<semaphore_mem>>)
      } else {
      }
      %add3A_1774 = arith.addi %mul3A_2, %mul3A_101 : i32
      "tpu.region"() ({
        %run_scoped3A = tpu.sem_alloc : memref<!tpu.dma_semaphore, #tpu.memory_space<semaphore_mem>>
        %dma_start3A_1775 = arith.constant 0 : i32
        %dma_start3A_1776 = tpu.memref_slice %arg6[%add3A_1774, %dma_start3A_1775] : memref<4096x128xf32, #tpu.memory_space<hbm>> -> memref<8x128xf32, #tpu.memory_space<hbm>>
        %dma_start3A_1777 = arith.constant 0 : i32
        %dma_start3A_1778 = tpu.memref_slice %arg6[%add3A_1774, %dma_start3A_1777] : memref<4096x128xf32, #tpu.memory_space<hbm>> -> memref<8x128xf32, #tpu.memory_space<hbm>>
        tpu.enqueue_dma source(%arg11 : memref<8x128xf32, #tpu.memory_space<vmem>>) target(%dma_start3A_1778 : memref<8x128xf32, #tpu.memory_space<hbm>>) target_semaphore(%run_scoped3A : memref<!tpu.dma_semaphore, #tpu.memory_space<semaphore_mem>>)
        %dma_wait3A_1779 = arith.constant 0 : i32
        %dma_wait3A_1780 = tpu.memref_slice %arg6[%add3A_1774, %dma_wait3A_1779] : memref<4096x128xf32, #tpu.memory_space<hbm>> -> memref<8x128xf32, #tpu.memory_space<hbm>>
        %dma_wait3A_1781 = arith.constant 0 : i32
        %dma_wait3A_1782 = tpu.memref_slice %arg6[%add3A_1774, %dma_wait3A_1781] : memref<4096x128xf32, #tpu.memory_space<hbm>> -> memref<8x128xf32, #tpu.memory_space<hbm>>
        tpu.wait_dma2 semaphore(%run_scoped3A : memref<!tpu.dma_semaphore, #tpu.memory_space<semaphore_mem>>) src(%arg11 : memref<8x128xf32, #tpu.memory_space<vmem>>) dst(%dma_wait3A_1782 : memref<8x128xf32, #tpu.memory_space<hbm>>)
        tpu.yield
      }) : () -> ()
    }
    %scan3A_98 = arith.constant 16 : i32
    return
  }
}

module attributes {stable_mosaic.version = 14 : i64} {
  func.func @_loss_body(%arg0: memref<4096x128xf32, #tpu.memory_space<vmem>>, %arg1: memref<1x1xf32, #tpu.memory_space<vmem>>) attributes {dimension_semantics = [], scalar_prefetch = 0 : i64, scratch_operands = 0 : i64, tpu.core_type = #tpu.core_type<tc>} {
    %get3A = arith.constant 0 : index
    %get3A_0 = arith.constant 0 : index
    %get3A_1 = vector.load %arg0[%get3A, %get3A_0] : memref<4096x128xf32, #tpu.memory_space<vmem>>, vector<4096x128xf32>
    %iota3A = tpu.iota {dimensions = array<i32: 1>} : vector<4096x128xi32>
    %lt3A = arith.constant 20 : i32
    %lt3A_2 = vector.broadcast %lt3A : i32 to vector<4096x128xi32>
    %lt3A_3 = arith.cmpi slt, %iota3A, %lt3A_2 : vector<4096x128xi32>
    %neg3A = arith.constant 0.000000e+00 : f32
    %neg3A_4 = vector.broadcast %neg3A : f32 to vector<4096x128xf32>
    %neg3A_5 = arith.subf %neg3A_4, %get3A_1 : vector<4096x128xf32>
    %select_n3A = arith.select %lt3A_3, %get3A_1, %neg3A_5 : vector<4096x128xi1>, vector<4096x128xf32>
    %lt3A_6 = arith.constant 120 : i32
    %lt3A_7 = vector.broadcast %lt3A_6 : i32 to vector<4096x128xi32>
    %lt3A_8 = arith.cmpi slt, %iota3A, %lt3A_7 : vector<4096x128xi32>
    %logistic3A = arith.negf %select_n3A : vector<4096x128xf32>
    %logistic3A_9 = math.exp %logistic3A : vector<4096x128xf32>
    %logistic3A_10 = arith.constant 1.000000e+00 : f32
    %logistic3A_11 = vector.broadcast %logistic3A_10 : f32 to vector<4096x128xf32>
    %logistic3A_12 = arith.addf %logistic3A_11, %logistic3A_9 : vector<4096x128xf32>
    %logistic3A_13 = arith.divf %logistic3A_11, %logistic3A_12 : vector<4096x128xf32>
    %log3A = math.log %logistic3A_13 : vector<4096x128xf32>
    %jit3A = arith.constant 0.000000e+00 : f32
    %broadcast_in_dim3A = vector.broadcast %jit3A : f32 to vector<4096x128xf32>
    %select_n3A_14 = arith.select %lt3A_8, %log3A, %broadcast_in_dim3A : vector<4096x128xi1>, vector<4096x128xf32>
    %reduce_sum3A = vector.shape_cast %select_n3A_14 : vector<4096x128xf32> to vector<1x4096x128xf32>
    %reduce_sum3A_15 = arith.constant dense<0.000000e+00> : vector<1xf32>
    %reduce_sum3A_16 = vector.multi_reduction <add>, %reduce_sum3A, %reduce_sum3A_15 [1, 2] : vector<1x4096x128xf32> to vector<1xf32>
    %reduce_sum3A_17 = vector.shape_cast %reduce_sum3A_16 : vector<1xf32> to vector<1x1x1xf32>
    %reduce_sum3A_18 = vector.extract %reduce_sum3A_17[0, 0, 0] : f32 from vector<1x1x1xf32>
    %neg3A_19 = arith.constant 0.000000e+00 : f32
    %neg3A_20 = arith.subf %neg3A_19, %reduce_sum3A_18 : f32
    %reshape3A = vector.broadcast %neg3A_20 : f32 to vector<1x1xf32>
    %swap3A = arith.constant 0 : index
    %swap3A_21 = arith.constant 0 : index
    %swap3A_22 = vector.load %arg1[%swap3A, %swap3A_21] : memref<1x1xf32, #tpu.memory_space<vmem>>, vector<1x1xf32>
    tpu.vector_store %arg1[%swap3A, %swap3A_21], %reshape3A {strides = array<i32>} : memref<1x1xf32, #tpu.memory_space<vmem>>, vector<1x1xf32>,
    return
  }
}

</mosaic_0001>

<sc_bundles>
// kernel: kernel.4.cloned.1.call-start
scs
__scs_entry_jumppad:
0x0: {  	(pc) =	sbr.rel $0x88, $3  }
0x1: {  	(tag) =	ssettag $0x0;
	lr =	simm.s32 $0x1  }
0x2: {  	[smem:$0x3F9C] =	sst lr;
	_ =	strace $0xD0000000  }
0x3: {  	_ = 	snop  }
0x4: {  	_ = 	snop  }
0x5: {  	_ = 	snop  }
0x6: {  	_ = 	snop  }
0x7: {  	_ = 	snop  }
__scs_overlays_trampoline_lowered:
0x8: {  	[smem:$0x3FAB] =	sst s0  }
0x9: {  	[smem:$0x3FAC] =	sst s1  }
0xa: {  	[smem:$0x3FAD] =	sst s2  }
0xb: {  	[smem:$0x3FAE] =	sst s3  }
0xc: {  	[smem:$0x3FAF] =	sst s4  }
0xd: {  	[smem:$0x3FB0] =	sst s5  }
0xe: {  	[smem:$0x3FB1] =	sst s6  }
0xf: {  	[smem:$0x3FB2] =	sst s7  }
0x10: {  	[smem:$0x3FB3] =	sst s8  }
0x11: {  	[smem:$0x3FB4] =	sst s9;
	s0 =	simm.s32 @!p0 $0x0  }
0x12: {  	s1 =	sld [smem:$0x3F9A];
	s0 =	simm.s32 @p0 $0x1  }
0x13: {  	[smem:$0x3FB5] =	sst s0;
	s0 =	simm.s32 @!p1 $0x0  }
0x14: {  	s2 =	sld [smem:$0x3F99];
	s0 =	simm.s32 @p1 $0x1  }
0x15: {  	[smem:$0x3FB6] =	sst s0;
	s0 =	simm.s32 @!p2 $0x0  }
0x16: {  	s3 =	sld [smem:$0x3FDB];
	s0 =	simm.s32 @p2 $0x1  }
0x17: {  	s4 =	simm.s32 $0x1BF5;
	[smem:$0x3FB8] =	sst s0  }
0x18: {  	s0 =	sld [smem:$0x3F9B];
	_ =	swait.ge [sflag:s4], $0x0  }
0x19: {  	s7 =	sld [smem:$0x3F9C]  }
0x1a: {  	s8 =	sadd.s32 $0xFFFFE003, lr  }
0x1b: {  	s9 =	sadd.s32 $0xFFFFFEF7, lr;
	s5 =	simm.s32 $0xFFFFFFFF;
	p2 =	slt.u32 s8, $0xFFFFF086  }
0x1c: {  	p1 =	slt.u32 s9, $0xF7A;
	s5 =	simm.s32 @!p2 $0x0  }
0x1d: {  	s5 =	simm.s32 @p1 $0x1;
	p0 =	seq.s32 s7, s2  }
0x1e: {  	s7 =	smul.u32 @!p0 $0xF7A, s2;
	p2 =	seq.s32 @!p0 s5, $0x0  }
0x1f: {  	s9 =	smul.u32 $0xF7A, s1;
	s8 =	simm.s32 @!p0 $0x1BF5;
	p2 =	por !p2, p0  }
0x20: {  	[sflag:s8] =	ssyncset.s32 @!p0 $0xFFFFF086;
	s6 =	sadd.s32 @!p0 s3, s7;
	s7 =	simm.s32 @!p0 $0x108  }
0x21: {  	s3 =	sadd.s32 s3, s9;
	s6 =	sadd.s32 @!p0 $0x88, s6;
	s7 =	simm.s32 @p2 $0x1082  }
0x22: {  	[simem:s7], [sflag:s8] =	dma.local @!p0 [hbm:s6], $0xF7A  }
0x23: {  	s9 =	sor.u32 $0xD0000000, s2;
	s6 =	simm.s32 $0x108;
	_ =	swait.ge @!p0 [sflag:s8], $0x0  }
0x24: {  	s3 =	sadd.s32 $0x88, s3;
	s6 =	simm.s32 @!p1 $0x1082;
	[sflag:s4] =	ssyncset.s32 $0xFFFFF086  }
0x25: {  	[simem:s6], [sflag:s4] =	dma.local [hbm:s3], $0xF7A  }
0x26: {  	[smem:$0x3F9C] =	sst s1;
	(tag) =	ssettag s2;
	_ =	strace s9  }
0x27: {  	s1 =	sld [smem:$0x3FAC]  }
0x28: {  	s2 =	sld [smem:$0x3FAD]  }
0x29: {  	s4 =	sld [smem:$0x3FAF]  }
0x2a: {  	p0 =	seq.s32 s5, $0x0;
	s5 =	sld [smem:$0x3FB0]  }
0x2b: {  	s6 =	sld [smem:$0x3FB1]  }
0x2c: {  	s7 =	sld [smem:$0x3FB2]  }
0x2d: {  	s3 =	simm.s32 $0x108;
	s8 =	sld [smem:$0x3FB3]  }
0x2e: {  	s3 =	simm.s32 @!p0 $0x1082;
	s9 =	sld [smem:$0x3FB4]  }
0x2f: {  	lr =	sadd.s32 s0, s3;
	s0 =	sld [smem:$0x3FAB]  }
0x30: {  	s3 =	sld [smem:$0x3FAE]  }
0x31: {  	[smem:$0x3FB7] =	sst s10  }
0x32: {  	s10 =	sld [smem:$0x3FB5];
	_ =	sdelay $0x3  }
0x33: {  	p0 =	seq.s32 s10, $0x1;
	s10 =	sld [smem:$0x3FB7];
	_ =	sdelay $0x3  }
0x34: {  	[smem:$0x3FB7] =	sst s10  }
0x35: {  	s10 =	sld [smem:$0x3FB6];
	_ =	sdelay $0x3  }
0x36: {  	p1 =	seq.s32 s10, $0x1;
	s10 =	sld [smem:$0x3FB7];
	_ =	sdelay $0x3  }
0x37: {  	[smem:$0x3FB7] =	sst s10  }
0x38: {  	s10 =	sld [smem:$0x3FB8]  }
0x39: {  	_ = 	snop;
	(pc) =	sbr.ind lr, $3  }
0x3a: {  	_ = 	snop  }
0x3b: {  	_ = 	snop  }
0x3c: {  	p2 =	seq.s32 s10, $0x1;
	s10 =	sld [smem:$0x3FB7]  }
0x3d: {  	_ =	shalt  }
0x3e: {  	_ =	shalt  }
0x3f: {  	_ =	shalt  }
0x40: {  	_ =	shalt  }
0x41: {  	_ =	shalt  }
0x42: {  	_ =	shalt  }
0x43: {  	_ =	shalt  }
0x44: {  	_ =	shalt  }
0x45: {  	_ =	shalt  }
0x46: {  	_ =	shalt  }
0x47: {  	_ =	shalt  }
0x48: {  	_ =	shalt  }
0x49: {  	_ =	shalt  }
0x4a: {  	_ =	shalt  }
0x4b: {  	_ =	shalt  }
0x4c: {  	_ =	shalt  }
0x4d: {  	_ =	shalt  }
0x4e: {  	_ =	shalt  }
0x4f: {  	_ =	shalt  }
0x50: {  	_ =	shalt  }
0x51: {  	_ =	shalt  }
0x52: {  	_ =	shalt  }
0x53: {  	_ =	shalt  }
0x54: {  	_ =	shalt  }
0x55: {  	_ =	shalt  }
0x56: {  	_ =	shalt  }
0x57: {  	_ =	shalt  }
0x58: {  	_ =	shalt  }
0x59: {  	_ =	shalt  }
0x5a: {  	_ =	shalt  }
0x5b: {  	_ =	shalt  }
0x5c: {  	_ =	shalt  }
0x5d: {  	_ =	shalt  }
0x5e: {  	_ =	shalt  }
0x5f: {  	_ =	shalt  }
0x60: {  	_ =	shalt  }
0x61: {  	_ =	shalt  }
0x62: {  	_ =	shalt  }
0x63: {  	_ =	shalt  }
0x64: {  	_ =	shalt  }
0x65: {  	_ =	shalt  }
0x66: {  	_ =	shalt  }
0x67: {  	_ =	shalt  }
0x68: {  	_ =	shalt  }
0x69: {  	_ =	shalt  }
0x6a: {  	_ =	shalt  }
0x6b: {  	_ =	shalt  }
0x6c: {  	_ =	shalt  }
0x6d: {  	_ =	shalt  }
0x6e: {  	_ =	shalt  }
0x6f: {  	_ =	shalt  }
0x70: {  	_ =	shalt  }
0x71: {  	_ =	shalt  }
0x72: {  	_ =	shalt  }
0x73: {  	_ =	shalt  }
0x74: {  	_ =	shalt  }
0x75: {  	_ =	shalt  }
0x76: {  	_ =	shalt  }
0x77: {  	_ =	shalt  }
0x78: {  	_ =	shalt  }
0x79: {  	_ =	shalt  }
0x7a: {  	_ =	shalt  }
0x7b: {  	_ =	shalt  }
0x7c: {  	_ =	shalt  }
0x7d: {  	_ =	shalt  }
0x7e: {  	_ =	shalt  }
0x7f: {  	_ =	shalt  }
0x80: {  	_ =	shalt  }
0x81: {  	_ =	shalt  }
0x82: {  	_ =	shalt  }
0x83: {  	_ =	shalt  }
0x84: {  	_ =	shalt  }
0x85: {  	_ =	shalt  }
0x86: {  	_ =	shalt  }
0x87: {  	_ =	shalt  }
.Lfunc_end0:
.L_simem_size_0:
called_computation_lowered:
.L_overlay_start_0:
0x88: {  	s2 =	sld [smem:$0x3FD9]  }
0x89: {  	s3 =	sld [smem:$0x3FFE];
	_ =	sdelay $0x1  }
0x8a: {  	s1 =	srdreg.scid  }
0x8b: {  	s0 =	sand.u32 $0x1, s1  }
0x8c: {  	s17 =	sshll.u32 s0, $0xA;
	s2 =	sadd.s32 s3, s2  }
0x8d: {  	s2 =	sadd.s32 s2, s17  }
0x8e: {  	[smem:$0x3FC3] =	sst s2  }
0x8f: {  	_ = 	snop  }
0x90: {  	s2 =	sld [smem:$0x3FC9];
	(tm) =	ssettm $0x1  }
0x91: {  	s18 =	sld [smem:$0x3FFB];
	_ =	sdelay $0x3  }
0x92: {  	_ =	strace s18  }
0x93: {  	s3 =	sld [smem:$0x3FFC];
	_ =	sdelay $0x3  }
0x94: {  	_ =	strace s3  }
0x95: {  	s3 =	sld [smem:$0x3FFD];
	_ =	sdelay $0x3  }
0x96: {  	_ =	strace s3  }
0x97: {  	_ =	strace $0x8FFFFFFF  }
0x98: {  	s19 =	sld [smem:$0x3FDB];
	_ =	sdelay $0x1  }
0x99: {  	s4 =	simm.s32 $_scs_section_size  }
0x9a: {  	s5 =	simm.s32 $_size__tile_overlayer_lowered;
	s6 =	simm.s32 $_tile_overlayer_lowered  }
0x9b: {  	s22 =	simm.s32 $0x1BFF;
	s21 =	sshll.u32 s6, $0x1;
	s3 =	sadd.s32 s4, s19  }
0x9c: {  	s7 =	simm.s32 $0x0;
	s20 =	sshll.u32 s5, $0x1;
	s5 =	sadd.s32 s21, s3  }
0x9d: {  	[timem:s7], [sflag:s22] =	dma.local [hbm:s5], s20  }
0x9e: {  	_ =	swait.ge [sflag:s22], s20  }
0x9f: {  	s4 =	ssub.s32 $0x0, s20;
	[sflag:s22] =	ssyncset.done $0x0  }
0xa0: {  	[sflag:s22] =	ssyncadd.s32 s4;
	_ =	sdelay $0x1  }
0xa1: {  	s23 =	simm.s32 $0x1B8B  }
0xa2: {  	_ =	swait.ge [sflag:s23], $0x1  }
0xa3: {  	[sflag:s23] =	ssyncset.done $0x0  }
0xa4: {  	s25 =	simm.s32 $0x1B8E;
	s24 =	sld [smem:$0x3FFE];
	[sflag:s23] =	ssyncadd.s32 $0xFFFFFFFF  }
0xa5: {  	s26 =	simm.s32 $execute0_lowered;
	[smem:$0x3FD2] =	sst s25  }
0xa6: {  	s5 =	sshll.u32 s26, $0x1;
	_ =	strace $0x80000046;
	[dreg:$0x1] =	wrdreg $0xFFFFFFFF  }
0xa7: {  	s28 =	simm.s32 $_size_execute0_lowered;
	s3 =	sadd.s32 s3, s5;
	[dreg:$0x0] =	wrdreg $0x0  }
0xa8: {  	s5 =	sshll.u32 s28, $0x1;
	[dreg:$0x2] =	wrdreg s3  }
0xa9: {  	[dreg:$0x3] =	wrdreg s5  }
0xaa: {  	[dreg:$0x4] =	wrdreg $0xC0  }
0xab: {  	_ =	task [dreg:s7], $0x5FFFF  }
0xac: {  	[dreg:$0x1] =	wrdreg $0xFFFFFFFF  }
0xad: {  	[dreg:$0x0] =	wrdreg $0x60  }
0xae: {  	[dreg:$0x2] =	wrdreg s2  }
0xaf: {  	[dreg:$0x3] =	wrdreg s24  }
0xb0: {  	[dreg:$0x4] =	wrdreg $0x9  }
0xb1: {  	_ =	task.clear_ibuf [dreg:s7], $0x5FFFF;
	_ =	strace $0x90000046  }
0xb2: {  	s29 =	simm.s32 $0x9;
	_ =	strace $0x80000048  }
0xb3: {  	_ =	swait.ge [sflag:s29], $0x1  }
0xb4: {  	[sflag:s29] =	ssyncadd.s32 $0xFFFFFFFF  }
0xb5: {  	_ =	strace $0x90000048  }
0xb6: {  	_ =	sfence  }
0xb7: {  	s30 =	sld [smem:$0x0];
	_ =	sdelay $0x2  }
0xb8: {  	s31 =	sshll.u32 s1, $0xD;
	s1 =	sshrl.u32 s1, $0x2  }
0xb9: {  	s3 =	sand.u32 $0x4000, s31;
	s1 =	sadd.s32 s1, s30  }
0xba: {  	s0 =	sor.u32 s3, s0;
	s1 =	sshll.u32 s1, $0x11  }
0xbb: {  	s0 =	sor.u32 s1, s0  }
0xbc: {  	s0 =	sadd.s32 $0x8F2B, s0  }
0xbd: {  	[sflag:s0] =	ssyncadd.remote.s32 $0x1  }
0xbe: {  	_ =	sfence.sel $0xFFFF  }
0xbf: {  	[dreg:$0x0] =	wrdreg $0xFFFFFFFF;
	(pc) =	sbr.abs _section_cstart, $3  }
0xc0: {  	[dreg:$0x1] =	wrdreg $0xFFFFFFFF  }
0xc1: {  	_ =	task.clear_ibuf [dreg:s7], $0x2FFFF;
	_ =	strace $0x9FFFFFFF  }
0xc2: {  	(tm) =	ssettm $0x7FFFFFFF  }
0xc3: {  	_ =	shalt  }
tec
execute0_lowered:
.L_overlay_start_1:
0x0: {  	(tag) =	ssettag $0x1  }
0x1: {  	s1 =	srdreg.scid;
	s5 =	rddreg [dreg:$0x0]  }
0x2: {  	s0 =	stileid.u32;
	s7 =	rddreg [dreg:$0x1]  }
0x3: {  	s2 =	simm.s32 $0x0;
	s11 =	simm.s32 $0x3C80;
	s12 =	simm.s32 $0x1  }
0x4: {  	s13 =	simm.s32 $0x78;
	s14 =	simm.s32 $0x4C80;
	s15 =	simm.s32 $0xF8  }
0x5: {  	s16 =	simm.s32 $0x5B80;
	s17 =	simm.s32 $0x170;
	s18 =	simm.s32 $0x6A80  }
0x6: {  	s19 =	simm.s32 $0x7980;
	s20 =	simm.s32 $0x2;
	s21 =	simm.s32 $0x3  }
0x7: {  	s22 =	simm.s32 $0x4;
	s23 =	simm.s32 $0x8880;
	s24 =	simm.s32 $0x0  }
0x8: {  	s6 =	sand.u32 $0x1, s1;
	s30 =	sshll.u32 s0, $0x1;
	[smem:$0x7FF] =	sst s2  }
0x9: {  	s4 =	sadd.s32 $0xF42E00, s7;
	s8 =	sor.u32 s6, s30;
	s6 =	ssub.s32 $0x2, s6  }
0xa: {  	vm0 =	vmmov $0x1;
	vm1 =	vmmov $0x3;
	vm2 =	vmmov $0x7;
	s3 =	smul.u32 $0x780, s8;
	s10 =	sshll.u32 s8, $0xB;
	s8 =	sshll.u32 s8, $0x4  }
0xb: {  	vm3 =	vmmov $0xf;
	vm4 =	vmmov $0x1f;
	vm5 =	vmmov $0x3f;
	_ =	strace $0x80000047;
	s31 =	sshrl.u32 s6, $0x1;
	s5 =	sadd.s32 s5, s8  }
0xc: {  	vm6 =	vmmov $0x7f;
	vm7 =	vmmov $0xff;
	vm8 =	vmmov $0x1ff;
	s9 =	sadd.s32 s3, s7;
	s3 =	sadd.s32 $0x1313800, s7;
	s7 =	sadd.s32 s10, s7  }
0xd: {  	vm9 =	vmmov $0x3ff;
	vm10 =	vmmov $0x7ff;
	vm11 =	vmmov $0xfff;
	s10 =	ssub.s32 s6, s31;
	s6 =	sadd.s32 $0xA00, s9;
	s7 =	sadd.s32 $0xFA00, s7  }
0xe: {  	vm12 =	vmmov $0x1fff;
	vm13 =	vmmov $0x3fff;
	vm14 =	vmmov $0x7fff;
	s8 =	smax.u32 s10, $0x1;
	s9 =	simm.s32 $0x5;
	s10 =	simm.s32 $0x80  }
.LBB2_1:
0xf: {  	[tilespmem:s2], [sflag:$0x5] =	stream.linear.gather [hbm4b:s5+s2], $0x80, $0x38;
	[tilespmem:$0x8C80] =	vst v63  }
0x10: {  	_ =	swait.ge [sflag:s9], $0x80  }
0x11: {  	[sflag:s9] =	ssyncset.done $0x0  }
0x12: {  	[sflag:s9] =	ssyncadd.s32 $0xFFFFFF80  }
0x13: {  	[tilespmem:s10], [sflag:$0x5] =	stream.linear.gather [hbm4b:s6+s2], $0x3C00, $0x38;
	[tilespmem:$0x8C80] =	vst v63  }
0x14: {  	_ =	swait.ge [sflag:s9], $0x3C00  }
0x15: {  	[sflag:s9] =	ssyncset.done $0x0  }
0x16: {  	[sflag:s9] =	ssyncadd.s32 $0xFFFFC400  }
0x17: {  	[tilespmem:s11], [sflag:$0x1] =	stream.indirect.gather [hbm4b:s3+s10], $0x20, s2, s10, $0xb8;
	[tilespmem:$0x8C80] =	vst v63  }
0x18: {  	_ =	swait.ge [sflag:s12], $0x1000  }
0x19: {  	[sflag:s12] =	ssyncset.done $0x0  }
0x1a: {  	[sflag:s12] =	ssyncadd.s32 $0xFFFFF000  }
0x1b: {  	[tilespmem:s14], [sflag:$0x1] =	stream.indirect.gather [hbm4b:s4+s13], $0x20, s10, s13, $0xb8;
	[tilespmem:$0x8C80] =	vst v63  }
0x1c: {  	_ = 	snop  }
0x1d: {  	[tilespmem:s16], [sflag:$0x2] =	stream.indirect.gather [hbm4b:s4+s13], $0x20, s15, s13, $0xb8;
	[tilespmem:$0x8C80] =	vst v63  }
0x1e: {  	s25 =	simm.s32 $0x0  }
0x1f: {  	[tilespmem:s18], [sflag:$0x3] =	stream.indirect.gather [hbm4b:s4+s13], $0x20, s17, s13, $0xb8;
	[tilespmem:$0x8C80] =	vst v63  }
.LBB2_2:
0x20: {  	_ =	swait.ge [sflag:s12], $0xF00  }
0x21: {  	s26 =	sshll.u32 s25, $0x8;
	[sflag:s12] =	ssyncset.done $0x0  }
0x22: {  	s29 =	sand.u32 $0x3FFFFF00, s26;
	[sflag:s12] =	ssyncadd.s32 $0xFFFFF100  }
0x23: {  	v0 =	vld [tilespmem:s29+$0x3C80]  }
0x24: {  	s28 =	simm.s32 $0x4D80;
	s26 =	simm.s32 $0x0;
	v1 =	vld [tilespmem:s29+$0x3C90]  }
.LBB2_3:
0x25: {  	v2 =	vld [tilespmem:s28+$0xFFFFFF00]  }
0x26: {  	v3 =	vld [tilespmem:s28+$0xFFFFFF10]  }
0x27: {  	v4 =	vld [tilespmem:s28+$0xFFFFFF20]  }
0x28: {  	v5 =	vld [tilespmem:s28+$0xFFFFFF30]  }
0x29: {  	v6 =	vld [tilespmem:s28+$0xFFFFFF40]  }
0x2a: {  	v7 =	vld [tilespmem:s28+$0xFFFFFF50]  }
0x2b: {  	v8 =	vld [tilespmem:s28+$0xFFFFFF60]  }
0x2c: {  	v9 =	vld [tilespmem:s28+$0xFFFFFF70]  }
0x2d: {  	v10 =	vld [tilespmem:s28+$0xFFFFFF80]  }
0x2e: {  	v11 =	vld [tilespmem:s28+$0xFFFFFF90]  }
0x2f: {  	v12 =	vld [tilespmem:s28+$0xFFFFFFA0]  }
0x30: {  	v13 =	vld [tilespmem:s28+$0xFFFFFFB0]  }
0x31: {  	v14 =	vld [tilespmem:s28+$0xFFFFFFC0]  }
0x32: {  	v15 =	vld [tilespmem:s28+$0xFFFFFFD0]  }
0x33: {  	v16 =	vld [tilespmem:s28+$0xFFFFFFE0]  }
0x34: {  	v17 =	vld [tilespmem:s28+$0xFFFFFFF0]  }
0x35: {  	v18 =	vld [tilespmem:s28+$0x0]  }
0x36: {  	v19 =	vld [tilespmem:s28+$0x10];
	v2 =	vmul.f32 v2, v0;
	v3 =	vmul.f32 v3, v1  }
0x37: {  	v20 =	vld [tilespmem:s28+$0x20];
	v4 =	vmul.f32 v4, v0;
	v5 =	vmul.f32 v5, v1  }
0x38: {  	v21 =	vld [tilespmem:s28+$0x30];
	v47 =	vmul.f32 v7, v1;
	v2 =	vadd.f32 v3, v2;
	v3 =	vmul.f32 v6, v0  }
0x39: {  	v22 =	vld [tilespmem:s28+$0x40];
	v4 =	vadd.f32 v5, v4  }
0x3a: {  	v48 =	vld [tilespmem:s28+$0x50];
	v50 =	vmul.f32 v9, v1;
	(xrf2) =	vadd.scan.msk.f32 $0xffff, v2;
	v2 =	vadd.f32 v47, v3;
	v3 =	vmul.f32 v8, v0  }
0x3b: {  	v49 =	vld [tilespmem:s28+$0x60];
	v52 =	vmul.f32 v10, v0;
	v53 =	vmul.f32 v11, v1;
	(xrf2) =	vadd.scan.msk.f32 $0xffff, v4  }
0x3c: {  	v51 =	vld [tilespmem:s28+$0x70];
	v55 =	vmul.f32 v13, v1;
	(xrf2) =	vadd.scan.msk.f32 $0xffff, v2;
	v2 =	vadd.f32 v50, v3;
	v3 =	vmul.f32 v12, v0  }
0x3d: {  	v54 =	vld [tilespmem:s28+$0x80];
	v57 =	vmul.f32 v14, v0;
	v58 =	vmul.f32 v15, v1;
	v4 =	vadd.f32 v53, v52  }
0x3e: {  	v56 =	vld [tilespmem:s28+$0x90];
	v60 =	vmul.f32 v17, v1;
	(xrf2) =	vadd.scan.msk.f32 $0xffff, v2;
	v2 =	vadd.f32 v55, v3;
	v3 =	vmul.f32 v16, v0  }
0x3f: {  	v59 =	vld [tilespmem:s28+$0xA0];
	v63 =	vmul.f32 v18, v0;
	v23 =	vmul.f32 v19, v1;
	v62 =	vadd.f32 v58, v57;
	(xrf2) =	vadd.scan.msk.f32 $0xffff, v4  }
0x40: {  	v61 =	vld [tilespmem:s28+$0xB0];
	v25 =	vmul.f32 v21, v1;
	(xrf2) =	vadd.scan.msk.f32 $0xffff, v2;
	v2 =	vadd.f32 v60, v3;
	v3 =	vmul.f32 v20, v0  }
0x41: {  	v24 =	vld [tilespmem:s28+$0xC0];
	v28 =	vmul.f32 v22, v0;
	v7 =	vmul.f32 v48, v1;
	(xrf2) =	vadd.scan.msk.f32 $0xffff, v62  }
0x42: {  	v26 =	vld [tilespmem:s28+$0xD0];
	v27 =	vadd.f32 v23, v63;
	(xrf2) =	vadd.scan.msk.f32 $0xffff, v2;
	v2 =	vadd.f32 v25, v3;
	v3 =	vmul.f32 v49, v0  }
0x43: {  	v34 =	vld [tilespmem:s28+$0xF0];
	v29 =	vmul.f32 v51, v1  }
0x44: {  	v30 =	vld [tilespmem:s28+$0xE0];
	v32 =	vmul.f32 v54, v0;
	v33 =	vmul.f32 v56, v1;
	v31 =	vadd.f32 v7, v28;
	(xrf2) =	vadd.scan.msk.f32 $0xffff, v27  }
0x45: {  	v35 =	vmul.f32 v59, v0;
	v36 =	vmul.f32 v61, v1;
	(xrf2) =	vadd.scan.msk.f32 $0xffff, v2;
	v2 =	vadd.f32 v29, v3  }
0x46: {  	v39 =	vmul.f32 v24, v0;
	v37 =	vadd.f32 v33, v32;
	v3, _, _ =	vpop (xrf2);
	(xrf2) =	vadd.scan.msk.f32 $0xffff, v31  }
0x47: {  	v40 =	vmul.f32 v26, v1;
	v38, _, _ =	vpop (xrf2);
	(xrf2) =	vadd.scan.msk.f32 $0xffff, v2;
	v2 =	vbroadcast v3, $0xF;
	v3 =	vadd.f32 v36, v35  }
0x48: {  	v45 =	vmul.f32 v34, v1;
	v41, _, _ =	vpop (xrf2);
	(xrf2) =	vadd.scan.msk.f32 $0xffff, v37  }
0x49: {  	v43 =	vadd.f32 v40, v39;
	v42 =	vbroadcast v38, $0xF;
	v44, _, _ =	vpop (xrf2);
	(xrf2) =	vadd.scan.msk.f32 $0xffff, v3;
	v3 =	vmul.f32 v30, v0  }
0x4a: {  	v5 =	vbroadcast v41, $0xF  }
0x4b: {  	v2 =	vsel vm0, v2, v42;
	v46 =	vbroadcast v44, $0xF;
	v47, _, _ =	vpop (xrf2);
	(xrf2) =	vadd.scan.msk.f32 $0xffff, v43;
	v3 =	vadd.f32 v45, v3  }
0x4c: {  	v48, _, _ =	vpop (xrf2);
	v2 =	vsel vm1, v2, v5;
	v49 =	vbroadcast v47, $0xF  }
0x4d: {  	v50, _, _ =	vpop (xrf2);
	v2 =	vsel vm2, v2, v46;
	v51 =	vbroadcast v48, $0xF  }
0x4e: {  	v2 =	vsel vm3, v2, v49;
	v52 =	vbroadcast v50, $0xF;
	v53, _, _ =	vpop (xrf2)  }
0x4f: {  	(xrf2) =	vadd.scan.msk.f32 $0xffff, v3;
	v2 =	vsel vm4, v2, v51;
	v54 =	vbroadcast v53, $0xF;
	v3, _, _ =	vpop (xrf2)  }
0x50: {  	v2 =	vsel vm5, v2, v52;
	v55, _, _ =	vpop (xrf2);
	v3 =	vbroadcast v3, $0xF  }
0x51: {  	v2 =	vsel vm6, v2, v54;
	v56, _, _ =	vpop (xrf2);
	v57 =	vbroadcast v55, $0xF  }
0x52: {  	v58, _, _ =	vpop (xrf2);
	v2 =	vsel vm7, v2, v3;
	v3 =	vbroadcast v56, $0xF  }
0x53: {  	v59, _, _ =	vpop (xrf2);
	v2 =	vsel vm8, v2, v57;
	v60 =	vbroadcast v58, $0xF  }
0x54: {  	v61, _, _ =	vpop (xrf2);
	v2 =	vsel vm9, v2, v3;
	v3 =	vbroadcast v59, $0xF  }
0x55: {  	v62, _, _ =	vpop (xrf2);
	v2 =	vsel vm10, v2, v60  }
0x56: {  	v2 =	vsel vm11, v2, v3;
	v3 =	vbroadcast v62, $0xF  }
0x57: {  	p0 =	sne.s32 s26, $0x180;
	v63 =	vbroadcast v61, $0xF  }
.Ltmp0:
0x58: {  	_ = 	snop;
	(pc) =	sbr.rel @p0 .LBB2_3-.Ltmp0, $4  }
0x59: {  	v2 =	vsel vm12, v2, v63  }
0x5a: {  	v2 =	vsel vm13, v2, v3;
	v3, _, _ =	vpop (xrf2)  }
0x5b: {  	s30 =	sshra.s32 s26, $0x2;
	v2 =	vsel vm14, v2, v3  }
0x5c: {  	s28 =	sadd.s32 $0x200, s28;
	s26 =	sadd.s32 $0x40, s26;
	[tilespmem:s30+$0x8880] =	vst v2  }
0x5d: {  	v2 =	vld [tilespmem:$0x5A80]  }
0x5e: {  	v3 =	vld [tilespmem:$0x5A90]  }
0x5f: {  	v4 =	vld [tilespmem:$0x5AA0]  }
0x60: {  	v5 =	vld [tilespmem:$0x5AB0]  }
0x61: {  	v6 =	vld [tilespmem:$0x5AC0]  }
0x62: {  	v7 =	vld [tilespmem:$0x5AD0]  }
0x63: {  	v8 =	vld [tilespmem:$0x5AE0]  }
0x64: {  	v9 =	vld [tilespmem:$0x5AF0]  }
0x65: {  	v10 =	vld [tilespmem:$0x5B00]  }
0x66: {  	v11 =	vld [tilespmem:$0x5B10]  }
0x67: {  	v12 =	vld [tilespmem:$0x5B20]  }
0x68: {  	v13 =	vld [tilespmem:$0x5B30]  }
0x69: {  	v14 =	vld [tilespmem:$0x5B40]  }
0x6a: {  	v15 =	vld [tilespmem:$0x5B50];
	v2 =	vmul.f32 v2, v0;
	v3 =	vmul.f32 v3, v1  }
0x6b: {  	v16 =	vld [tilespmem:$0x5B60];
	v4 =	vmul.f32 v4, v0;
	v5 =	vmul.f32 v5, v1  }
0x6c: {  	v53 =	vld [tilespmem:$0x5B70];
	v52 =	vmul.f32 v7, v1;
	v2 =	vadd.f32 v3, v2;
	v3 =	vmul.f32 v6, v0  }
0x6d: {  	v54 =	vmul.f32 v8, v0;
	v55 =	vmul.f32 v9, v1;
	v4 =	vadd.f32 v5, v4  }
0x6e: {  	v56 =	vmul.f32 v11, v1;
	(xrf2) =	vadd.scan.msk.f32 $0xffff, v2;
	v2 =	vadd.f32 v52, v3;
	v3 =	vmul.f32 v10, v0  }
0x6f: {  	v58 =	vmul.f32 v12, v0;
	v59 =	vmul.f32 v13, v1;
	v57 =	vadd.f32 v55, v54;
	(xrf2) =	vadd.scan.msk.f32 $0xffff, v4  }
0x70: {  	v60 =	vmul.f32 v15, v1;
	(xrf2) =	vadd.scan.msk.f32 $0xffff, v2;
	v2 =	vadd.f32 v56, v3;
	v3 =	vmul.f32 v14, v0  }
0x71: {  	v1 =	vmul.f32 v53, v1;
	v61 =	vadd.f32 v59, v58;
	v0 =	vmul.f32 v16, v0;
	(xrf2) =	vadd.scan.msk.f32 $0xffff, v57  }
0x72: {  	(xrf2) =	vadd.scan.msk.f32 $0xffff, v2;
	v2 =	vadd.f32 v60, v3  }
0x73: {  	v0 =	vadd.f32 v1, v0;
	(xrf2) =	vadd.scan.msk.f32 $0xffff, v61  }
0x74: {  	(xrf2) =	vadd.scan.msk.f32 $0xffff, v2  }
0x75: {  	(xrf2) =	vadd.scan.msk.f32 $0xffff, v0;
	_ =	sdelay $0x2  }
0x76: {  	v0, _, _ =	vpop (xrf2)  }
0x77: {  	v1, _, _ =	vpop (xrf2);
	v0 =	vbroadcast v0, $0xF  }
0x78: {  	v2, _, _ =	vpop (xrf2);
	v1 =	vbroadcast v1, $0xF  }
0x79: {  	vm15 =	vcmask $0x320;
	v3, _, _ =	vpop (xrf2);
	v0 =	vnsel vm0, $0x0, v0;
	v2 =	vbroadcast v2, $0xF  }
0x7a: {  	v62, _, _ =	vpop (xrf2);
	v0 =	vsel vm15, v0, v1;
	v1 =	vbroadcast v3, $0xF;
	vm15 =	vcmask $0x720  }
0x7b: {  	v3, _, _ =	vpop (xrf2);
	v0 =	vsel vm15, v0, v2;
	v2 =	vbroadcast v62, $0xF;
	vm15 =	vcmask $0xB20  }
0x7c: {  	s26 =	sshll.u32 s25, $0x3;
	v63, _, _ =	vpop (xrf2);
	v0 =	vsel vm15, v0, v1;
	v1 =	vbroadcast v3, $0xF;
	vm15 =	vcmask $0xF20  }
0x7d: {  	s28 =	sor.u32 $0x3, s26;
	v0 =	vsel vm15, v0, v2;
	v2 =	vbroadcast v63, $0xF;
	v3, _, _ =	vpop (xrf2);
	vm15 =	vcmask $0x1320  }
0x7e: {  	s30 =	smul.u32 $0x1E0, s28;
	v0 =	vsel vm15, v0, v1;
	v1 =	vbroadcast v3, $0xF;
	vm15 =	vcmask $0x1720  }
0x7f: {  	v0 =	vsel vm15, v0, v2;
	vm15 =	vcmask $0x1B20  }
0x80: {  	s30 =	sshra.s32 s30, $0x2;
	v0 =	vsel vm15, v0, v1  }
0x81: {  	s30 =	sadd.s32 $0x80, s30;
	[tilespmem:$0x88F0] =	vst v0  }
0x82: {  	[tilespmem:s19], [sflag:$0x4] =	stream.indirect.gather [hbm4b:s4+s13], $0x20, s30, s13, $0xb8;
	[tilespmem:$0x8C80] =	vst v63  }
0x83: {  	_ =	swait.ge [sflag:s20], $0xF00  }
0x84: {  	[sflag:s20] =	ssyncset.done $0x0  }
0x85: {  	[sflag:s20] =	ssyncadd.s32 $0xFFFFF100  }
0x86: {  	v0 =	vld [tilespmem:s29+$0x3CA0]  }
0x87: {  	s31 =	simm.s32 $0x5D70;
	s30 =	simm.s32 $0x0;
	v1 =	vld [tilespmem:s29+$0x3CB0]  }
.LBB2_5:
0x88: {  	v2 =	vld [tilespmem:s31+$0xFFFFFE10]  }
0x89: {  	v3 =	vld [tilespmem:s31+$0xFFFFFE20]  }
0x8a: {  	v4 =	vld [tilespmem:s31+$0xFFFFFE30]  }
0x8b: {  	v5 =	vld [tilespmem:s31+$0xFFFFFE40]  }
0x8c: {  	v6 =	vld [tilespmem:s31+$0xFFFFFE50]  }
0x8d: {  	v7 =	vld [tilespmem:s31+$0xFFFFFE60]  }
0x8e: {  	v8 =	vld [tilespmem:s31+$0xFFFFFE70]  }
0x8f: {  	v9 =	vld [tilespmem:s31+$0xFFFFFE80]  }
0x90: {  	v10 =	vld [tilespmem:s31+$0xFFFFFE90]  }
0x91: {  	v11 =	vld [tilespmem:s31+$0xFFFFFEA0]  }
0x92: {  	v12 =	vld [tilespmem:s31+$0xFFFFFEB0]  }
0x93: {  	v13 =	vld [tilespmem:s31+$0xFFFFFEC0]  }
0x94: {  	v14 =	vld [tilespmem:s31+$0xFFFFFED0]  }
0x95: {  	v15 =	vld [tilespmem:s31+$0xFFFFFEE0]  }
0x96: {  	v16 =	vld [tilespmem:s31+$0xFFFFFEF0]  }
0x97: {  	v17 =	vld [tilespmem:s31+$0xFFFFFF00]  }
0x98: {  	v18 =	vld [tilespmem:s31+$0xFFFFFF10]  }
0x99: {  	v19 =	vld [tilespmem:s31+$0xFFFFFF20];
	v2 =	vmul.f32 v2, v0;
	v3 =	vmul.f32 v3, v1  }
0x9a: {  	v20 =	vld [tilespmem:s31+$0xFFFFFF30];
	v4 =	vmul.f32 v4, v0;
	v5 =	vmul.f32 v5, v1  }
0x9b: {  	v21 =	vld [tilespmem:s31+$0xFFFFFF40];
	v47 =	vmul.f32 v7, v1;
	v2 =	vadd.f32 v3, v2;
	v3 =	vmul.f32 v6, v0  }
0x9c: {  	v22 =	vld [tilespmem:s31+$0xFFFFFF50];
	v4 =	vadd.f32 v5, v4  }
0x9d: {  	v48 =	vld [tilespmem:s31+$0xFFFFFF60];
	v50 =	vmul.f32 v9, v1;
	(xrf2) =	vadd.scan.msk.f32 $0xffff, v2;
	v2 =	vadd.f32 v47, v3;
	v3 =	vmul.f32 v8, v0  }
0x9e: {  	v49 =	vld [tilespmem:s31+$0xFFFFFF70];
	v52 =	vmul.f32 v10, v0;
	v53 =	vmul.f32 v11, v1;
	(xrf2) =	vadd.scan.msk.f32 $0xffff, v4  }
0x9f: {  	v51 =	vld [tilespmem:s31+$0xFFFFFF80];
	v55 =	vmul.f32 v13, v1;
	(xrf2) =	vadd.scan.msk.f32 $0xffff, v2;
	v2 =	vadd.f32 v50, v3;
	v3 =	vmul.f32 v12, v0  }
0xa0: {  	v54 =	vld [tilespmem:s31+$0xFFFFFF90];
	v57 =	vmul.f32 v14, v0;
	v58 =	vmul.f32 v15, v1;
	v4 =	vadd.f32 v53, v52  }
0xa1: {  	v56 =	vld [tilespmem:s31+$0xFFFFFFA0];
	v60 =	vmul.f32 v17, v1;
	(xrf2) =	vadd.scan.msk.f32 $0xffff, v2;
	v2 =	vadd.f32 v55, v3;
	v3 =	vmul.f32 v16, v0  }
0xa2: {  	v59 =	vld [tilespmem:s31+$0xFFFFFFB0];
	v63 =	vmul.f32 v18, v0;
	v23 =	vmul.f32 v19, v1;
	v62 =	vadd.f32 v58, v57;
	(xrf2) =	vadd.scan.msk.f32 $0xffff, v4  }
0xa3: {  	v61 =	vld [tilespmem:s31+$0xFFFFFFC0];
	v25 =	vmul.f32 v21, v1;
	(xrf2) =	vadd.scan.msk.f32 $0xffff, v2;
	v2 =	vadd.f32 v60, v3;
	v3 =	vmul.f32 v20, v0  }
0xa4: {  	v24 =	vld [tilespmem:s31+$0xFFFFFFD0];
	v28 =	vmul.f32 v22, v0;
	v7 =	vmul.f32 v48, v1;
	(xrf2) =	vadd.scan.msk.f32 $0xffff, v62  }
0xa5: {  	v26 =	vld [tilespmem:s31+$0xFFFFFFE0];
	v27 =	vadd.f32 v23, v63;
	(xrf2) =	vadd.scan.msk.f32 $0xffff, v2;
	v2 =	vadd.f32 v25, v3;
	v3 =	vmul.f32 v49, v0  }
0xa6: {  	v34 =	vld [tilespmem:s31+$0x0];
	v29 =	vmul.f32 v51, v1  }
0xa7: {  	v30 =	vld [tilespmem:s31+$0xFFFFFFF0];
	v32 =	vmul.f32 v54, v0;
	v33 =	vmul.f32 v56, v1;
	v31 =	vadd.f32 v7, v28;
	(xrf2) =	vadd.scan.msk.f32 $0xffff, v27  }
0xa8: {  	v35 =	vmul.f32 v59, v0;
	v36 =	vmul.f32 v61, v1;
	(xrf2) =	vadd.scan.msk.f32 $0xffff, v2;
	v2 =	vadd.f32 v29, v3  }
0xa9: {  	v39 =	vmul.f32 v24, v0;
	v37 =	vadd.f32 v33, v32;
	v3, _, _ =	vpop (xrf2);
	(xrf2) =	vadd.scan.msk.f32 $0xffff, v31  }
0xaa: {  	v40 =	vmul.f32 v26, v1;
	v38, _, _ =	vpop (xrf2);
	(xrf2) =	vadd.scan.msk.f32 $0xffff, v2;
	v2 =	vbroadcast v3, $0xF;
	v3 =	vadd.f32 v36, v35  }
0xab: {  	v45 =	vmul.f32 v34, v1;
	v41, _, _ =	vpop (xrf2);
	(xrf2) =	vadd.scan.msk.f32 $0xffff, v37  }
0xac: {  	v43 =	vadd.f32 v40, v39;
	v42 =	vbroadcast v38, $0xF;
	v44, _, _ =	vpop (xrf2);
	(xrf2) =	vadd.scan.msk.f32 $0xffff, v3;
	v3 =	vmul.f32 v30, v0  }
0xad: {  	v5 =	vbroadcast v41, $0xF  }
0xae: {  	v2 =	vsel vm0, v2, v42;
	v46 =	vbroadcast v44, $0xF;
	v47, _, _ =	vpop (xrf2);
	(xrf2) =	vadd.scan.msk.f32 $0xffff, v43;
	v3 =	vadd.f32 v45, v3  }
0xaf: {  	v48, _, _ =	vpop (xrf2);
	v2 =	vsel vm1, v2, v5;
	v49 =	vbroadcast v47, $0xF  }
0xb0: {  	v50, _, _ =	vpop (xrf2);
	v2 =	vsel vm2, v2, v46;
	v51 =	vbroadcast v48, $0xF  }
0xb1: {  	v2 =	vsel vm3, v2, v49;
	v52 =	vbroadcast v50, $0xF;
	v53, _, _ =	vpop (xrf2)  }
0xb2: {  	(xrf2) =	vadd.scan.msk.f32 $0xffff, v3;
	v2 =	vsel vm4, v2, v51;
	v54 =	vbroadcast v53, $0xF;
	v3, _, _ =	vpop (xrf2)  }
0xb3: {  	v2 =	vsel vm5, v2, v52;
	v55, _, _ =	vpop (xrf2);
	v3 =	vbroadcast v3, $0xF  }
0xb4: {  	v2 =	vsel vm6, v2, v54;
	v56, _, _ =	vpop (xrf2);
	v57 =	vbroadcast v55, $0xF  }
0xb5: {  	v58, _, _ =	vpop (xrf2);
	v2 =	vsel vm7, v2, v3;
	v3 =	vbroadcast v56, $0xF  }
0xb6: {  	v59, _, _ =	vpop (xrf2);
	v2 =	vsel vm8, v2, v57;
	v60 =	vbroadcast v58, $0xF  }
0xb7: {  	v61, _, _ =	vpop (xrf2);
	v2 =	vsel vm9, v2, v3;
	v3 =	vbroadcast v59, $0xF  }
0xb8: {  	v62, _, _ =	vpop (xrf2);
	v2 =	vsel vm10, v2, v60  }
0xb9: {  	v2 =	vsel vm11, v2, v3;
	v3 =	vbroadcast v62, $0xF  }
0xba: {  	p0 =	sne.s32 s30, $0x180;
	v63 =	vbroadcast v61, $0xF  }
.Ltmp1:
0xbb: {  	_ = 	snop;
	(pc) =	sbr.rel @p0 .LBB2_5-.Ltmp1, $4  }
0xbc: {  	v2 =	vsel vm12, v2, v63  }
0xbd: {  	v2 =	vsel vm13, v2, v3;
	v3, _, _ =	vpop (xrf2)  }
0xbe: {  	s1 =	sshra.s32 s30, $0x2;
	v2 =	vsel vm14, v2, v3  }
0xbf: {  	s31 =	sadd.s32 $0x200, s31;
	s30 =	sadd.s32 $0x40, s30;
	[tilespmem:s1+$0x8900] =	vst v2  }
0xc0: {  	v2 =	vld [tilespmem:$0x6980]  }
0xc1: {  	v3 =	vld [tilespmem:$0x6990]  }
0xc2: {  	v4 =	vld [tilespmem:$0x69A0]  }
0xc3: {  	v5 =	vld [tilespmem:$0x69B0]  }
0xc4: {  	v6 =	vld [tilespmem:$0x69C0]  }
0xc5: {  	v7 =	vld [tilespmem:$0x69D0]  }
0xc6: {  	v8 =	vld [tilespmem:$0x69E0]  }
0xc7: {  	v9 =	vld [tilespmem:$0x69F0]  }
0xc8: {  	v10 =	vld [tilespmem:$0x6A00]  }
0xc9: {  	v11 =	vld [tilespmem:$0x6A10]  }
0xca: {  	v12 =	vld [tilespmem:$0x6A20]  }
0xcb: {  	v13 =	vld [tilespmem:$0x6A30]  }
0xcc: {  	v14 =	vld [tilespmem:$0x6A40]  }
0xcd: {  	v15 =	vld [tilespmem:$0x6A50];
	v2 =	vmul.f32 v2, v0;
	v3 =	vmul.f32 v3, v1  }
0xce: {  	v16 =	vld [tilespmem:$0x6A60];
	v4 =	vmul.f32 v4, v0;
	v5 =	vmul.f32 v5, v1  }
0xcf: {  	v53 =	vld [tilespmem:$0x6A70];
	v52 =	vmul.f32 v7, v1;
	v2 =	vadd.f32 v3, v2;
	v3 =	vmul.f32 v6, v0  }
0xd0: {  	v54 =	vmul.f32 v8, v0;
	v55 =	vmul.f32 v9, v1;
	v4 =	vadd.f32 v5, v4  }
0xd1: {  	v56 =	vmul.f32 v11, v1;
	(xrf2) =	vadd.scan.msk.f32 $0xffff, v2;
	v2 =	vadd.f32 v52, v3;
	v3 =	vmul.f32 v10, v0  }
0xd2: {  	v58 =	vmul.f32 v12, v0;
	v59 =	vmul.f32 v13, v1;
	v57 =	vadd.f32 v55, v54;
	(xrf2) =	vadd.scan.msk.f32 $0xffff, v4  }
0xd3: {  	v60 =	vmul.f32 v15, v1;
	(xrf2) =	vadd.scan.msk.f32 $0xffff, v2;
	v2 =	vadd.f32 v56, v3;
	v3 =	vmul.f32 v14, v0  }
0xd4: {  	v1 =	vmul.f32 v53, v1;
	v61 =	vadd.f32 v59, v58;
	v0 =	vmul.f32 v16, v0;
	(xrf2) =	vadd.scan.msk.f32 $0xffff, v57  }
0xd5: {  	(xrf2) =	vadd.scan.msk.f32 $0xffff, v2;
	v2 =	vadd.f32 v60, v3  }
0xd6: {  	v0 =	vadd.f32 v1, v0;
	(xrf2) =	vadd.scan.msk.f32 $0xffff, v61  }
0xd7: {  	(xrf2) =	vadd.scan.msk.f32 $0xffff, v2  }
0xd8: {  	(xrf2) =	vadd.scan.msk.f32 $0xffff, v0;
	_ =	sdelay $0x2  }
0xd9: {  	v0, _, _ =	vpop (xrf2)  }
0xda: {  	v1, _, _ =	vpop (xrf2);
	v0 =	vbroadcast v0, $0xF  }
0xdb: {  	v2, _, _ =	vpop (xrf2);
	v1 =	vbroadcast v1, $0xF  }
0xdc: {  	vm15 =	vcmask $0x320;
	v3, _, _ =	vpop (xrf2);
	v0 =	vnsel vm0, $0x0, v0;
	v2 =	vbroadcast v2, $0xF  }
0xdd: {  	v62, _, _ =	vpop (xrf2);
	v0 =	vsel vm15, v0, v1;
	v1 =	vbroadcast v3, $0xF;
	vm15 =	vcmask $0x720  }
0xde: {  	v3, _, _ =	vpop (xrf2);
	v0 =	vsel vm15, v0, v2;
	v2 =	vbroadcast v62, $0xF;
	vm15 =	vcmask $0xB20  }
0xdf: {  	v63, _, _ =	vpop (xrf2);
	v0 =	vsel vm15, v0, v1;
	v1 =	vbroadcast v3, $0xF;
	vm15 =	vcmask $0xF20  }
0xe0: {  	s30 =	sor.u32 $0x4, s26;
	v0 =	vsel vm15, v0, v2;
	v2 =	vbroadcast v63, $0xF;
	v3, _, _ =	vpop (xrf2);
	vm15 =	vcmask $0x1320  }
0xe1: {  	s1 =	smul.u32 $0x1E0, s30;
	v0 =	vsel vm15, v0, v1;
	v1 =	vbroadcast v3, $0xF;
	vm15 =	vcmask $0x1720  }
0xe2: {  	v0 =	vsel vm15, v0, v2;
	vm15 =	vcmask $0x1B20  }
0xe3: {  	s1 =	sshra.s32 s1, $0x2;
	v0 =	vsel vm15, v0, v1  }
0xe4: {  	s1 =	sadd.s32 $0x80, s1;
	[tilespmem:$0x8970] =	vst v0  }
0xe5: {  	[tilespmem:s14], [sflag:$0x1] =	stream.indirect.gather [hbm4b:s4+s13], $0x20, s1, s13, $0xb8;
	[tilespmem:$0x8C80] =	vst v63  }
0xe6: {  	_ =	swait.ge [sflag:s21], $0xF00  }
0xe7: {  	[sflag:s21] =	ssyncset.done $0x0  }
0xe8: {  	[sflag:s21] =	ssyncadd.s32 $0xFFFFF100  }
0xe9: {  	v0 =	vld [tilespmem:s29+$0x3CC0]  }
0xea: {  	s31 =	simm.s32 $0x6C70;
	v1 =	vld [tilespmem:s29+$0x3CD0];
	s29 =	simm.s32 $0x0  }
.LBB2_7:
0xeb: {  	v2 =	vld [tilespmem:s31+$0xFFFFFE10]  }
0xec: {  	v3 =	vld [tilespmem:s31+$0xFFFFFE20]  }
0xed: {  	v4 =	vld [tilespmem:s31+$0xFFFFFE30]  }
0xee: {  	v5 =	vld [tilespmem:s31+$0xFFFFFE40]  }
0xef: {  	v6 =	vld [tilespmem:s31+$0xFFFFFE50]  }
0xf0: {  	v7 =	vld [tilespmem:s31+$0xFFFFFE60]  }
0xf1: {  	v8 =	vld [tilespmem:s31+$0xFFFFFE70]  }
0xf2: {  	v9 =	vld [tilespmem:s31+$0xFFFFFE80]  }
0xf3: {  	v10 =	vld [tilespmem:s31+$0xFFFFFE90]  }
0xf4: {  	v11 =	vld [tilespmem:s31+$0xFFFFFEA0]  }
0xf5: {  	v12 =	vld [tilespmem:s31+$0xFFFFFEB0]  }
0xf6: {  	v13 =	vld [tilespmem:s31+$0xFFFFFEC0]  }
0xf7: {  	v14 =	vld [tilespmem:s31+$0xFFFFFED0]  }
0xf8: {  	v15 =	vld [tilespmem:s31+$0xFFFFFEE0]  }
0xf9: {  	v16 =	vld [tilespmem:s31+$0xFFFFFEF0]  }
0xfa: {  	v17 =	vld [tilespmem:s31+$0xFFFFFF00]  }
0xfb: {  	v18 =	vld [tilespmem:s31+$0xFFFFFF10]  }
0xfc: {  	v19 =	vld [tilespmem:s31+$0xFFFFFF20];
	v2 =	vmul.f32 v2, v0;
	v3 =	vmul.f32 v3, v1  }
0xfd: {  	v20 =	vld [tilespmem:s31+$0xFFFFFF30];
	v4 =	vmul.f32 v4, v0;
	v5 =	vmul.f32 v5, v1  }
0xfe: {  	v21 =	vld [tilespmem:s31+$0xFFFFFF40];
	v47 =	vmul.f32 v7, v1;
	v2 =	vadd.f32 v3, v2;
	v3 =	vmul.f32 v6, v0  }
0xff: {  	v22 =	vld [tilespmem:s31+$0xFFFFFF50];
	v4 =	vadd.f32 v5, v4  }
0x100: {  	v48 =	vld [tilespmem:s31+$0xFFFFFF60];
	v50 =	vmul.f32 v9, v1;
	(xrf2) =	vadd.scan.msk.f32 $0xffff, v2;
	v2 =	vadd.f32 v47, v3;
	v3 =	vmul.f32 v8, v0  }
0x101: {  	v49 =	vld [tilespmem:s31+$0xFFFFFF70];
	v52 =	vmul.f32 v10, v0;
	v53 =	vmul.f32 v11, v1;
	(xrf2) =	vadd.scan.msk.f32 $0xffff, v4  }
0x102: {  	v51 =	vld [tilespmem:s31+$0xFFFFFF80];
	v55 =	vmul.f32 v13, v1;
	(xrf2) =	vadd.scan.msk.f32 $0xffff, v2;
	v2 =	vadd.f32 v50, v3;
	v3 =	vmul.f32 v12, v0  }
0x103: {  	v54 =	vld [tilespmem:s31+$0xFFFFFF90];
	v57 =	vmul.f32 v14, v0;
	v58 =	vmul.f32 v15, v1;
	v4 =	vadd.f32 v53, v52  }
0x104: {  	v56 =	vld [tilespmem:s31+$0xFFFFFFA0];
	v60 =	vmul.f32 v17, v1;
	(xrf2) =	vadd.scan.msk.f32 $0xffff, v2;
	v2 =	vadd.f32 v55, v3;
	v3 =	vmul.f32 v16, v0  }
0x105: {  	v59 =	vld [tilespmem:s31+$0xFFFFFFB0];
	v63 =	vmul.f32 v18, v0;
	v23 =	vmul.f32 v19, v1;
	v62 =	vadd.f32 v58, v57;
	(xrf2) =	vadd.scan.msk.f32 $0xffff, v4  }
0x106: {  	v61 =	vld [tilespmem:s31+$0xFFFFFFC0];
	v25 =	vmul.f32 v21, v1;
	(xrf2) =	vadd.scan.msk.f32 $0xffff, v2;
	v2 =	vadd.f32 v60, v3;
	v3 =	vmul.f32 v20, v0  }
0x107: {  	v24 =	vld [tilespmem:s31+$0xFFFFFFD0];
	v28 =	vmul.f32 v22, v0;
	v7 =	vmul.f32 v48, v1;
	(xrf2) =	vadd.scan.msk.f32 $0xffff, v62  }
0x108: {  	v26 =	vld [tilespmem:s31+$0xFFFFFFE0];
	v27 =	vadd.f32 v23, v63;
	(xrf2) =	vadd.scan.msk.f32 $0xffff, v2;
	v2 =	vadd.f32 v25, v3;
	v3 =	vmul.f32 v49, v0  }
0x109: {  	v34 =	vld [tilespmem:s31+$0x0];
	v29 =	vmul.f32 v51, v1  }
0x10a: {  	v30 =	vld [tilespmem:s31+$0xFFFFFFF0];
	v32 =	vmul.f32 v54, v0;
	v33 =	vmul.f32 v56, v1;
	v31 =	vadd.f32 v7, v28;
	(xrf2) =	vadd.scan.msk.f32 $0xffff, v27  }
0x10b: {  	v35 =	vmul.f32 v59, v0;
	v36 =	vmul.f32 v61, v1;
	(xrf2) =	vadd.scan.msk.f32 $0xffff, v2;
	v2 =	vadd.f32 v29, v3  }
0x10c: {  	v39 =	vmul.f32 v24, v0;
	v37 =	vadd.f32 v33, v32;
	v3, _, _ =	vpop (xrf2);
	(xrf2) =	vadd.scan.msk.f32 $0xffff, v31  }
0x10d: {  	v40 =	vmul.f32 v26, v1;
	v38, _, _ =	vpop (xrf2);
	(xrf2) =	vadd.scan.msk.f32 $0xffff, v2;
	v2 =	vbroadcast v3, $0xF;
	v3 =	vadd.f32 v36, v35  }
0x10e: {  	v45 =	vmul.f32 v34, v1;
	v41, _, _ =	vpop (xrf2);
	(xrf2) =	vadd.scan.msk.f32 $0xffff, v37  }
0x10f: {  	v43 =	vadd.f32 v40, v39;
	v42 =	vbroadcast v38, $0xF;
	v44, _, _ =	vpop (xrf2);
	(xrf2) =	vadd.scan.msk.f32 $0xffff, v3;
	v3 =	vmul.f32 v30, v0  }
0x110: {  	v5 =	vbroadcast v41, $0xF  }
0x111: {  	v2 =	vsel vm0, v2, v42;
	v46 =	vbroadcast v44, $0xF;
	v47, _, _ =	vpop (xrf2);
	(xrf2) =	vadd.scan.msk.f32 $0xffff, v43;
	v3 =	vadd.f32 v45, v3  }
0x112: {  	v48, _, _ =	vpop (xrf2);
	v2 =	vsel vm1, v2, v5;
	v49 =	vbroadcast v47, $0xF  }
0x113: {  	v50, _, _ =	vpop (xrf2);
	v2 =	vsel vm2, v2, v46;
	v51 =	vbroadcast v48, $0xF  }
0x114: {  	v2 =	vsel vm3, v2, v49;
	v52 =	vbroadcast v50, $0xF;
	v53, _, _ =	vpop (xrf2)  }
0x115: {  	(xrf2) =	vadd.scan.msk.f32 $0xffff, v3;
	v2 =	vsel vm4, v2, v51;
	v54 =	vbroadcast v53, $0xF;
	v3, _, _ =	vpop (xrf2)  }
0x116: {  	v2 =	vsel vm5, v2, v52;
	v55, _, _ =	vpop (xrf2);
	v3 =	vbroadcast v3, $0xF  }
0x117: {  	v2 =	vsel vm6, v2, v54;
	v56, _, _ =	vpop (xrf2);
	v57 =	vbroadcast v55, $0xF  }
0x118: {  	v58, _, _ =	vpop (xrf2);
	v2 =	vsel vm7, v2, v3;
	v3 =	vbroadcast v56, $0xF  }
0x119: {  	v59, _, _ =	vpop (xrf2);
	v2 =	vsel vm8, v2, v57;
	v60 =	vbroadcast v58, $0xF  }
0x11a: {  	v61, _, _ =	vpop (xrf2);
	v2 =	vsel vm9, v2, v3;
	v3 =	vbroadcast v59, $0xF  }
0x11b: {  	v62, _, _ =	vpop (xrf2);
	v2 =	vsel vm10, v2, v60  }
0x11c: {  	v2 =	vsel vm11, v2, v3;
	v3 =	vbroadcast v62, $0xF  }
0x11d: {  	p0 =	sne.s32 s29, $0x180;
	v63 =	vbroadcast v61, $0xF  }
.Ltmp2:
0x11e: {  	_ = 	snop;
	(pc) =	sbr.rel @p0 .LBB2_7-.Ltmp2, $4  }
0x11f: {  	v2 =	vsel vm12, v2, v63  }
0x120: {  	v2 =	vsel vm13, v2, v3;
	v3, _, _ =	vpop (xrf2)  }
0x121: {  	s1 =	sshra.s32 s29, $0x2;
	v2 =	vsel vm14, v2, v3  }
0x122: {  	s31 =	sadd.s32 $0x200, s31;
	s29 =	sadd.s32 $0x40, s29;
	[tilespmem:s1+$0x8980] =	vst v2  }
0x123: {  	v2 =	vld [tilespmem:$0x7880]  }
0x124: {  	v3 =	vld [tilespmem:$0x7890]  }
0x125: {  	v4 =	vld [tilespmem:$0x78A0]  }
0x126: {  	v5 =	vld [tilespmem:$0x78B0]  }
0x127: {  	v6 =	vld [tilespmem:$0x78C0]  }
0x128: {  	v7 =	vld [tilespmem:$0x78D0]  }
0x129: {  	v8 =	vld [tilespmem:$0x78E0]  }
0x12a: {  	v9 =	vld [tilespmem:$0x78F0]  }
0x12b: {  	v10 =	vld [tilespmem:$0x7900]  }
0x12c: {  	v11 =	vld [tilespmem:$0x7910]  }
0x12d: {  	v12 =	vld [tilespmem:$0x7920]  }
0x12e: {  	v13 =	vld [tilespmem:$0x7930]  }
0x12f: {  	v14 =	vld [tilespmem:$0x7940]  }
0x130: {  	v15 =	vld [tilespmem:$0x7950];
	v2 =	vmul.f32 v2, v0;
	v3 =	vmul.f32 v3, v1  }
0x131: {  	v16 =	vld [tilespmem:$0x7960];
	v4 =	vmul.f32 v4, v0;
	v5 =	vmul.f32 v5, v1  }
0x132: {  	v53 =	vld [tilespmem:$0x7970];
	v52 =	vmul.f32 v7, v1;
	v2 =	vadd.f32 v3, v2;
	v3 =	vmul.f32 v6, v0  }
0x133: {  	v54 =	vmul.f32 v8, v0;
	v55 =	vmul.f32 v9, v1;
	v4 =	vadd.f32 v5, v4  }
0x134: {  	v56 =	vmul.f32 v11, v1;
	(xrf2) =	vadd.scan.msk.f32 $0xffff, v2;
	v2 =	vadd.f32 v52, v3;
	v3 =	vmul.f32 v10, v0  }
0x135: {  	v58 =	vmul.f32 v12, v0;
	v59 =	vmul.f32 v13, v1;
	v57 =	vadd.f32 v55, v54;
	(xrf2) =	vadd.scan.msk.f32 $0xffff, v4  }
0x136: {  	v60 =	vmul.f32 v15, v1;
	(xrf2) =	vadd.scan.msk.f32 $0xffff, v2;
	v2 =	vadd.f32 v56, v3;
	v3 =	vmul.f32 v14, v0  }
0x137: {  	v1 =	vmul.f32 v53, v1;
	v61 =	vadd.f32 v59, v58;
	v0 =	vmul.f32 v16, v0;
	(xrf2) =	vadd.scan.msk.f32 $0xffff, v57  }
0x138: {  	(xrf2) =	vadd.scan.msk.f32 $0xffff, v2;
	v2 =	vadd.f32 v60, v3  }
0x139: {  	v0 =	vadd.f32 v1, v0;
	(xrf2) =	vadd.scan.msk.f32 $0xffff, v61  }
0x13a: {  	(xrf2) =	vadd.scan.msk.f32 $0xffff, v2  }
0x13b: {  	(xrf2) =	vadd.scan.msk.f32 $0xffff, v0;
	_ =	sdelay $0x2  }
0x13c: {  	v0, _, _ =	vpop (xrf2)  }
0x13d: {  	v1, _, _ =	vpop (xrf2);
	v0 =	vbroadcast v0, $0xF  }
0x13e: {  	v2, _, _ =	vpop (xrf2);
	v1 =	vbroadcast v1, $0xF  }
0x13f: {  	vm15 =	vcmask $0x320;
	v3, _, _ =	vpop (xrf2);
	v0 =	vnsel vm0, $0x0, v0;
	v2 =	vbroadcast v2, $0xF  }
0x140: {  	v62, _, _ =	vpop (xrf2);
	v0 =	vsel vm15, v0, v1;
	v1 =	vbroadcast v3, $0xF;
	vm15 =	vcmask $0x720  }
0x141: {  	v3, _, _ =	vpop (xrf2);
	v0 =	vsel vm15, v0, v2;
	v2 =	vbroadcast v62, $0xF;
	vm15 =	vcmask $0xB20  }
0x142: {  	v63, _, _ =	vpop (xrf2);
	v0 =	vsel vm15, v0, v1;
	v1 =	vbroadcast v3, $0xF;
	vm15 =	vcmask $0xF20  }
0x143: {  	s29 =	sor.u32 $0x5, s26;
	v0 =	vsel vm15, v0, v2;
	v2 =	vbroadcast v63, $0xF;
	v3, _, _ =	vpop (xrf2);
	vm15 =	vcmask $0x1320  }
0x144: {  	s1 =	smul.u32 $0x1E0, s29;
	v0 =	vsel vm15, v0, v1;
	v1 =	vbroadcast v3, $0xF;
	vm15 =	vcmask $0x1720  }
0x145: {  	v0 =	vsel vm15, v0, v2;
	vm15 =	vcmask $0x1B20  }
0x146: {  	s1 =	sshra.s32 s1, $0x2;
	v0 =	vsel vm15, v0, v1  }
0x147: {  	s1 =	sadd.s32 $0x80, s1;
	[tilespmem:$0x89F0] =	vst v0  }
0x148: {  	[tilespmem:s16], [sflag:$0x2] =	stream.indirect.gather [hbm4b:s4+s13], $0x20, s1, s13, $0xb8;
	[tilespmem:$0x8C80] =	vst v63  }
0x149: {  	_ =	swait.ge [sflag:s22], $0xF00  }
0x14a: {  	s1 =	sshll.u32 s28, $0x5;
	[sflag:s22] =	ssyncset.done $0x0  }
0x14b: {  	s1 =	sand.u32 $0x3FFFFFE0, s1;
	[sflag:s22] =	ssyncadd.s32 $0xFFFFF100  }
0x14c: {  	v0 =	vld [tilespmem:s1+$0x3C80]  }
0x14d: {  	s31 =	simm.s32 $0x7B70;
	s28 =	simm.s32 $0x0;
	v1 =	vld [tilespmem:s1+$0x3C90]  }
.LBB2_9:
0x14e: {  	v2 =	vld [tilespmem:s31+$0xFFFFFE10]  }
0x14f: {  	v3 =	vld [tilespmem:s31+$0xFFFFFE20]  }
0x150: {  	v4 =	vld [tilespmem:s31+$0xFFFFFE30]  }
0x151: {  	v5 =	vld [tilespmem:s31+$0xFFFFFE40]  }
0x152: {  	v6 =	vld [tilespmem:s31+$0xFFFFFE50]  }
0x153: {  	v7 =	vld [tilespmem:s31+$0xFFFFFE60]  }
0x154: {  	v8 =	vld [tilespmem:s31+$0xFFFFFE70]  }
0x155: {  	v9 =	vld [tilespmem:s31+$0xFFFFFE80]  }
0x156: {  	v10 =	vld [tilespmem:s31+$0xFFFFFE90]  }
0x157: {  	v11 =	vld [tilespmem:s31+$0xFFFFFEA0]  }
0x158: {  	v12 =	vld [tilespmem:s31+$0xFFFFFEB0]  }
0x159: {  	v13 =	vld [tilespmem:s31+$0xFFFFFEC0]  }
0x15a: {  	v14 =	vld [tilespmem:s31+$0xFFFFFED0]  }
0x15b: {  	v15 =	vld [tilespmem:s31+$0xFFFFFEE0]  }
0x15c: {  	v16 =	vld [tilespmem:s31+$0xFFFFFEF0]  }
0x15d: {  	v17 =	vld [tilespmem:s31+$0xFFFFFF00]  }
0x15e: {  	v18 =	vld [tilespmem:s31+$0xFFFFFF10]  }
0x15f: {  	v19 =	vld [tilespmem:s31+$0xFFFFFF20];
	v2 =	vmul.f32 v2, v0;
	v3 =	vmul.f32 v3, v1  }
0x160: {  	v20 =	vld [tilespmem:s31+$0xFFFFFF30];
	v4 =	vmul.f32 v4, v0;
	v5 =	vmul.f32 v5, v1  }
0x161: {  	v21 =	vld [tilespmem:s31+$0xFFFFFF40];
	v47 =	vmul.f32 v7, v1;
	v2 =	vadd.f32 v3, v2;
	v3 =	vmul.f32 v6, v0  }
0x162: {  	v22 =	vld [tilespmem:s31+$0xFFFFFF50];
	v4 =	vadd.f32 v5, v4  }
0x163: {  	v48 =	vld [tilespmem:s31+$0xFFFFFF60];
	v50 =	vmul.f32 v9, v1;
	(xrf2) =	vadd.scan.msk.f32 $0xffff, v2;
	v2 =	vadd.f32 v47, v3;
	v3 =	vmul.f32 v8, v0  }
0x164: {  	v49 =	vld [tilespmem:s31+$0xFFFFFF70];
	v52 =	vmul.f32 v10, v0;
	v53 =	vmul.f32 v11, v1;
	(xrf2) =	vadd.scan.msk.f32 $0xffff, v4  }
0x165: {  	v51 =	vld [tilespmem:s31+$0xFFFFFF80];
	v55 =	vmul.f32 v13, v1;
	(xrf2) =	vadd.scan.msk.f32 $0xffff, v2;
	v2 =	vadd.f32 v50, v3;
	v3 =	vmul.f32 v12, v0  }
0x166: {  	v54 =	vld [tilespmem:s31+$0xFFFFFF90];
	v57 =	vmul.f32 v14, v0;
	v58 =	vmul.f32 v15, v1;
	v4 =	vadd.f32 v53, v52  }
0x167: {  	v56 =	vld [tilespmem:s31+$0xFFFFFFA0];
	v60 =	vmul.f32 v17, v1;
	(xrf2) =	vadd.scan.msk.f32 $0xffff, v2;
	v2 =	vadd.f32 v55, v3;
	v3 =	vmul.f32 v16, v0  }
0x168: {  	v59 =	vld [tilespmem:s31+$0xFFFFFFB0];
	v63 =	vmul.f32 v18, v0;
	v23 =	vmul.f32 v19, v1;
	v62 =	vadd.f32 v58, v57;
	(xrf2) =	vadd.scan.msk.f32 $0xffff, v4  }
0x169: {  	v61 =	vld [tilespmem:s31+$0xFFFFFFC0];
	v25 =	vmul.f32 v21, v1;
	(xrf2) =	vadd.scan.msk.f32 $0xffff, v2;
	v2 =	vadd.f32 v60, v3;
	v3 =	vmul.f32 v20, v0  }
0x16a: {  	v24 =	vld [tilespmem:s31+$0xFFFFFFD0];
	v28 =	vmul.f32 v22, v0;
	v7 =	vmul.f32 v48, v1;
	(xrf2) =	vadd.scan.msk.f32 $0xffff, v62  }
0x16b: {  	v26 =	vld [tilespmem:s31+$0xFFFFFFE0];
	v27 =	vadd.f32 v23, v63;
	(xrf2) =	vadd.scan.msk.f32 $0xffff, v2;
	v2 =	vadd.f32 v25, v3;
	v3 =	vmul.f32 v49, v0  }
0x16c: {  	v34 =	vld [tilespmem:s31+$0x0];
	v29 =	vmul.f32 v51, v1  }
0x16d: {  	v30 =	vld [tilespmem:s31+$0xFFFFFFF0];
	v32 =	vmul.f32 v54, v0;
	v33 =	vmul.f32 v56, v1;
	v31 =	vadd.f32 v7, v28;
	(xrf2) =	vadd.scan.msk.f32 $0xffff, v27  }
0x16e: {  	v35 =	vmul.f32 v59, v0;
	v36 =	vmul.f32 v61, v1;
	(xrf2) =	vadd.scan.msk.f32 $0xffff, v2;
	v2 =	vadd.f32 v29, v3  }
0x16f: {  	v39 =	vmul.f32 v24, v0;
	v37 =	vadd.f32 v33, v32;
	v3, _, _ =	vpop (xrf2);
	(xrf2) =	vadd.scan.msk.f32 $0xffff, v31  }
0x170: {  	v40 =	vmul.f32 v26, v1;
	v38, _, _ =	vpop (xrf2);
	(xrf2) =	vadd.scan.msk.f32 $0xffff, v2;
	v2 =	vbroadcast v3, $0xF;
	v3 =	vadd.f32 v36, v35  }
0x171: {  	v45 =	vmul.f32 v34, v1;
	v41, _, _ =	vpop (xrf2);
	(xrf2) =	vadd.scan.msk.f32 $0xffff, v37  }
0x172: {  	v43 =	vadd.f32 v40, v39;
	v42 =	vbroadcast v38, $0xF;
	v44, _, _ =	vpop (xrf2);
	(xrf2) =	vadd.scan.msk.f32 $0xffff, v3;
	v3 =	vmul.f32 v30, v0  }
0x173: {  	v5 =	vbroadcast v41, $0xF  }
0x174: {  	v2 =	vsel vm0, v2, v42;
	v46 =	vbroadcast v44, $0xF;
	v47, _, _ =	vpop (xrf2);
	(xrf2) =	vadd.scan.msk.f32 $0xffff, v43;
	v3 =	vadd.f32 v45, v3  }
0x175: {  	v48, _, _ =	vpop (xrf2);
	v2 =	vsel vm1, v2, v5;
	v49 =	vbroadcast v47, $0xF  }
0x176: {  	v50, _, _ =	vpop (xrf2);
	v2 =	vsel vm2, v2, v46;
	v51 =	vbroadcast v48, $0xF  }
0x177: {  	v2 =	vsel vm3, v2, v49;
	v52 =	vbroadcast v50, $0xF;
	v53, _, _ =	vpop (xrf2)  }
0x178: {  	(xrf2) =	vadd.scan.msk.f32 $0xffff, v3;
	v2 =	vsel vm4, v2, v51;
	v54 =	vbroadcast v53, $0xF;
	v3, _, _ =	vpop (xrf2)  }
0x179: {  	v2 =	vsel vm5, v2, v52;
	v55, _, _ =	vpop (xrf2);
	v3 =	vbroadcast v3, $0xF  }
0x17a: {  	v2 =	vsel vm6, v2, v54;
	v56, _, _ =	vpop (xrf2);
	v57 =	vbroadcast v55, $0xF  }
0x17b: {  	v58, _, _ =	vpop (xrf2);
	v2 =	vsel vm7, v2, v3;
	v3 =	vbroadcast v56, $0xF  }
0x17c: {  	v59, _, _ =	vpop (xrf2);
	v2 =	vsel vm8, v2, v57;
	v60 =	vbroadcast v58, $0xF  }
0x17d: {  	v61, _, _ =	vpop (xrf2);
	v2 =	vsel vm9, v2, v3;
	v3 =	vbroadcast v59, $0xF  }
0x17e: {  	v62, _, _ =	vpop (xrf2);
	v2 =	vsel vm10, v2, v60  }
0x17f: {  	v2 =	vsel vm11, v2, v3;
	v3 =	vbroadcast v62, $0xF  }
0x180: {  	p0 =	sne.s32 s28, $0x180;
	v63 =	vbroadcast v61, $0xF  }
.Ltmp3:
0x181: {  	_ = 	snop;
	(pc) =	sbr.rel @p0 .LBB2_9-.Ltmp3, $4  }
0x182: {  	v2 =	vsel vm12, v2, v63  }
0x183: {  	v2 =	vsel vm13, v2, v3;
	v3, _, _ =	vpop (xrf2)  }
0x184: {  	s1 =	sshra.s32 s28, $0x2;
	v2 =	vsel vm14, v2, v3  }
0x185: {  	s31 =	sadd.s32 $0x200, s31;
	s28 =	sadd.s32 $0x40, s28;
	[tilespmem:s1+$0x8A00] =	vst v2  }
0x186: {  	v2 =	vld [tilespmem:$0x8780]  }
0x187: {  	v3 =	vld [tilespmem:$0x8790]  }
0x188: {  	v4 =	vld [tilespmem:$0x87A0]  }
0x189: {  	v5 =	vld [tilespmem:$0x87B0]  }
0x18a: {  	v6 =	vld [tilespmem:$0x87C0]  }
0x18b: {  	v7 =	vld [tilespmem:$0x87D0]  }
0x18c: {  	v8 =	vld [tilespmem:$0x87E0]  }
0x18d: {  	v9 =	vld [tilespmem:$0x87F0]  }
0x18e: {  	v10 =	vld [tilespmem:$0x8800]  }
0x18f: {  	v11 =	vld [tilespmem:$0x8810]  }
0x190: {  	v12 =	vld [tilespmem:$0x8820]  }
0x191: {  	v13 =	vld [tilespmem:$0x8830]  }
0x192: {  	v14 =	vld [tilespmem:$0x8840]  }
0x193: {  	v15 =	vld [tilespmem:$0x8850];
	v2 =	vmul.f32 v2, v0;
	v3 =	vmul.f32 v3, v1  }
0x194: {  	v16 =	vld [tilespmem:$0x8860];
	v4 =	vmul.f32 v4, v0;
	v5 =	vmul.f32 v5, v1  }
0x195: {  	v53 =	vld [tilespmem:$0x8870];
	v52 =	vmul.f32 v7, v1;
	v2 =	vadd.f32 v3, v2;
	v3 =	vmul.f32 v6, v0  }
0x196: {  	v54 =	vmul.f32 v8, v0;
	v55 =	vmul.f32 v9, v1;
	v4 =	vadd.f32 v5, v4  }
0x197: {  	v56 =	vmul.f32 v11, v1;
	(xrf2) =	vadd.scan.msk.f32 $0xffff, v2;
	v2 =	vadd.f32 v52, v3;
	v3 =	vmul.f32 v10, v0  }
0x198: {  	v58 =	vmul.f32 v12, v0;
	v59 =	vmul.f32 v13, v1;
	v57 =	vadd.f32 v55, v54;
	(xrf2) =	vadd.scan.msk.f32 $0xffff, v4  }
0x199: {  	v60 =	vmul.f32 v15, v1;
	(xrf2) =	vadd.scan.msk.f32 $0xffff, v2;
	v2 =	vadd.f32 v56, v3;
	v3 =	vmul.f32 v14, v0  }
0x19a: {  	v1 =	vmul.f32 v53, v1;
	v61 =	vadd.f32 v59, v58;
	v0 =	vmul.f32 v16, v0;
	(xrf2) =	vadd.scan.msk.f32 $0xffff, v57  }
0x19b: {  	(xrf2) =	vadd.scan.msk.f32 $0xffff, v2;
	v2 =	vadd.f32 v60, v3  }
0x19c: {  	v0 =	vadd.f32 v1, v0;
	(xrf2) =	vadd.scan.msk.f32 $0xffff, v61  }
0x19d: {  	(xrf2) =	vadd.scan.msk.f32 $0xffff, v2  }
0x19e: {  	(xrf2) =	vadd.scan.msk.f32 $0xffff, v0;
	_ =	sdelay $0x2  }
0x19f: {  	v0, _, _ =	vpop (xrf2)  }
0x1a0: {  	v1, _, _ =	vpop (xrf2);
	v0 =	vbroadcast v0, $0xF  }
0x1a1: {  	v2, _, _ =	vpop (xrf2);
	v1 =	vbroadcast v1, $0xF  }
0x1a2: {  	vm15 =	vcmask $0x320;
	v3, _, _ =	vpop (xrf2);
	v0 =	vnsel vm0, $0x0, v0;
	v2 =	vbroadcast v2, $0xF  }
0x1a3: {  	v62, _, _ =	vpop (xrf2);
	v0 =	vsel vm15, v0, v1;
	v1 =	vbroadcast v3, $0xF;
	vm15 =	vcmask $0x720  }
0x1a4: {  	v3, _, _ =	vpop (xrf2);
	v0 =	vsel vm15, v0, v2;
	v2 =	vbroadcast v62, $0xF;
	vm15 =	vcmask $0xB20  }
0x1a5: {  	v63, _, _ =	vpop (xrf2);
	v0 =	vsel vm15, v0, v1;
	v1 =	vbroadcast v3, $0xF;
	vm15 =	vcmask $0xF20  }
0x1a6: {  	s28 =	sor.u32 $0x6, s26;
	v0 =	vsel vm15, v0, v2;
	v2 =	vbroadcast v63, $0xF;
	v3, _, _ =	vpop (xrf2);
	vm15 =	vcmask $0x1320  }
0x1a7: {  	s1 =	smul.u32 $0x1E0, s28;
	v0 =	vsel vm15, v0, v1;
	v1 =	vbroadcast v3, $0xF;
	vm15 =	vcmask $0x1720  }
0x1a8: {  	v0 =	vsel vm15, v0, v2;
	vm15 =	vcmask $0x1B20  }
0x1a9: {  	s1 =	sshra.s32 s1, $0x2;
	v0 =	vsel vm15, v0, v1  }
0x1aa: {  	s1 =	sadd.s32 $0x80, s1;
	[tilespmem:$0x8A70] =	vst v0  }
0x1ab: {  	[tilespmem:s18], [sflag:$0x3] =	stream.indirect.gather [hbm4b:s4+s13], $0x20, s1, s13, $0xb8;
	[tilespmem:$0x8C80] =	vst v63  }
0x1ac: {  	_ =	swait.ge [sflag:s12], $0xF00  }
0x1ad: {  	s1 =	sshll.u32 s30, $0x5;
	[sflag:s12] =	ssyncset.done $0x0  }
0x1ae: {  	s1 =	sand.u32 $0x3FFFFFE0, s1;
	[sflag:s12] =	ssyncadd.s32 $0xFFFFF100  }
0x1af: {  	v0 =	vld [tilespmem:s1+$0x3C80]  }
0x1b0: {  	s31 =	simm.s32 $0x4D80;
	s30 =	simm.s32 $0x0;
	v1 =	vld [tilespmem:s1+$0x3C90]  }
.LBB2_11:
0x1b1: {  	v2 =	vld [tilespmem:s31+$0xFFFFFF00]  }
0x1b2: {  	v3 =	vld [tilespmem:s31+$0xFFFFFF10]  }
0x1b3: {  	v4 =	vld [tilespmem:s31+$0xFFFFFF20]  }
0x1b4: {  	v5 =	vld [tilespmem:s31+$0xFFFFFF30]  }
0x1b5: {  	v6 =	vld [tilespmem:s31+$0xFFFFFF40]  }
0x1b6: {  	v7 =	vld [tilespmem:s31+$0xFFFFFF50]  }
0x1b7: {  	v8 =	vld [tilespmem:s31+$0xFFFFFF60]  }
0x1b8: {  	v9 =	vld [tilespmem:s31+$0xFFFFFF70]  }
0x1b9: {  	v10 =	vld [tilespmem:s31+$0xFFFFFF80]  }
0x1ba: {  	v11 =	vld [tilespmem:s31+$0xFFFFFF90]  }
0x1bb: {  	v12 =	vld [tilespmem:s31+$0xFFFFFFA0]  }
0x1bc: {  	v13 =	vld [tilespmem:s31+$0xFFFFFFB0]  }
0x1bd: {  	v14 =	vld [tilespmem:s31+$0xFFFFFFC0]  }
0x1be: {  	v15 =	vld [tilespmem:s31+$0xFFFFFFD0]  }
0x1bf: {  	v16 =	vld [tilespmem:s31+$0xFFFFFFE0]  }
0x1c0: {  	v17 =	vld [tilespmem:s31+$0xFFFFFFF0]  }
0x1c1: {  	v18 =	vld [tilespmem:s31+$0x0]  }
0x1c2: {  	v19 =	vld [tilespmem:s31+$0x10];
	v2 =	vmul.f32 v2, v0;
	v3 =	vmul.f32 v3, v1  }
0x1c3: {  	v20 =	vld [tilespmem:s31+$0x20];
	v4 =	vmul.f32 v4, v0;
	v5 =	vmul.f32 v5, v1  }
0x1c4: {  	v21 =	vld [tilespmem:s31+$0x30];
	v47 =	vmul.f32 v7, v1;
	v2 =	vadd.f32 v3, v2;
	v3 =	vmul.f32 v6, v0  }
0x1c5: {  	v22 =	vld [tilespmem:s31+$0x40];
	v4 =	vadd.f32 v5, v4  }
0x1c6: {  	v48 =	vld [tilespmem:s31+$0x50];
	v50 =	vmul.f32 v9, v1;
	(xrf2) =	vadd.scan.msk.f32 $0xffff, v2;
	v2 =	vadd.f32 v47, v3;
	v3 =	vmul.f32 v8, v0  }
0x1c7: {  	v49 =	vld [tilespmem:s31+$0x60];
	v52 =	vmul.f32 v10, v0;
	v53 =	vmul.f32 v11, v1;
	(xrf2) =	vadd.scan.msk.f32 $0xffff, v4  }
0x1c8: {  	v51 =	vld [tilespmem:s31+$0x70];
	v55 =	vmul.f32 v13, v1;
	(xrf2) =	vadd.scan.msk.f32 $0xffff, v2;
	v2 =	vadd.f32 v50, v3;
	v3 =	vmul.f32 v12, v0  }
0x1c9: {  	v54 =	vld [tilespmem:s31+$0x80];
	v57 =	vmul.f32 v14, v0;
	v58 =	vmul.f32 v15, v1;
	v4 =	vadd.f32 v53, v52  }
0x1ca: {  	v56 =	vld [tilespmem:s31+$0x90];
	v60 =	vmul.f32 v17, v1;
	(xrf2) =	vadd.scan.msk.f32 $0xffff, v2;
	v2 =	vadd.f32 v55, v3;
	v3 =	vmul.f32 v16, v0  }
0x1cb: {  	v59 =	vld [tilespmem:s31+$0xA0];
	v63 =	vmul.f32 v18, v0;
	v23 =	vmul.f32 v19, v1;
	v62 =	vadd.f32 v58, v57;
	(xrf2) =	vadd.scan.msk.f32 $0xffff, v4  }
0x1cc: {  	v61 =	vld [tilespmem:s31+$0xB0];
	v25 =	vmul.f32 v21, v1;
	(xrf2) =	vadd.scan.msk.f32 $0xffff, v2;
	v2 =	vadd.f32 v60, v3;
	v3 =	vmul.f32 v20, v0  }
0x1cd: {  	v24 =	vld [tilespmem:s31+$0xC0];
	v28 =	vmul.f32 v22, v0;
	v7 =	vmul.f32 v48, v1;
	(xrf2) =	vadd.scan.msk.f32 $0xffff, v62  }
0x1ce: {  	v26 =	vld [tilespmem:s31+$0xD0];
	v27 =	vadd.f32 v23, v63;
	(xrf2) =	vadd.scan.msk.f32 $0xffff, v2;
	v2 =	vadd.f32 v25, v3;
	v3 =	vmul.f32 v49, v0  }
0x1cf: {  	v34 =	vld [tilespmem:s31+$0xF0];
	v29 =	vmul.f32 v51, v1  }
0x1d0: {  	v30 =	vld [tilespmem:s31+$0xE0];
	v32 =	vmul.f32 v54, v0;
	v33 =	vmul.f32 v56, v1;
	v31 =	vadd.f32 v7, v28;
	(xrf2) =	vadd.scan.msk.f32 $0xffff, v27  }
0x1d1: {  	v35 =	vmul.f32 v59, v0;
	v36 =	vmul.f32 v61, v1;
	(xrf2) =	vadd.scan.msk.f32 $0xffff, v2;
	v2 =	vadd.f32 v29, v3  }
0x1d2: {  	v39 =	vmul.f32 v24, v0;
	v37 =	vadd.f32 v33, v32;
	v3, _, _ =	vpop (xrf2);
	(xrf2) =	vadd.scan.msk.f32 $0xffff, v31  }
0x1d3: {  	v40 =	vmul.f32 v26, v1;
	v38, _, _ =	vpop (xrf2);
	(xrf2) =	vadd.scan.msk.f32 $0xffff, v2;
	v2 =	vbroadcast v3, $0xF;
	v3 =	vadd.f32 v36, v35  }
0x1d4: {  	v45 =	vmul.f32 v34, v1;
	v41, _, _ =	vpop (xrf2);
	(xrf2) =	vadd.scan.msk.f32 $0xffff, v37  }
0x1d5: {  	v43 =	vadd.f32 v40, v39;
	v42 =	vbroadcast v38, $0xF;
	v44, _, _ =	vpop (xrf2);
	(xrf2) =	vadd.scan.msk.f32 $0xffff, v3;
	v3 =	vmul.f32 v30, v0  }
0x1d6: {  	v5 =	vbroadcast v41, $0xF  }
0x1d7: {  	v2 =	vsel vm0, v2, v42;
	v46 =	vbroadcast v44, $0xF;
	v47, _, _ =	vpop (xrf2);
	(xrf2) =	vadd.scan.msk.f32 $0xffff, v43;
	v3 =	vadd.f32 v45, v3  }
0x1d8: {  	v48, _, _ =	vpop (xrf2);
	v2 =	vsel vm1, v2, v5;
	v49 =	vbroadcast v47, $0xF  }
0x1d9: {  	v50, _, _ =	vpop (xrf2);
	v2 =	vsel vm2, v2, v46;
	v51 =	vbroadcast v48, $0xF  }
0x1da: {  	v2 =	vsel vm3, v2, v49;
	v52 =	vbroadcast v50, $0xF;
	v53, _, _ =	vpop (xrf2)  }
0x1db: {  	(xrf2) =	vadd.scan.msk.f32 $0xffff, v3;
	v2 =	vsel vm4, v2, v51;
	v54 =	vbroadcast v53, $0xF;
	v3, _, _ =	vpop (xrf2)  }
0x1dc: {  	v2 =	vsel vm5, v2, v52;
	v55, _, _ =	vpop (xrf2);
	v3 =	vbroadcast v3, $0xF  }
0x1dd: {  	v2 =	vsel vm6, v2, v54;
	v56, _, _ =	vpop (xrf2);
	v57 =	vbroadcast v55, $0xF  }
0x1de: {  	v58, _, _ =	vpop (xrf2);
	v2 =	vsel vm7, v2, v3;
	v3 =	vbroadcast v56, $0xF  }
0x1df: {  	v59, _, _ =	vpop (xrf2);
	v2 =	vsel vm8, v2, v57;
	v60 =	vbroadcast v58, $0xF  }
0x1e0: {  	v61, _, _ =	vpop (xrf2);
	v2 =	vsel vm9, v2, v3;
	v3 =	vbroadcast v59, $0xF  }
0x1e1: {  	v62, _, _ =	vpop (xrf2);
	v2 =	vsel vm10, v2, v60  }
0x1e2: {  	v2 =	vsel vm11, v2, v3;
	v3 =	vbroadcast v62, $0xF  }
0x1e3: {  	p0 =	sne.s32 s30, $0x180;
	v63 =	vbroadcast v61, $0xF  }
.Ltmp4:
0x1e4: {  	_ = 	snop;
	(pc) =	sbr.rel @p0 .LBB2_11-.Ltmp4, $4  }
0x1e5: {  	v2 =	vsel vm12, v2, v63  }
0x1e6: {  	v2 =	vsel vm13, v2, v3;
	v3, _, _ =	vpop (xrf2)  }
0x1e7: {  	s1 =	sshra.s32 s30, $0x2;
	v2 =	vsel vm14, v2, v3  }
0x1e8: {  	s31 =	sadd.s32 $0x200, s31;
	s30 =	sadd.s32 $0x40, s30;
	[tilespmem:s1+$0x8A80] =	vst v2  }
0x1e9: {  	v2 =	vld [tilespmem:$0x5A80]  }
0x1ea: {  	v3 =	vld [tilespmem:$0x5A90]  }
0x1eb: {  	v4 =	vld [tilespmem:$0x5AA0]  }
0x1ec: {  	v5 =	vld [tilespmem:$0x5AB0]  }
0x1ed: {  	v6 =	vld [tilespmem:$0x5AC0]  }
0x1ee: {  	v7 =	vld [tilespmem:$0x5AD0]  }
0x1ef: {  	v8 =	vld [tilespmem:$0x5AE0]  }
0x1f0: {  	v9 =	vld [tilespmem:$0x5AF0]  }
0x1f1: {  	v10 =	vld [tilespmem:$0x5B00]  }
0x1f2: {  	v11 =	vld [tilespmem:$0x5B10]  }
0x1f3: {  	v12 =	vld [tilespmem:$0x5B20]  }
0x1f4: {  	v13 =	vld [tilespmem:$0x5B30]  }
0x1f5: {  	v14 =	vld [tilespmem:$0x5B40]  }
0x1f6: {  	v15 =	vld [tilespmem:$0x5B50];
	v2 =	vmul.f32 v2, v0;
	v3 =	vmul.f32 v3, v1  }
0x1f7: {  	v16 =	vld [tilespmem:$0x5B60];
	v4 =	vmul.f32 v4, v0;
	v5 =	vmul.f32 v5, v1  }
0x1f8: {  	v53 =	vld [tilespmem:$0x5B70];
	v52 =	vmul.f32 v7, v1;
	v2 =	vadd.f32 v3, v2;
	v3 =	vmul.f32 v6, v0  }
0x1f9: {  	v54 =	vmul.f32 v8, v0;
	v55 =	vmul.f32 v9, v1;
	v4 =	vadd.f32 v5, v4  }
0x1fa: {  	v56 =	vmul.f32 v11, v1;
	(xrf2) =	vadd.scan.msk.f32 $0xffff, v2;
	v2 =	vadd.f32 v52, v3;
	v3 =	vmul.f32 v10, v0  }
0x1fb: {  	v58 =	vmul.f32 v12, v0;
	v59 =	vmul.f32 v13, v1;
	v57 =	vadd.f32 v55, v54;
	(xrf2) =	vadd.scan.msk.f32 $0xffff, v4  }
0x1fc: {  	v60 =	vmul.f32 v15, v1;
	(xrf2) =	vadd.scan.msk.f32 $0xffff, v2;
	v2 =	vadd.f32 v56, v3;
	v3 =	vmul.f32 v14, v0  }
0x1fd: {  	v1 =	vmul.f32 v53, v1;
	v61 =	vadd.f32 v59, v58;
	v0 =	vmul.f32 v16, v0;
	(xrf2) =	vadd.scan.msk.f32 $0xffff, v57  }
0x1fe: {  	(xrf2) =	vadd.scan.msk.f32 $0xffff, v2;
	v2 =	vadd.f32 v60, v3  }
0x1ff: {  	v0 =	vadd.f32 v1, v0;
	(xrf2) =	vadd.scan.msk.f32 $0xffff, v61  }
0x200: {  	(xrf2) =	vadd.scan.msk.f32 $0xffff, v2  }
0x201: {  	(xrf2) =	vadd.scan.msk.f32 $0xffff, v0;
	_ =	sdelay $0x2  }
0x202: {  	v0, _, _ =	vpop (xrf2)  }
0x203: {  	v1, _, _ =	vpop (xrf2);
	v0 =	vbroadcast v0, $0xF  }
0x204: {  	v2, _, _ =	vpop (xrf2);
	v1 =	vbroadcast v1, $0xF  }
0x205: {  	vm15 =	vcmask $0x320;
	v3, _, _ =	vpop (xrf2);
	v0 =	vnsel vm0, $0x0, v0;
	v2 =	vbroadcast v2, $0xF  }
0x206: {  	v62, _, _ =	vpop (xrf2);
	v0 =	vsel vm15, v0, v1;
	v1 =	vbroadcast v3, $0xF;
	vm15 =	vcmask $0x720  }
0x207: {  	v3, _, _ =	vpop (xrf2);
	v0 =	vsel vm15, v0, v2;
	v2 =	vbroadcast v62, $0xF;
	vm15 =	vcmask $0xB20  }
0x208: {  	v63, _, _ =	vpop (xrf2);
	v0 =	vsel vm15, v0, v1;
	v1 =	vbroadcast v3, $0xF;
	vm15 =	vcmask $0xF20  }
0x209: {  	s26 =	sor.u32 $0x7, s26;
	v0 =	vsel vm15, v0, v2;
	v2 =	vbroadcast v63, $0xF;
	v3, _, _ =	vpop (xrf2);
	vm15 =	vcmask $0x1320  }
0x20a: {  	s1 =	smul.u32 $0x1E0, s26;
	v0 =	vsel vm15, v0, v1;
	v1 =	vbroadcast v3, $0xF;
	vm15 =	vcmask $0x1720  }
0x20b: {  	v0 =	vsel vm15, v0, v2;
	vm15 =	vcmask $0x1B20  }
0x20c: {  	s1 =	sshra.s32 s1, $0x2;
	v0 =	vsel vm15, v0, v1  }
0x20d: {  	s1 =	sadd.s32 $0x80, s1;
	[tilespmem:$0x8AF0] =	vst v0  }
0x20e: {  	[tilespmem:s19], [sflag:$0x4] =	stream.indirect.gather [hbm4b:s4+s13], $0x20, s1, s13, $0xb8;
	[tilespmem:$0x8C80] =	vst v63  }
0x20f: {  	_ =	swait.ge [sflag:s20], $0xF00  }
0x210: {  	s31 =	sshll.u32 s29, $0x5;
	[sflag:s20] =	ssyncset.done $0x0  }
0x211: {  	s1 =	sand.u32 $0x3FFFFFE0, s31;
	[sflag:s20] =	ssyncadd.s32 $0xFFFFF100  }
0x212: {  	v0 =	vld [tilespmem:s1+$0x3C80]  }
0x213: {  	s29 =	simm.s32 $0x0;
	s30 =	simm.s32 $0x5D70;
	v1 =	vld [tilespmem:s1+$0x3C90]  }
.LBB2_13:
0x214: {  	v2 =	vld [tilespmem:s30+$0xFFFFFE10]  }
0x215: {  	v3 =	vld [tilespmem:s30+$0xFFFFFE20]  }
0x216: {  	v4 =	vld [tilespmem:s30+$0xFFFFFE30]  }
0x217: {  	v5 =	vld [tilespmem:s30+$0xFFFFFE40]  }
0x218: {  	v6 =	vld [tilespmem:s30+$0xFFFFFE50]  }
0x219: {  	v7 =	vld [tilespmem:s30+$0xFFFFFE60]  }
0x21a: {  	v8 =	vld [tilespmem:s30+$0xFFFFFE70]  }
0x21b: {  	v9 =	vld [tilespmem:s30+$0xFFFFFE80]  }
0x21c: {  	v10 =	vld [tilespmem:s30+$0xFFFFFE90]  }
0x21d: {  	v11 =	vld [tilespmem:s30+$0xFFFFFEA0]  }
0x21e: {  	v12 =	vld [tilespmem:s30+$0xFFFFFEB0]  }
0x21f: {  	v13 =	vld [tilespmem:s30+$0xFFFFFEC0]  }
0x220: {  	v14 =	vld [tilespmem:s30+$0xFFFFFED0]  }
0x221: {  	v15 =	vld [tilespmem:s30+$0xFFFFFEE0]  }
0x222: {  	v16 =	vld [tilespmem:s30+$0xFFFFFEF0]  }
0x223: {  	v17 =	vld [tilespmem:s30+$0xFFFFFF00]  }
0x224: {  	v18 =	vld [tilespmem:s30+$0xFFFFFF10]  }
0x225: {  	v19 =	vld [tilespmem:s30+$0xFFFFFF20];
	v2 =	vmul.f32 v2, v0;
	v3 =	vmul.f32 v3, v1  }
0x226: {  	v20 =	vld [tilespmem:s30+$0xFFFFFF30];
	v4 =	vmul.f32 v4, v0;
	v5 =	vmul.f32 v5, v1  }
0x227: {  	v21 =	vld [tilespmem:s30+$0xFFFFFF40];
	v47 =	vmul.f32 v7, v1;
	v2 =	vadd.f32 v3, v2;
	v3 =	vmul.f32 v6, v0  }
0x228: {  	v22 =	vld [tilespmem:s30+$0xFFFFFF50];
	v4 =	vadd.f32 v5, v4  }
0x229: {  	v48 =	vld [tilespmem:s30+$0xFFFFFF60];
	v50 =	vmul.f32 v9, v1;
	(xrf2) =	vadd.scan.msk.f32 $0xffff, v2;
	v2 =	vadd.f32 v47, v3;
	v3 =	vmul.f32 v8, v0  }
0x22a: {  	v49 =	vld [tilespmem:s30+$0xFFFFFF70];
	v52 =	vmul.f32 v10, v0;
	v53 =	vmul.f32 v11, v1;
	(xrf2) =	vadd.scan.msk.f32 $0xffff, v4  }
0x22b: {  	v51 =	vld [tilespmem:s30+$0xFFFFFF80];
	v55 =	vmul.f32 v13, v1;
	(xrf2) =	vadd.scan.msk.f32 $0xffff, v2;
	v2 =	vadd.f32 v50, v3;
	v3 =	vmul.f32 v12, v0  }
0x22c: {  	v54 =	vld [tilespmem:s30+$0xFFFFFF90];
	v57 =	vmul.f32 v14, v0;
	v58 =	vmul.f32 v15, v1;
	v4 =	vadd.f32 v53, v52  }
0x22d: {  	v56 =	vld [tilespmem:s30+$0xFFFFFFA0];
	v60 =	vmul.f32 v17, v1;
	(xrf2) =	vadd.scan.msk.f32 $0xffff, v2;
	v2 =	vadd.f32 v55, v3;
	v3 =	vmul.f32 v16, v0  }
0x22e: {  	v59 =	vld [tilespmem:s30+$0xFFFFFFB0];
	v63 =	vmul.f32 v18, v0;
	v23 =	vmul.f32 v19, v1;
	v62 =	vadd.f32 v58, v57;
	(xrf2) =	vadd.scan.msk.f32 $0xffff, v4  }
0x22f: {  	v61 =	vld [tilespmem:s30+$0xFFFFFFC0];
	v25 =	vmul.f32 v21, v1;
	(xrf2) =	vadd.scan.msk.f32 $0xffff, v2;
	v2 =	vadd.f32 v60, v3;
	v3 =	vmul.f32 v20, v0  }
0x230: {  	v24 =	vld [tilespmem:s30+$0xFFFFFFD0];
	v28 =	vmul.f32 v22, v0;
	v7 =	vmul.f32 v48, v1;
	(xrf2) =	vadd.scan.msk.f32 $0xffff, v62  }
0x231: {  	v26 =	vld [tilespmem:s30+$0xFFFFFFE0];
	v27 =	vadd.f32 v23, v63;
	(xrf2) =	vadd.scan.msk.f32 $0xffff, v2;
	v2 =	vadd.f32 v25, v3;
	v3 =	vmul.f32 v49, v0  }
0x232: {  	v34 =	vld [tilespmem:s30+$0x0];
	v29 =	vmul.f32 v51, v1  }
0x233: {  	v30 =	vld [tilespmem:s30+$0xFFFFFFF0];
	v32 =	vmul.f32 v54, v0;
	v33 =	vmul.f32 v56, v1;
	v31 =	vadd.f32 v7, v28;
	(xrf2) =	vadd.scan.msk.f32 $0xffff, v27  }
0x234: {  	v35 =	vmul.f32 v59, v0;
	v36 =	vmul.f32 v61, v1;
	(xrf2) =	vadd.scan.msk.f32 $0xffff, v2;
	v2 =	vadd.f32 v29, v3  }
0x235: {  	v39 =	vmul.f32 v24, v0;
	v37 =	vadd.f32 v33, v32;
	v3, _, _ =	vpop (xrf2);
	(xrf2) =	vadd.scan.msk.f32 $0xffff, v31  }
0x236: {  	v40 =	vmul.f32 v26, v1;
	v38, _, _ =	vpop (xrf2);
	(xrf2) =	vadd.scan.msk.f32 $0xffff, v2;
	v2 =	vbroadcast v3, $0xF;
	v3 =	vadd.f32 v36, v35  }
0x237: {  	v45 =	vmul.f32 v34, v1;
	v41, _, _ =	vpop (xrf2);
	(xrf2) =	vadd.scan.msk.f32 $0xffff, v37  }
0x238: {  	v43 =	vadd.f32 v40, v39;
	v42 =	vbroadcast v38, $0xF;
	v44, _, _ =	vpop (xrf2);
	(xrf2) =	vadd.scan.msk.f32 $0xffff, v3;
	v3 =	vmul.f32 v30, v0  }
0x239: {  	v5 =	vbroadcast v41, $0xF  }
0x23a: {  	v2 =	vsel vm0, v2, v42;
	v46 =	vbroadcast v44, $0xF;
	v47, _, _ =	vpop (xrf2);
	(xrf2) =	vadd.scan.msk.f32 $0xffff, v43;
	v3 =	vadd.f32 v45, v3  }
0x23b: {  	v48, _, _ =	vpop (xrf2);
	v2 =	vsel vm1, v2, v5;
	v49 =	vbroadcast v47, $0xF  }
0x23c: {  	v50, _, _ =	vpop (xrf2);
	v2 =	vsel vm2, v2, v46;
	v51 =	vbroadcast v48, $0xF  }
0x23d: {  	v2 =	vsel vm3, v2, v49;
	v52 =	vbroadcast v50, $0xF;
	v53, _, _ =	vpop (xrf2)  }
0x23e: {  	(xrf2) =	vadd.scan.msk.f32 $0xffff, v3;
	v2 =	vsel vm4, v2, v51;
	v54 =	vbroadcast v53, $0xF;
	v3, _, _ =	vpop (xrf2)  }
0x23f: {  	v2 =	vsel vm5, v2, v52;
	v55, _, _ =	vpop (xrf2);
	v3 =	vbroadcast v3, $0xF  }
0x240: {  	v2 =	vsel vm6, v2, v54;
	v56, _, _ =	vpop (xrf2);
	v57 =	vbroadcast v55, $0xF  }
0x241: {  	v58, _, _ =	vpop (xrf2);
	v2 =	vsel vm7, v2, v3;
	v3 =	vbroadcast v56, $0xF  }
0x242: {  	v59, _, _ =	vpop (xrf2);
	v2 =	vsel vm8, v2, v57;
	v60 =	vbroadcast v58, $0xF  }
0x243: {  	v61, _, _ =	vpop (xrf2);
	v2 =	vsel vm9, v2, v3;
	v3 =	vbroadcast v59, $0xF  }
0x244: {  	v62, _, _ =	vpop (xrf2);
	v2 =	vsel vm10, v2, v60  }
0x245: {  	v2 =	vsel vm11, v2, v3;
	v3 =	vbroadcast v62, $0xF  }
0x246: {  	p0 =	sne.s32 s29, $0x180;
	v63 =	vbroadcast v61, $0xF  }
.Ltmp5:
0x247: {  	_ = 	snop;
	(pc) =	sbr.rel @p0 .LBB2_13-.Ltmp5, $4  }
0x248: {  	v2 =	vsel vm12, v2, v63  }
0x249: {  	v2 =	vsel vm13, v2, v3;
	v3, _, _ =	vpop (xrf2)  }
0x24a: {  	s1 =	sshra.s32 s29, $0x2;
	v2 =	vsel vm14, v2, v3  }
0x24b: {  	s30 =	sadd.s32 $0x200, s30;
	s29 =	sadd.s32 $0x40, s29;
	[tilespmem:s1+$0x8B00] =	vst v2  }
0x24c: {  	v2 =	vld [tilespmem:$0x6980]  }
0x24d: {  	v3 =	vld [tilespmem:$0x6990]  }
0x24e: {  	v4 =	vld [tilespmem:$0x69A0]  }
0x24f: {  	v5 =	vld [tilespmem:$0x69B0]  }
0x250: {  	v6 =	vld [tilespmem:$0x69C0]  }
0x251: {  	v7 =	vld [tilespmem:$0x69D0]  }
0x252: {  	v8 =	vld [tilespmem:$0x69E0]  }
0x253: {  	v9 =	vld [tilespmem:$0x69F0]  }
0x254: {  	v10 =	vld [tilespmem:$0x6A00]  }
0x255: {  	v11 =	vld [tilespmem:$0x6A10]  }
0x256: {  	v12 =	vld [tilespmem:$0x6A20]  }
0x257: {  	v13 =	vld [tilespmem:$0x6A30]  }
0x258: {  	v14 =	vld [tilespmem:$0x6A40]  }
0x259: {  	v15 =	vld [tilespmem:$0x6A50];
	v2 =	vmul.f32 v2, v0;
	v3 =	vmul.f32 v3, v1  }
0x25a: {  	v16 =	vld [tilespmem:$0x6A60];
	v4 =	vmul.f32 v4, v0;
	v5 =	vmul.f32 v5, v1  }
0x25b: {  	v53 =	vld [tilespmem:$0x6A70];
	v52 =	vmul.f32 v7, v1;
	v2 =	vadd.f32 v3, v2;
	v3 =	vmul.f32 v6, v0  }
0x25c: {  	v54 =	vmul.f32 v8, v0;
	v55 =	vmul.f32 v9, v1;
	v4 =	vadd.f32 v5, v4  }
0x25d: {  	v56 =	vmul.f32 v11, v1;
	(xrf2) =	vadd.scan.msk.f32 $0xffff, v2;
	v2 =	vadd.f32 v52, v3;
	v3 =	vmul.f32 v10, v0  }
0x25e: {  	v58 =	vmul.f32 v12, v0;
	v59 =	vmul.f32 v13, v1;
	v57 =	vadd.f32 v55, v54;
	(xrf2) =	vadd.scan.msk.f32 $0xffff, v4  }
0x25f: {  	v60 =	vmul.f32 v15, v1;
	(xrf2) =	vadd.scan.msk.f32 $0xffff, v2;
	v2 =	vadd.f32 v56, v3;
	v3 =	vmul.f32 v14, v0  }
0x260: {  	v1 =	vmul.f32 v53, v1;
	v61 =	vadd.f32 v59, v58;
	v0 =	vmul.f32 v16, v0;
	(xrf2) =	vadd.scan.msk.f32 $0xffff, v57  }
0x261: {  	(xrf2) =	vadd.scan.msk.f32 $0xffff, v2;
	v2 =	vadd.f32 v60, v3  }
0x262: {  	v0 =	vadd.f32 v1, v0;
	(xrf2) =	vadd.scan.msk.f32 $0xffff, v61  }
0x263: {  	(xrf2) =	vadd.scan.msk.f32 $0xffff, v2  }
0x264: {  	(xrf2) =	vadd.scan.msk.f32 $0xffff, v0;
	_ =	sdelay $0x2  }
0x265: {  	v0, _, _ =	vpop (xrf2)  }
0x266: {  	v1, _, _ =	vpop (xrf2);
	v0 =	vbroadcast v0, $0xF  }
0x267: {  	v2, _, _ =	vpop (xrf2);
	v1 =	vbroadcast v1, $0xF  }
0x268: {  	vm15 =	vcmask $0x320;
	v3, _, _ =	vpop (xrf2);
	v0 =	vnsel vm0, $0x0, v0;
	v2 =	vbroadcast v2, $0xF  }
0x269: {  	v62, _, _ =	vpop (xrf2);
	v0 =	vsel vm15, v0, v1;
	v1 =	vbroadcast v3, $0xF;
	vm15 =	vcmask $0x720  }
0x26a: {  	v3, _, _ =	vpop (xrf2);
	v0 =	vsel vm15, v0, v2;
	v2 =	vbroadcast v62, $0xF;
	vm15 =	vcmask $0xB20  }
0x26b: {  	v63, _, _ =	vpop (xrf2);
	v0 =	vsel vm15, v0, v1;
	v1 =	vbroadcast v3, $0xF;
	vm15 =	vcmask $0xF20  }
0x26c: {  	p0 =	seq.s32 s25, $0xF;
	v0 =	vsel vm15, v0, v2;
	v2 =	vbroadcast v63, $0xF;
	v3, _, _ =	vpop (xrf2);
	vm15 =	vcmask $0x1320  }
0x26d: {  	s1 =	smul.u32 @!p0 $0xF00, s25;
	v0 =	vsel vm15, v0, v1;
	v1 =	vbroadcast v3, $0xF;
	vm15 =	vcmask $0x1720  }
0x26e: {  	v0 =	vsel vm15, v0, v2;
	vm15 =	vcmask $0x1B20  }
0x26f: {  	s29 =	sshra.s32 @!p0 s1, $0x2;
	v0 =	vsel vm15, v0, v1  }
0x270: {  	s30 =	simm.s32 @!p0 $0x78;
	s31 =	simm.s32 @!p0 $0x4C80;
	s1 =	sadd.s32 @!p0 $0x440, s29;
	[tilespmem:$0x8B70] =	vst v0  }
0x271: {  	[tilespmem:s31], [sflag:$0x1] =	stream.indirect.gather @!p0 [hbm4b:s4+s30], $0x20, s1, s30, $0xb8;
	[tilespmem:$0x8C80] =	vst v63  }
0x272: {  	_ =	swait.ge [sflag:s21], $0xF00  }
0x273: {  	s31 =	sshll.u32 s28, $0x5;
	[sflag:s21] =	ssyncset.done $0x0  }
0x274: {  	s1 =	sand.u32 $0x3FFFFFE0, s31;
	[sflag:s21] =	ssyncadd.s32 $0xFFFFF100  }
0x275: {  	v0 =	vld [tilespmem:s1+$0x3C80]  }
0x276: {  	s28 =	simm.s32 $0x0;
	s30 =	simm.s32 $0x6C70;
	v1 =	vld [tilespmem:s1+$0x3C90]  }
.LBB2_15:
0x277: {  	v2 =	vld [tilespmem:s30+$0xFFFFFE10]  }
0x278: {  	v3 =	vld [tilespmem:s30+$0xFFFFFE20]  }
0x279: {  	v4 =	vld [tilespmem:s30+$0xFFFFFE30]  }
0x27a: {  	v5 =	vld [tilespmem:s30+$0xFFFFFE40]  }
0x27b: {  	v6 =	vld [tilespmem:s30+$0xFFFFFE50]  }
0x27c: {  	v7 =	vld [tilespmem:s30+$0xFFFFFE60]  }
0x27d: {  	v8 =	vld [tilespmem:s30+$0xFFFFFE70]  }
0x27e: {  	v9 =	vld [tilespmem:s30+$0xFFFFFE80]  }
0x27f: {  	v10 =	vld [tilespmem:s30+$0xFFFFFE90]  }
0x280: {  	v11 =	vld [tilespmem:s30+$0xFFFFFEA0]  }
0x281: {  	v12 =	vld [tilespmem:s30+$0xFFFFFEB0]  }
0x282: {  	v13 =	vld [tilespmem:s30+$0xFFFFFEC0]  }
0x283: {  	v14 =	vld [tilespmem:s30+$0xFFFFFED0]  }
0x284: {  	v15 =	vld [tilespmem:s30+$0xFFFFFEE0]  }
0x285: {  	v16 =	vld [tilespmem:s30+$0xFFFFFEF0]  }
0x286: {  	v17 =	vld [tilespmem:s30+$0xFFFFFF00]  }
0x287: {  	v18 =	vld [tilespmem:s30+$0xFFFFFF10]  }
0x288: {  	v19 =	vld [tilespmem:s30+$0xFFFFFF20];
	v2 =	vmul.f32 v2, v0;
	v3 =	vmul.f32 v3, v1  }
0x289: {  	v20 =	vld [tilespmem:s30+$0xFFFFFF30];
	v4 =	vmul.f32 v4, v0;
	v5 =	vmul.f32 v5, v1  }
0x28a: {  	v21 =	vld [tilespmem:s30+$0xFFFFFF40];
	v47 =	vmul.f32 v7, v1;
	v2 =	vadd.f32 v3, v2;
	v3 =	vmul.f32 v6, v0  }
0x28b: {  	v22 =	vld [tilespmem:s30+$0xFFFFFF50];
	v4 =	vadd.f32 v5, v4  }
0x28c: {  	v48 =	vld [tilespmem:s30+$0xFFFFFF60];
	v50 =	vmul.f32 v9, v1;
	(xrf2) =	vadd.scan.msk.f32 $0xffff, v2;
	v2 =	vadd.f32 v47, v3;
	v3 =	vmul.f32 v8, v0  }
0x28d: {  	v49 =	vld [tilespmem:s30+$0xFFFFFF70];
	v52 =	vmul.f32 v10, v0;
	v53 =	vmul.f32 v11, v1;
	(xrf2) =	vadd.scan.msk.f32 $0xffff, v4  }
0x28e: {  	v51 =	vld [tilespmem:s30+$0xFFFFFF80];
	v55 =	vmul.f32 v13, v1;
	(xrf2) =	vadd.scan.msk.f32 $0xffff, v2;
	v2 =	vadd.f32 v50, v3;
	v3 =	vmul.f32 v12, v0  }
0x28f: {  	v54 =	vld [tilespmem:s30+$0xFFFFFF90];
	v57 =	vmul.f32 v14, v0;
	v58 =	vmul.f32 v15, v1;
	v4 =	vadd.f32 v53, v52  }
0x290: {  	v56 =	vld [tilespmem:s30+$0xFFFFFFA0];
	v60 =	vmul.f32 v17, v1;
	(xrf2) =	vadd.scan.msk.f32 $0xffff, v2;
	v2 =	vadd.f32 v55, v3;
	v3 =	vmul.f32 v16, v0  }
0x291: {  	v59 =	vld [tilespmem:s30+$0xFFFFFFB0];
	v63 =	vmul.f32 v18, v0;
	v23 =	vmul.f32 v19, v1;
	v62 =	vadd.f32 v58, v57;
	(xrf2) =	vadd.scan.msk.f32 $0xffff, v4  }
0x292: {  	v61 =	vld [tilespmem:s30+$0xFFFFFFC0];
	v25 =	vmul.f32 v21, v1;
	(xrf2) =	vadd.scan.msk.f32 $0xffff, v2;
	v2 =	vadd.f32 v60, v3;
	v3 =	vmul.f32 v20, v0  }
0x293: {  	v24 =	vld [tilespmem:s30+$0xFFFFFFD0];
	v28 =	vmul.f32 v22, v0;
	v7 =	vmul.f32 v48, v1;
	(xrf2) =	vadd.scan.msk.f32 $0xffff, v62  }
0x294: {  	v26 =	vld [tilespmem:s30+$0xFFFFFFE0];
	v27 =	vadd.f32 v23, v63;
	(xrf2) =	vadd.scan.msk.f32 $0xffff, v2;
	v2 =	vadd.f32 v25, v3;
	v3 =	vmul.f32 v49, v0  }
0x295: {  	v34 =	vld [tilespmem:s30+$0x0];
	v29 =	vmul.f32 v51, v1  }
0x296: {  	v30 =	vld [tilespmem:s30+$0xFFFFFFF0];
	v32 =	vmul.f32 v54, v0;
	v33 =	vmul.f32 v56, v1;
	v31 =	vadd.f32 v7, v28;
	(xrf2) =	vadd.scan.msk.f32 $0xffff, v27  }
0x297: {  	v35 =	vmul.f32 v59, v0;
	v36 =	vmul.f32 v61, v1;
	(xrf2) =	vadd.scan.msk.f32 $0xffff, v2;
	v2 =	vadd.f32 v29, v3  }
0x298: {  	v39 =	vmul.f32 v24, v0;
	v37 =	vadd.f32 v33, v32;
	v3, _, _ =	vpop (xrf2);
	(xrf2) =	vadd.scan.msk.f32 $0xffff, v31  }
0x299: {  	v40 =	vmul.f32 v26, v1;
	v38, _, _ =	vpop (xrf2);
	(xrf2) =	vadd.scan.msk.f32 $0xffff, v2;
	v2 =	vbroadcast v3, $0xF;
	v3 =	vadd.f32 v36, v35  }
0x29a: {  	v45 =	vmul.f32 v34, v1;
	v41, _, _ =	vpop (xrf2);
	(xrf2) =	vadd.scan.msk.f32 $0xffff, v37  }
0x29b: {  	v43 =	vadd.f32 v40, v39;
	v42 =	vbroadcast v38, $0xF;
	v44, _, _ =	vpop (xrf2);
	(xrf2) =	vadd.scan.msk.f32 $0xffff, v3;
	v3 =	vmul.f32 v30, v0  }
0x29c: {  	v5 =	vbroadcast v41, $0xF  }
0x29d: {  	v2 =	vsel vm0, v2, v42;
	v46 =	vbroadcast v44, $0xF;
	v47, _, _ =	vpop (xrf2);
	(xrf2) =	vadd.scan.msk.f32 $0xffff, v43;
	v3 =	vadd.f32 v45, v3  }
0x29e: {  	v48, _, _ =	vpop (xrf2);
	v2 =	vsel vm1, v2, v5;
	v49 =	vbroadcast v47, $0xF  }
0x29f: {  	v50, _, _ =	vpop (xrf2);
	v2 =	vsel vm2, v2, v46;
	v51 =	vbroadcast v48, $0xF  }
0x2a0: {  	v2 =	vsel vm3, v2, v49;
	v52 =	vbroadcast v50, $0xF;
	v53, _, _ =	vpop (xrf2)  }
0x2a1: {  	(xrf2) =	vadd.scan.msk.f32 $0xffff, v3;
	v2 =	vsel vm4, v2, v51;
	v54 =	vbroadcast v53, $0xF;
	v3, _, _ =	vpop (xrf2)  }
0x2a2: {  	v2 =	vsel vm5, v2, v52;
	v55, _, _ =	vpop (xrf2);
	v3 =	vbroadcast v3, $0xF  }
0x2a3: {  	v2 =	vsel vm6, v2, v54;
	v56, _, _ =	vpop (xrf2);
	v57 =	vbroadcast v55, $0xF  }
0x2a4: {  	v58, _, _ =	vpop (xrf2);
	v2 =	vsel vm7, v2, v3;
	v3 =	vbroadcast v56, $0xF  }
0x2a5: {  	v59, _, _ =	vpop (xrf2);
	v2 =	vsel vm8, v2, v57;
	v60 =	vbroadcast v58, $0xF  }
0x2a6: {  	v61, _, _ =	vpop (xrf2);
	v2 =	vsel vm9, v2, v3;
	v3 =	vbroadcast v59, $0xF  }
0x2a7: {  	v62, _, _ =	vpop (xrf2);
	v2 =	vsel vm10, v2, v60  }
0x2a8: {  	v2 =	vsel vm11, v2, v3;
	v3 =	vbroadcast v62, $0xF  }
0x2a9: {  	p1 =	sne.s32 s28, $0x180;
	v63 =	vbroadcast v61, $0xF  }
.Ltmp6:
0x2aa: {  	_ = 	snop;
	(pc) =	sbr.rel @p1 .LBB2_15-.Ltmp6, $4  }
0x2ab: {  	v2 =	vsel vm12, v2, v63  }
0x2ac: {  	v2 =	vsel vm13, v2, v3;
	v3, _, _ =	vpop (xrf2)  }
0x2ad: {  	s1 =	sshra.s32 s28, $0x2;
	v2 =	vsel vm14, v2, v3  }
0x2ae: {  	s30 =	sadd.s32 $0x200, s30;
	s28 =	sadd.s32 $0x40, s28;
	[tilespmem:s1+$0x8B80] =	vst v2  }
0x2af: {  	v2 =	vld [tilespmem:$0x7880]  }
0x2b0: {  	v3 =	vld [tilespmem:$0x7890]  }
0x2b1: {  	v4 =	vld [tilespmem:$0x78A0]  }
0x2b2: {  	v5 =	vld [tilespmem:$0x78B0]  }
0x2b3: {  	v6 =	vld [tilespmem:$0x78C0]  }
0x2b4: {  	v7 =	vld [tilespmem:$0x78D0]  }
0x2b5: {  	v8 =	vld [tilespmem:$0x78E0]  }
0x2b6: {  	v9 =	vld [tilespmem:$0x78F0]  }
0x2b7: {  	v10 =	vld [tilespmem:$0x7900]  }
0x2b8: {  	v11 =	vld [tilespmem:$0x7910]  }
0x2b9: {  	v12 =	vld [tilespmem:$0x7920]  }
0x2ba: {  	v13 =	vld [tilespmem:$0x7930]  }
0x2bb: {  	v14 =	vld [tilespmem:$0x7940]  }
0x2bc: {  	v15 =	vld [tilespmem:$0x7950];
	v2 =	vmul.f32 v2, v0;
	v3 =	vmul.f32 v3, v1  }
0x2bd: {  	v16 =	vld [tilespmem:$0x7960];
	v4 =	vmul.f32 v4, v0;
	v5 =	vmul.f32 v5, v1  }
0x2be: {  	v53 =	vld [tilespmem:$0x7970];
	v52 =	vmul.f32 v7, v1;
	v2 =	vadd.f32 v3, v2;
	v3 =	vmul.f32 v6, v0  }
0x2bf: {  	v54 =	vmul.f32 v8, v0;
	v55 =	vmul.f32 v9, v1;
	v4 =	vadd.f32 v5, v4  }
0x2c0: {  	v56 =	vmul.f32 v11, v1;
	(xrf2) =	vadd.scan.msk.f32 $0xffff, v2;
	v2 =	vadd.f32 v52, v3;
	v3 =	vmul.f32 v10, v0  }
0x2c1: {  	v58 =	vmul.f32 v12, v0;
	v59 =	vmul.f32 v13, v1;
	v57 =	vadd.f32 v55, v54;
	(xrf2) =	vadd.scan.msk.f32 $0xffff, v4  }
0x2c2: {  	v60 =	vmul.f32 v15, v1;
	(xrf2) =	vadd.scan.msk.f32 $0xffff, v2;
	v2 =	vadd.f32 v56, v3;
	v3 =	vmul.f32 v14, v0  }
0x2c3: {  	v1 =	vmul.f32 v53, v1;
	v61 =	vadd.f32 v59, v58;
	v0 =	vmul.f32 v16, v0;
	(xrf2) =	vadd.scan.msk.f32 $0xffff, v57  }
0x2c4: {  	(xrf2) =	vadd.scan.msk.f32 $0xffff, v2;
	v2 =	vadd.f32 v60, v3  }
0x2c5: {  	v0 =	vadd.f32 v1, v0;
	(xrf2) =	vadd.scan.msk.f32 $0xffff, v61  }
0x2c6: {  	(xrf2) =	vadd.scan.msk.f32 $0xffff, v2  }
0x2c7: {  	(xrf2) =	vadd.scan.msk.f32 $0xffff, v0;
	_ =	sdelay $0x2  }
0x2c8: {  	v0, _, _ =	vpop (xrf2)  }
0x2c9: {  	v1, _, _ =	vpop (xrf2);
	v0 =	vbroadcast v0, $0xF  }
0x2ca: {  	v2, _, _ =	vpop (xrf2);
	v1 =	vbroadcast v1, $0xF  }
0x2cb: {  	vm15 =	vcmask $0x320;
	v3, _, _ =	vpop (xrf2);
	v0 =	vnsel vm0, $0x0, v0;
	v2 =	vbroadcast v2, $0xF  }
0x2cc: {  	v62, _, _ =	vpop (xrf2);
	v0 =	vsel vm15, v0, v1;
	v1 =	vbroadcast v3, $0xF;
	vm15 =	vcmask $0x720  }
0x2cd: {  	v3, _, _ =	vpop (xrf2);
	v0 =	vsel vm15, v0, v2;
	v2 =	vbroadcast v62, $0xF;
	vm15 =	vcmask $0xB20  }
0x2ce: {  	v63, _, _ =	vpop (xrf2);
	v0 =	vsel vm15, v0, v1;
	v1 =	vbroadcast v3, $0xF;
	vm15 =	vcmask $0xF20  }
0x2cf: {  	v0 =	vsel vm15, v0, v2;
	v2 =	vbroadcast v63, $0xF;
	v3, _, _ =	vpop (xrf2);
	vm15 =	vcmask $0x1320  }
0x2d0: {  	v0 =	vsel vm15, v0, v1;
	v1 =	vbroadcast v3, $0xF;
	vm15 =	vcmask $0x1720  }
0x2d1: {  	v0 =	vsel vm15, v0, v2;
	vm15 =	vcmask $0x1B20  }
0x2d2: {  	v0 =	vsel vm15, v0, v1  }
0x2d3: {  	s1 =	sadd.s32 @!p0 $0x4B8, s29;
	s28 =	simm.s32 @!p0 $0x78;
	s30 =	simm.s32 @!p0 $0x5B80;
	[tilespmem:$0x8BF0] =	vst v0  }
0x2d4: {  	[tilespmem:s30], [sflag:$0x2] =	stream.indirect.gather @!p0 [hbm4b:s4+s28], $0x20, s1, s28, $0xb8;
	[tilespmem:$0x8C80] =	vst v63  }
0x2d5: {  	_ =	swait.ge [sflag:s22], $0xF00  }
0x2d6: {  	s31 =	sshll.u32 s26, $0x5;
	[sflag:s22] =	ssyncset.done $0x0  }
0x2d7: {  	s1 =	sand.u32 $0x3FFFFFE0, s31;
	[sflag:s22] =	ssyncadd.s32 $0xFFFFF100  }
0x2d8: {  	v0 =	vld [tilespmem:s1+$0x3C80]  }
0x2d9: {  	s26 =	simm.s32 $0x0;
	s28 =	simm.s32 $0x7B70;
	v1 =	vld [tilespmem:s1+$0x3C90]  }
.LBB2_17:
0x2da: {  	v2 =	vld [tilespmem:s28+$0xFFFFFE10]  }
0x2db: {  	v3 =	vld [tilespmem:s28+$0xFFFFFE20]  }
0x2dc: {  	v4 =	vld [tilespmem:s28+$0xFFFFFE30]  }
0x2dd: {  	v5 =	vld [tilespmem:s28+$0xFFFFFE40]  }
0x2de: {  	v6 =	vld [tilespmem:s28+$0xFFFFFE50]  }
0x2df: {  	v7 =	vld [tilespmem:s28+$0xFFFFFE60]  }
0x2e0: {  	v8 =	vld [tilespmem:s28+$0xFFFFFE70]  }
0x2e1: {  	v9 =	vld [tilespmem:s28+$0xFFFFFE80]  }
0x2e2: {  	v10 =	vld [tilespmem:s28+$0xFFFFFE90]  }
0x2e3: {  	v11 =	vld [tilespmem:s28+$0xFFFFFEA0]  }
0x2e4: {  	v12 =	vld [tilespmem:s28+$0xFFFFFEB0]  }
0x2e5: {  	v13 =	vld [tilespmem:s28+$0xFFFFFEC0]  }
0x2e6: {  	v14 =	vld [tilespmem:s28+$0xFFFFFED0]  }
0x2e7: {  	v15 =	vld [tilespmem:s28+$0xFFFFFEE0]  }
0x2e8: {  	v16 =	vld [tilespmem:s28+$0xFFFFFEF0]  }
0x2e9: {  	v17 =	vld [tilespmem:s28+$0xFFFFFF00]  }
0x2ea: {  	v18 =	vld [tilespmem:s28+$0xFFFFFF10]  }
0x2eb: {  	v19 =	vld [tilespmem:s28+$0xFFFFFF20];
	v2 =	vmul.f32 v2, v0;
	v3 =	vmul.f32 v3, v1  }
0x2ec: {  	v20 =	vld [tilespmem:s28+$0xFFFFFF30];
	v4 =	vmul.f32 v4, v0;
	v5 =	vmul.f32 v5, v1  }
0x2ed: {  	v21 =	vld [tilespmem:s28+$0xFFFFFF40];
	v47 =	vmul.f32 v7, v1;
	v2 =	vadd.f32 v3, v2;
	v3 =	vmul.f32 v6, v0  }
0x2ee: {  	v22 =	vld [tilespmem:s28+$0xFFFFFF50];
	v4 =	vadd.f32 v5, v4  }
0x2ef: {  	v48 =	vld [tilespmem:s28+$0xFFFFFF60];
	v50 =	vmul.f32 v9, v1;
	(xrf2) =	vadd.scan.msk.f32 $0xffff, v2;
	v2 =	vadd.f32 v47, v3;
	v3 =	vmul.f32 v8, v0  }
0x2f0: {  	v49 =	vld [tilespmem:s28+$0xFFFFFF70];
	v52 =	vmul.f32 v10, v0;
	v53 =	vmul.f32 v11, v1;
	(xrf2) =	vadd.scan.msk.f32 $0xffff, v4  }
0x2f1: {  	v51 =	vld [tilespmem:s28+$0xFFFFFF80];
	v55 =	vmul.f32 v13, v1;
	(xrf2) =	vadd.scan.msk.f32 $0xffff, v2;
	v2 =	vadd.f32 v50, v3;
	v3 =	vmul.f32 v12, v0  }
0x2f2: {  	v54 =	vld [tilespmem:s28+$0xFFFFFF90];
	v57 =	vmul.f32 v14, v0;
	v58 =	vmul.f32 v15, v1;
	v4 =	vadd.f32 v53, v52  }
0x2f3: {  	v56 =	vld [tilespmem:s28+$0xFFFFFFA0];
	v60 =	vmul.f32 v17, v1;
	(xrf2) =	vadd.scan.msk.f32 $0xffff, v2;
	v2 =	vadd.f32 v55, v3;
	v3 =	vmul.f32 v16, v0  }
0x2f4: {  	v59 =	vld [tilespmem:s28+$0xFFFFFFB0];
	v63 =	vmul.f32 v18, v0;
	v23 =	vmul.f32 v19, v1;
	v62 =	vadd.f32 v58, v57;
	(xrf2) =	vadd.scan.msk.f32 $0xffff, v4  }
0x2f5: {  	v61 =	vld [tilespmem:s28+$0xFFFFFFC0];
	v25 =	vmul.f32 v21, v1;
	(xrf2) =	vadd.scan.msk.f32 $0xffff, v2;
	v2 =	vadd.f32 v60, v3;
	v3 =	vmul.f32 v20, v0  }
0x2f6: {  	v24 =	vld [tilespmem:s28+$0xFFFFFFD0];
	v28 =	vmul.f32 v22, v0;
	v7 =	vmul.f32 v48, v1;
	(xrf2) =	vadd.scan.msk.f32 $0xffff, v62  }
0x2f7: {  	v26 =	vld [tilespmem:s28+$0xFFFFFFE0];
	v27 =	vadd.f32 v23, v63;
	(xrf2) =	vadd.scan.msk.f32 $0xffff, v2;
	v2 =	vadd.f32 v25, v3;
	v3 =	vmul.f32 v49, v0  }
0x2f8: {  	v34 =	vld [tilespmem:s28+$0x0];
	v29 =	vmul.f32 v51, v1  }
0x2f9: {  	v30 =	vld [tilespmem:s28+$0xFFFFFFF0];
	v32 =	vmul.f32 v54, v0;
	v33 =	vmul.f32 v56, v1;
	v31 =	vadd.f32 v7, v28;
	(xrf2) =	vadd.scan.msk.f32 $0xffff, v27  }
0x2fa: {  	v35 =	vmul.f32 v59, v0;
	v36 =	vmul.f32 v61, v1;
	(xrf2) =	vadd.scan.msk.f32 $0xffff, v2;
	v2 =	vadd.f32 v29, v3  }
0x2fb: {  	v39 =	vmul.f32 v24, v0;
	v37 =	vadd.f32 v33, v32;
	v3, _, _ =	vpop (xrf2);
	(xrf2) =	vadd.scan.msk.f32 $0xffff, v31  }
0x2fc: {  	v40 =	vmul.f32 v26, v1;
	v38, _, _ =	vpop (xrf2);
	(xrf2) =	vadd.scan.msk.f32 $0xffff, v2;
	v2 =	vbroadcast v3, $0xF;
	v3 =	vadd.f32 v36, v35  }
0x2fd: {  	v45 =	vmul.f32 v34, v1;
	v41, _, _ =	vpop (xrf2);
	(xrf2) =	vadd.scan.msk.f32 $0xffff, v37  }
0x2fe: {  	v43 =	vadd.f32 v40, v39;
	v42 =	vbroadcast v38, $0xF;
	v44, _, _ =	vpop (xrf2);
	(xrf2) =	vadd.scan.msk.f32 $0xffff, v3;
	v3 =	vmul.f32 v30, v0  }
0x2ff: {  	v5 =	vbroadcast v41, $0xF  }
0x300: {  	v2 =	vsel vm0, v2, v42;
	v46 =	vbroadcast v44, $0xF;
	v47, _, _ =	vpop (xrf2);
	(xrf2) =	vadd.scan.msk.f32 $0xffff, v43;
	v3 =	vadd.f32 v45, v3  }
0x301: {  	v48, _, _ =	vpop (xrf2);
	v2 =	vsel vm1, v2, v5;
	v49 =	vbroadcast v47, $0xF  }
0x302: {  	v50, _, _ =	vpop (xrf2);
	v2 =	vsel vm2, v2, v46;
	v51 =	vbroadcast v48, $0xF  }
0x303: {  	v2 =	vsel vm3, v2, v49;
	v52 =	vbroadcast v50, $0xF;
	v53, _, _ =	vpop (xrf2)  }
0x304: {  	(xrf2) =	vadd.scan.msk.f32 $0xffff, v3;
	v2 =	vsel vm4, v2, v51;
	v54 =	vbroadcast v53, $0xF;
	v3, _, _ =	vpop (xrf2)  }
0x305: {  	v2 =	vsel vm5, v2, v52;
	v55, _, _ =	vpop (xrf2);
	v3 =	vbroadcast v3, $0xF  }
0x306: {  	v2 =	vsel vm6, v2, v54;
	v56, _, _ =	vpop (xrf2);
	v57 =	vbroadcast v55, $0xF  }
0x307: {  	v58, _, _ =	vpop (xrf2);
	v2 =	vsel vm7, v2, v3;
	v3 =	vbroadcast v56, $0xF  }
0x308: {  	v59, _, _ =	vpop (xrf2);
	v2 =	vsel vm8, v2, v57;
	v60 =	vbroadcast v58, $0xF  }
0x309: {  	v61, _, _ =	vpop (xrf2);
	v2 =	vsel vm9, v2, v3;
	v3 =	vbroadcast v59, $0xF  }
0x30a: {  	v62, _, _ =	vpop (xrf2);
	v2 =	vsel vm10, v2, v60  }
0x30b: {  	v2 =	vsel vm11, v2, v3;
	v3 =	vbroadcast v62, $0xF  }
0x30c: {  	p1 =	sne.s32 s26, $0x180;
	v63 =	vbroadcast v61, $0xF  }
.Ltmp7:
0x30d: {  	_ = 	snop;
	(pc) =	sbr.rel @p1 .LBB2_17-.Ltmp7, $4  }
0x30e: {  	v2 =	vsel vm12, v2, v63  }
0x30f: {  	v2 =	vsel vm13, v2, v3;
	v3, _, _ =	vpop (xrf2)  }
0x310: {  	s1 =	sshra.s32 s26, $0x2;
	v2 =	vsel vm14, v2, v3  }
0x311: {  	s28 =	sadd.s32 $0x200, s28;
	s26 =	sadd.s32 $0x40, s26;
	[tilespmem:s1+$0x8C00] =	vst v2  }
0x312: {  	v2 =	vld [tilespmem:$0x8780]  }
0x313: {  	v3 =	vld [tilespmem:$0x8790]  }
0x314: {  	v4 =	vld [tilespmem:$0x87A0]  }
0x315: {  	v5 =	vld [tilespmem:$0x87B0]  }
0x316: {  	v6 =	vld [tilespmem:$0x87C0]  }
0x317: {  	v7 =	vld [tilespmem:$0x87D0]  }
0x318: {  	v8 =	vld [tilespmem:$0x87E0]  }
0x319: {  	v9 =	vld [tilespmem:$0x87F0]  }
0x31a: {  	v10 =	vld [tilespmem:$0x8800]  }
0x31b: {  	v11 =	vld [tilespmem:$0x8810]  }
0x31c: {  	v12 =	vld [tilespmem:$0x8820]  }
0x31d: {  	v13 =	vld [tilespmem:$0x8830]  }
0x31e: {  	v14 =	vld [tilespmem:$0x8840]  }
0x31f: {  	v15 =	vld [tilespmem:$0x8850];
	v2 =	vmul.f32 v2, v0;
	v3 =	vmul.f32 v3, v1  }
0x320: {  	v16 =	vld [tilespmem:$0x8860];
	v4 =	vmul.f32 v4, v0;
	v5 =	vmul.f32 v5, v1  }
0x321: {  	v35 =	vld [tilespmem:$0x8870];
	v33 =	vmul.f32 v6, v0;
	v34 =	vmul.f32 v7, v1;
	v2 =	vadd.f32 v3, v2  }
0x322: {  	v36 =	vmul.f32 v8, v0;
	v37 =	vmul.f32 v9, v1;
	v4 =	vadd.f32 v5, v4  }
0x323: {  	v39 =	vmul.f32 v10, v0;
	v40 =	vmul.f32 v11, v1;
	v38 =	vadd.f32 v34, v33;
	(xrf2) =	vadd.scan.msk.f32 $0xffff, v2  }
0x324: {  	v42 =	vmul.f32 v12, v0;
	v43 =	vmul.f32 v13, v1;
	v41 =	vadd.f32 v37, v36;
	(xrf2) =	vadd.scan.msk.f32 $0xffff, v4  }
0x325: {  	v45 =	vmul.f32 v14, v0;
	v46 =	vmul.f32 v15, v1;
	v44 =	vadd.f32 v40, v39;
	(xrf2) =	vadd.scan.msk.f32 $0xffff, v38  }
0x326: {  	v48 =	vmul.f32 v16, v0;
	v49 =	vmul.f32 v35, v1;
	v47 =	vadd.f32 v43, v42;
	(xrf2) =	vadd.scan.msk.f32 $0xffff, v41  }
0x327: {  	v50 =	vadd.f32 v46, v45;
	(xrf2) =	vadd.scan.msk.f32 $0xffff, v44  }
0x328: {  	v0 =	vadd.f32 v49, v48;
	(xrf2) =	vadd.scan.msk.f32 $0xffff, v47  }
0x329: {  	(xrf2) =	vadd.scan.msk.f32 $0xffff, v50  }
0x32a: {  	(xrf2) =	vadd.scan.msk.f32 $0xffff, v0;
	_ =	sdelay $0x2  }
0x32b: {  	v51, _, _ =	vpop (xrf2)  }
0x32c: {  	v52, _, _ =	vpop (xrf2);
	v0 =	vbroadcast v51, $0xF  }
0x32d: {  	v53, _, _ =	vpop (xrf2);
	v1 =	vbroadcast v52, $0xF  }
0x32e: {  	vm15 =	vcmask $0x320;
	v54, _, _ =	vpop (xrf2);
	v0 =	vnsel vm0, $0x0, v0;
	v2 =	vbroadcast v53, $0xF  }
0x32f: {  	v55, _, _ =	vpop (xrf2);
	v0 =	vsel vm15, v0, v1;
	v56 =	vbroadcast v54, $0xF;
	vm15 =	vcmask $0x720  }
0x330: {  	v57, _, _ =	vpop (xrf2);
	v0 =	vsel vm15, v0, v2;
	v58 =	vbroadcast v55, $0xF;
	vm15 =	vcmask $0xB20  }
0x331: {  	v59, _, _ =	vpop (xrf2);
	v0 =	vsel vm15, v0, v56;
	v60 =	vbroadcast v57, $0xF;
	vm15 =	vcmask $0xF20  }
0x332: {  	v0 =	vsel vm15, v0, v58;
	v61 =	vbroadcast v59, $0xF;
	v62, _, _ =	vpop (xrf2);
	vm15 =	vcmask $0x1320  }
0x333: {  	v0 =	vsel vm15, v0, v60;
	v63 =	vbroadcast v62, $0xF;
	vm15 =	vcmask $0x1720  }
0x334: {  	v0 =	vsel vm15, v0, v61;
	vm15 =	vcmask $0x1B20  }
0x335: {  	s1 =	sadd.s32 @!p0 $0x530, s29;
	s26 =	simm.s32 @!p0 $0x78;
	v0 =	vsel vm15, v0, v63  }
0x336: {  	s28 =	simm.s32 @!p0 $0x6A80;
	s31 =	sshll.u32 s25, $0x7;
	s25 =	sadd.s32 $0x1, s25;
	[tilespmem:$0x8C70] =	vst v0  }
0x337: {  	[tilespmem:s28], [sflag:$0x3] =	stream.indirect.gather @!p0 [hbm4b:s4+s26], $0x20, s1, s26, $0xb8;
	[tilespmem:$0x8C80] =	vst v63  }
0x338: {  	p0 =	sne.s32 s25, $0x10  }
.Ltmp8:
0x339: {  	s1 =	sadd.s32 s31, s7;
	(pc) =	sbr.rel @p0 .LBB2_2-.Ltmp8, $4  }
0x33a: {  	[hbm4b:s1+s2] =	stream.linear.scatter [tilespmem:s23], [sflag:$0x5], $0x400, $0x38;
	[tilespmem:$0x8C80] =	vst v63  }
0x33b: {  	_ =	swait.ge [sflag:s9], $0x400  }
0x33c: {  	[sflag:s9] =	ssyncset.done $0x0  }
0x33d: {  	[sflag:s9] =	ssyncadd.s32 $0xFFFFFC00  }
0x33e: {  	s24 =	sadd.s32 $0x1, s24  }
0x33f: {  	p0 =	sne.s32 s24, s8  }
.Ltmp9:
0x340: {  	_ = 	snop;
	(pc) =	sbr.rel @p0 .LBB2_1-.Ltmp9, $1  }
0x341: {  	_ =	sdelay $0x3  }
0x342: {  	_ =	sfence.sel $0x180000  }
0x343: {  	[bflag:$0x0] =	sbarrier.arrive $0xFFFF  }
0x344: {  	_ =	strace $0x90000047  }
0x345: {  	[bflag:$0x2] =	sbarrier.arrive $0xFFFF  }
0x346: {  	p0 =	sne.s32 s0, $0x0;
	s0 =	rddreg [dreg:$0x2]  }
0x347: {  	s0 =	sadd.s32 @!p0 $0x100000, s0  }
0x348: {  	[sflag:s0] =	ssyncadd.tile.s32 @!p0 $0x1;
	_ =	shalt  }
.Lfunc_end2:
_tile_overlayer_lowered:
.L_overlay_start_2:
0x349: {  	(tag) =	ssettag $0x2  }
0x34a: {  	s0 =	rddreg [dreg:$0x0];
	s2 =	stileid.u32  }
0x34b: {  	s1 =	rddreg [dreg:$0x1];
	p0 =	sne.s32 s2, $0x0  }
0x34c: {  	s3 =	rddreg [dreg:$0x2];
	[bflag:$0x3] =	sbarrier.arrive $0xFFFF;
	s2 =	simm.s32 @!p0 $0x1C05  }
0x34d: {  	[timem:s3], [sflag:s2] =	dma.local @!p0 [hbm:s0], s1  }
0x34e: {  	s0 =	simm.s32 @!p0 $0x5  }
0x34f: {  	_ =	swait.ge @!p0 [sflag:s0], s1  }
0x350: {  	s1 =	ssub.s32 @!p0 $0x0, s1;
	[sflag:s0] =	ssyncset.done @!p0 $0x0  }
0x351: {  	[sflag:s0] =	ssyncadd.s32 @!p0 s1  }
0x352: {  	[bflag:$0x3] =	sbarrier.arrive $0xFFFF  }
0x353: {  	_ =	shalt  }

</sc_bundles>
